<compile_context>
chip_gen: v7x
topology: tpu7x:2x2x1
jax: 0.10.2.dev20260603
libtpu: 0.0.44.dev20260713+nightly
codegen_flags: <defaults>
</compile_context>

<pallas_src>
import functools

import jax
import jax.numpy as jnp
from jax import lax
from jax.experimental import pallas as pl
from jax.experimental.pallas import tpu as pltpu
from jax.experimental.pallas import tpu_sc as plsc

NC, NS, LANES = 2, 16, 16
NW = NC * NS
B = 1024
T = 1000
TPAD = 1024
CHUNK = 128
NCHUNK = TPAD // CHUNK
D = 32
BPW = B // NW
ROW_UNROLL = 8


def _sc_body(idx_hbm, table_hbm, w_hbm, b_hbm, out_hbm,
             idx_v, rows_a, rows_b, feat_v, w_v, bias_v, out_v, sem_a, sem_b):
    wid = lax.axis_index("s") * NC + lax.axis_index("c")
    base = wid * BPW
    iota = lax.iota(jnp.int32, LANES)

    pltpu.sync_copy(w_hbm, w_v)
    pltpu.sync_copy(b_hbm, bias_v)
    pltpu.sync_copy(idx_hbm.at[pl.ds(base, BPW)], idx_v)

    def fire(rows, sem_x, i):
        return [
            pltpu.async_copy(table_hbm.at[idx_v.at[i, j]],
                             rows.at[pl.ds(j * CHUNK, CHUNK)], sem_x)
            for j in range(NCHUNK)
        ]

    def drain(rows, sem_x, i):
        for j in range(NCHUNK):
            pltpu.make_async_copy(table_hbm.at[idx_v.at[i, j]],
                                  rows.at[pl.ds(j * CHUNK, CHUNK)], sem_x).wait()

    def compute(rows_v, i):
        zeros = jnp.zeros((LANES,), jnp.float32)
        init = (zeros, zeros, jnp.float32(-1.0), zeros, zeros)

        def row_body(it, c):
            s0, s1, m, bv0, bv1 = c
            for u in range(ROW_UNROLL):
                r = it * ROW_UNROLL + u
                a = rows_v[r, pl.ds(0, LANES)]
                bb = rows_v[r, pl.ds(LANES, LANES)]
                s0 = s0 + a
                s1 = s1 + bb
                nsq = jnp.sum(a * a + bb * bb)
                pred = nsq > m
                m = jnp.where(pred, nsq, m)
                pv = jnp.broadcast_to(pred, (LANES,))
                bv0 = jnp.where(pv, a, bv0)
                bv1 = jnp.where(pv, bb, bv1)
            return (s0, s1, m, bv0, bv1)

        s0, s1, m, bv0, bv1 = lax.fori_loop(0, T // ROW_UNROLL, row_body, init)
        inv = jnp.float32(1.0 / T)
        off = i * (2 * D)
        feat_v[pl.ds(off, LANES)] = s0 * inv
        feat_v[pl.ds(off + LANES, LANES)] = s1 * inv
        feat_v[pl.ds(off + 2 * LANES, LANES)] = bv0
        feat_v[pl.ds(off + 3 * LANES, LANES)] = bv1

    fire(rows_a, sem_a, 0)

    def pair_body(k, carry):
        i0 = 2 * k
        drain(rows_a, sem_a, i0)
        fire(rows_b, sem_b, i0 + 1)
        compute(rows_a, i0)
        drain(rows_b, sem_b, i0 + 1)

        @pl.when(k < BPW // 2 - 1)
        def _():
            fire(rows_a, sem_a, i0 + 2)

        compute(rows_b, i0 + 1)
        return carry

    lax.fori_loop(0, BPW // 2, pair_body, 0)

    bvec = bias_v[pl.ds(0, LANES)]
    b0 = bvec[0]
    b1 = bvec[1]
    w0vecs = [w_v[pl.ds(k * LANES, LANES)] for k in range(2 * D // LANES)]
    w1vecs = [w_v[pl.ds(2 * D + k * LANES, LANES)] for k in range(2 * D // LANES)]
    iota_feat = iota * (2 * D)
    for g in range(BPW // LANES):
        acc0 = jnp.broadcast_to(b0, (LANES,))
        acc1 = jnp.broadcast_to(b1, (LANES,))
        gbase = g * LANES * (2 * D)
        for d in range(2 * D):
            v = plsc.load_gather(feat_v, [iota_feat + (gbase + d)])
            acc0 = acc0 + v * w0vecs[d // LANES][d % LANES]
            acc1 = acc1 + v * w1vecs[d // LANES][d % LANES]
        p0 = 1.0 / (1.0 + jnp.exp(-acc0))
        p1 = 1.0 / (1.0 + jnp.exp(-acc1))
        row_idx = g * LANES + iota
        plsc.store_scatter(out_v, [row_idx, jnp.zeros((LANES,), jnp.int32)], p0)
        plsc.store_scatter(out_v, [row_idx, jnp.ones((LANES,), jnp.int32)], p1)

    pltpu.sync_copy(out_v, out_hbm.at[pl.ds(base, BPW)])


@jax.jit
def _logreg_sc(idx3, table, wflat, bpad):
    mesh = plsc.VectorSubcoreMesh(core_axis_name="c", subcore_axis_name="s",
                                  num_cores=NC, num_subcores=NS)
    fn = pl.kernel(
        _sc_body,
        out_type=jax.ShapeDtypeStruct((B, 2), jnp.float32),
        mesh=mesh,
        compiler_params=pltpu.CompilerParams(needs_layout_passes=False,
                                             use_tc_tiling_on_sc=False),
        scratch_types=[
            pltpu.VMEM((BPW, NCHUNK, CHUNK), jnp.int32),
            pltpu.VMEM((TPAD, D), jnp.float32),
            pltpu.VMEM((TPAD, D), jnp.float32),
            pltpu.VMEM((BPW * 2 * D,), jnp.float32),
            pltpu.VMEM((2 * 2 * D,), jnp.float32),
            pltpu.VMEM((LANES,), jnp.float32),
            pltpu.VMEM((BPW, 2), jnp.float32),
            pltpu.SemaphoreType.DMA,
            pltpu.SemaphoreType.DMA,
        ],
    )
    return fn(idx3, table, wflat, bpad)


def kernel(indices, embedding_matrix, dense_W, dense_b):
    idx = indices.reshape(B, T).astype(jnp.int32)
    idx3 = jnp.pad(idx, ((0, 0), (0, TPAD - T))).reshape(B, NCHUNK, CHUNK)
    wflat = dense_W.astype(jnp.float32).T.reshape(2 * 2 * D)
    bpad = jnp.pad(dense_b.astype(jnp.float32), (0, LANES - 2))
    return _logreg_sc(idx3, embedding_matrix, wflat, bpad)

# --- scband reference (transcript-rebuilt; emitter-appended) ---
"""Pipeline reference for scband-log-reg-42683384988019 (READ-ONLY COPY).

The authoritative reference and input builder live on the scoring server;
editing this copy changes nothing except your own understanding.
"""

import jax, jax.numpy as jnp
import numpy as np

VOCAB = 1000000
EMBED = 32
NUM_CLASSES = 2
B, S, L = 1024, 20, 50

def setup_inputs(seed: int = 0) -> dict:
    key = jax.random.key(seed)
    k1, k2, k3 = jax.random.split(key, 3)
    indices = jax.random.randint(k1, (B, S, L), 0, VOCAB, dtype=jnp.int32)
    embedding_matrix = jax.random.normal(k2, (VOCAB, EMBED), dtype=jnp.float32)
    dense_W = jax.random.truncated_normal(k3, -2.0, 2.0, (2 * EMBED, NUM_CLASSES), dtype=jnp.float32) * 0.05
    dense_b = jnp.zeros((NUM_CLASSES,), dtype=jnp.float32)
    return {"indices": indices, "embedding_matrix": embedding_matrix, "dense_W": dense_W, "dense_b": dense_b}

def reference(indices, embedding_matrix, dense_W, dense_b):
    # embedding lookup: [B, S, L, D]
    embedded = jnp.take(embedding_matrix, indices, axis=0)
    # mean vector: mean over words (axis=2), then over sentences (axis=1) -> [B, D]
    mean_vector = jnp.mean(jnp.mean(embedded, axis=2), axis=1)
    # max vector: flatten to [B, S*L, D], pick token with max L2 norm
    bsz = embedded.shape[0]
    flat = embedded.reshape(bsz, -1, embedded.shape[-1])
    l2 = jnp.linalg.norm(flat, axis=2)  # [B, S*L]
    max_locations = jnp.argmax(l2, axis=1)  # [B]
    max_vector = jnp.take_along_axis(flat, max_locations[:, None, None], axis=1)[:, 0, :]  # [B, D]
    # concat -> dense -> sigmoid
    logreg_vector = jnp.concatenate([mean_vector, max_vector], axis=1).reshape(-1, 2 * EMBED)
    logits = logreg_vector @ dense_W + dense_b
    prediction = jax.nn.sigmoid(logits)
    return prediction

if __name__ == "__main__":
    import jax
    _d = setup_inputs()
    print(jax.jit(kernel)(*tuple(_d.values())))

</pallas_src>

<mosaic_0001>
#map = affine_map<(d0, d1) -> (0, 0, 0)>
#map1 = affine_map<(d0, d1) -> (0, 0)>
#map2 = affine_map<(d0, d1) -> (0)>
module attributes {stable_mosaic.version = 14 : i64} {
  func.func @_sc_body(%arg0: i32, %arg1: i32, %arg2: memref<1024x8x128xi32, #tpu.memory_space<hbm>>, %arg3: memref<1000000x32xf32, #tpu.memory_space<hbm>>, %arg4: memref<128xf32, #tpu.memory_space<hbm>>, %arg5: memref<16xf32, #tpu.memory_space<hbm>>, %arg6: memref<1024x2xf32, #tpu.memory_space<hbm>>, %arg7: memref<32x8x128xi32, #tpu.memory_space<vmem>>, %arg8: memref<1024x32xf32, #tpu.memory_space<vmem>>, %arg9: memref<1024x32xf32, #tpu.memory_space<vmem>>, %arg10: memref<2048xf32, #tpu.memory_space<vmem>>, %arg11: memref<128xf32, #tpu.memory_space<vmem>>, %arg12: memref<16xf32, #tpu.memory_space<vmem>>, %arg13: memref<32x2xf32, #tpu.memory_space<vmem>>, %arg14: memref<!tpu.dma_semaphore, #tpu.memory_space<semaphore_mem>>, %arg15: memref<!tpu.dma_semaphore, #tpu.memory_space<semaphore_mem>>) attributes {dimension_semantics = [#tpu.dimension_semantics<core_parallel>, #tpu.dimension_semantics<subcore_parallel>], iteration_bounds = array<i64: 2, 16>, scalar_prefetch = 0 : i64, scratch_operands = 9 : i64, tpu.core_type = #tpu.core_type<sc_vector_subcore>, window_params = [{transform_indices = #map}, {transform_indices = #map1}, {transform_indices = #map2}, {transform_indices = #map2}, {transform_indices = #map1}]} {
    %mul3A = arith.constant 2 : i32
    %mul3A_0 = arith.muli %arg1, %mul3A : i32
    %add3A = arith.addi %mul3A_0, %arg0 : i32
    %mul3A_1 = arith.constant 32 : i32
    %mul3A_2 = arith.muli %add3A, %mul3A_1 : i32
    %iota3A = tpu.iota {dimensions = array<i32: 0>} : vector<16xi32>
    "tpu.region"() ({
      %run_scoped3A = tpu.sem_alloc : memref<!tpu.dma_semaphore, #tpu.memory_space<semaphore_mem>>
      tpu.enqueue_dma source(%arg4 : memref<128xf32, #tpu.memory_space<hbm>>) target(%arg11 : memref<128xf32, #tpu.memory_space<vmem>>) target_semaphore(%run_scoped3A : memref<!tpu.dma_semaphore, #tpu.memory_space<semaphore_mem>>)
      tpu.wait_dma2 semaphore(%run_scoped3A : memref<!tpu.dma_semaphore, #tpu.memory_space<semaphore_mem>>) src(%arg4 : memref<128xf32, #tpu.memory_space<hbm>>) dst(%arg11 : memref<128xf32, #tpu.memory_space<vmem>>)
      tpu.yield
    }) : () -> ()
    "tpu.region"() ({
      %run_scoped3A = tpu.sem_alloc : memref<!tpu.dma_semaphore, #tpu.memory_space<semaphore_mem>>
      tpu.enqueue_dma source(%arg5 : memref<16xf32, #tpu.memory_space<hbm>>) target(%arg12 : memref<16xf32, #tpu.memory_space<vmem>>) target_semaphore(%run_scoped3A : memref<!tpu.dma_semaphore, #tpu.memory_space<semaphore_mem>>)
      tpu.wait_dma2 semaphore(%run_scoped3A : memref<!tpu.dma_semaphore, #tpu.memory_space<semaphore_mem>>) src(%arg5 : memref<16xf32, #tpu.memory_space<hbm>>) dst(%arg12 : memref<16xf32, #tpu.memory_space<vmem>>)
      tpu.yield
    }) : () -> ()
    "tpu.region"() ({
      %run_scoped3A = tpu.sem_alloc : memref<!tpu.dma_semaphore, #tpu.memory_space<semaphore_mem>>
      %dma_start3A_1962 = arith.constant 0 : i32
      %dma_start3A_1963 = arith.constant 0 : i32
      %dma_start3A_1964 = tpu.memref_slice %arg2[%mul3A_2, %dma_start3A_1962, %dma_start3A_1963] : memref<1024x8x128xi32, #tpu.memory_space<hbm>> -> memref<32x8x128xi32, #tpu.memory_space<hbm>>
      %dma_start3A_1965 = arith.constant 0 : i32
      %dma_start3A_1966 = arith.constant 0 : i32
      %dma_start3A_1967 = tpu.memref_slice %arg2[%mul3A_2, %dma_start3A_1965, %dma_start3A_1966] : memref<1024x8x128xi32, #tpu.memory_space<hbm>> -> memref<32x8x128xi32, #tpu.memory_space<hbm>>
      tpu.enqueue_dma source(%dma_start3A_1967 : memref<32x8x128xi32, #tpu.memory_space<hbm>>) target(%arg7 : memref<32x8x128xi32, #tpu.memory_space<vmem>>) target_semaphore(%run_scoped3A : memref<!tpu.dma_semaphore, #tpu.memory_space<semaphore_mem>>)
      %dma_wait3A = arith.constant 0 : i32
      %dma_wait3A_1968 = arith.constant 0 : i32
      %dma_wait3A_1969 = tpu.memref_slice %arg2[%mul3A_2, %dma_wait3A, %dma_wait3A_1968] : memref<1024x8x128xi32, #tpu.memory_space<hbm>> -> memref<32x8x128xi32, #tpu.memory_space<hbm>>
      %dma_wait3A_1970 = arith.constant 0 : i32
      %dma_wait3A_1971 = arith.constant 0 : i32
      %dma_wait3A_1972 = tpu.memref_slice %arg2[%mul3A_2, %dma_wait3A_1970, %dma_wait3A_1971] : memref<1024x8x128xi32, #tpu.memory_space<hbm>> -> memref<32x8x128xi32, #tpu.memory_space<hbm>>
      tpu.wait_dma2 semaphore(%run_scoped3A : memref<!tpu.dma_semaphore, #tpu.memory_space<semaphore_mem>>) src(%dma_wait3A_1972 : memref<32x8x128xi32, #tpu.memory_space<hbm>>) dst(%arg7 : memref<32x8x128xi32, #tpu.memory_space<vmem>>)
      tpu.yield
    }) : () -> ()
    %dma_start3A = arith.constant 0 : i32
    %dma_start3A_3 = arith.constant 0 : i32
    %dma_start3A_4 = arith.constant 0 : i32
    %dma_start3A_5 = arith.constant 0 : i32
    %dma_start3A_6 = tpu.memref_slice %arg8[%dma_start3A_4, %dma_start3A_5] : memref<1024x32xf32, #tpu.memory_space<vmem>> -> memref<128x32xf32, #tpu.memory_space<vmem>>
    %dma_start3A_7 = arith.constant 0 : i32
    %dma_start3A_8 = tpu.memref_slice %arg7[%dma_start3A, %dma_start3A_3, %dma_start3A_7] : memref<32x8x128xi32, #tpu.memory_space<vmem>> -> memref<1x1x128xi32, #tpu.memory_space<vmem>>
    %dma_start3A_9 = tpu.memref_squeeze %dma_start3A_8 : memref<1x1x128xi32, #tpu.memory_space<vmem>> -> memref<128xi32, #tpu.memory_space<vmem>>
    %dma_start3A_10 = arith.constant 0 : i32
    %dma_start3A_11 = arith.constant 0 : i32
    %dma_start3A_12 = tpu.memref_slice %arg3[%dma_start3A_10, %dma_start3A_11] : memref<1000000x32xf32, #tpu.memory_space<hbm>> -> memref<1000000x32xf32, #tpu.memory_space<hbm>>
    tpu.enqueue_indirect_dma source(%dma_start3A_12 : memref<1000000x32xf32, #tpu.memory_space<hbm>>) target(%dma_start3A_6 : memref<128x32xf32, #tpu.memory_space<vmem>>) offsets(%dma_start3A_9 : memref<128xi32, #tpu.memory_space<vmem>>) semaphore(%arg14 : memref<!tpu.dma_semaphore, #tpu.memory_space<semaphore_mem>>)
    %dma_start3A_13 = arith.constant 0 : i32
    %dma_start3A_14 = arith.constant 1 : i32
    %dma_start3A_15 = arith.constant 128 : i32
    %dma_start3A_16 = arith.constant 0 : i32
    %dma_start3A_17 = tpu.memref_slice %arg8[%dma_start3A_15, %dma_start3A_16] : memref<1024x32xf32, #tpu.memory_space<vmem>> -> memref<128x32xf32, #tpu.memory_space<vmem>>
    %dma_start3A_18 = arith.constant 0 : i32
    %dma_start3A_19 = tpu.memref_slice %arg7[%dma_start3A_13, %dma_start3A_14, %dma_start3A_18] : memref<32x8x128xi32, #tpu.memory_space<vmem>> -> memref<1x1x128xi32, #tpu.memory_space<vmem>>
    %dma_start3A_20 = tpu.memref_squeeze %dma_start3A_19 : memref<1x1x128xi32, #tpu.memory_space<vmem>> -> memref<128xi32, #tpu.memory_space<vmem>>
    %dma_start3A_21 = arith.constant 0 : i32
    %dma_start3A_22 = arith.constant 0 : i32
    %dma_start3A_23 = tpu.memref_slice %arg3[%dma_start3A_21, %dma_start3A_22] : memref<1000000x32xf32, #tpu.memory_space<hbm>> -> memref<1000000x32xf32, #tpu.memory_space<hbm>>
    tpu.enqueue_indirect_dma source(%dma_start3A_23 : memref<1000000x32xf32, #tpu.memory_space<hbm>>) target(%dma_start3A_17 : memref<128x32xf32, #tpu.memory_space<vmem>>) offsets(%dma_start3A_20 : memref<128xi32, #tpu.memory_space<vmem>>) semaphore(%arg14 : memref<!tpu.dma_semaphore, #tpu.memory_space<semaphore_mem>>)
    %dma_start3A_24 = arith.constant 0 : i32
    %dma_start3A_25 = arith.constant 2 : i32
    %dma_start3A_26 = arith.constant 256 : i32
    %dma_start3A_27 = arith.constant 0 : i32
    %dma_start3A_28 = tpu.memref_slice %arg8[%dma_start3A_26, %dma_start3A_27] : memref<1024x32xf32, #tpu.memory_space<vmem>> -> memref<128x32xf32, #tpu.memory_space<vmem>>
    %dma_start3A_29 = arith.constant 0 : i32
    %dma_start3A_30 = tpu.memref_slice %arg7[%dma_start3A_24, %dma_start3A_25, %dma_start3A_29] : memref<32x8x128xi32, #tpu.memory_space<vmem>> -> memref<1x1x128xi32, #tpu.memory_space<vmem>>
    %dma_start3A_31 = tpu.memref_squeeze %dma_start3A_30 : memref<1x1x128xi32, #tpu.memory_space<vmem>> -> memref<128xi32, #tpu.memory_space<vmem>>
    %dma_start3A_32 = arith.constant 0 : i32
    %dma_start3A_33 = arith.constant 0 : i32
    %dma_start3A_34 = tpu.memref_slice %arg3[%dma_start3A_32, %dma_start3A_33] : memref<1000000x32xf32, #tpu.memory_space<hbm>> -> memref<1000000x32xf32, #tpu.memory_space<hbm>>
    tpu.enqueue_indirect_dma source(%dma_start3A_34 : memref<1000000x32xf32, #tpu.memory_space<hbm>>) target(%dma_start3A_28 : memref<128x32xf32, #tpu.memory_space<vmem>>) offsets(%dma_start3A_31 : memref<128xi32, #tpu.memory_space<vmem>>) semaphore(%arg14 : memref<!tpu.dma_semaphore, #tpu.memory_space<semaphore_mem>>)
    %dma_start3A_35 = arith.constant 0 : i32
    %dma_start3A_36 = arith.constant 3 : i32
    %dma_start3A_37 = arith.constant 384 : i32
    %dma_start3A_38 = arith.constant 0 : i32
    %dma_start3A_39 = tpu.memref_slice %arg8[%dma_start3A_37, %dma_start3A_38] : memref<1024x32xf32, #tpu.memory_space<vmem>> -> memref<128x32xf32, #tpu.memory_space<vmem>>
    %dma_start3A_40 = arith.constant 0 : i32
    %dma_start3A_41 = tpu.memref_slice %arg7[%dma_start3A_35, %dma_start3A_36, %dma_start3A_40] : memref<32x8x128xi32, #tpu.memory_space<vmem>> -> memref<1x1x128xi32, #tpu.memory_space<vmem>>
    %dma_start3A_42 = tpu.memref_squeeze %dma_start3A_41 : memref<1x1x128xi32, #tpu.memory_space<vmem>> -> memref<128xi32, #tpu.memory_space<vmem>>
    %dma_start3A_43 = arith.constant 0 : i32
    %dma_start3A_44 = arith.constant 0 : i32
    %dma_start3A_45 = tpu.memref_slice %arg3[%dma_start3A_43, %dma_start3A_44] : memref<1000000x32xf32, #tpu.memory_space<hbm>> -> memref<1000000x32xf32, #tpu.memory_space<hbm>>
    tpu.enqueue_indirect_dma source(%dma_start3A_45 : memref<1000000x32xf32, #tpu.memory_space<hbm>>) target(%dma_start3A_39 : memref<128x32xf32, #tpu.memory_space<vmem>>) offsets(%dma_start3A_42 : memref<128xi32, #tpu.memory_space<vmem>>) semaphore(%arg14 : memref<!tpu.dma_semaphore, #tpu.memory_space<semaphore_mem>>)
    %dma_start3A_46 = arith.constant 0 : i32
    %dma_start3A_47 = arith.constant 4 : i32
    %dma_start3A_48 = arith.constant 512 : i32
    %dma_start3A_49 = arith.constant 0 : i32
    %dma_start3A_50 = tpu.memref_slice %arg8[%dma_start3A_48, %dma_start3A_49] : memref<1024x32xf32, #tpu.memory_space<vmem>> -> memref<128x32xf32, #tpu.memory_space<vmem>>
    %dma_start3A_51 = arith.constant 0 : i32
    %dma_start3A_52 = tpu.memref_slice %arg7[%dma_start3A_46, %dma_start3A_47, %dma_start3A_51] : memref<32x8x128xi32, #tpu.memory_space<vmem>> -> memref<1x1x128xi32, #tpu.memory_space<vmem>>
    %dma_start3A_53 = tpu.memref_squeeze %dma_start3A_52 : memref<1x1x128xi32, #tpu.memory_space<vmem>> -> memref<128xi32, #tpu.memory_space<vmem>>
    %dma_start3A_54 = arith.constant 0 : i32
    %dma_start3A_55 = arith.constant 0 : i32
    %dma_start3A_56 = tpu.memref_slice %arg3[%dma_start3A_54, %dma_start3A_55] : memref<1000000x32xf32, #tpu.memory_space<hbm>> -> memref<1000000x32xf32, #tpu.memory_space<hbm>>
    tpu.enqueue_indirect_dma source(%dma_start3A_56 : memref<1000000x32xf32, #tpu.memory_space<hbm>>) target(%dma_start3A_50 : memref<128x32xf32, #tpu.memory_space<vmem>>) offsets(%dma_start3A_53 : memref<128xi32, #tpu.memory_space<vmem>>) semaphore(%arg14 : memref<!tpu.dma_semaphore, #tpu.memory_space<semaphore_mem>>)
    %dma_start3A_57 = arith.constant 0 : i32
    %dma_start3A_58 = arith.constant 5 : i32
    %dma_start3A_59 = arith.constant 640 : i32
    %dma_start3A_60 = arith.constant 0 : i32
    %dma_start3A_61 = tpu.memref_slice %arg8[%dma_start3A_59, %dma_start3A_60] : memref<1024x32xf32, #tpu.memory_space<vmem>> -> memref<128x32xf32, #tpu.memory_space<vmem>>
    %dma_start3A_62 = arith.constant 0 : i32
    %dma_start3A_63 = tpu.memref_slice %arg7[%dma_start3A_57, %dma_start3A_58, %dma_start3A_62] : memref<32x8x128xi32, #tpu.memory_space<vmem>> -> memref<1x1x128xi32, #tpu.memory_space<vmem>>
    %dma_start3A_64 = tpu.memref_squeeze %dma_start3A_63 : memref<1x1x128xi32, #tpu.memory_space<vmem>> -> memref<128xi32, #tpu.memory_space<vmem>>
    %dma_start3A_65 = arith.constant 0 : i32
    %dma_start3A_66 = arith.constant 0 : i32
    %dma_start3A_67 = tpu.memref_slice %arg3[%dma_start3A_65, %dma_start3A_66] : memref<1000000x32xf32, #tpu.memory_space<hbm>> -> memref<1000000x32xf32, #tpu.memory_space<hbm>>
    tpu.enqueue_indirect_dma source(%dma_start3A_67 : memref<1000000x32xf32, #tpu.memory_space<hbm>>) target(%dma_start3A_61 : memref<128x32xf32, #tpu.memory_space<vmem>>) offsets(%dma_start3A_64 : memref<128xi32, #tpu.memory_space<vmem>>) semaphore(%arg14 : memref<!tpu.dma_semaphore, #tpu.memory_space<semaphore_mem>>)
    %dma_start3A_68 = arith.constant 0 : i32
    %dma_start3A_69 = arith.constant 6 : i32
    %dma_start3A_70 = arith.constant 768 : i32
    %dma_start3A_71 = arith.constant 0 : i32
    %dma_start3A_72 = tpu.memref_slice %arg8[%dma_start3A_70, %dma_start3A_71] : memref<1024x32xf32, #tpu.memory_space<vmem>> -> memref<128x32xf32, #tpu.memory_space<vmem>>
    %dma_start3A_73 = arith.constant 0 : i32
    %dma_start3A_74 = tpu.memref_slice %arg7[%dma_start3A_68, %dma_start3A_69, %dma_start3A_73] : memref<32x8x128xi32, #tpu.memory_space<vmem>> -> memref<1x1x128xi32, #tpu.memory_space<vmem>>
    %dma_start3A_75 = tpu.memref_squeeze %dma_start3A_74 : memref<1x1x128xi32, #tpu.memory_space<vmem>> -> memref<128xi32, #tpu.memory_space<vmem>>
    %dma_start3A_76 = arith.constant 0 : i32
    %dma_start3A_77 = arith.constant 0 : i32
    %dma_start3A_78 = tpu.memref_slice %arg3[%dma_start3A_76, %dma_start3A_77] : memref<1000000x32xf32, #tpu.memory_space<hbm>> -> memref<1000000x32xf32, #tpu.memory_space<hbm>>
    tpu.enqueue_indirect_dma source(%dma_start3A_78 : memref<1000000x32xf32, #tpu.memory_space<hbm>>) target(%dma_start3A_72 : memref<128x32xf32, #tpu.memory_space<vmem>>) offsets(%dma_start3A_75 : memref<128xi32, #tpu.memory_space<vmem>>) semaphore(%arg14 : memref<!tpu.dma_semaphore, #tpu.memory_space<semaphore_mem>>)
    %dma_start3A_79 = arith.constant 0 : i32
    %dma_start3A_80 = arith.constant 7 : i32
    %dma_start3A_81 = arith.constant 896 : i32
    %dma_start3A_82 = arith.constant 0 : i32
    %dma_start3A_83 = tpu.memref_slice %arg8[%dma_start3A_81, %dma_start3A_82] : memref<1024x32xf32, #tpu.memory_space<vmem>> -> memref<128x32xf32, #tpu.memory_space<vmem>>
    %dma_start3A_84 = arith.constant 0 : i32
    %dma_start3A_85 = tpu.memref_slice %arg7[%dma_start3A_79, %dma_start3A_80, %dma_start3A_84] : memref<32x8x128xi32, #tpu.memory_space<vmem>> -> memref<1x1x128xi32, #tpu.memory_space<vmem>>
    %dma_start3A_86 = tpu.memref_squeeze %dma_start3A_85 : memref<1x1x128xi32, #tpu.memory_space<vmem>> -> memref<128xi32, #tpu.memory_space<vmem>>
    %dma_start3A_87 = arith.constant 0 : i32
    %dma_start3A_88 = arith.constant 0 : i32
    %dma_start3A_89 = tpu.memref_slice %arg3[%dma_start3A_87, %dma_start3A_88] : memref<1000000x32xf32, #tpu.memory_space<hbm>> -> memref<1000000x32xf32, #tpu.memory_space<hbm>>
    tpu.enqueue_indirect_dma source(%dma_start3A_89 : memref<1000000x32xf32, #tpu.memory_space<hbm>>) target(%dma_start3A_83 : memref<128x32xf32, #tpu.memory_space<vmem>>) offsets(%dma_start3A_86 : memref<128xi32, #tpu.memory_space<vmem>>) semaphore(%arg14 : memref<!tpu.dma_semaphore, #tpu.memory_space<semaphore_mem>>)
    %scan3A = arith.constant 0 : i32
    %scan3A_90 = arith.constant 0 : i32
    %scan3A_91 = arith.constant 16 : i32
    %scan3A_92 = arith.addi %scan3A_90, %scan3A_91 : i32
    %scan3A_93 = arith.constant 1 : i32
    scf.for %scan3A_1962 = %scan3A_90 to %scan3A_92 step %scan3A_93  : i32 {
      %mul3A_1963 = arith.constant 2 : i32
      %mul3A_1964 = arith.muli %mul3A_1963, %scan3A_1962 : i32
      %dma_wait3A = arith.constant 0 : i32
      %dma_wait3A_1965 = arith.constant 0 : i32
      %dma_wait3A_1966 = arith.constant 0 : i32
      %dma_wait3A_1967 = tpu.memref_slice %arg8[%dma_wait3A_1965, %dma_wait3A_1966] : memref<1024x32xf32, #tpu.memory_space<vmem>> -> memref<128x32xf32, #tpu.memory_space<vmem>>
      %dma_wait3A_1968 = arith.constant 0 : i32
      %dma_wait3A_1969 = tpu.memref_slice %arg7[%mul3A_1964, %dma_wait3A, %dma_wait3A_1968] : memref<32x8x128xi32, #tpu.memory_space<vmem>> -> memref<1x1x128xi32, #tpu.memory_space<vmem>>
      %dma_wait3A_1970 = tpu.memref_squeeze %dma_wait3A_1969 : memref<1x1x128xi32, #tpu.memory_space<vmem>> -> memref<128xi32, #tpu.memory_space<vmem>>
      %dma_wait3A_1971 = arith.constant 0 : i32
      %dma_wait3A_1972 = arith.constant 0 : i32
      %dma_wait3A_1973 = tpu.memref_slice %arg3[%dma_wait3A_1971, %dma_wait3A_1972] : memref<1000000x32xf32, #tpu.memory_space<hbm>> -> memref<1000000x32xf32, #tpu.memory_space<hbm>>
      tpu.wait_indirect_dma semaphore(%arg14 : memref<!tpu.dma_semaphore, #tpu.memory_space<semaphore_mem>>) src(%dma_wait3A_1973 : memref<1000000x32xf32, #tpu.memory_space<hbm>>) dst(%dma_wait3A_1967 : memref<128x32xf32, #tpu.memory_space<vmem>>)
      %dma_wait3A_1974 = arith.constant 1 : i32
      %dma_wait3A_1975 = arith.constant 128 : i32
      %dma_wait3A_1976 = arith.constant 0 : i32
      %dma_wait3A_1977 = tpu.memref_slice %arg8[%dma_wait3A_1975, %dma_wait3A_1976] : memref<1024x32xf32, #tpu.memory_space<vmem>> -> memref<128x32xf32, #tpu.memory_space<vmem>>
      %dma_wait3A_1978 = arith.constant 0 : i32
      %dma_wait3A_1979 = tpu.memref_slice %arg7[%mul3A_1964, %dma_wait3A_1974, %dma_wait3A_1978] : memref<32x8x128xi32, #tpu.memory_space<vmem>> -> memref<1x1x128xi32, #tpu.memory_space<vmem>>
      %dma_wait3A_1980 = tpu.memref_squeeze %dma_wait3A_1979 : memref<1x1x128xi32, #tpu.memory_space<vmem>> -> memref<128xi32, #tpu.memory_space<vmem>>
      %dma_wait3A_1981 = arith.constant 0 : i32
      %dma_wait3A_1982 = arith.constant 0 : i32
      %dma_wait3A_1983 = tpu.memref_slice %arg3[%dma_wait3A_1981, %dma_wait3A_1982] : memref<1000000x32xf32, #tpu.memory_space<hbm>> -> memref<1000000x32xf32, #tpu.memory_space<hbm>>
      tpu.wait_indirect_dma semaphore(%arg14 : memref<!tpu.dma_semaphore, #tpu.memory_space<semaphore_mem>>) src(%dma_wait3A_1983 : memref<1000000x32xf32, #tpu.memory_space<hbm>>) dst(%dma_wait3A_1977 : memref<128x32xf32, #tpu.memory_space<vmem>>)
      %dma_wait3A_1984 = arith.constant 2 : i32
      %dma_wait3A_1985 = arith.constant 256 : i32
      %dma_wait3A_1986 = arith.constant 0 : i32
      %dma_wait3A_1987 = tpu.memref_slice %arg8[%dma_wait3A_1985, %dma_wait3A_1986] : memref<1024x32xf32, #tpu.memory_space<vmem>> -> memref<128x32xf32, #tpu.memory_space<vmem>>
      %dma_wait3A_1988 = arith.constant 0 : i32
      %dma_wait3A_1989 = tpu.memref_slice %arg7[%mul3A_1964, %dma_wait3A_1984, %dma_wait3A_1988] : memref<32x8x128xi32, #tpu.memory_space<vmem>> -> memref<1x1x128xi32, #tpu.memory_space<vmem>>
      %dma_wait3A_1990 = tpu.memref_squeeze %dma_wait3A_1989 : memref<1x1x128xi32, #tpu.memory_space<vmem>> -> memref<128xi32, #tpu.memory_space<vmem>>
      %dma_wait3A_1991 = arith.constant 0 : i32
      %dma_wait3A_1992 = arith.constant 0 : i32
      %dma_wait3A_1993 = tpu.memref_slice %arg3[%dma_wait3A_1991, %dma_wait3A_1992] : memref<1000000x32xf32, #tpu.memory_space<hbm>> -> memref<1000000x32xf32, #tpu.memory_space<hbm>>
      tpu.wait_indirect_dma semaphore(%arg14 : memref<!tpu.dma_semaphore, #tpu.memory_space<semaphore_mem>>) src(%dma_wait3A_1993 : memref<1000000x32xf32, #tpu.memory_space<hbm>>) dst(%dma_wait3A_1987 : memref<128x32xf32, #tpu.memory_space<vmem>>)
      %dma_wait3A_1994 = arith.constant 3 : i32
      %dma_wait3A_1995 = arith.constant 384 : i32
      %dma_wait3A_1996 = arith.constant 0 : i32
      %dma_wait3A_1997 = tpu.memref_slice %arg8[%dma_wait3A_1995, %dma_wait3A_1996] : memref<1024x32xf32, #tpu.memory_space<vmem>> -> memref<128x32xf32, #tpu.memory_space<vmem>>
      %dma_wait3A_1998 = arith.constant 0 : i32
      %dma_wait3A_1999 = tpu.memref_slice %arg7[%mul3A_1964, %dma_wait3A_1994, %dma_wait3A_1998] : memref<32x8x128xi32, #tpu.memory_space<vmem>> -> memref<1x1x128xi32, #tpu.memory_space<vmem>>
      %dma_wait3A_2000 = tpu.memref_squeeze %dma_wait3A_1999 : memref<1x1x128xi32, #tpu.memory_space<vmem>> -> memref<128xi32, #tpu.memory_space<vmem>>
      %dma_wait3A_2001 = arith.constant 0 : i32
      %dma_wait3A_2002 = arith.constant 0 : i32
      %dma_wait3A_2003 = tpu.memref_slice %arg3[%dma_wait3A_2001, %dma_wait3A_2002] : memref<1000000x32xf32, #tpu.memory_space<hbm>> -> memref<1000000x32xf32, #tpu.memory_space<hbm>>
      tpu.wait_indirect_dma semaphore(%arg14 : memref<!tpu.dma_semaphore, #tpu.memory_space<semaphore_mem>>) src(%dma_wait3A_2003 : memref<1000000x32xf32, #tpu.memory_space<hbm>>) dst(%dma_wait3A_1997 : memref<128x32xf32, #tpu.memory_space<vmem>>)
      %dma_wait3A_2004 = arith.constant 4 : i32
      %dma_wait3A_2005 = arith.constant 512 : i32
      %dma_wait3A_2006 = arith.constant 0 : i32
      %dma_wait3A_2007 = tpu.memref_slice %arg8[%dma_wait3A_2005, %dma_wait3A_2006] : memref<1024x32xf32, #tpu.memory_space<vmem>> -> memref<128x32xf32, #tpu.memory_space<vmem>>
      %dma_wait3A_2008 = arith.constant 0 : i32
      %dma_wait3A_2009 = tpu.memref_slice %arg7[%mul3A_1964, %dma_wait3A_2004, %dma_wait3A_2008] : memref<32x8x128xi32, #tpu.memory_space<vmem>> -> memref<1x1x128xi32, #tpu.memory_space<vmem>>
      %dma_wait3A_2010 = tpu.memref_squeeze %dma_wait3A_2009 : memref<1x1x128xi32, #tpu.memory_space<vmem>> -> memref<128xi32, #tpu.memory_space<vmem>>
      %dma_wait3A_2011 = arith.constant 0 : i32
      %dma_wait3A_2012 = arith.constant 0 : i32
      %dma_wait3A_2013 = tpu.memref_slice %arg3[%dma_wait3A_2011, %dma_wait3A_2012] : memref<1000000x32xf32, #tpu.memory_space<hbm>> -> memref<1000000x32xf32, #tpu.memory_space<hbm>>
      tpu.wait_indirect_dma semaphore(%arg14 : memref<!tpu.dma_semaphore, #tpu.memory_space<semaphore_mem>>) src(%dma_wait3A_2013 : memref<1000000x32xf32, #tpu.memory_space<hbm>>) dst(%dma_wait3A_2007 : memref<128x32xf32, #tpu.memory_space<vmem>>)
      %dma_wait3A_2014 = arith.constant 5 : i32
      %dma_wait3A_2015 = arith.constant 640 : i32
      %dma_wait3A_2016 = arith.constant 0 : i32
      %dma_wait3A_2017 = tpu.memref_slice %arg8[%dma_wait3A_2015, %dma_wait3A_2016] : memref<1024x32xf32, #tpu.memory_space<vmem>> -> memref<128x32xf32, #tpu.memory_space<vmem>>
      %dma_wait3A_2018 = arith.constant 0 : i32
      %dma_wait3A_2019 = tpu.memref_slice %arg7[%mul3A_1964, %dma_wait3A_2014, %dma_wait3A_2018] : memref<32x8x128xi32, #tpu.memory_space<vmem>> -> memref<1x1x128xi32, #tpu.memory_space<vmem>>
      %dma_wait3A_2020 = tpu.memref_squeeze %dma_wait3A_2019 : memref<1x1x128xi32, #tpu.memory_space<vmem>> -> memref<128xi32, #tpu.memory_space<vmem>>
      %dma_wait3A_2021 = arith.constant 0 : i32
      %dma_wait3A_2022 = arith.constant 0 : i32
      %dma_wait3A_2023 = tpu.memref_slice %arg3[%dma_wait3A_2021, %dma_wait3A_2022] : memref<1000000x32xf32, #tpu.memory_space<hbm>> -> memref<1000000x32xf32, #tpu.memory_space<hbm>>
      tpu.wait_indirect_dma semaphore(%arg14 : memref<!tpu.dma_semaphore, #tpu.memory_space<semaphore_mem>>) src(%dma_wait3A_2023 : memref<1000000x32xf32, #tpu.memory_space<hbm>>) dst(%dma_wait3A_2017 : memref<128x32xf32, #tpu.memory_space<vmem>>)
      %dma_wait3A_2024 = arith.constant 6 : i32
      %dma_wait3A_2025 = arith.constant 768 : i32
      %dma_wait3A_2026 = arith.constant 0 : i32
      %dma_wait3A_2027 = tpu.memref_slice %arg8[%dma_wait3A_2025, %dma_wait3A_2026] : memref<1024x32xf32, #tpu.memory_space<vmem>> -> memref<128x32xf32, #tpu.memory_space<vmem>>
      %dma_wait3A_2028 = arith.constant 0 : i32
      %dma_wait3A_2029 = tpu.memref_slice %arg7[%mul3A_1964, %dma_wait3A_2024, %dma_wait3A_2028] : memref<32x8x128xi32, #tpu.memory_space<vmem>> -> memref<1x1x128xi32, #tpu.memory_space<vmem>>
      %dma_wait3A_2030 = tpu.memref_squeeze %dma_wait3A_2029 : memref<1x1x128xi32, #tpu.memory_space<vmem>> -> memref<128xi32, #tpu.memory_space<vmem>>
      %dma_wait3A_2031 = arith.constant 0 : i32
      %dma_wait3A_2032 = arith.constant 0 : i32
      %dma_wait3A_2033 = tpu.memref_slice %arg3[%dma_wait3A_2031, %dma_wait3A_2032] : memref<1000000x32xf32, #tpu.memory_space<hbm>> -> memref<1000000x32xf32, #tpu.memory_space<hbm>>
      tpu.wait_indirect_dma semaphore(%arg14 : memref<!tpu.dma_semaphore, #tpu.memory_space<semaphore_mem>>) src(%dma_wait3A_2033 : memref<1000000x32xf32, #tpu.memory_space<hbm>>) dst(%dma_wait3A_2027 : memref<128x32xf32, #tpu.memory_space<vmem>>)
      %dma_wait3A_2034 = arith.constant 7 : i32
      %dma_wait3A_2035 = arith.constant 896 : i32
      %dma_wait3A_2036 = arith.constant 0 : i32
      %dma_wait3A_2037 = tpu.memref_slice %arg8[%dma_wait3A_2035, %dma_wait3A_2036] : memref<1024x32xf32, #tpu.memory_space<vmem>> -> memref<128x32xf32, #tpu.memory_space<vmem>>
      %dma_wait3A_2038 = arith.constant 0 : i32
      %dma_wait3A_2039 = tpu.memref_slice %arg7[%mul3A_1964, %dma_wait3A_2034, %dma_wait3A_2038] : memref<32x8x128xi32, #tpu.memory_space<vmem>> -> memref<1x1x128xi32, #tpu.memory_space<vmem>>
      %dma_wait3A_2040 = tpu.memref_squeeze %dma_wait3A_2039 : memref<1x1x128xi32, #tpu.memory_space<vmem>> -> memref<128xi32, #tpu.memory_space<vmem>>
      %dma_wait3A_2041 = arith.constant 0 : i32
      %dma_wait3A_2042 = arith.constant 0 : i32
      %dma_wait3A_2043 = tpu.memref_slice %arg3[%dma_wait3A_2041, %dma_wait3A_2042] : memref<1000000x32xf32, #tpu.memory_space<hbm>> -> memref<1000000x32xf32, #tpu.memory_space<hbm>>
      tpu.wait_indirect_dma semaphore(%arg14 : memref<!tpu.dma_semaphore, #tpu.memory_space<semaphore_mem>>) src(%dma_wait3A_2043 : memref<1000000x32xf32, #tpu.memory_space<hbm>>) dst(%dma_wait3A_2037 : memref<128x32xf32, #tpu.memory_space<vmem>>)
      %add3A_2044 = arith.constant 1 : i32
      %add3A_2045 = arith.addi %mul3A_1964, %add3A_2044 : i32
      %dma_start3A_2046 = arith.constant 0 : i32
      %dma_start3A_2047 = arith.constant 0 : i32
      %dma_start3A_2048 = arith.constant 0 : i32
      %dma_start3A_2049 = tpu.memref_slice %arg9[%dma_start3A_2047, %dma_start3A_2048] : memref<1024x32xf32, #tpu.memory_space<vmem>> -> memref<128x32xf32, #tpu.memory_space<vmem>>
      %dma_start3A_2050 = arith.constant 0 : i32
      %dma_start3A_2051 = tpu.memref_slice %arg7[%add3A_2045, %dma_start3A_2046, %dma_start3A_2050] : memref<32x8x128xi32, #tpu.memory_space<vmem>> -> memref<1x1x128xi32, #tpu.memory_space<vmem>>
      %dma_start3A_2052 = tpu.memref_squeeze %dma_start3A_2051 : memref<1x1x128xi32, #tpu.memory_space<vmem>> -> memref<128xi32, #tpu.memory_space<vmem>>
      %dma_start3A_2053 = arith.constant 0 : i32
      %dma_start3A_2054 = arith.constant 0 : i32
      %dma_start3A_2055 = tpu.memref_slice %arg3[%dma_start3A_2053, %dma_start3A_2054] : memref<1000000x32xf32, #tpu.memory_space<hbm>> -> memref<1000000x32xf32, #tpu.memory_space<hbm>>
      tpu.enqueue_indirect_dma source(%dma_start3A_2055 : memref<1000000x32xf32, #tpu.memory_space<hbm>>) target(%dma_start3A_2049 : memref<128x32xf32, #tpu.memory_space<vmem>>) offsets(%dma_start3A_2052 : memref<128xi32, #tpu.memory_space<vmem>>) semaphore(%arg15 : memref<!tpu.dma_semaphore, #tpu.memory_space<semaphore_mem>>)
      %dma_start3A_2056 = arith.constant 1 : i32
      %dma_start3A_2057 = arith.constant 128 : i32
      %dma_start3A_2058 = arith.constant 0 : i32
      %dma_start3A_2059 = tpu.memref_slice %arg9[%dma_start3A_2057, %dma_start3A_2058] : memref<1024x32xf32, #tpu.memory_space<vmem>> -> memref<128x32xf32, #tpu.memory_space<vmem>>
      %dma_start3A_2060 = arith.constant 0 : i32
      %dma_start3A_2061 = tpu.memref_slice %arg7[%add3A_2045, %dma_start3A_2056, %dma_start3A_2060] : memref<32x8x128xi32, #tpu.memory_space<vmem>> -> memref<1x1x128xi32, #tpu.memory_space<vmem>>
      %dma_start3A_2062 = tpu.memref_squeeze %dma_start3A_2061 : memref<1x1x128xi32, #tpu.memory_space<vmem>> -> memref<128xi32, #tpu.memory_space<vmem>>
      %dma_start3A_2063 = arith.constant 0 : i32
      %dma_start3A_2064 = arith.constant 0 : i32
      %dma_start3A_2065 = tpu.memref_slice %arg3[%dma_start3A_2063, %dma_start3A_2064] : memref<1000000x32xf32, #tpu.memory_space<hbm>> -> memref<1000000x32xf32, #tpu.memory_space<hbm>>
      tpu.enqueue_indirect_dma source(%dma_start3A_2065 : memref<1000000x32xf32, #tpu.memory_space<hbm>>) target(%dma_start3A_2059 : memref<128x32xf32, #tpu.memory_space<vmem>>) offsets(%dma_start3A_2062 : memref<128xi32, #tpu.memory_space<vmem>>) semaphore(%arg15 : memref<!tpu.dma_semaphore, #tpu.memory_space<semaphore_mem>>)
      %dma_start3A_2066 = arith.constant 2 : i32
      %dma_start3A_2067 = arith.constant 256 : i32
      %dma_start3A_2068 = arith.constant 0 : i32
      %dma_start3A_2069 = tpu.memref_slice %arg9[%dma_start3A_2067, %dma_start3A_2068] : memref<1024x32xf32, #tpu.memory_space<vmem>> -> memref<128x32xf32, #tpu.memory_space<vmem>>
      %dma_start3A_2070 = arith.constant 0 : i32
      %dma_start3A_2071 = tpu.memref_slice %arg7[%add3A_2045, %dma_start3A_2066, %dma_start3A_2070] : memref<32x8x128xi32, #tpu.memory_space<vmem>> -> memref<1x1x128xi32, #tpu.memory_space<vmem>>
      %dma_start3A_2072 = tpu.memref_squeeze %dma_start3A_2071 : memref<1x1x128xi32, #tpu.memory_space<vmem>> -> memref<128xi32, #tpu.memory_space<vmem>>
      %dma_start3A_2073 = arith.constant 0 : i32
      %dma_start3A_2074 = arith.constant 0 : i32
      %dma_start3A_2075 = tpu.memref_slice %arg3[%dma_start3A_2073, %dma_start3A_2074] : memref<1000000x32xf32, #tpu.memory_space<hbm>> -> memref<1000000x32xf32, #tpu.memory_space<hbm>>
      tpu.enqueue_indirect_dma source(%dma_start3A_2075 : memref<1000000x32xf32, #tpu.memory_space<hbm>>) target(%dma_start3A_2069 : memref<128x32xf32, #tpu.memory_space<vmem>>) offsets(%dma_start3A_2072 : memref<128xi32, #tpu.memory_space<vmem>>) semaphore(%arg15 : memref<!tpu.dma_semaphore, #tpu.memory_space<semaphore_mem>>)
      %dma_start3A_2076 = arith.constant 3 : i32
      %dma_start3A_2077 = arith.constant 384 : i32
      %dma_start3A_2078 = arith.constant 0 : i32
      %dma_start3A_2079 = tpu.memref_slice %arg9[%dma_start3A_2077, %dma_start3A_2078] : memref<1024x32xf32, #tpu.memory_space<vmem>> -> memref<128x32xf32, #tpu.memory_space<vmem>>
      %dma_start3A_2080 = arith.constant 0 : i32
      %dma_start3A_2081 = tpu.memref_slice %arg7[%add3A_2045, %dma_start3A_2076, %dma_start3A_2080] : memref<32x8x128xi32, #tpu.memory_space<vmem>> -> memref<1x1x128xi32, #tpu.memory_space<vmem>>
      %dma_start3A_2082 = tpu.memref_squeeze %dma_start3A_2081 : memref<1x1x128xi32, #tpu.memory_space<vmem>> -> memref<128xi32, #tpu.memory_space<vmem>>
      %dma_start3A_2083 = arith.constant 0 : i32
      %dma_start3A_2084 = arith.constant 0 : i32
      %dma_start3A_2085 = tpu.memref_slice %arg3[%dma_start3A_2083, %dma_start3A_2084] : memref<1000000x32xf32, #tpu.memory_space<hbm>> -> memref<1000000x32xf32, #tpu.memory_space<hbm>>
      tpu.enqueue_indirect_dma source(%dma_start3A_2085 : memref<1000000x32xf32, #tpu.memory_space<hbm>>) target(%dma_start3A_2079 : memref<128x32xf32, #tpu.memory_space<vmem>>) offsets(%dma_start3A_2082 : memref<128xi32, #tpu.memory_space<vmem>>) semaphore(%arg15 : memref<!tpu.dma_semaphore, #tpu.memory_space<semaphore_mem>>)
      %dma_start3A_2086 = arith.constant 4 : i32
      %dma_start3A_2087 = arith.constant 512 : i32
      %dma_start3A_2088 = arith.constant 0 : i32
      %dma_start3A_2089 = tpu.memref_slice %arg9[%dma_start3A_2087, %dma_start3A_2088] : memref<1024x32xf32, #tpu.memory_space<vmem>> -> memref<128x32xf32, #tpu.memory_space<vmem>>
      %dma_start3A_2090 = arith.constant 0 : i32
      %dma_start3A_2091 = tpu.memref_slice %arg7[%add3A_2045, %dma_start3A_2086, %dma_start3A_2090] : memref<32x8x128xi32, #tpu.memory_space<vmem>> -> memref<1x1x128xi32, #tpu.memory_space<vmem>>
      %dma_start3A_2092 = tpu.memref_squeeze %dma_start3A_2091 : memref<1x1x128xi32, #tpu.memory_space<vmem>> -> memref<128xi32, #tpu.memory_space<vmem>>
      %dma_start3A_2093 = arith.constant 0 : i32
      %dma_start3A_2094 = arith.constant 0 : i32
      %dma_start3A_2095 = tpu.memref_slice %arg3[%dma_start3A_2093, %dma_start3A_2094] : memref<1000000x32xf32, #tpu.memory_space<hbm>> -> memref<1000000x32xf32, #tpu.memory_space<hbm>>
      tpu.enqueue_indirect_dma source(%dma_start3A_2095 : memref<1000000x32xf32, #tpu.memory_space<hbm>>) target(%dma_start3A_2089 : memref<128x32xf32, #tpu.memory_space<vmem>>) offsets(%dma_start3A_2092 : memref<128xi32, #tpu.memory_space<vmem>>) semaphore(%arg15 : memref<!tpu.dma_semaphore, #tpu.memory_space<semaphore_mem>>)
      %dma_start3A_2096 = arith.constant 5 : i32
      %dma_start3A_2097 = arith.constant 640 : i32
      %dma_start3A_2098 = arith.constant 0 : i32
      %dma_start3A_2099 = tpu.memref_slice %arg9[%dma_start3A_2097, %dma_start3A_2098] : memref<1024x32xf32, #tpu.memory_space<vmem>> -> memref<128x32xf32, #tpu.memory_space<vmem>>
      %dma_start3A_2100 = arith.constant 0 : i32
      %dma_start3A_2101 = tpu.memref_slice %arg7[%add3A_2045, %dma_start3A_2096, %dma_start3A_2100] : memref<32x8x128xi32, #tpu.memory_space<vmem>> -> memref<1x1x128xi32, #tpu.memory_space<vmem>>
      %dma_start3A_2102 = tpu.memref_squeeze %dma_start3A_2101 : memref<1x1x128xi32, #tpu.memory_space<vmem>> -> memref<128xi32, #tpu.memory_space<vmem>>
      %dma_start3A_2103 = arith.constant 0 : i32
      %dma_start3A_2104 = arith.constant 0 : i32
      %dma_start3A_2105 = tpu.memref_slice %arg3[%dma_start3A_2103, %dma_start3A_2104] : memref<1000000x32xf32, #tpu.memory_space<hbm>> -> memref<1000000x32xf32, #tpu.memory_space<hbm>>
      tpu.enqueue_indirect_dma source(%dma_start3A_2105 : memref<1000000x32xf32, #tpu.memory_space<hbm>>) target(%dma_start3A_2099 : memref<128x32xf32, #tpu.memory_space<vmem>>) offsets(%dma_start3A_2102 : memref<128xi32, #tpu.memory_space<vmem>>) semaphore(%arg15 : memref<!tpu.dma_semaphore, #tpu.memory_space<semaphore_mem>>)
      %dma_start3A_2106 = arith.constant 6 : i32
      %dma_start3A_2107 = arith.constant 768 : i32
      %dma_start3A_2108 = arith.constant 0 : i32
      %dma_start3A_2109 = tpu.memref_slice %arg9[%dma_start3A_2107, %dma_start3A_2108] : memref<1024x32xf32, #tpu.memory_space<vmem>> -> memref<128x32xf32, #tpu.memory_space<vmem>>
      %dma_start3A_2110 = arith.constant 0 : i32
      %dma_start3A_2111 = tpu.memref_slice %arg7[%add3A_2045, %dma_start3A_2106, %dma_start3A_2110] : memref<32x8x128xi32, #tpu.memory_space<vmem>> -> memref<1x1x128xi32, #tpu.memory_space<vmem>>
      %dma_start3A_2112 = tpu.memref_squeeze %dma_start3A_2111 : memref<1x1x128xi32, #tpu.memory_space<vmem>> -> memref<128xi32, #tpu.memory_space<vmem>>
      %dma_start3A_2113 = arith.constant 0 : i32
      %dma_start3A_2114 = arith.constant 0 : i32
      %dma_start3A_2115 = tpu.memref_slice %arg3[%dma_start3A_2113, %dma_start3A_2114] : memref<1000000x32xf32, #tpu.memory_space<hbm>> -> memref<1000000x32xf32, #tpu.memory_space<hbm>>
      tpu.enqueue_indirect_dma source(%dma_start3A_2115 : memref<1000000x32xf32, #tpu.memory_space<hbm>>) target(%dma_start3A_2109 : memref<128x32xf32, #tpu.memory_space<vmem>>) offsets(%dma_start3A_2112 : memref<128xi32, #tpu.memory_space<vmem>>) semaphore(%arg15 : memref<!tpu.dma_semaphore, #tpu.memory_space<semaphore_mem>>)
      %dma_start3A_2116 = arith.constant 7 : i32
      %dma_start3A_2117 = arith.constant 896 : i32
      %dma_start3A_2118 = arith.constant 0 : i32
      %dma_start3A_2119 = tpu.memref_slice %arg9[%dma_start3A_2117, %dma_start3A_2118] : memref<1024x32xf32, #tpu.memory_space<vmem>> -> memref<128x32xf32, #tpu.memory_space<vmem>>
      %dma_start3A_2120 = arith.constant 0 : i32
      %dma_start3A_2121 = tpu.memref_slice %arg7[%add3A_2045, %dma_start3A_2116, %dma_start3A_2120] : memref<32x8x128xi32, #tpu.memory_space<vmem>> -> memref<1x1x128xi32, #tpu.memory_space<vmem>>
      %dma_start3A_2122 = tpu.memref_squeeze %dma_start3A_2121 : memref<1x1x128xi32, #tpu.memory_space<vmem>> -> memref<128xi32, #tpu.memory_space<vmem>>
      %dma_start3A_2123 = arith.constant 0 : i32
      %dma_start3A_2124 = arith.constant 0 : i32
      %dma_start3A_2125 = tpu.memref_slice %arg3[%dma_start3A_2123, %dma_start3A_2124] : memref<1000000x32xf32, #tpu.memory_space<hbm>> -> memref<1000000x32xf32, #tpu.memory_space<hbm>>
      tpu.enqueue_indirect_dma source(%dma_start3A_2125 : memref<1000000x32xf32, #tpu.memory_space<hbm>>) target(%dma_start3A_2119 : memref<128x32xf32, #tpu.memory_space<vmem>>) offsets(%dma_start3A_2122 : memref<128xi32, #tpu.memory_space<vmem>>) semaphore(%arg15 : memref<!tpu.dma_semaphore, #tpu.memory_space<semaphore_mem>>)
      %broadcast_in_dim3A_2126 = arith.constant 0.000000e+00 : f32
      %broadcast_in_dim3A_2127 = vector.broadcast %broadcast_in_dim3A_2126 : f32 to vector<16xf32>
      %scan3A_2128 = arith.constant -1.000000e+00 : f32
      %scan3A_2129 = arith.constant 0 : i32
      %scan3A_2130 = arith.constant 125 : i32
      %scan3A_2131 = arith.addi %scan3A_2129, %scan3A_2130 : i32
      %scan3A_2132 = arith.constant 1 : i32
      %scan3A_2133:5 = scf.for %scan3A_2273 = %scan3A_2129 to %scan3A_2131 step %scan3A_2132 iter_args(%scan3A_2274 = %broadcast_in_dim3A_2127, %scan3A_2275 = %broadcast_in_dim3A_2127, %scan3A_2276 = %scan3A_2128, %scan3A_2277 = %broadcast_in_dim3A_2127, %scan3A_2278 = %broadcast_in_dim3A_2127) -> (vector<16xf32>, vector<16xf32>, f32, vector<16xf32>, vector<16xf32>)  : i32 {
        %mul3A_2279 = arith.constant 8 : i32
        %mul3A_2280 = arith.muli %scan3A_2273, %mul3A_2279 : i32
        %add3A_2281 = arith.constant 0 : i32
        %add3A_2282 = arith.addi %mul3A_2280, %add3A_2281 : i32
        %get3A_2283 = arith.index_cast %add3A_2282 : i32 to index
        %get3A_2284 = arith.constant 0 : index
        %get3A_2285 = tpu.vector_load %arg8[%get3A_2283, %get3A_2284] {strides = array<i32>} : memref<1024x32xf32, #tpu.memory_space<vmem>>, vector<16xf32>,
        %get3A_2286 = arith.index_cast %add3A_2282 : i32 to index
        %get3A_2287 = arith.constant 16 : index
        %get3A_2288 = tpu.vector_load %arg8[%get3A_2286, %get3A_2287] {strides = array<i32>} : memref<1024x32xf32, #tpu.memory_space<vmem>>, vector<16xf32>,
        %add3A_2289 = arith.addf %scan3A_2274, %get3A_2285 : vector<16xf32>
        %add3A_2290 = arith.addf %scan3A_2275, %get3A_2288 : vector<16xf32>
        %mul3A_2291 = arith.mulf %get3A_2285, %get3A_2285 : vector<16xf32>
        %mul3A_2292 = arith.mulf %get3A_2288, %get3A_2288 : vector<16xf32>
        %add3A_2293 = arith.addf %mul3A_2291, %mul3A_2292 : vector<16xf32>
        %reduce_sum3A = arith.constant true
        %reduce_sum3A_2294 = vector.broadcast %reduce_sum3A : i1 to vector<16xi1>
        %reduce_sum3A_2295 = tpu.scan <sum>, %add3A_2293 masked %reduce_sum3A_2294 : vector<16xf32>, vector<16xi1> -> vector<16xf32>
        %reduce_sum3A_2296 = vector.extract %reduce_sum3A_2295[15] : f32 from vector<16xf32>
        %gt3A = arith.cmpf ogt, %reduce_sum3A_2296, %scan3A_2276 : f32
        %select_n3A = arith.select %gt3A, %reduce_sum3A_2296, %scan3A_2276 : f32
        %broadcast_in_dim3A_2297 = vector.broadcast %gt3A : i1 to vector<16xi1>
        %select_n3A_2298 = arith.select %broadcast_in_dim3A_2297, %get3A_2285, %scan3A_2277 : vector<16xi1>, vector<16xf32>
        %select_n3A_2299 = arith.select %broadcast_in_dim3A_2297, %get3A_2288, %scan3A_2278 : vector<16xi1>, vector<16xf32>
        %mul3A_2300 = arith.constant 8 : i32
        %mul3A_2301 = arith.muli %scan3A_2273, %mul3A_2300 : i32
        %add3A_2302 = arith.constant 1 : i32
        %add3A_2303 = arith.addi %mul3A_2301, %add3A_2302 : i32
        %get3A_2304 = arith.index_cast %add3A_2303 : i32 to index
        %get3A_2305 = arith.constant 0 : index
        %get3A_2306 = tpu.vector_load %arg8[%get3A_2304, %get3A_2305] {strides = array<i32>} : memref<1024x32xf32, #tpu.memory_space<vmem>>, vector<16xf32>,
        %get3A_2307 = arith.index_cast %add3A_2303 : i32 to index
        %get3A_2308 = arith.constant 16 : index
        %get3A_2309 = tpu.vector_load %arg8[%get3A_2307, %get3A_2308] {strides = array<i32>} : memref<1024x32xf32, #tpu.memory_space<vmem>>, vector<16xf32>,
        %add3A_2310 = arith.addf %add3A_2289, %get3A_2306 : vector<16xf32>
        %add3A_2311 = arith.addf %add3A_2290, %get3A_2309 : vector<16xf32>
        %mul3A_2312 = arith.mulf %get3A_2306, %get3A_2306 : vector<16xf32>
        %mul3A_2313 = arith.mulf %get3A_2309, %get3A_2309 : vector<16xf32>
        %add3A_2314 = arith.addf %mul3A_2312, %mul3A_2313 : vector<16xf32>
        %reduce_sum3A_2315 = arith.constant true
        %reduce_sum3A_2316 = vector.broadcast %reduce_sum3A_2315 : i1 to vector<16xi1>
        %reduce_sum3A_2317 = tpu.scan <sum>, %add3A_2314 masked %reduce_sum3A_2316 : vector<16xf32>, vector<16xi1> -> vector<16xf32>
        %reduce_sum3A_2318 = vector.extract %reduce_sum3A_2317[15] : f32 from vector<16xf32>
        %gt3A_2319 = arith.cmpf ogt, %reduce_sum3A_2318, %select_n3A : f32
        %select_n3A_2320 = arith.select %gt3A_2319, %reduce_sum3A_2318, %select_n3A : f32
        %broadcast_in_dim3A_2321 = vector.broadcast %gt3A_2319 : i1 to vector<16xi1>
        %select_n3A_2322 = arith.select %broadcast_in_dim3A_2321, %get3A_2306, %select_n3A_2298 : vector<16xi1>, vector<16xf32>
        %select_n3A_2323 = arith.select %broadcast_in_dim3A_2321, %get3A_2309, %select_n3A_2299 : vector<16xi1>, vector<16xf32>
        %mul3A_2324 = arith.constant 8 : i32
        %mul3A_2325 = arith.muli %scan3A_2273, %mul3A_2324 : i32
        %add3A_2326 = arith.constant 2 : i32
        %add3A_2327 = arith.addi %mul3A_2325, %add3A_2326 : i32
        %get3A_2328 = arith.index_cast %add3A_2327 : i32 to index
        %get3A_2329 = arith.constant 0 : index
        %get3A_2330 = tpu.vector_load %arg8[%get3A_2328, %get3A_2329] {strides = array<i32>} : memref<1024x32xf32, #tpu.memory_space<vmem>>, vector<16xf32>,
        %get3A_2331 = arith.index_cast %add3A_2327 : i32 to index
        %get3A_2332 = arith.constant 16 : index
        %get3A_2333 = tpu.vector_load %arg8[%get3A_2331, %get3A_2332] {strides = array<i32>} : memref<1024x32xf32, #tpu.memory_space<vmem>>, vector<16xf32>,
        %add3A_2334 = arith.addf %add3A_2310, %get3A_2330 : vector<16xf32>
        %add3A_2335 = arith.addf %add3A_2311, %get3A_2333 : vector<16xf32>
        %mul3A_2336 = arith.mulf %get3A_2330, %get3A_2330 : vector<16xf32>
        %mul3A_2337 = arith.mulf %get3A_2333, %get3A_2333 : vector<16xf32>
        %add3A_2338 = arith.addf %mul3A_2336, %mul3A_2337 : vector<16xf32>
        %reduce_sum3A_2339 = arith.constant true
        %reduce_sum3A_2340 = vector.broadcast %reduce_sum3A_2339 : i1 to vector<16xi1>
        %reduce_sum3A_2341 = tpu.scan <sum>, %add3A_2338 masked %reduce_sum3A_2340 : vector<16xf32>, vector<16xi1> -> vector<16xf32>
        %reduce_sum3A_2342 = vector.extract %reduce_sum3A_2341[15] : f32 from vector<16xf32>
        %gt3A_2343 = arith.cmpf ogt, %reduce_sum3A_2342, %select_n3A_2320 : f32
        %select_n3A_2344 = arith.select %gt3A_2343, %reduce_sum3A_2342, %select_n3A_2320 : f32
        %broadcast_in_dim3A_2345 = vector.broadcast %gt3A_2343 : i1 to vector<16xi1>
        %select_n3A_2346 = arith.select %broadcast_in_dim3A_2345, %get3A_2330, %select_n3A_2322 : vector<16xi1>, vector<16xf32>
        %select_n3A_2347 = arith.select %broadcast_in_dim3A_2345, %get3A_2333, %select_n3A_2323 : vector<16xi1>, vector<16xf32>
        %mul3A_2348 = arith.constant 8 : i32
        %mul3A_2349 = arith.muli %scan3A_2273, %mul3A_2348 : i32
        %add3A_2350 = arith.constant 3 : i32
        %add3A_2351 = arith.addi %mul3A_2349, %add3A_2350 : i32
        %get3A_2352 = arith.index_cast %add3A_2351 : i32 to index
        %get3A_2353 = arith.constant 0 : index
        %get3A_2354 = tpu.vector_load %arg8[%get3A_2352, %get3A_2353] {strides = array<i32>} : memref<1024x32xf32, #tpu.memory_space<vmem>>, vector<16xf32>,
        %get3A_2355 = arith.index_cast %add3A_2351 : i32 to index
        %get3A_2356 = arith.constant 16 : index
        %get3A_2357 = tpu.vector_load %arg8[%get3A_2355, %get3A_2356] {strides = array<i32>} : memref<1024x32xf32, #tpu.memory_space<vmem>>, vector<16xf32>,
        %add3A_2358 = arith.addf %add3A_2334, %get3A_2354 : vector<16xf32>
        %add3A_2359 = arith.addf %add3A_2335, %get3A_2357 : vector<16xf32>
        %mul3A_2360 = arith.mulf %get3A_2354, %get3A_2354 : vector<16xf32>
        %mul3A_2361 = arith.mulf %get3A_2357, %get3A_2357 : vector<16xf32>
        %add3A_2362 = arith.addf %mul3A_2360, %mul3A_2361 : vector<16xf32>
        %reduce_sum3A_2363 = arith.constant true
        %reduce_sum3A_2364 = vector.broadcast %reduce_sum3A_2363 : i1 to vector<16xi1>
        %reduce_sum3A_2365 = tpu.scan <sum>, %add3A_2362 masked %reduce_sum3A_2364 : vector<16xf32>, vector<16xi1> -> vector<16xf32>
        %reduce_sum3A_2366 = vector.extract %reduce_sum3A_2365[15] : f32 from vector<16xf32>
        %gt3A_2367 = arith.cmpf ogt, %reduce_sum3A_2366, %select_n3A_2344 : f32
        %select_n3A_2368 = arith.select %gt3A_2367, %reduce_sum3A_2366, %select_n3A_2344 : f32
        %broadcast_in_dim3A_2369 = vector.broadcast %gt3A_2367 : i1 to vector<16xi1>
        %select_n3A_2370 = arith.select %broadcast_in_dim3A_2369, %get3A_2354, %select_n3A_2346 : vector<16xi1>, vector<16xf32>
        %select_n3A_2371 = arith.select %broadcast_in_dim3A_2369, %get3A_2357, %select_n3A_2347 : vector<16xi1>, vector<16xf32>
        %mul3A_2372 = arith.constant 8 : i32
        %mul3A_2373 = arith.muli %scan3A_2273, %mul3A_2372 : i32
        %add3A_2374 = arith.constant 4 : i32
        %add3A_2375 = arith.addi %mul3A_2373, %add3A_2374 : i32
        %get3A_2376 = arith.index_cast %add3A_2375 : i32 to index
        %get3A_2377 = arith.constant 0 : index
        %get3A_2378 = tpu.vector_load %arg8[%get3A_2376, %get3A_2377] {strides = array<i32>} : memref<1024x32xf32, #tpu.memory_space<vmem>>, vector<16xf32>,
        %get3A_2379 = arith.index_cast %add3A_2375 : i32 to index
        %get3A_2380 = arith.constant 16 : index
        %get3A_2381 = tpu.vector_load %arg8[%get3A_2379, %get3A_2380] {strides = array<i32>} : memref<1024x32xf32, #tpu.memory_space<vmem>>, vector<16xf32>,
        %add3A_2382 = arith.addf %add3A_2358, %get3A_2378 : vector<16xf32>
        %add3A_2383 = arith.addf %add3A_2359, %get3A_2381 : vector<16xf32>
        %mul3A_2384 = arith.mulf %get3A_2378, %get3A_2378 : vector<16xf32>
        %mul3A_2385 = arith.mulf %get3A_2381, %get3A_2381 : vector<16xf32>
        %add3A_2386 = arith.addf %mul3A_2384, %mul3A_2385 : vector<16xf32>
        %reduce_sum3A_2387 = arith.constant true
        %reduce_sum3A_2388 = vector.broadcast %reduce_sum3A_2387 : i1 to vector<16xi1>
        %reduce_sum3A_2389 = tpu.scan <sum>, %add3A_2386 masked %reduce_sum3A_2388 : vector<16xf32>, vector<16xi1> -> vector<16xf32>
        %reduce_sum3A_2390 = vector.extract %reduce_sum3A_2389[15] : f32 from vector<16xf32>
        %gt3A_2391 = arith.cmpf ogt, %reduce_sum3A_2390, %select_n3A_2368 : f32
        %select_n3A_2392 = arith.select %gt3A_2391, %reduce_sum3A_2390, %select_n3A_2368 : f32
        %broadcast_in_dim3A_2393 = vector.broadcast %gt3A_2391 : i1 to vector<16xi1>
        %select_n3A_2394 = arith.select %broadcast_in_dim3A_2393, %get3A_2378, %select_n3A_2370 : vector<16xi1>, vector<16xf32>
        %select_n3A_2395 = arith.select %broadcast_in_dim3A_2393, %get3A_2381, %select_n3A_2371 : vector<16xi1>, vector<16xf32>
        %mul3A_2396 = arith.constant 8 : i32
        %mul3A_2397 = arith.muli %scan3A_2273, %mul3A_2396 : i32
        %add3A_2398 = arith.constant 5 : i32
        %add3A_2399 = arith.addi %mul3A_2397, %add3A_2398 : i32
        %get3A_2400 = arith.index_cast %add3A_2399 : i32 to index
        %get3A_2401 = arith.constant 0 : index
        %get3A_2402 = tpu.vector_load %arg8[%get3A_2400, %get3A_2401] {strides = array<i32>} : memref<1024x32xf32, #tpu.memory_space<vmem>>, vector<16xf32>,
        %get3A_2403 = arith.index_cast %add3A_2399 : i32 to index
        %get3A_2404 = arith.constant 16 : index
        %get3A_2405 = tpu.vector_load %arg8[%get3A_2403, %get3A_2404] {strides = array<i32>} : memref<1024x32xf32, #tpu.memory_space<vmem>>, vector<16xf32>,
        %add3A_2406 = arith.addf %add3A_2382, %get3A_2402 : vector<16xf32>
        %add3A_2407 = arith.addf %add3A_2383, %get3A_2405 : vector<16xf32>
        %mul3A_2408 = arith.mulf %get3A_2402, %get3A_2402 : vector<16xf32>
        %mul3A_2409 = arith.mulf %get3A_2405, %get3A_2405 : vector<16xf32>
        %add3A_2410 = arith.addf %mul3A_2408, %mul3A_2409 : vector<16xf32>
        %reduce_sum3A_2411 = arith.constant true
        %reduce_sum3A_2412 = vector.broadcast %reduce_sum3A_2411 : i1 to vector<16xi1>
        %reduce_sum3A_2413 = tpu.scan <sum>, %add3A_2410 masked %reduce_sum3A_2412 : vector<16xf32>, vector<16xi1> -> vector<16xf32>
        %reduce_sum3A_2414 = vector.extract %reduce_sum3A_2413[15] : f32 from vector<16xf32>
        %gt3A_2415 = arith.cmpf ogt, %reduce_sum3A_2414, %select_n3A_2392 : f32
        %select_n3A_2416 = arith.select %gt3A_2415, %reduce_sum3A_2414, %select_n3A_2392 : f32
        %broadcast_in_dim3A_2417 = vector.broadcast %gt3A_2415 : i1 to vector<16xi1>
        %select_n3A_2418 = arith.select %broadcast_in_dim3A_2417, %get3A_2402, %select_n3A_2394 : vector<16xi1>, vector<16xf32>
        %select_n3A_2419 = arith.select %broadcast_in_dim3A_2417, %get3A_2405, %select_n3A_2395 : vector<16xi1>, vector<16xf32>
        %mul3A_2420 = arith.constant 8 : i32
        %mul3A_2421 = arith.muli %scan3A_2273, %mul3A_2420 : i32
        %add3A_2422 = arith.constant 6 : i32
        %add3A_2423 = arith.addi %mul3A_2421, %add3A_2422 : i32
        %get3A_2424 = arith.index_cast %add3A_2423 : i32 to index
        %get3A_2425 = arith.constant 0 : index
        %get3A_2426 = tpu.vector_load %arg8[%get3A_2424, %get3A_2425] {strides = array<i32>} : memref<1024x32xf32, #tpu.memory_space<vmem>>, vector<16xf32>,
        %get3A_2427 = arith.index_cast %add3A_2423 : i32 to index
        %get3A_2428 = arith.constant 16 : index
        %get3A_2429 = tpu.vector_load %arg8[%get3A_2427, %get3A_2428] {strides = array<i32>} : memref<1024x32xf32, #tpu.memory_space<vmem>>, vector<16xf32>,
        %add3A_2430 = arith.addf %add3A_2406, %get3A_2426 : vector<16xf32>
        %add3A_2431 = arith.addf %add3A_2407, %get3A_2429 : vector<16xf32>
        %mul3A_2432 = arith.mulf %get3A_2426, %get3A_2426 : vector<16xf32>
        %mul3A_2433 = arith.mulf %get3A_2429, %get3A_2429 : vector<16xf32>
        %add3A_2434 = arith.addf %mul3A_2432, %mul3A_2433 : vector<16xf32>
        %reduce_sum3A_2435 = arith.constant true
        %reduce_sum3A_2436 = vector.broadcast %reduce_sum3A_2435 : i1 to vector<16xi1>
        %reduce_sum3A_2437 = tpu.scan <sum>, %add3A_2434 masked %reduce_sum3A_2436 : vector<16xf32>, vector<16xi1> -> vector<16xf32>
        %reduce_sum3A_2438 = vector.extract %reduce_sum3A_2437[15] : f32 from vector<16xf32>
        %gt3A_2439 = arith.cmpf ogt, %reduce_sum3A_2438, %select_n3A_2416 : f32
        %select_n3A_2440 = arith.select %gt3A_2439, %reduce_sum3A_2438, %select_n3A_2416 : f32
        %broadcast_in_dim3A_2441 = vector.broadcast %gt3A_2439 : i1 to vector<16xi1>
        %select_n3A_2442 = arith.select %broadcast_in_dim3A_2441, %get3A_2426, %select_n3A_2418 : vector<16xi1>, vector<16xf32>
        %select_n3A_2443 = arith.select %broadcast_in_dim3A_2441, %get3A_2429, %select_n3A_2419 : vector<16xi1>, vector<16xf32>
        %mul3A_2444 = arith.constant 8 : i32
        %mul3A_2445 = arith.muli %scan3A_2273, %mul3A_2444 : i32
        %add3A_2446 = arith.constant 7 : i32
        %add3A_2447 = arith.addi %mul3A_2445, %add3A_2446 : i32
        %get3A_2448 = arith.index_cast %add3A_2447 : i32 to index
        %get3A_2449 = arith.constant 0 : index
        %get3A_2450 = tpu.vector_load %arg8[%get3A_2448, %get3A_2449] {strides = array<i32>} : memref<1024x32xf32, #tpu.memory_space<vmem>>, vector<16xf32>,
        %get3A_2451 = arith.index_cast %add3A_2447 : i32 to index
        %get3A_2452 = arith.constant 16 : index
        %get3A_2453 = tpu.vector_load %arg8[%get3A_2451, %get3A_2452] {strides = array<i32>} : memref<1024x32xf32, #tpu.memory_space<vmem>>, vector<16xf32>,
        %add3A_2454 = arith.addf %add3A_2430, %get3A_2450 : vector<16xf32>
        %add3A_2455 = arith.addf %add3A_2431, %get3A_2453 : vector<16xf32>
        %mul3A_2456 = arith.mulf %get3A_2450, %get3A_2450 : vector<16xf32>
        %mul3A_2457 = arith.mulf %get3A_2453, %get3A_2453 : vector<16xf32>
        %add3A_2458 = arith.addf %mul3A_2456, %mul3A_2457 : vector<16xf32>
        %reduce_sum3A_2459 = arith.constant true
        %reduce_sum3A_2460 = vector.broadcast %reduce_sum3A_2459 : i1 to vector<16xi1>
        %reduce_sum3A_2461 = tpu.scan <sum>, %add3A_2458 masked %reduce_sum3A_2460 : vector<16xf32>, vector<16xi1> -> vector<16xf32>
        %reduce_sum3A_2462 = vector.extract %reduce_sum3A_2461[15] : f32 from vector<16xf32>
        %gt3A_2463 = arith.cmpf ogt, %reduce_sum3A_2462, %select_n3A_2440 : f32
        %select_n3A_2464 = arith.select %gt3A_2463, %reduce_sum3A_2462, %select_n3A_2440 : f32
        %broadcast_in_dim3A_2465 = vector.broadcast %gt3A_2463 : i1 to vector<16xi1>
        %select_n3A_2466 = arith.select %broadcast_in_dim3A_2465, %get3A_2450, %select_n3A_2442 : vector<16xi1>, vector<16xf32>
        %select_n3A_2467 = arith.select %broadcast_in_dim3A_2465, %get3A_2453, %select_n3A_2443 : vector<16xi1>, vector<16xf32>
        scf.yield %add3A_2454, %add3A_2455, %select_n3A_2464, %select_n3A_2466, %select_n3A_2467 : vector<16xf32>, vector<16xf32>, f32, vector<16xf32>, vector<16xf32>
      }
      %scan3A_2134 = arith.constant 125 : i32
      %mul3A_2135 = arith.constant 64 : i32
      %mul3A_2136 = arith.muli %mul3A_1964, %mul3A_2135 : i32
      %mul3A_2137 = arith.constant 1.000000e-03 : f32
      %mul3A_2138 = vector.broadcast %mul3A_2137 : f32 to vector<16xf32>
      %mul3A_2139 = arith.mulf %scan3A_2133#0, %mul3A_2138 : vector<16xf32>
      %swap3A = arith.index_cast %mul3A_2136 : i32 to index
      %swap3A_2140 = tpu.vector_load %arg10[%swap3A] {strides = array<i32>} : memref<2048xf32, #tpu.memory_space<vmem>>, vector<16xf32>,
      tpu.vector_store %arg10[%swap3A], %mul3A_2139 {strides = array<i32>} : memref<2048xf32, #tpu.memory_space<vmem>>, vector<16xf32>,
      %mul3A_2141 = arith.constant 1.000000e-03 : f32
      %mul3A_2142 = vector.broadcast %mul3A_2141 : f32 to vector<16xf32>
      %mul3A_2143 = arith.mulf %scan3A_2133#1, %mul3A_2142 : vector<16xf32>
      %add3A_2144 = arith.constant 16 : i32
      %add3A_2145 = arith.addi %mul3A_2136, %add3A_2144 : i32
      %swap3A_2146 = arith.index_cast %add3A_2145 : i32 to index
      %swap3A_2147 = tpu.vector_load %arg10[%swap3A_2146] {strides = array<i32>} : memref<2048xf32, #tpu.memory_space<vmem>>, vector<16xf32>,
      tpu.vector_store %arg10[%swap3A_2146], %mul3A_2143 {strides = array<i32>} : memref<2048xf32, #tpu.memory_space<vmem>>, vector<16xf32>,
      %add3A_2148 = arith.constant 32 : i32
      %add3A_2149 = arith.addi %mul3A_2136, %add3A_2148 : i32
      %swap3A_2150 = arith.index_cast %add3A_2149 : i32 to index
      %swap3A_2151 = tpu.vector_load %arg10[%swap3A_2150] {strides = array<i32>} : memref<2048xf32, #tpu.memory_space<vmem>>, vector<16xf32>,
      tpu.vector_store %arg10[%swap3A_2150], %scan3A_2133#3 {strides = array<i32>} : memref<2048xf32, #tpu.memory_space<vmem>>, vector<16xf32>,
      %add3A_2152 = arith.constant 48 : i32
      %add3A_2153 = arith.addi %mul3A_2136, %add3A_2152 : i32
      %swap3A_2154 = arith.index_cast %add3A_2153 : i32 to index
      %swap3A_2155 = tpu.vector_load %arg10[%swap3A_2154] {strides = array<i32>} : memref<2048xf32, #tpu.memory_space<vmem>>, vector<16xf32>,
      tpu.vector_store %arg10[%swap3A_2154], %scan3A_2133#4 {strides = array<i32>} : memref<2048xf32, #tpu.memory_space<vmem>>, vector<16xf32>,
      %add3A_2156 = arith.constant 1 : i32
      %add3A_2157 = arith.addi %mul3A_1964, %add3A_2156 : i32
      %dma_wait3A_2158 = arith.constant 0 : i32
      %dma_wait3A_2159 = arith.constant 0 : i32
      %dma_wait3A_2160 = arith.constant 0 : i32
      %dma_wait3A_2161 = tpu.memref_slice %arg9[%dma_wait3A_2159, %dma_wait3A_2160] : memref<1024x32xf32, #tpu.memory_space<vmem>> -> memref<128x32xf32, #tpu.memory_space<vmem>>
      %dma_wait3A_2162 = arith.constant 0 : i32
      %dma_wait3A_2163 = tpu.memref_slice %arg7[%add3A_2157, %dma_wait3A_2158, %dma_wait3A_2162] : memref<32x8x128xi32, #tpu.memory_space<vmem>> -> memref<1x1x128xi32, #tpu.memory_space<vmem>>
      %dma_wait3A_2164 = tpu.memref_squeeze %dma_wait3A_2163 : memref<1x1x128xi32, #tpu.memory_space<vmem>> -> memref<128xi32, #tpu.memory_space<vmem>>
      %dma_wait3A_2165 = arith.constant 0 : i32
      %dma_wait3A_2166 = arith.constant 0 : i32
      %dma_wait3A_2167 = tpu.memref_slice %arg3[%dma_wait3A_2165, %dma_wait3A_2166] : memref<1000000x32xf32, #tpu.memory_space<hbm>> -> memref<1000000x32xf32, #tpu.memory_space<hbm>>
      tpu.wait_indirect_dma semaphore(%arg15 : memref<!tpu.dma_semaphore, #tpu.memory_space<semaphore_mem>>) src(%dma_wait3A_2167 : memref<1000000x32xf32, #tpu.memory_space<hbm>>) dst(%dma_wait3A_2161 : memref<128x32xf32, #tpu.memory_space<vmem>>)
      %dma_wait3A_2168 = arith.constant 1 : i32
      %dma_wait3A_2169 = arith.constant 128 : i32
      %dma_wait3A_2170 = arith.constant 0 : i32
      %dma_wait3A_2171 = tpu.memref_slice %arg9[%dma_wait3A_2169, %dma_wait3A_2170] : memref<1024x32xf32, #tpu.memory_space<vmem>> -> memref<128x32xf32, #tpu.memory_space<vmem>>
      %dma_wait3A_2172 = arith.constant 0 : i32
      %dma_wait3A_2173 = tpu.memref_slice %arg7[%add3A_2157, %dma_wait3A_2168, %dma_wait3A_2172] : memref<32x8x128xi32, #tpu.memory_space<vmem>> -> memref<1x1x128xi32, #tpu.memory_space<vmem>>
      %dma_wait3A_2174 = tpu.memref_squeeze %dma_wait3A_2173 : memref<1x1x128xi32, #tpu.memory_space<vmem>> -> memref<128xi32, #tpu.memory_space<vmem>>
      %dma_wait3A_2175 = arith.constant 0 : i32
      %dma_wait3A_2176 = arith.constant 0 : i32
      %dma_wait3A_2177 = tpu.memref_slice %arg3[%dma_wait3A_2175, %dma_wait3A_2176] : memref<1000000x32xf32, #tpu.memory_space<hbm>> -> memref<1000000x32xf32, #tpu.memory_space<hbm>>
      tpu.wait_indirect_dma semaphore(%arg15 : memref<!tpu.dma_semaphore, #tpu.memory_space<semaphore_mem>>) src(%dma_wait3A_2177 : memref<1000000x32xf32, #tpu.memory_space<hbm>>) dst(%dma_wait3A_2171 : memref<128x32xf32, #tpu.memory_space<vmem>>)
      %dma_wait3A_2178 = arith.constant 2 : i32
      %dma_wait3A_2179 = arith.constant 256 : i32
      %dma_wait3A_2180 = arith.constant 0 : i32
      %dma_wait3A_2181 = tpu.memref_slice %arg9[%dma_wait3A_2179, %dma_wait3A_2180] : memref<1024x32xf32, #tpu.memory_space<vmem>> -> memref<128x32xf32, #tpu.memory_space<vmem>>
      %dma_wait3A_2182 = arith.constant 0 : i32
      %dma_wait3A_2183 = tpu.memref_slice %arg7[%add3A_2157, %dma_wait3A_2178, %dma_wait3A_2182] : memref<32x8x128xi32, #tpu.memory_space<vmem>> -> memref<1x1x128xi32, #tpu.memory_space<vmem>>
      %dma_wait3A_2184 = tpu.memref_squeeze %dma_wait3A_2183 : memref<1x1x128xi32, #tpu.memory_space<vmem>> -> memref<128xi32, #tpu.memory_space<vmem>>
      %dma_wait3A_2185 = arith.constant 0 : i32
      %dma_wait3A_2186 = arith.constant 0 : i32
      %dma_wait3A_2187 = tpu.memref_slice %arg3[%dma_wait3A_2185, %dma_wait3A_2186] : memref<1000000x32xf32, #tpu.memory_space<hbm>> -> memref<1000000x32xf32, #tpu.memory_space<hbm>>
      tpu.wait_indirect_dma semaphore(%arg15 : memref<!tpu.dma_semaphore, #tpu.memory_space<semaphore_mem>>) src(%dma_wait3A_2187 : memref<1000000x32xf32, #tpu.memory_space<hbm>>) dst(%dma_wait3A_2181 : memref<128x32xf32, #tpu.memory_space<vmem>>)
      %dma_wait3A_2188 = arith.constant 3 : i32
      %dma_wait3A_2189 = arith.constant 384 : i32
      %dma_wait3A_2190 = arith.constant 0 : i32
      %dma_wait3A_2191 = tpu.memref_slice %arg9[%dma_wait3A_2189, %dma_wait3A_2190] : memref<1024x32xf32, #tpu.memory_space<vmem>> -> memref<128x32xf32, #tpu.memory_space<vmem>>
      %dma_wait3A_2192 = arith.constant 0 : i32
      %dma_wait3A_2193 = tpu.memref_slice %arg7[%add3A_2157, %dma_wait3A_2188, %dma_wait3A_2192] : memref<32x8x128xi32, #tpu.memory_space<vmem>> -> memref<1x1x128xi32, #tpu.memory_space<vmem>>
      %dma_wait3A_2194 = tpu.memref_squeeze %dma_wait3A_2193 : memref<1x1x128xi32, #tpu.memory_space<vmem>> -> memref<128xi32, #tpu.memory_space<vmem>>
      %dma_wait3A_2195 = arith.constant 0 : i32
      %dma_wait3A_2196 = arith.constant 0 : i32
      %dma_wait3A_2197 = tpu.memref_slice %arg3[%dma_wait3A_2195, %dma_wait3A_2196] : memref<1000000x32xf32, #tpu.memory_space<hbm>> -> memref<1000000x32xf32, #tpu.memory_space<hbm>>
      tpu.wait_indirect_dma semaphore(%arg15 : memref<!tpu.dma_semaphore, #tpu.memory_space<semaphore_mem>>) src(%dma_wait3A_2197 : memref<1000000x32xf32, #tpu.memory_space<hbm>>) dst(%dma_wait3A_2191 : memref<128x32xf32, #tpu.memory_space<vmem>>)
      %dma_wait3A_2198 = arith.constant 4 : i32
      %dma_wait3A_2199 = arith.constant 512 : i32
      %dma_wait3A_2200 = arith.constant 0 : i32
      %dma_wait3A_2201 = tpu.memref_slice %arg9[%dma_wait3A_2199, %dma_wait3A_2200] : memref<1024x32xf32, #tpu.memory_space<vmem>> -> memref<128x32xf32, #tpu.memory_space<vmem>>
      %dma_wait3A_2202 = arith.constant 0 : i32
      %dma_wait3A_2203 = tpu.memref_slice %arg7[%add3A_2157, %dma_wait3A_2198, %dma_wait3A_2202] : memref<32x8x128xi32, #tpu.memory_space<vmem>> -> memref<1x1x128xi32, #tpu.memory_space<vmem>>
      %dma_wait3A_2204 = tpu.memref_squeeze %dma_wait3A_2203 : memref<1x1x128xi32, #tpu.memory_space<vmem>> -> memref<128xi32, #tpu.memory_space<vmem>>
      %dma_wait3A_2205 = arith.constant 0 : i32
      %dma_wait3A_2206 = arith.constant 0 : i32
      %dma_wait3A_2207 = tpu.memref_slice %arg3[%dma_wait3A_2205, %dma_wait3A_2206] : memref<1000000x32xf32, #tpu.memory_space<hbm>> -> memref<1000000x32xf32, #tpu.memory_space<hbm>>
      tpu.wait_indirect_dma semaphore(%arg15 : memref<!tpu.dma_semaphore, #tpu.memory_space<semaphore_mem>>) src(%dma_wait3A_2207 : memref<1000000x32xf32, #tpu.memory_space<hbm>>) dst(%dma_wait3A_2201 : memref<128x32xf32, #tpu.memory_space<vmem>>)
      %dma_wait3A_2208 = arith.constant 5 : i32
      %dma_wait3A_2209 = arith.constant 640 : i32
      %dma_wait3A_2210 = arith.constant 0 : i32
      %dma_wait3A_2211 = tpu.memref_slice %arg9[%dma_wait3A_2209, %dma_wait3A_2210] : memref<1024x32xf32, #tpu.memory_space<vmem>> -> memref<128x32xf32, #tpu.memory_space<vmem>>
      %dma_wait3A_2212 = arith.constant 0 : i32
      %dma_wait3A_2213 = tpu.memref_slice %arg7[%add3A_2157, %dma_wait3A_2208, %dma_wait3A_2212] : memref<32x8x128xi32, #tpu.memory_space<vmem>> -> memref<1x1x128xi32, #tpu.memory_space<vmem>>
      %dma_wait3A_2214 = tpu.memref_squeeze %dma_wait3A_2213 : memref<1x1x128xi32, #tpu.memory_space<vmem>> -> memref<128xi32, #tpu.memory_space<vmem>>
      %dma_wait3A_2215 = arith.constant 0 : i32
      %dma_wait3A_2216 = arith.constant 0 : i32
      %dma_wait3A_2217 = tpu.memref_slice %arg3[%dma_wait3A_2215, %dma_wait3A_2216] : memref<1000000x32xf32, #tpu.memory_space<hbm>> -> memref<1000000x32xf32, #tpu.memory_space<hbm>>
      tpu.wait_indirect_dma semaphore(%arg15 : memref<!tpu.dma_semaphore, #tpu.memory_space<semaphore_mem>>) src(%dma_wait3A_2217 : memref<1000000x32xf32, #tpu.memory_space<hbm>>) dst(%dma_wait3A_2211 : memref<128x32xf32, #tpu.memory_space<vmem>>)
      %dma_wait3A_2218 = arith.constant 6 : i32
      %dma_wait3A_2219 = arith.constant 768 : i32
      %dma_wait3A_2220 = arith.constant 0 : i32
      %dma_wait3A_2221 = tpu.memref_slice %arg9[%dma_wait3A_2219, %dma_wait3A_2220] : memref<1024x32xf32, #tpu.memory_space<vmem>> -> memref<128x32xf32, #tpu.memory_space<vmem>>
      %dma_wait3A_2222 = arith.constant 0 : i32
      %dma_wait3A_2223 = tpu.memref_slice %arg7[%add3A_2157, %dma_wait3A_2218, %dma_wait3A_2222] : memref<32x8x128xi32, #tpu.memory_space<vmem>> -> memref<1x1x128xi32, #tpu.memory_space<vmem>>
      %dma_wait3A_2224 = tpu.memref_squeeze %dma_wait3A_2223 : memref<1x1x128xi32, #tpu.memory_space<vmem>> -> memref<128xi32, #tpu.memory_space<vmem>>
      %dma_wait3A_2225 = arith.constant 0 : i32
      %dma_wait3A_2226 = arith.constant 0 : i32
      %dma_wait3A_2227 = tpu.memref_slice %arg3[%dma_wait3A_2225, %dma_wait3A_2226] : memref<1000000x32xf32, #tpu.memory_space<hbm>> -> memref<1000000x32xf32, #tpu.memory_space<hbm>>
      tpu.wait_indirect_dma semaphore(%arg15 : memref<!tpu.dma_semaphore, #tpu.memory_space<semaphore_mem>>) src(%dma_wait3A_2227 : memref<1000000x32xf32, #tpu.memory_space<hbm>>) dst(%dma_wait3A_2221 : memref<128x32xf32, #tpu.memory_space<vmem>>)
      %dma_wait3A_2228 = arith.constant 7 : i32
      %dma_wait3A_2229 = arith.constant 896 : i32
      %dma_wait3A_2230 = arith.constant 0 : i32
      %dma_wait3A_2231 = tpu.memref_slice %arg9[%dma_wait3A_2229, %dma_wait3A_2230] : memref<1024x32xf32, #tpu.memory_space<vmem>> -> memref<128x32xf32, #tpu.memory_space<vmem>>
      %dma_wait3A_2232 = arith.constant 0 : i32
      %dma_wait3A_2233 = tpu.memref_slice %arg7[%add3A_2157, %dma_wait3A_2228, %dma_wait3A_2232] : memref<32x8x128xi32, #tpu.memory_space<vmem>> -> memref<1x1x128xi32, #tpu.memory_space<vmem>>
      %dma_wait3A_2234 = tpu.memref_squeeze %dma_wait3A_2233 : memref<1x1x128xi32, #tpu.memory_space<vmem>> -> memref<128xi32, #tpu.memory_space<vmem>>
      %dma_wait3A_2235 = arith.constant 0 : i32
      %dma_wait3A_2236 = arith.constant 0 : i32
      %dma_wait3A_2237 = tpu.memref_slice %arg3[%dma_wait3A_2235, %dma_wait3A_2236] : memref<1000000x32xf32, #tpu.memory_space<hbm>> -> memref<1000000x32xf32, #tpu.memory_space<hbm>>
      tpu.wait_indirect_dma semaphore(%arg15 : memref<!tpu.dma_semaphore, #tpu.memory_space<semaphore_mem>>) src(%dma_wait3A_2237 : memref<1000000x32xf32, #tpu.memory_space<hbm>>) dst(%dma_wait3A_2231 : memref<128x32xf32, #tpu.memory_space<vmem>>)
      %lt3A = arith.constant 15 : i32
      %lt3A_2238 = arith.cmpi slt, %scan3A_1962, %lt3A : i32
      %convert_element_type3A = arith.extui %lt3A_2238 : i1 to i32
      %cond3A = arith.constant 0 : i32
      %cond3A_2239 = arith.cmpi ne, %convert_element_type3A, %cond3A : i32
      scf.if %cond3A_2239 {
        %add3A_2273 = arith.constant 2 : i32
        %add3A_2274 = arith.addi %mul3A_1964, %add3A_2273 : i32
        %dma_start3A_2275 = arith.constant 0 : i32
        %dma_start3A_2276 = arith.constant 0 : i32
        %dma_start3A_2277 = arith.constant 0 : i32
        %dma_start3A_2278 = tpu.memref_slice %arg8[%dma_start3A_2276, %dma_start3A_2277] : memref<1024x32xf32, #tpu.memory_space<vmem>> -> memref<128x32xf32, #tpu.memory_space<vmem>>
        %dma_start3A_2279 = arith.constant 0 : i32
        %dma_start3A_2280 = tpu.memref_slice %arg7[%add3A_2274, %dma_start3A_2275, %dma_start3A_2279] : memref<32x8x128xi32, #tpu.memory_space<vmem>> -> memref<1x1x128xi32, #tpu.memory_space<vmem>>
        %dma_start3A_2281 = tpu.memref_squeeze %dma_start3A_2280 : memref<1x1x128xi32, #tpu.memory_space<vmem>> -> memref<128xi32, #tpu.memory_space<vmem>>
        %dma_start3A_2282 = arith.constant 0 : i32
        %dma_start3A_2283 = arith.constant 0 : i32
        %dma_start3A_2284 = tpu.memref_slice %arg3[%dma_start3A_2282, %dma_start3A_2283] : memref<1000000x32xf32, #tpu.memory_space<hbm>> -> memref<1000000x32xf32, #tpu.memory_space<hbm>>
        tpu.enqueue_indirect_dma source(%dma_start3A_2284 : memref<1000000x32xf32, #tpu.memory_space<hbm>>) target(%dma_start3A_2278 : memref<128x32xf32, #tpu.memory_space<vmem>>) offsets(%dma_start3A_2281 : memref<128xi32, #tpu.memory_space<vmem>>) semaphore(%arg14 : memref<!tpu.dma_semaphore, #tpu.memory_space<semaphore_mem>>)
        %dma_start3A_2285 = arith.constant 1 : i32
        %dma_start3A_2286 = arith.constant 128 : i32
        %dma_start3A_2287 = arith.constant 0 : i32
        %dma_start3A_2288 = tpu.memref_slice %arg8[%dma_start3A_2286, %dma_start3A_2287] : memref<1024x32xf32, #tpu.memory_space<vmem>> -> memref<128x32xf32, #tpu.memory_space<vmem>>
        %dma_start3A_2289 = arith.constant 0 : i32
        %dma_start3A_2290 = tpu.memref_slice %arg7[%add3A_2274, %dma_start3A_2285, %dma_start3A_2289] : memref<32x8x128xi32, #tpu.memory_space<vmem>> -> memref<1x1x128xi32, #tpu.memory_space<vmem>>
        %dma_start3A_2291 = tpu.memref_squeeze %dma_start3A_2290 : memref<1x1x128xi32, #tpu.memory_space<vmem>> -> memref<128xi32, #tpu.memory_space<vmem>>
        %dma_start3A_2292 = arith.constant 0 : i32
        %dma_start3A_2293 = arith.constant 0 : i32
        %dma_start3A_2294 = tpu.memref_slice %arg3[%dma_start3A_2292, %dma_start3A_2293] : memref<1000000x32xf32, #tpu.memory_space<hbm>> -> memref<1000000x32xf32, #tpu.memory_space<hbm>>
        tpu.enqueue_indirect_dma source(%dma_start3A_2294 : memref<1000000x32xf32, #tpu.memory_space<hbm>>) target(%dma_start3A_2288 : memref<128x32xf32, #tpu.memory_space<vmem>>) offsets(%dma_start3A_2291 : memref<128xi32, #tpu.memory_space<vmem>>) semaphore(%arg14 : memref<!tpu.dma_semaphore, #tpu.memory_space<semaphore_mem>>)
        %dma_start3A_2295 = arith.constant 2 : i32
        %dma_start3A_2296 = arith.constant 256 : i32
        %dma_start3A_2297 = arith.constant 0 : i32
        %dma_start3A_2298 = tpu.memref_slice %arg8[%dma_start3A_2296, %dma_start3A_2297] : memref<1024x32xf32, #tpu.memory_space<vmem>> -> memref<128x32xf32, #tpu.memory_space<vmem>>
        %dma_start3A_2299 = arith.constant 0 : i32
        %dma_start3A_2300 = tpu.memref_slice %arg7[%add3A_2274, %dma_start3A_2295, %dma_start3A_2299] : memref<32x8x128xi32, #tpu.memory_space<vmem>> -> memref<1x1x128xi32, #tpu.memory_space<vmem>>
        %dma_start3A_2301 = tpu.memref_squeeze %dma_start3A_2300 : memref<1x1x128xi32, #tpu.memory_space<vmem>> -> memref<128xi32, #tpu.memory_space<vmem>>
        %dma_start3A_2302 = arith.constant 0 : i32
        %dma_start3A_2303 = arith.constant 0 : i32
        %dma_start3A_2304 = tpu.memref_slice %arg3[%dma_start3A_2302, %dma_start3A_2303] : memref<1000000x32xf32, #tpu.memory_space<hbm>> -> memref<1000000x32xf32, #tpu.memory_space<hbm>>
        tpu.enqueue_indirect_dma source(%dma_start3A_2304 : memref<1000000x32xf32, #tpu.memory_space<hbm>>) target(%dma_start3A_2298 : memref<128x32xf32, #tpu.memory_space<vmem>>) offsets(%dma_start3A_2301 : memref<128xi32, #tpu.memory_space<vmem>>) semaphore(%arg14 : memref<!tpu.dma_semaphore, #tpu.memory_space<semaphore_mem>>)
        %dma_start3A_2305 = arith.constant 3 : i32
        %dma_start3A_2306 = arith.constant 384 : i32
        %dma_start3A_2307 = arith.constant 0 : i32
        %dma_start3A_2308 = tpu.memref_slice %arg8[%dma_start3A_2306, %dma_start3A_2307] : memref<1024x32xf32, #tpu.memory_space<vmem>> -> memref<128x32xf32, #tpu.memory_space<vmem>>
        %dma_start3A_2309 = arith.constant 0 : i32
        %dma_start3A_2310 = tpu.memref_slice %arg7[%add3A_2274, %dma_start3A_2305, %dma_start3A_2309] : memref<32x8x128xi32, #tpu.memory_space<vmem>> -> memref<1x1x128xi32, #tpu.memory_space<vmem>>
        %dma_start3A_2311 = tpu.memref_squeeze %dma_start3A_2310 : memref<1x1x128xi32, #tpu.memory_space<vmem>> -> memref<128xi32, #tpu.memory_space<vmem>>
        %dma_start3A_2312 = arith.constant 0 : i32
        %dma_start3A_2313 = arith.constant 0 : i32
        %dma_start3A_2314 = tpu.memref_slice %arg3[%dma_start3A_2312, %dma_start3A_2313] : memref<1000000x32xf32, #tpu.memory_space<hbm>> -> memref<1000000x32xf32, #tpu.memory_space<hbm>>
        tpu.enqueue_indirect_dma source(%dma_start3A_2314 : memref<1000000x32xf32, #tpu.memory_space<hbm>>) target(%dma_start3A_2308 : memref<128x32xf32, #tpu.memory_space<vmem>>) offsets(%dma_start3A_2311 : memref<128xi32, #tpu.memory_space<vmem>>) semaphore(%arg14 : memref<!tpu.dma_semaphore, #tpu.memory_space<semaphore_mem>>)
        %dma_start3A_2315 = arith.constant 4 : i32
        %dma_start3A_2316 = arith.constant 512 : i32
        %dma_start3A_2317 = arith.constant 0 : i32
        %dma_start3A_2318 = tpu.memref_slice %arg8[%dma_start3A_2316, %dma_start3A_2317] : memref<1024x32xf32, #tpu.memory_space<vmem>> -> memref<128x32xf32, #tpu.memory_space<vmem>>
        %dma_start3A_2319 = arith.constant 0 : i32
        %dma_start3A_2320 = tpu.memref_slice %arg7[%add3A_2274, %dma_start3A_2315, %dma_start3A_2319] : memref<32x8x128xi32, #tpu.memory_space<vmem>> -> memref<1x1x128xi32, #tpu.memory_space<vmem>>
        %dma_start3A_2321 = tpu.memref_squeeze %dma_start3A_2320 : memref<1x1x128xi32, #tpu.memory_space<vmem>> -> memref<128xi32, #tpu.memory_space<vmem>>
        %dma_start3A_2322 = arith.constant 0 : i32
        %dma_start3A_2323 = arith.constant 0 : i32
        %dma_start3A_2324 = tpu.memref_slice %arg3[%dma_start3A_2322, %dma_start3A_2323] : memref<1000000x32xf32, #tpu.memory_space<hbm>> -> memref<1000000x32xf32, #tpu.memory_space<hbm>>
        tpu.enqueue_indirect_dma source(%dma_start3A_2324 : memref<1000000x32xf32, #tpu.memory_space<hbm>>) target(%dma_start3A_2318 : memref<128x32xf32, #tpu.memory_space<vmem>>) offsets(%dma_start3A_2321 : memref<128xi32, #tpu.memory_space<vmem>>) semaphore(%arg14 : memref<!tpu.dma_semaphore, #tpu.memory_space<semaphore_mem>>)
        %dma_start3A_2325 = arith.constant 5 : i32
        %dma_start3A_2326 = arith.constant 640 : i32
        %dma_start3A_2327 = arith.constant 0 : i32
        %dma_start3A_2328 = tpu.memref_slice %arg8[%dma_start3A_2326, %dma_start3A_2327] : memref<1024x32xf32, #tpu.memory_space<vmem>> -> memref<128x32xf32, #tpu.memory_space<vmem>>
        %dma_start3A_2329 = arith.constant 0 : i32
        %dma_start3A_2330 = tpu.memref_slice %arg7[%add3A_2274, %dma_start3A_2325, %dma_start3A_2329] : memref<32x8x128xi32, #tpu.memory_space<vmem>> -> memref<1x1x128xi32, #tpu.memory_space<vmem>>
        %dma_start3A_2331 = tpu.memref_squeeze %dma_start3A_2330 : memref<1x1x128xi32, #tpu.memory_space<vmem>> -> memref<128xi32, #tpu.memory_space<vmem>>
        %dma_start3A_2332 = arith.constant 0 : i32
        %dma_start3A_2333 = arith.constant 0 : i32
        %dma_start3A_2334 = tpu.memref_slice %arg3[%dma_start3A_2332, %dma_start3A_2333] : memref<1000000x32xf32, #tpu.memory_space<hbm>> -> memref<1000000x32xf32, #tpu.memory_space<hbm>>
        tpu.enqueue_indirect_dma source(%dma_start3A_2334 : memref<1000000x32xf32, #tpu.memory_space<hbm>>) target(%dma_start3A_2328 : memref<128x32xf32, #tpu.memory_space<vmem>>) offsets(%dma_start3A_2331 : memref<128xi32, #tpu.memory_space<vmem>>) semaphore(%arg14 : memref<!tpu.dma_semaphore, #tpu.memory_space<semaphore_mem>>)
        %dma_start3A_2335 = arith.constant 6 : i32
        %dma_start3A_2336 = arith.constant 768 : i32
        %dma_start3A_2337 = arith.constant 0 : i32
        %dma_start3A_2338 = tpu.memref_slice %arg8[%dma_start3A_2336, %dma_start3A_2337] : memref<1024x32xf32, #tpu.memory_space<vmem>> -> memref<128x32xf32, #tpu.memory_space<vmem>>
        %dma_start3A_2339 = arith.constant 0 : i32
        %dma_start3A_2340 = tpu.memref_slice %arg7[%add3A_2274, %dma_start3A_2335, %dma_start3A_2339] : memref<32x8x128xi32, #tpu.memory_space<vmem>> -> memref<1x1x128xi32, #tpu.memory_space<vmem>>
        %dma_start3A_2341 = tpu.memref_squeeze %dma_start3A_2340 : memref<1x1x128xi32, #tpu.memory_space<vmem>> -> memref<128xi32, #tpu.memory_space<vmem>>
        %dma_start3A_2342 = arith.constant 0 : i32
        %dma_start3A_2343 = arith.constant 0 : i32
        %dma_start3A_2344 = tpu.memref_slice %arg3[%dma_start3A_2342, %dma_start3A_2343] : memref<1000000x32xf32, #tpu.memory_space<hbm>> -> memref<1000000x32xf32, #tpu.memory_space<hbm>>
        tpu.enqueue_indirect_dma source(%dma_start3A_2344 : memref<1000000x32xf32, #tpu.memory_space<hbm>>) target(%dma_start3A_2338 : memref<128x32xf32, #tpu.memory_space<vmem>>) offsets(%dma_start3A_2341 : memref<128xi32, #tpu.memory_space<vmem>>) semaphore(%arg14 : memref<!tpu.dma_semaphore, #tpu.memory_space<semaphore_mem>>)
        %dma_start3A_2345 = arith.constant 7 : i32
        %dma_start3A_2346 = arith.constant 896 : i32
        %dma_start3A_2347 = arith.constant 0 : i32
        %dma_start3A_2348 = tpu.memref_slice %arg8[%dma_start3A_2346, %dma_start3A_2347] : memref<1024x32xf32, #tpu.memory_space<vmem>> -> memref<128x32xf32, #tpu.memory_space<vmem>>
        %dma_start3A_2349 = arith.constant 0 : i32
        %dma_start3A_2350 = tpu.memref_slice %arg7[%add3A_2274, %dma_start3A_2345, %dma_start3A_2349] : memref<32x8x128xi32, #tpu.memory_space<vmem>> -> memref<1x1x128xi32, #tpu.memory_space<vmem>>
        %dma_start3A_2351 = tpu.memref_squeeze %dma_start3A_2350 : memref<1x1x128xi32, #tpu.memory_space<vmem>> -> memref<128xi32, #tpu.memory_space<vmem>>
        %dma_start3A_2352 = arith.constant 0 : i32
        %dma_start3A_2353 = arith.constant 0 : i32
        %dma_start3A_2354 = tpu.memref_slice %arg3[%dma_start3A_2352, %dma_start3A_2353] : memref<1000000x32xf32, #tpu.memory_space<hbm>> -> memref<1000000x32xf32, #tpu.memory_space<hbm>>
        tpu.enqueue_indirect_dma source(%dma_start3A_2354 : memref<1000000x32xf32, #tpu.memory_space<hbm>>) target(%dma_start3A_2348 : memref<128x32xf32, #tpu.memory_space<vmem>>) offsets(%dma_start3A_2351 : memref<128xi32, #tpu.memory_space<vmem>>) semaphore(%arg14 : memref<!tpu.dma_semaphore, #tpu.memory_space<semaphore_mem>>)
      } else {
      }
      %add3A_2240 = arith.constant 1 : i32
      %add3A_2241 = arith.addi %mul3A_1964, %add3A_2240 : i32
      %broadcast_in_dim3A_2242 = arith.constant 0.000000e+00 : f32
      %broadcast_in_dim3A_2243 = vector.broadcast %broadcast_in_dim3A_2242 : f32 to vector<16xf32>
      %scan3A_2244 = arith.constant -1.000000e+00 : f32
      %scan3A_2245 = arith.constant 0 : i32
      %scan3A_2246 = arith.constant 125 : i32
      %scan3A_2247 = arith.addi %scan3A_2245, %scan3A_2246 : i32
      %scan3A_2248 = arith.constant 1 : i32
      %scan3A_2249:5 = scf.for %scan3A_2273 = %scan3A_2245 to %scan3A_2247 step %scan3A_2248 iter_args(%scan3A_2274 = %broadcast_in_dim3A_2243, %scan3A_2275 = %broadcast_in_dim3A_2243, %scan3A_2276 = %scan3A_2244, %scan3A_2277 = %broadcast_in_dim3A_2243, %scan3A_2278 = %broadcast_in_dim3A_2243) -> (vector<16xf32>, vector<16xf32>, f32, vector<16xf32>, vector<16xf32>)  : i32 {
        %mul3A_2279 = arith.constant 8 : i32
        %mul3A_2280 = arith.muli %scan3A_2273, %mul3A_2279 : i32
        %add3A_2281 = arith.constant 0 : i32
        %add3A_2282 = arith.addi %mul3A_2280, %add3A_2281 : i32
        %get3A_2283 = arith.index_cast %add3A_2282 : i32 to index
        %get3A_2284 = arith.constant 0 : index
        %get3A_2285 = tpu.vector_load %arg9[%get3A_2283, %get3A_2284] {strides = array<i32>} : memref<1024x32xf32, #tpu.memory_space<vmem>>, vector<16xf32>,
        %get3A_2286 = arith.index_cast %add3A_2282 : i32 to index
        %get3A_2287 = arith.constant 16 : index
        %get3A_2288 = tpu.vector_load %arg9[%get3A_2286, %get3A_2287] {strides = array<i32>} : memref<1024x32xf32, #tpu.memory_space<vmem>>, vector<16xf32>,
        %add3A_2289 = arith.addf %scan3A_2274, %get3A_2285 : vector<16xf32>
        %add3A_2290 = arith.addf %scan3A_2275, %get3A_2288 : vector<16xf32>
        %mul3A_2291 = arith.mulf %get3A_2285, %get3A_2285 : vector<16xf32>
        %mul3A_2292 = arith.mulf %get3A_2288, %get3A_2288 : vector<16xf32>
        %add3A_2293 = arith.addf %mul3A_2291, %mul3A_2292 : vector<16xf32>
        %reduce_sum3A = arith.constant true
        %reduce_sum3A_2294 = vector.broadcast %reduce_sum3A : i1 to vector<16xi1>
        %reduce_sum3A_2295 = tpu.scan <sum>, %add3A_2293 masked %reduce_sum3A_2294 : vector<16xf32>, vector<16xi1> -> vector<16xf32>
        %reduce_sum3A_2296 = vector.extract %reduce_sum3A_2295[15] : f32 from vector<16xf32>
        %gt3A = arith.cmpf ogt, %reduce_sum3A_2296, %scan3A_2276 : f32
        %select_n3A = arith.select %gt3A, %reduce_sum3A_2296, %scan3A_2276 : f32
        %broadcast_in_dim3A_2297 = vector.broadcast %gt3A : i1 to vector<16xi1>
        %select_n3A_2298 = arith.select %broadcast_in_dim3A_2297, %get3A_2285, %scan3A_2277 : vector<16xi1>, vector<16xf32>
        %select_n3A_2299 = arith.select %broadcast_in_dim3A_2297, %get3A_2288, %scan3A_2278 : vector<16xi1>, vector<16xf32>
        %mul3A_2300 = arith.constant 8 : i32
        %mul3A_2301 = arith.muli %scan3A_2273, %mul3A_2300 : i32
        %add3A_2302 = arith.constant 1 : i32
        %add3A_2303 = arith.addi %mul3A_2301, %add3A_2302 : i32
        %get3A_2304 = arith.index_cast %add3A_2303 : i32 to index
        %get3A_2305 = arith.constant 0 : index
        %get3A_2306 = tpu.vector_load %arg9[%get3A_2304, %get3A_2305] {strides = array<i32>} : memref<1024x32xf32, #tpu.memory_space<vmem>>, vector<16xf32>,
        %get3A_2307 = arith.index_cast %add3A_2303 : i32 to index
        %get3A_2308 = arith.constant 16 : index
        %get3A_2309 = tpu.vector_load %arg9[%get3A_2307, %get3A_2308] {strides = array<i32>} : memref<1024x32xf32, #tpu.memory_space<vmem>>, vector<16xf32>,
        %add3A_2310 = arith.addf %add3A_2289, %get3A_2306 : vector<16xf32>
        %add3A_2311 = arith.addf %add3A_2290, %get3A_2309 : vector<16xf32>
        %mul3A_2312 = arith.mulf %get3A_2306, %get3A_2306 : vector<16xf32>
        %mul3A_2313 = arith.mulf %get3A_2309, %get3A_2309 : vector<16xf32>
        %add3A_2314 = arith.addf %mul3A_2312, %mul3A_2313 : vector<16xf32>
        %reduce_sum3A_2315 = arith.constant true
        %reduce_sum3A_2316 = vector.broadcast %reduce_sum3A_2315 : i1 to vector<16xi1>
        %reduce_sum3A_2317 = tpu.scan <sum>, %add3A_2314 masked %reduce_sum3A_2316 : vector<16xf32>, vector<16xi1> -> vector<16xf32>
        %reduce_sum3A_2318 = vector.extract %reduce_sum3A_2317[15] : f32 from vector<16xf32>
        %gt3A_2319 = arith.cmpf ogt, %reduce_sum3A_2318, %select_n3A : f32
        %select_n3A_2320 = arith.select %gt3A_2319, %reduce_sum3A_2318, %select_n3A : f32
        %broadcast_in_dim3A_2321 = vector.broadcast %gt3A_2319 : i1 to vector<16xi1>
        %select_n3A_2322 = arith.select %broadcast_in_dim3A_2321, %get3A_2306, %select_n3A_2298 : vector<16xi1>, vector<16xf32>
        %select_n3A_2323 = arith.select %broadcast_in_dim3A_2321, %get3A_2309, %select_n3A_2299 : vector<16xi1>, vector<16xf32>
        %mul3A_2324 = arith.constant 8 : i32
        %mul3A_2325 = arith.muli %scan3A_2273, %mul3A_2324 : i32
        %add3A_2326 = arith.constant 2 : i32
        %add3A_2327 = arith.addi %mul3A_2325, %add3A_2326 : i32
        %get3A_2328 = arith.index_cast %add3A_2327 : i32 to index
        %get3A_2329 = arith.constant 0 : index
        %get3A_2330 = tpu.vector_load %arg9[%get3A_2328, %get3A_2329] {strides = array<i32>} : memref<1024x32xf32, #tpu.memory_space<vmem>>, vector<16xf32>,
        %get3A_2331 = arith.index_cast %add3A_2327 : i32 to index
        %get3A_2332 = arith.constant 16 : index
        %get3A_2333 = tpu.vector_load %arg9[%get3A_2331, %get3A_2332] {strides = array<i32>} : memref<1024x32xf32, #tpu.memory_space<vmem>>, vector<16xf32>,
        %add3A_2334 = arith.addf %add3A_2310, %get3A_2330 : vector<16xf32>
        %add3A_2335 = arith.addf %add3A_2311, %get3A_2333 : vector<16xf32>
        %mul3A_2336 = arith.mulf %get3A_2330, %get3A_2330 : vector<16xf32>
        %mul3A_2337 = arith.mulf %get3A_2333, %get3A_2333 : vector<16xf32>
        %add3A_2338 = arith.addf %mul3A_2336, %mul3A_2337 : vector<16xf32>
        %reduce_sum3A_2339 = arith.constant true
        %reduce_sum3A_2340 = vector.broadcast %reduce_sum3A_2339 : i1 to vector<16xi1>
        %reduce_sum3A_2341 = tpu.scan <sum>, %add3A_2338 masked %reduce_sum3A_2340 : vector<16xf32>, vector<16xi1> -> vector<16xf32>
        %reduce_sum3A_2342 = vector.extract %reduce_sum3A_2341[15] : f32 from vector<16xf32>
        %gt3A_2343 = arith.cmpf ogt, %reduce_sum3A_2342, %select_n3A_2320 : f32
        %select_n3A_2344 = arith.select %gt3A_2343, %reduce_sum3A_2342, %select_n3A_2320 : f32
        %broadcast_in_dim3A_2345 = vector.broadcast %gt3A_2343 : i1 to vector<16xi1>
        %select_n3A_2346 = arith.select %broadcast_in_dim3A_2345, %get3A_2330, %select_n3A_2322 : vector<16xi1>, vector<16xf32>
        %select_n3A_2347 = arith.select %broadcast_in_dim3A_2345, %get3A_2333, %select_n3A_2323 : vector<16xi1>, vector<16xf32>
        %mul3A_2348 = arith.constant 8 : i32
        %mul3A_2349 = arith.muli %scan3A_2273, %mul3A_2348 : i32
        %add3A_2350 = arith.constant 3 : i32
        %add3A_2351 = arith.addi %mul3A_2349, %add3A_2350 : i32
        %get3A_2352 = arith.index_cast %add3A_2351 : i32 to index
        %get3A_2353 = arith.constant 0 : index
        %get3A_2354 = tpu.vector_load %arg9[%get3A_2352, %get3A_2353] {strides = array<i32>} : memref<1024x32xf32, #tpu.memory_space<vmem>>, vector<16xf32>,
        %get3A_2355 = arith.index_cast %add3A_2351 : i32 to index
        %get3A_2356 = arith.constant 16 : index
        %get3A_2357 = tpu.vector_load %arg9[%get3A_2355, %get3A_2356] {strides = array<i32>} : memref<1024x32xf32, #tpu.memory_space<vmem>>, vector<16xf32>,
        %add3A_2358 = arith.addf %add3A_2334, %get3A_2354 : vector<16xf32>
        %add3A_2359 = arith.addf %add3A_2335, %get3A_2357 : vector<16xf32>
        %mul3A_2360 = arith.mulf %get3A_2354, %get3A_2354 : vector<16xf32>
        %mul3A_2361 = arith.mulf %get3A_2357, %get3A_2357 : vector<16xf32>
        %add3A_2362 = arith.addf %mul3A_2360, %mul3A_2361 : vector<16xf32>
        %reduce_sum3A_2363 = arith.constant true
        %reduce_sum3A_2364 = vector.broadcast %reduce_sum3A_2363 : i1 to vector<16xi1>
        %reduce_sum3A_2365 = tpu.scan <sum>, %add3A_2362 masked %reduce_sum3A_2364 : vector<16xf32>, vector<16xi1> -> vector<16xf32>
        %reduce_sum3A_2366 = vector.extract %reduce_sum3A_2365[15] : f32 from vector<16xf32>
        %gt3A_2367 = arith.cmpf ogt, %reduce_sum3A_2366, %select_n3A_2344 : f32
        %select_n3A_2368 = arith.select %gt3A_2367, %reduce_sum3A_2366, %select_n3A_2344 : f32
        %broadcast_in_dim3A_2369 = vector.broadcast %gt3A_2367 : i1 to vector<16xi1>
        %select_n3A_2370 = arith.select %broadcast_in_dim3A_2369, %get3A_2354, %select_n3A_2346 : vector<16xi1>, vector<16xf32>
        %select_n3A_2371 = arith.select %broadcast_in_dim3A_2369, %get3A_2357, %select_n3A_2347 : vector<16xi1>, vector<16xf32>
        %mul3A_2372 = arith.constant 8 : i32
        %mul3A_2373 = arith.muli %scan3A_2273, %mul3A_2372 : i32
        %add3A_2374 = arith.constant 4 : i32
        %add3A_2375 = arith.addi %mul3A_2373, %add3A_2374 : i32
        %get3A_2376 = arith.index_cast %add3A_2375 : i32 to index
        %get3A_2377 = arith.constant 0 : index
        %get3A_2378 = tpu.vector_load %arg9[%get3A_2376, %get3A_2377] {strides = array<i32>} : memref<1024x32xf32, #tpu.memory_space<vmem>>, vector<16xf32>,
        %get3A_2379 = arith.index_cast %add3A_2375 : i32 to index
        %get3A_2380 = arith.constant 16 : index
        %get3A_2381 = tpu.vector_load %arg9[%get3A_2379, %get3A_2380] {strides = array<i32>} : memref<1024x32xf32, #tpu.memory_space<vmem>>, vector<16xf32>,
        %add3A_2382 = arith.addf %add3A_2358, %get3A_2378 : vector<16xf32>
        %add3A_2383 = arith.addf %add3A_2359, %get3A_2381 : vector<16xf32>
        %mul3A_2384 = arith.mulf %get3A_2378, %get3A_2378 : vector<16xf32>
        %mul3A_2385 = arith.mulf %get3A_2381, %get3A_2381 : vector<16xf32>
        %add3A_2386 = arith.addf %mul3A_2384, %mul3A_2385 : vector<16xf32>
        %reduce_sum3A_2387 = arith.constant true
        %reduce_sum3A_2388 = vector.broadcast %reduce_sum3A_2387 : i1 to vector<16xi1>
        %reduce_sum3A_2389 = tpu.scan <sum>, %add3A_2386 masked %reduce_sum3A_2388 : vector<16xf32>, vector<16xi1> -> vector<16xf32>
        %reduce_sum3A_2390 = vector.extract %reduce_sum3A_2389[15] : f32 from vector<16xf32>
        %gt3A_2391 = arith.cmpf ogt, %reduce_sum3A_2390, %select_n3A_2368 : f32
        %select_n3A_2392 = arith.select %gt3A_2391, %reduce_sum3A_2390, %select_n3A_2368 : f32
        %broadcast_in_dim3A_2393 = vector.broadcast %gt3A_2391 : i1 to vector<16xi1>
        %select_n3A_2394 = arith.select %broadcast_in_dim3A_2393, %get3A_2378, %select_n3A_2370 : vector<16xi1>, vector<16xf32>
        %select_n3A_2395 = arith.select %broadcast_in_dim3A_2393, %get3A_2381, %select_n3A_2371 : vector<16xi1>, vector<16xf32>
        %mul3A_2396 = arith.constant 8 : i32
        %mul3A_2397 = arith.muli %scan3A_2273, %mul3A_2396 : i32
        %add3A_2398 = arith.constant 5 : i32
        %add3A_2399 = arith.addi %mul3A_2397, %add3A_2398 : i32
        %get3A_2400 = arith.index_cast %add3A_2399 : i32 to index
        %get3A_2401 = arith.constant 0 : index
        %get3A_2402 = tpu.vector_load %arg9[%get3A_2400, %get3A_2401] {strides = array<i32>} : memref<1024x32xf32, #tpu.memory_space<vmem>>, vector<16xf32>,
        %get3A_2403 = arith.index_cast %add3A_2399 : i32 to index
        %get3A_2404 = arith.constant 16 : index
        %get3A_2405 = tpu.vector_load %arg9[%get3A_2403, %get3A_2404] {strides = array<i32>} : memref<1024x32xf32, #tpu.memory_space<vmem>>, vector<16xf32>,
        %add3A_2406 = arith.addf %add3A_2382, %get3A_2402 : vector<16xf32>
        %add3A_2407 = arith.addf %add3A_2383, %get3A_2405 : vector<16xf32>
        %mul3A_2408 = arith.mulf %get3A_2402, %get3A_2402 : vector<16xf32>
        %mul3A_2409 = arith.mulf %get3A_2405, %get3A_2405 : vector<16xf32>
        %add3A_2410 = arith.addf %mul3A_2408, %mul3A_2409 : vector<16xf32>
        %reduce_sum3A_2411 = arith.constant true
        %reduce_sum3A_2412 = vector.broadcast %reduce_sum3A_2411 : i1 to vector<16xi1>
        %reduce_sum3A_2413 = tpu.scan <sum>, %add3A_2410 masked %reduce_sum3A_2412 : vector<16xf32>, vector<16xi1> -> vector<16xf32>
        %reduce_sum3A_2414 = vector.extract %reduce_sum3A_2413[15] : f32 from vector<16xf32>
        %gt3A_2415 = arith.cmpf ogt, %reduce_sum3A_2414, %select_n3A_2392 : f32
        %select_n3A_2416 = arith.select %gt3A_2415, %reduce_sum3A_2414, %select_n3A_2392 : f32
        %broadcast_in_dim3A_2417 = vector.broadcast %gt3A_2415 : i1 to vector<16xi1>
        %select_n3A_2418 = arith.select %broadcast_in_dim3A_2417, %get3A_2402, %select_n3A_2394 : vector<16xi1>, vector<16xf32>
        %select_n3A_2419 = arith.select %broadcast_in_dim3A_2417, %get3A_2405, %select_n3A_2395 : vector<16xi1>, vector<16xf32>
        %mul3A_2420 = arith.constant 8 : i32
        %mul3A_2421 = arith.muli %scan3A_2273, %mul3A_2420 : i32
        %add3A_2422 = arith.constant 6 : i32
        %add3A_2423 = arith.addi %mul3A_2421, %add3A_2422 : i32
        %get3A_2424 = arith.index_cast %add3A_2423 : i32 to index
        %get3A_2425 = arith.constant 0 : index
        %get3A_2426 = tpu.vector_load %arg9[%get3A_2424, %get3A_2425] {strides = array<i32>} : memref<1024x32xf32, #tpu.memory_space<vmem>>, vector<16xf32>,
        %get3A_2427 = arith.index_cast %add3A_2423 : i32 to index
        %get3A_2428 = arith.constant 16 : index
        %get3A_2429 = tpu.vector_load %arg9[%get3A_2427, %get3A_2428] {strides = array<i32>} : memref<1024x32xf32, #tpu.memory_space<vmem>>, vector<16xf32>,
        %add3A_2430 = arith.addf %add3A_2406, %get3A_2426 : vector<16xf32>
        %add3A_2431 = arith.addf %add3A_2407, %get3A_2429 : vector<16xf32>
        %mul3A_2432 = arith.mulf %get3A_2426, %get3A_2426 : vector<16xf32>
        %mul3A_2433 = arith.mulf %get3A_2429, %get3A_2429 : vector<16xf32>
        %add3A_2434 = arith.addf %mul3A_2432, %mul3A_2433 : vector<16xf32>
        %reduce_sum3A_2435 = arith.constant true
        %reduce_sum3A_2436 = vector.broadcast %reduce_sum3A_2435 : i1 to vector<16xi1>
        %reduce_sum3A_2437 = tpu.scan <sum>, %add3A_2434 masked %reduce_sum3A_2436 : vector<16xf32>, vector<16xi1> -> vector<16xf32>
        %reduce_sum3A_2438 = vector.extract %reduce_sum3A_2437[15] : f32 from vector<16xf32>
        %gt3A_2439 = arith.cmpf ogt, %reduce_sum3A_2438, %select_n3A_2416 : f32
        %select_n3A_2440 = arith.select %gt3A_2439, %reduce_sum3A_2438, %select_n3A_2416 : f32
        %broadcast_in_dim3A_2441 = vector.broadcast %gt3A_2439 : i1 to vector<16xi1>
        %select_n3A_2442 = arith.select %broadcast_in_dim3A_2441, %get3A_2426, %select_n3A_2418 : vector<16xi1>, vector<16xf32>
        %select_n3A_2443 = arith.select %broadcast_in_dim3A_2441, %get3A_2429, %select_n3A_2419 : vector<16xi1>, vector<16xf32>
        %mul3A_2444 = arith.constant 8 : i32
        %mul3A_2445 = arith.muli %scan3A_2273, %mul3A_2444 : i32
        %add3A_2446 = arith.constant 7 : i32
        %add3A_2447 = arith.addi %mul3A_2445, %add3A_2446 : i32
        %get3A_2448 = arith.index_cast %add3A_2447 : i32 to index
        %get3A_2449 = arith.constant 0 : index
        %get3A_2450 = tpu.vector_load %arg9[%get3A_2448, %get3A_2449] {strides = array<i32>} : memref<1024x32xf32, #tpu.memory_space<vmem>>, vector<16xf32>,
        %get3A_2451 = arith.index_cast %add3A_2447 : i32 to index
        %get3A_2452 = arith.constant 16 : index
        %get3A_2453 = tpu.vector_load %arg9[%get3A_2451, %get3A_2452] {strides = array<i32>} : memref<1024x32xf32, #tpu.memory_space<vmem>>, vector<16xf32>,
        %add3A_2454 = arith.addf %add3A_2430, %get3A_2450 : vector<16xf32>
        %add3A_2455 = arith.addf %add3A_2431, %get3A_2453 : vector<16xf32>
        %mul3A_2456 = arith.mulf %get3A_2450, %get3A_2450 : vector<16xf32>
        %mul3A_2457 = arith.mulf %get3A_2453, %get3A_2453 : vector<16xf32>
        %add3A_2458 = arith.addf %mul3A_2456, %mul3A_2457 : vector<16xf32>
        %reduce_sum3A_2459 = arith.constant true
        %reduce_sum3A_2460 = vector.broadcast %reduce_sum3A_2459 : i1 to vector<16xi1>
        %reduce_sum3A_2461 = tpu.scan <sum>, %add3A_2458 masked %reduce_sum3A_2460 : vector<16xf32>, vector<16xi1> -> vector<16xf32>
        %reduce_sum3A_2462 = vector.extract %reduce_sum3A_2461[15] : f32 from vector<16xf32>
        %gt3A_2463 = arith.cmpf ogt, %reduce_sum3A_2462, %select_n3A_2440 : f32
        %select_n3A_2464 = arith.select %gt3A_2463, %reduce_sum3A_2462, %select_n3A_2440 : f32
        %broadcast_in_dim3A_2465 = vector.broadcast %gt3A_2463 : i1 to vector<16xi1>
        %select_n3A_2466 = arith.select %broadcast_in_dim3A_2465, %get3A_2450, %select_n3A_2442 : vector<16xi1>, vector<16xf32>
        %select_n3A_2467 = arith.select %broadcast_in_dim3A_2465, %get3A_2453, %select_n3A_2443 : vector<16xi1>, vector<16xf32>
        scf.yield %add3A_2454, %add3A_2455, %select_n3A_2464, %select_n3A_2466, %select_n3A_2467 : vector<16xf32>, vector<16xf32>, f32, vector<16xf32>, vector<16xf32>
      }
      %scan3A_2250 = arith.constant 125 : i32
      %mul3A_2251 = arith.constant 64 : i32
      %mul3A_2252 = arith.muli %add3A_2241, %mul3A_2251 : i32
      %mul3A_2253 = arith.constant 1.000000e-03 : f32
      %mul3A_2254 = vector.broadcast %mul3A_2253 : f32 to vector<16xf32>
      %mul3A_2255 = arith.mulf %scan3A_2249#0, %mul3A_2254 : vector<16xf32>
      %swap3A_2256 = arith.index_cast %mul3A_2252 : i32 to index
      %swap3A_2257 = tpu.vector_load %arg10[%swap3A_2256] {strides = array<i32>} : memref<2048xf32, #tpu.memory_space<vmem>>, vector<16xf32>,
      tpu.vector_store %arg10[%swap3A_2256], %mul3A_2255 {strides = array<i32>} : memref<2048xf32, #tpu.memory_space<vmem>>, vector<16xf32>,
      %mul3A_2258 = arith.constant 1.000000e-03 : f32
      %mul3A_2259 = vector.broadcast %mul3A_2258 : f32 to vector<16xf32>
      %mul3A_2260 = arith.mulf %scan3A_2249#1, %mul3A_2259 : vector<16xf32>
      %add3A_2261 = arith.constant 16 : i32
      %add3A_2262 = arith.addi %mul3A_2252, %add3A_2261 : i32
      %swap3A_2263 = arith.index_cast %add3A_2262 : i32 to index
      %swap3A_2264 = tpu.vector_load %arg10[%swap3A_2263] {strides = array<i32>} : memref<2048xf32, #tpu.memory_space<vmem>>, vector<16xf32>,
      tpu.vector_store %arg10[%swap3A_2263], %mul3A_2260 {strides = array<i32>} : memref<2048xf32, #tpu.memory_space<vmem>>, vector<16xf32>,
      %add3A_2265 = arith.constant 32 : i32
      %add3A_2266 = arith.addi %mul3A_2252, %add3A_2265 : i32
      %swap3A_2267 = arith.index_cast %add3A_2266 : i32 to index
      %swap3A_2268 = tpu.vector_load %arg10[%swap3A_2267] {strides = array<i32>} : memref<2048xf32, #tpu.memory_space<vmem>>, vector<16xf32>,
      tpu.vector_store %arg10[%swap3A_2267], %scan3A_2249#3 {strides = array<i32>} : memref<2048xf32, #tpu.memory_space<vmem>>, vector<16xf32>,
      %add3A_2269 = arith.constant 48 : i32
      %add3A_2270 = arith.addi %mul3A_2252, %add3A_2269 : i32
      %swap3A_2271 = arith.index_cast %add3A_2270 : i32 to index
      %swap3A_2272 = tpu.vector_load %arg10[%swap3A_2271] {strides = array<i32>} : memref<2048xf32, #tpu.memory_space<vmem>>, vector<16xf32>,
      tpu.vector_store %arg10[%swap3A_2271], %scan3A_2249#4 {strides = array<i32>} : memref<2048xf32, #tpu.memory_space<vmem>>, vector<16xf32>,
    }
    %scan3A_94 = arith.constant 16 : i32
    %get3A = arith.constant 0 : index
    %get3A_95 = tpu.vector_load %arg12[%get3A] {strides = array<i32>} : memref<16xf32, #tpu.memory_space<vmem>>, vector<16xf32>,
    %slice3A = vector.extract_strided_slice %get3A_95 {offsets = [0], sizes = [1], strides = [1]} : vector<16xf32> to vector<1xf32>
    %squeeze3A = vector.extract %slice3A[0] : f32 from vector<1xf32>
    %slice3A_96 = vector.extract_strided_slice %get3A_95 {offsets = [1], sizes = [1], strides = [1]} : vector<16xf32> to vector<1xf32>
    %squeeze3A_97 = vector.extract %slice3A_96[0] : f32 from vector<1xf32>
    %get3A_98 = arith.constant 0 : index
    %get3A_99 = tpu.vector_load %arg11[%get3A_98] {strides = array<i32>} : memref<128xf32, #tpu.memory_space<vmem>>, vector<16xf32>,
    %get3A_100 = arith.constant 16 : index
    %get3A_101 = tpu.vector_load %arg11[%get3A_100] {strides = array<i32>} : memref<128xf32, #tpu.memory_space<vmem>>, vector<16xf32>,
    %get3A_102 = arith.constant 32 : index
    %get3A_103 = tpu.vector_load %arg11[%get3A_102] {strides = array<i32>} : memref<128xf32, #tpu.memory_space<vmem>>, vector<16xf32>,
    %get3A_104 = arith.constant 48 : index
    %get3A_105 = tpu.vector_load %arg11[%get3A_104] {strides = array<i32>} : memref<128xf32, #tpu.memory_space<vmem>>, vector<16xf32>,
    %get3A_106 = arith.constant 64 : index
    %get3A_107 = tpu.vector_load %arg11[%get3A_106] {strides = array<i32>} : memref<128xf32, #tpu.memory_space<vmem>>, vector<16xf32>,
    %get3A_108 = arith.constant 80 : index
    %get3A_109 = tpu.vector_load %arg11[%get3A_108] {strides = array<i32>} : memref<128xf32, #tpu.memory_space<vmem>>, vector<16xf32>,
    %get3A_110 = arith.constant 96 : index
    %get3A_111 = tpu.vector_load %arg11[%get3A_110] {strides = array<i32>} : memref<128xf32, #tpu.memory_space<vmem>>, vector<16xf32>,
    %get3A_112 = arith.constant 112 : index
    %get3A_113 = tpu.vector_load %arg11[%get3A_112] {strides = array<i32>} : memref<128xf32, #tpu.memory_space<vmem>>, vector<16xf32>,
    %mul3A_114 = arith.constant 64 : i32
    %mul3A_115 = vector.broadcast %mul3A_114 : i32 to vector<16xi32>
    %mul3A_116 = arith.muli %iota3A, %mul3A_115 : vector<16xi32>
    %broadcast_in_dim3A = vector.broadcast %squeeze3A : f32 to vector<16xf32>
    %broadcast_in_dim3A_117 = vector.broadcast %squeeze3A_97 : f32 to vector<16xf32>
    %add3A_118 = arith.constant 0 : i32
    %add3A_119 = vector.broadcast %add3A_118 : i32 to vector<16xi32>
    %add3A_120 = arith.addi %mul3A_116, %add3A_119 : vector<16xi32>
    %gather3A = tpu.vector_load_idx %arg10[%add3A_120] : memref<2048xf32, #tpu.memory_space<vmem>>[vector<16xi32>], vector<16xf32>,
    %slice3A_121 = vector.extract_strided_slice %get3A_99 {offsets = [0], sizes = [1], strides = [1]} : vector<16xf32> to vector<1xf32>
    %squeeze3A_122 = vector.extract %slice3A_121[0] : f32 from vector<1xf32>
    %mul3A_123 = vector.broadcast %squeeze3A_122 : f32 to vector<16xf32>
    %mul3A_124 = arith.mulf %gather3A, %mul3A_123 : vector<16xf32>
    %add3A_125 = arith.addf %broadcast_in_dim3A, %mul3A_124 : vector<16xf32>
    %slice3A_126 = vector.extract_strided_slice %get3A_107 {offsets = [0], sizes = [1], strides = [1]} : vector<16xf32> to vector<1xf32>
    %squeeze3A_127 = vector.extract %slice3A_126[0] : f32 from vector<1xf32>
    %mul3A_128 = vector.broadcast %squeeze3A_127 : f32 to vector<16xf32>
    %mul3A_129 = arith.mulf %gather3A, %mul3A_128 : vector<16xf32>
    %add3A_130 = arith.addf %broadcast_in_dim3A_117, %mul3A_129 : vector<16xf32>
    %add3A_131 = arith.constant 1 : i32
    %add3A_132 = vector.broadcast %add3A_131 : i32 to vector<16xi32>
    %add3A_133 = arith.addi %mul3A_116, %add3A_132 : vector<16xi32>
    %gather3A_134 = tpu.vector_load_idx %arg10[%add3A_133] : memref<2048xf32, #tpu.memory_space<vmem>>[vector<16xi32>], vector<16xf32>,
    %slice3A_135 = vector.extract_strided_slice %get3A_99 {offsets = [1], sizes = [1], strides = [1]} : vector<16xf32> to vector<1xf32>
    %squeeze3A_136 = vector.extract %slice3A_135[0] : f32 from vector<1xf32>
    %mul3A_137 = vector.broadcast %squeeze3A_136 : f32 to vector<16xf32>
    %mul3A_138 = arith.mulf %gather3A_134, %mul3A_137 : vector<16xf32>
    %add3A_139 = arith.addf %add3A_125, %mul3A_138 : vector<16xf32>
    %slice3A_140 = vector.extract_strided_slice %get3A_107 {offsets = [1], sizes = [1], strides = [1]} : vector<16xf32> to vector<1xf32>
    %squeeze3A_141 = vector.extract %slice3A_140[0] : f32 from vector<1xf32>
    %mul3A_142 = vector.broadcast %squeeze3A_141 : f32 to vector<16xf32>
    %mul3A_143 = arith.mulf %gather3A_134, %mul3A_142 : vector<16xf32>
    %add3A_144 = arith.addf %add3A_130, %mul3A_143 : vector<16xf32>
    %add3A_145 = arith.constant 2 : i32
    %add3A_146 = vector.broadcast %add3A_145 : i32 to vector<16xi32>
    %add3A_147 = arith.addi %mul3A_116, %add3A_146 : vector<16xi32>
    %gather3A_148 = tpu.vector_load_idx %arg10[%add3A_147] : memref<2048xf32, #tpu.memory_space<vmem>>[vector<16xi32>], vector<16xf32>,
    %slice3A_149 = vector.extract_strided_slice %get3A_99 {offsets = [2], sizes = [1], strides = [1]} : vector<16xf32> to vector<1xf32>
    %squeeze3A_150 = vector.extract %slice3A_149[0] : f32 from vector<1xf32>
    %mul3A_151 = vector.broadcast %squeeze3A_150 : f32 to vector<16xf32>
    %mul3A_152 = arith.mulf %gather3A_148, %mul3A_151 : vector<16xf32>
    %add3A_153 = arith.addf %add3A_139, %mul3A_152 : vector<16xf32>
    %slice3A_154 = vector.extract_strided_slice %get3A_107 {offsets = [2], sizes = [1], strides = [1]} : vector<16xf32> to vector<1xf32>
    %squeeze3A_155 = vector.extract %slice3A_154[0] : f32 from vector<1xf32>
    %mul3A_156 = vector.broadcast %squeeze3A_155 : f32 to vector<16xf32>
    %mul3A_157 = arith.mulf %gather3A_148, %mul3A_156 : vector<16xf32>
    %add3A_158 = arith.addf %add3A_144, %mul3A_157 : vector<16xf32>
    %add3A_159 = arith.constant 3 : i32
    %add3A_160 = vector.broadcast %add3A_159 : i32 to vector<16xi32>
    %add3A_161 = arith.addi %mul3A_116, %add3A_160 : vector<16xi32>
    %gather3A_162 = tpu.vector_load_idx %arg10[%add3A_161] : memref<2048xf32, #tpu.memory_space<vmem>>[vector<16xi32>], vector<16xf32>,
    %slice3A_163 = vector.extract_strided_slice %get3A_99 {offsets = [3], sizes = [1], strides = [1]} : vector<16xf32> to vector<1xf32>
    %squeeze3A_164 = vector.extract %slice3A_163[0] : f32 from vector<1xf32>
    %mul3A_165 = vector.broadcast %squeeze3A_164 : f32 to vector<16xf32>
    %mul3A_166 = arith.mulf %gather3A_162, %mul3A_165 : vector<16xf32>
    %add3A_167 = arith.addf %add3A_153, %mul3A_166 : vector<16xf32>
    %slice3A_168 = vector.extract_strided_slice %get3A_107 {offsets = [3], sizes = [1], strides = [1]} : vector<16xf32> to vector<1xf32>
    %squeeze3A_169 = vector.extract %slice3A_168[0] : f32 from vector<1xf32>
    %mul3A_170 = vector.broadcast %squeeze3A_169 : f32 to vector<16xf32>
    %mul3A_171 = arith.mulf %gather3A_162, %mul3A_170 : vector<16xf32>
    %add3A_172 = arith.addf %add3A_158, %mul3A_171 : vector<16xf32>
    %add3A_173 = arith.constant 4 : i32
    %add3A_174 = vector.broadcast %add3A_173 : i32 to vector<16xi32>
    %add3A_175 = arith.addi %mul3A_116, %add3A_174 : vector<16xi32>
    %gather3A_176 = tpu.vector_load_idx %arg10[%add3A_175] : memref<2048xf32, #tpu.memory_space<vmem>>[vector<16xi32>], vector<16xf32>,
    %slice3A_177 = vector.extract_strided_slice %get3A_99 {offsets = [4], sizes = [1], strides = [1]} : vector<16xf32> to vector<1xf32>
    %squeeze3A_178 = vector.extract %slice3A_177[0] : f32 from vector<1xf32>
    %mul3A_179 = vector.broadcast %squeeze3A_178 : f32 to vector<16xf32>
    %mul3A_180 = arith.mulf %gather3A_176, %mul3A_179 : vector<16xf32>
    %add3A_181 = arith.addf %add3A_167, %mul3A_180 : vector<16xf32>
    %slice3A_182 = vector.extract_strided_slice %get3A_107 {offsets = [4], sizes = [1], strides = [1]} : vector<16xf32> to vector<1xf32>
    %squeeze3A_183 = vector.extract %slice3A_182[0] : f32 from vector<1xf32>
    %mul3A_184 = vector.broadcast %squeeze3A_183 : f32 to vector<16xf32>
    %mul3A_185 = arith.mulf %gather3A_176, %mul3A_184 : vector<16xf32>
    %add3A_186 = arith.addf %add3A_172, %mul3A_185 : vector<16xf32>
    %add3A_187 = arith.constant 5 : i32
    %add3A_188 = vector.broadcast %add3A_187 : i32 to vector<16xi32>
    %add3A_189 = arith.addi %mul3A_116, %add3A_188 : vector<16xi32>
    %gather3A_190 = tpu.vector_load_idx %arg10[%add3A_189] : memref<2048xf32, #tpu.memory_space<vmem>>[vector<16xi32>], vector<16xf32>,
    %slice3A_191 = vector.extract_strided_slice %get3A_99 {offsets = [5], sizes = [1], strides = [1]} : vector<16xf32> to vector<1xf32>
    %squeeze3A_192 = vector.extract %slice3A_191[0] : f32 from vector<1xf32>
    %mul3A_193 = vector.broadcast %squeeze3A_192 : f32 to vector<16xf32>
    %mul3A_194 = arith.mulf %gather3A_190, %mul3A_193 : vector<16xf32>
    %add3A_195 = arith.addf %add3A_181, %mul3A_194 : vector<16xf32>
    %slice3A_196 = vector.extract_strided_slice %get3A_107 {offsets = [5], sizes = [1], strides = [1]} : vector<16xf32> to vector<1xf32>
    %squeeze3A_197 = vector.extract %slice3A_196[0] : f32 from vector<1xf32>
    %mul3A_198 = vector.broadcast %squeeze3A_197 : f32 to vector<16xf32>
    %mul3A_199 = arith.mulf %gather3A_190, %mul3A_198 : vector<16xf32>
    %add3A_200 = arith.addf %add3A_186, %mul3A_199 : vector<16xf32>
    %add3A_201 = arith.constant 6 : i32
    %add3A_202 = vector.broadcast %add3A_201 : i32 to vector<16xi32>
    %add3A_203 = arith.addi %mul3A_116, %add3A_202 : vector<16xi32>
    %gather3A_204 = tpu.vector_load_idx %arg10[%add3A_203] : memref<2048xf32, #tpu.memory_space<vmem>>[vector<16xi32>], vector<16xf32>,
    %slice3A_205 = vector.extract_strided_slice %get3A_99 {offsets = [6], sizes = [1], strides = [1]} : vector<16xf32> to vector<1xf32>
    %squeeze3A_206 = vector.extract %slice3A_205[0] : f32 from vector<1xf32>
    %mul3A_207 = vector.broadcast %squeeze3A_206 : f32 to vector<16xf32>
    %mul3A_208 = arith.mulf %gather3A_204, %mul3A_207 : vector<16xf32>
    %add3A_209 = arith.addf %add3A_195, %mul3A_208 : vector<16xf32>
    %slice3A_210 = vector.extract_strided_slice %get3A_107 {offsets = [6], sizes = [1], strides = [1]} : vector<16xf32> to vector<1xf32>
    %squeeze3A_211 = vector.extract %slice3A_210[0] : f32 from vector<1xf32>
    %mul3A_212 = vector.broadcast %squeeze3A_211 : f32 to vector<16xf32>
    %mul3A_213 = arith.mulf %gather3A_204, %mul3A_212 : vector<16xf32>
    %add3A_214 = arith.addf %add3A_200, %mul3A_213 : vector<16xf32>
    %add3A_215 = arith.constant 7 : i32
    %add3A_216 = vector.broadcast %add3A_215 : i32 to vector<16xi32>
    %add3A_217 = arith.addi %mul3A_116, %add3A_216 : vector<16xi32>
    %gather3A_218 = tpu.vector_load_idx %arg10[%add3A_217] : memref<2048xf32, #tpu.memory_space<vmem>>[vector<16xi32>], vector<16xf32>,
    %slice3A_219 = vector.extract_strided_slice %get3A_99 {offsets = [7], sizes = [1], strides = [1]} : vector<16xf32> to vector<1xf32>
    %squeeze3A_220 = vector.extract %slice3A_219[0] : f32 from vector<1xf32>
    %mul3A_221 = vector.broadcast %squeeze3A_220 : f32 to vector<16xf32>
    %mul3A_222 = arith.mulf %gather3A_218, %mul3A_221 : vector<16xf32>
    %add3A_223 = arith.addf %add3A_209, %mul3A_222 : vector<16xf32>
    %slice3A_224 = vector.extract_strided_slice %get3A_107 {offsets = [7], sizes = [1], strides = [1]} : vector<16xf32> to vector<1xf32>
    %squeeze3A_225 = vector.extract %slice3A_224[0] : f32 from vector<1xf32>
    %mul3A_226 = vector.broadcast %squeeze3A_225 : f32 to vector<16xf32>
    %mul3A_227 = arith.mulf %gather3A_218, %mul3A_226 : vector<16xf32>
    %add3A_228 = arith.addf %add3A_214, %mul3A_227 : vector<16xf32>
    %add3A_229 = arith.constant 8 : i32
    %add3A_230 = vector.broadcast %add3A_229 : i32 to vector<16xi32>
    %add3A_231 = arith.addi %mul3A_116, %add3A_230 : vector<16xi32>
    %gather3A_232 = tpu.vector_load_idx %arg10[%add3A_231] : memref<2048xf32, #tpu.memory_space<vmem>>[vector<16xi32>], vector<16xf32>,
    %slice3A_233 = vector.extract_strided_slice %get3A_99 {offsets = [8], sizes = [1], strides = [1]} : vector<16xf32> to vector<1xf32>
    %squeeze3A_234 = vector.extract %slice3A_233[0] : f32 from vector<1xf32>
    %mul3A_235 = vector.broadcast %squeeze3A_234 : f32 to vector<16xf32>
    %mul3A_236 = arith.mulf %gather3A_232, %mul3A_235 : vector<16xf32>
    %add3A_237 = arith.addf %add3A_223, %mul3A_236 : vector<16xf32>
    %slice3A_238 = vector.extract_strided_slice %get3A_107 {offsets = [8], sizes = [1], strides = [1]} : vector<16xf32> to vector<1xf32>
    %squeeze3A_239 = vector.extract %slice3A_238[0] : f32 from vector<1xf32>
    %mul3A_240 = vector.broadcast %squeeze3A_239 : f32 to vector<16xf32>
    %mul3A_241 = arith.mulf %gather3A_232, %mul3A_240 : vector<16xf32>
    %add3A_242 = arith.addf %add3A_228, %mul3A_241 : vector<16xf32>
    %add3A_243 = arith.constant 9 : i32
    %add3A_244 = vector.broadcast %add3A_243 : i32 to vector<16xi32>
    %add3A_245 = arith.addi %mul3A_116, %add3A_244 : vector<16xi32>
    %gather3A_246 = tpu.vector_load_idx %arg10[%add3A_245] : memref<2048xf32, #tpu.memory_space<vmem>>[vector<16xi32>], vector<16xf32>,
    %slice3A_247 = vector.extract_strided_slice %get3A_99 {offsets = [9], sizes = [1], strides = [1]} : vector<16xf32> to vector<1xf32>
    %squeeze3A_248 = vector.extract %slice3A_247[0] : f32 from vector<1xf32>
    %mul3A_249 = vector.broadcast %squeeze3A_248 : f32 to vector<16xf32>
    %mul3A_250 = arith.mulf %gather3A_246, %mul3A_249 : vector<16xf32>
    %add3A_251 = arith.addf %add3A_237, %mul3A_250 : vector<16xf32>
    %slice3A_252 = vector.extract_strided_slice %get3A_107 {offsets = [9], sizes = [1], strides = [1]} : vector<16xf32> to vector<1xf32>
    %squeeze3A_253 = vector.extract %slice3A_252[0] : f32 from vector<1xf32>
    %mul3A_254 = vector.broadcast %squeeze3A_253 : f32 to vector<16xf32>
    %mul3A_255 = arith.mulf %gather3A_246, %mul3A_254 : vector<16xf32>
    %add3A_256 = arith.addf %add3A_242, %mul3A_255 : vector<16xf32>
    %add3A_257 = arith.constant 10 : i32
    %add3A_258 = vector.broadcast %add3A_257 : i32 to vector<16xi32>
    %add3A_259 = arith.addi %mul3A_116, %add3A_258 : vector<16xi32>
    %gather3A_260 = tpu.vector_load_idx %arg10[%add3A_259] : memref<2048xf32, #tpu.memory_space<vmem>>[vector<16xi32>], vector<16xf32>,
    %slice3A_261 = vector.extract_strided_slice %get3A_99 {offsets = [10], sizes = [1], strides = [1]} : vector<16xf32> to vector<1xf32>
    %squeeze3A_262 = vector.extract %slice3A_261[0] : f32 from vector<1xf32>
    %mul3A_263 = vector.broadcast %squeeze3A_262 : f32 to vector<16xf32>
    %mul3A_264 = arith.mulf %gather3A_260, %mul3A_263 : vector<16xf32>
    %add3A_265 = arith.addf %add3A_251, %mul3A_264 : vector<16xf32>
    %slice3A_266 = vector.extract_strided_slice %get3A_107 {offsets = [10], sizes = [1], strides = [1]} : vector<16xf32> to vector<1xf32>
    %squeeze3A_267 = vector.extract %slice3A_266[0] : f32 from vector<1xf32>
    %mul3A_268 = vector.broadcast %squeeze3A_267 : f32 to vector<16xf32>
    %mul3A_269 = arith.mulf %gather3A_260, %mul3A_268 : vector<16xf32>
    %add3A_270 = arith.addf %add3A_256, %mul3A_269 : vector<16xf32>
    %add3A_271 = arith.constant 11 : i32
    %add3A_272 = vector.broadcast %add3A_271 : i32 to vector<16xi32>
    %add3A_273 = arith.addi %mul3A_116, %add3A_272 : vector<16xi32>
    %gather3A_274 = tpu.vector_load_idx %arg10[%add3A_273] : memref<2048xf32, #tpu.memory_space<vmem>>[vector<16xi32>], vector<16xf32>,
    %slice3A_275 = vector.extract_strided_slice %get3A_99 {offsets = [11], sizes = [1], strides = [1]} : vector<16xf32> to vector<1xf32>
    %squeeze3A_276 = vector.extract %slice3A_275[0] : f32 from vector<1xf32>
    %mul3A_277 = vector.broadcast %squeeze3A_276 : f32 to vector<16xf32>
    %mul3A_278 = arith.mulf %gather3A_274, %mul3A_277 : vector<16xf32>
    %add3A_279 = arith.addf %add3A_265, %mul3A_278 : vector<16xf32>
    %slice3A_280 = vector.extract_strided_slice %get3A_107 {offsets = [11], sizes = [1], strides = [1]} : vector<16xf32> to vector<1xf32>
    %squeeze3A_281 = vector.extract %slice3A_280[0] : f32 from vector<1xf32>
    %mul3A_282 = vector.broadcast %squeeze3A_281 : f32 to vector<16xf32>
    %mul3A_283 = arith.mulf %gather3A_274, %mul3A_282 : vector<16xf32>
    %add3A_284 = arith.addf %add3A_270, %mul3A_283 : vector<16xf32>
    %add3A_285 = arith.constant 12 : i32
    %add3A_286 = vector.broadcast %add3A_285 : i32 to vector<16xi32>
    %add3A_287 = arith.addi %mul3A_116, %add3A_286 : vector<16xi32>
    %gather3A_288 = tpu.vector_load_idx %arg10[%add3A_287] : memref<2048xf32, #tpu.memory_space<vmem>>[vector<16xi32>], vector<16xf32>,
    %slice3A_289 = vector.extract_strided_slice %get3A_99 {offsets = [12], sizes = [1], strides = [1]} : vector<16xf32> to vector<1xf32>
    %squeeze3A_290 = vector.extract %slice3A_289[0] : f32 from vector<1xf32>
    %mul3A_291 = vector.broadcast %squeeze3A_290 : f32 to vector<16xf32>
    %mul3A_292 = arith.mulf %gather3A_288, %mul3A_291 : vector<16xf32>
    %add3A_293 = arith.addf %add3A_279, %mul3A_292 : vector<16xf32>
    %slice3A_294 = vector.extract_strided_slice %get3A_107 {offsets = [12], sizes = [1], strides = [1]} : vector<16xf32> to vector<1xf32>
    %squeeze3A_295 = vector.extract %slice3A_294[0] : f32 from vector<1xf32>
    %mul3A_296 = vector.broadcast %squeeze3A_295 : f32 to vector<16xf32>
    %mul3A_297 = arith.mulf %gather3A_288, %mul3A_296 : vector<16xf32>
    %add3A_298 = arith.addf %add3A_284, %mul3A_297 : vector<16xf32>
    %add3A_299 = arith.constant 13 : i32
    %add3A_300 = vector.broadcast %add3A_299 : i32 to vector<16xi32>
    %add3A_301 = arith.addi %mul3A_116, %add3A_300 : vector<16xi32>
    %gather3A_302 = tpu.vector_load_idx %arg10[%add3A_301] : memref<2048xf32, #tpu.memory_space<vmem>>[vector<16xi32>], vector<16xf32>,
    %slice3A_303 = vector.extract_strided_slice %get3A_99 {offsets = [13], sizes = [1], strides = [1]} : vector<16xf32> to vector<1xf32>
    %squeeze3A_304 = vector.extract %slice3A_303[0] : f32 from vector<1xf32>
    %mul3A_305 = vector.broadcast %squeeze3A_304 : f32 to vector<16xf32>
    %mul3A_306 = arith.mulf %gather3A_302, %mul3A_305 : vector<16xf32>
    %add3A_307 = arith.addf %add3A_293, %mul3A_306 : vector<16xf32>
    %slice3A_308 = vector.extract_strided_slice %get3A_107 {offsets = [13], sizes = [1], strides = [1]} : vector<16xf32> to vector<1xf32>
    %squeeze3A_309 = vector.extract %slice3A_308[0] : f32 from vector<1xf32>
    %mul3A_310 = vector.broadcast %squeeze3A_309 : f32 to vector<16xf32>
    %mul3A_311 = arith.mulf %gather3A_302, %mul3A_310 : vector<16xf32>
    %add3A_312 = arith.addf %add3A_298, %mul3A_311 : vector<16xf32>
    %add3A_313 = arith.constant 14 : i32
    %add3A_314 = vector.broadcast %add3A_313 : i32 to vector<16xi32>
    %add3A_315 = arith.addi %mul3A_116, %add3A_314 : vector<16xi32>
    %gather3A_316 = tpu.vector_load_idx %arg10[%add3A_315] : memref<2048xf32, #tpu.memory_space<vmem>>[vector<16xi32>], vector<16xf32>,
    %slice3A_317 = vector.extract_strided_slice %get3A_99 {offsets = [14], sizes = [1], strides = [1]} : vector<16xf32> to vector<1xf32>
    %squeeze3A_318 = vector.extract %slice3A_317[0] : f32 from vector<1xf32>
    %mul3A_319 = vector.broadcast %squeeze3A_318 : f32 to vector<16xf32>
    %mul3A_320 = arith.mulf %gather3A_316, %mul3A_319 : vector<16xf32>
    %add3A_321 = arith.addf %add3A_307, %mul3A_320 : vector<16xf32>
    %slice3A_322 = vector.extract_strided_slice %get3A_107 {offsets = [14], sizes = [1], strides = [1]} : vector<16xf32> to vector<1xf32>
    %squeeze3A_323 = vector.extract %slice3A_322[0] : f32 from vector<1xf32>
    %mul3A_324 = vector.broadcast %squeeze3A_323 : f32 to vector<16xf32>
    %mul3A_325 = arith.mulf %gather3A_316, %mul3A_324 : vector<16xf32>
    %add3A_326 = arith.addf %add3A_312, %mul3A_325 : vector<16xf32>
    %add3A_327 = arith.constant 15 : i32
    %add3A_328 = vector.broadcast %add3A_327 : i32 to vector<16xi32>
    %add3A_329 = arith.addi %mul3A_116, %add3A_328 : vector<16xi32>
    %gather3A_330 = tpu.vector_load_idx %arg10[%add3A_329] : memref<2048xf32, #tpu.memory_space<vmem>>[vector<16xi32>], vector<16xf32>,
    %slice3A_331 = vector.extract_strided_slice %get3A_99 {offsets = [15], sizes = [1], strides = [1]} : vector<16xf32> to vector<1xf32>
    %squeeze3A_332 = vector.extract %slice3A_331[0] : f32 from vector<1xf32>
    %mul3A_333 = vector.broadcast %squeeze3A_332 : f32 to vector<16xf32>
    %mul3A_334 = arith.mulf %gather3A_330, %mul3A_333 : vector<16xf32>
    %add3A_335 = arith.addf %add3A_321, %mul3A_334 : vector<16xf32>
    %slice3A_336 = vector.extract_strided_slice %get3A_107 {offsets = [15], sizes = [1], strides = [1]} : vector<16xf32> to vector<1xf32>
    %squeeze3A_337 = vector.extract %slice3A_336[0] : f32 from vector<1xf32>
    %mul3A_338 = vector.broadcast %squeeze3A_337 : f32 to vector<16xf32>
    %mul3A_339 = arith.mulf %gather3A_330, %mul3A_338 : vector<16xf32>
    %add3A_340 = arith.addf %add3A_326, %mul3A_339 : vector<16xf32>
    %add3A_341 = arith.constant 16 : i32
    %add3A_342 = vector.broadcast %add3A_341 : i32 to vector<16xi32>
    %add3A_343 = arith.addi %mul3A_116, %add3A_342 : vector<16xi32>
    %gather3A_344 = tpu.vector_load_idx %arg10[%add3A_343] : memref<2048xf32, #tpu.memory_space<vmem>>[vector<16xi32>], vector<16xf32>,
    %slice3A_345 = vector.extract_strided_slice %get3A_101 {offsets = [0], sizes = [1], strides = [1]} : vector<16xf32> to vector<1xf32>
    %squeeze3A_346 = vector.extract %slice3A_345[0] : f32 from vector<1xf32>
    %mul3A_347 = vector.broadcast %squeeze3A_346 : f32 to vector<16xf32>
    %mul3A_348 = arith.mulf %gather3A_344, %mul3A_347 : vector<16xf32>
    %add3A_349 = arith.addf %add3A_335, %mul3A_348 : vector<16xf32>
    %slice3A_350 = vector.extract_strided_slice %get3A_109 {offsets = [0], sizes = [1], strides = [1]} : vector<16xf32> to vector<1xf32>
    %squeeze3A_351 = vector.extract %slice3A_350[0] : f32 from vector<1xf32>
    %mul3A_352 = vector.broadcast %squeeze3A_351 : f32 to vector<16xf32>
    %mul3A_353 = arith.mulf %gather3A_344, %mul3A_352 : vector<16xf32>
    %add3A_354 = arith.addf %add3A_340, %mul3A_353 : vector<16xf32>
    %add3A_355 = arith.constant 17 : i32
    %add3A_356 = vector.broadcast %add3A_355 : i32 to vector<16xi32>
    %add3A_357 = arith.addi %mul3A_116, %add3A_356 : vector<16xi32>
    %gather3A_358 = tpu.vector_load_idx %arg10[%add3A_357] : memref<2048xf32, #tpu.memory_space<vmem>>[vector<16xi32>], vector<16xf32>,
    %slice3A_359 = vector.extract_strided_slice %get3A_101 {offsets = [1], sizes = [1], strides = [1]} : vector<16xf32> to vector<1xf32>
    %squeeze3A_360 = vector.extract %slice3A_359[0] : f32 from vector<1xf32>
    %mul3A_361 = vector.broadcast %squeeze3A_360 : f32 to vector<16xf32>
    %mul3A_362 = arith.mulf %gather3A_358, %mul3A_361 : vector<16xf32>
    %add3A_363 = arith.addf %add3A_349, %mul3A_362 : vector<16xf32>
    %slice3A_364 = vector.extract_strided_slice %get3A_109 {offsets = [1], sizes = [1], strides = [1]} : vector<16xf32> to vector<1xf32>
    %squeeze3A_365 = vector.extract %slice3A_364[0] : f32 from vector<1xf32>
    %mul3A_366 = vector.broadcast %squeeze3A_365 : f32 to vector<16xf32>
    %mul3A_367 = arith.mulf %gather3A_358, %mul3A_366 : vector<16xf32>
    %add3A_368 = arith.addf %add3A_354, %mul3A_367 : vector<16xf32>
    %add3A_369 = arith.constant 18 : i32
    %add3A_370 = vector.broadcast %add3A_369 : i32 to vector<16xi32>
    %add3A_371 = arith.addi %mul3A_116, %add3A_370 : vector<16xi32>
    %gather3A_372 = tpu.vector_load_idx %arg10[%add3A_371] : memref<2048xf32, #tpu.memory_space<vmem>>[vector<16xi32>], vector<16xf32>,
    %slice3A_373 = vector.extract_strided_slice %get3A_101 {offsets = [2], sizes = [1], strides = [1]} : vector<16xf32> to vector<1xf32>
    %squeeze3A_374 = vector.extract %slice3A_373[0] : f32 from vector<1xf32>
    %mul3A_375 = vector.broadcast %squeeze3A_374 : f32 to vector<16xf32>
    %mul3A_376 = arith.mulf %gather3A_372, %mul3A_375 : vector<16xf32>
    %add3A_377 = arith.addf %add3A_363, %mul3A_376 : vector<16xf32>
    %slice3A_378 = vector.extract_strided_slice %get3A_109 {offsets = [2], sizes = [1], strides = [1]} : vector<16xf32> to vector<1xf32>
    %squeeze3A_379 = vector.extract %slice3A_378[0] : f32 from vector<1xf32>
    %mul3A_380 = vector.broadcast %squeeze3A_379 : f32 to vector<16xf32>
    %mul3A_381 = arith.mulf %gather3A_372, %mul3A_380 : vector<16xf32>
    %add3A_382 = arith.addf %add3A_368, %mul3A_381 : vector<16xf32>
    %add3A_383 = arith.constant 19 : i32
    %add3A_384 = vector.broadcast %add3A_383 : i32 to vector<16xi32>
    %add3A_385 = arith.addi %mul3A_116, %add3A_384 : vector<16xi32>
    %gather3A_386 = tpu.vector_load_idx %arg10[%add3A_385] : memref<2048xf32, #tpu.memory_space<vmem>>[vector<16xi32>], vector<16xf32>,
    %slice3A_387 = vector.extract_strided_slice %get3A_101 {offsets = [3], sizes = [1], strides = [1]} : vector<16xf32> to vector<1xf32>
    %squeeze3A_388 = vector.extract %slice3A_387[0] : f32 from vector<1xf32>
    %mul3A_389 = vector.broadcast %squeeze3A_388 : f32 to vector<16xf32>
    %mul3A_390 = arith.mulf %gather3A_386, %mul3A_389 : vector<16xf32>
    %add3A_391 = arith.addf %add3A_377, %mul3A_390 : vector<16xf32>
    %slice3A_392 = vector.extract_strided_slice %get3A_109 {offsets = [3], sizes = [1], strides = [1]} : vector<16xf32> to vector<1xf32>
    %squeeze3A_393 = vector.extract %slice3A_392[0] : f32 from vector<1xf32>
    %mul3A_394 = vector.broadcast %squeeze3A_393 : f32 to vector<16xf32>
    %mul3A_395 = arith.mulf %gather3A_386, %mul3A_394 : vector<16xf32>
    %add3A_396 = arith.addf %add3A_382, %mul3A_395 : vector<16xf32>
    %add3A_397 = arith.constant 20 : i32
    %add3A_398 = vector.broadcast %add3A_397 : i32 to vector<16xi32>
    %add3A_399 = arith.addi %mul3A_116, %add3A_398 : vector<16xi32>
    %gather3A_400 = tpu.vector_load_idx %arg10[%add3A_399] : memref<2048xf32, #tpu.memory_space<vmem>>[vector<16xi32>], vector<16xf32>,
    %slice3A_401 = vector.extract_strided_slice %get3A_101 {offsets = [4], sizes = [1], strides = [1]} : vector<16xf32> to vector<1xf32>
    %squeeze3A_402 = vector.extract %slice3A_401[0] : f32 from vector<1xf32>
    %mul3A_403 = vector.broadcast %squeeze3A_402 : f32 to vector<16xf32>
    %mul3A_404 = arith.mulf %gather3A_400, %mul3A_403 : vector<16xf32>
    %add3A_405 = arith.addf %add3A_391, %mul3A_404 : vector<16xf32>
    %slice3A_406 = vector.extract_strided_slice %get3A_109 {offsets = [4], sizes = [1], strides = [1]} : vector<16xf32> to vector<1xf32>
    %squeeze3A_407 = vector.extract %slice3A_406[0] : f32 from vector<1xf32>
    %mul3A_408 = vector.broadcast %squeeze3A_407 : f32 to vector<16xf32>
    %mul3A_409 = arith.mulf %gather3A_400, %mul3A_408 : vector<16xf32>
    %add3A_410 = arith.addf %add3A_396, %mul3A_409 : vector<16xf32>
    %add3A_411 = arith.constant 21 : i32
    %add3A_412 = vector.broadcast %add3A_411 : i32 to vector<16xi32>
    %add3A_413 = arith.addi %mul3A_116, %add3A_412 : vector<16xi32>
    %gather3A_414 = tpu.vector_load_idx %arg10[%add3A_413] : memref<2048xf32, #tpu.memory_space<vmem>>[vector<16xi32>], vector<16xf32>,
    %slice3A_415 = vector.extract_strided_slice %get3A_101 {offsets = [5], sizes = [1], strides = [1]} : vector<16xf32> to vector<1xf32>
    %squeeze3A_416 = vector.extract %slice3A_415[0] : f32 from vector<1xf32>
    %mul3A_417 = vector.broadcast %squeeze3A_416 : f32 to vector<16xf32>
    %mul3A_418 = arith.mulf %gather3A_414, %mul3A_417 : vector<16xf32>
    %add3A_419 = arith.addf %add3A_405, %mul3A_418 : vector<16xf32>
    %slice3A_420 = vector.extract_strided_slice %get3A_109 {offsets = [5], sizes = [1], strides = [1]} : vector<16xf32> to vector<1xf32>
    %squeeze3A_421 = vector.extract %slice3A_420[0] : f32 from vector<1xf32>
    %mul3A_422 = vector.broadcast %squeeze3A_421 : f32 to vector<16xf32>
    %mul3A_423 = arith.mulf %gather3A_414, %mul3A_422 : vector<16xf32>
    %add3A_424 = arith.addf %add3A_410, %mul3A_423 : vector<16xf32>
    %add3A_425 = arith.constant 22 : i32
    %add3A_426 = vector.broadcast %add3A_425 : i32 to vector<16xi32>
    %add3A_427 = arith.addi %mul3A_116, %add3A_426 : vector<16xi32>
    %gather3A_428 = tpu.vector_load_idx %arg10[%add3A_427] : memref<2048xf32, #tpu.memory_space<vmem>>[vector<16xi32>], vector<16xf32>,
    %slice3A_429 = vector.extract_strided_slice %get3A_101 {offsets = [6], sizes = [1], strides = [1]} : vector<16xf32> to vector<1xf32>
    %squeeze3A_430 = vector.extract %slice3A_429[0] : f32 from vector<1xf32>
    %mul3A_431 = vector.broadcast %squeeze3A_430 : f32 to vector<16xf32>
    %mul3A_432 = arith.mulf %gather3A_428, %mul3A_431 : vector<16xf32>
    %add3A_433 = arith.addf %add3A_419, %mul3A_432 : vector<16xf32>
    %slice3A_434 = vector.extract_strided_slice %get3A_109 {offsets = [6], sizes = [1], strides = [1]} : vector<16xf32> to vector<1xf32>
    %squeeze3A_435 = vector.extract %slice3A_434[0] : f32 from vector<1xf32>
    %mul3A_436 = vector.broadcast %squeeze3A_435 : f32 to vector<16xf32>
    %mul3A_437 = arith.mulf %gather3A_428, %mul3A_436 : vector<16xf32>
    %add3A_438 = arith.addf %add3A_424, %mul3A_437 : vector<16xf32>
    %add3A_439 = arith.constant 23 : i32
    %add3A_440 = vector.broadcast %add3A_439 : i32 to vector<16xi32>
    %add3A_441 = arith.addi %mul3A_116, %add3A_440 : vector<16xi32>
    %gather3A_442 = tpu.vector_load_idx %arg10[%add3A_441] : memref<2048xf32, #tpu.memory_space<vmem>>[vector<16xi32>], vector<16xf32>,
    %slice3A_443 = vector.extract_strided_slice %get3A_101 {offsets = [7], sizes = [1], strides = [1]} : vector<16xf32> to vector<1xf32>
    %squeeze3A_444 = vector.extract %slice3A_443[0] : f32 from vector<1xf32>
    %mul3A_445 = vector.broadcast %squeeze3A_444 : f32 to vector<16xf32>
    %mul3A_446 = arith.mulf %gather3A_442, %mul3A_445 : vector<16xf32>
    %add3A_447 = arith.addf %add3A_433, %mul3A_446 : vector<16xf32>
    %slice3A_448 = vector.extract_strided_slice %get3A_109 {offsets = [7], sizes = [1], strides = [1]} : vector<16xf32> to vector<1xf32>
    %squeeze3A_449 = vector.extract %slice3A_448[0] : f32 from vector<1xf32>
    %mul3A_450 = vector.broadcast %squeeze3A_449 : f32 to vector<16xf32>
    %mul3A_451 = arith.mulf %gather3A_442, %mul3A_450 : vector<16xf32>
    %add3A_452 = arith.addf %add3A_438, %mul3A_451 : vector<16xf32>
    %add3A_453 = arith.constant 24 : i32
    %add3A_454 = vector.broadcast %add3A_453 : i32 to vector<16xi32>
    %add3A_455 = arith.addi %mul3A_116, %add3A_454 : vector<16xi32>
    %gather3A_456 = tpu.vector_load_idx %arg10[%add3A_455] : memref<2048xf32, #tpu.memory_space<vmem>>[vector<16xi32>], vector<16xf32>,
    %slice3A_457 = vector.extract_strided_slice %get3A_101 {offsets = [8], sizes = [1], strides = [1]} : vector<16xf32> to vector<1xf32>
    %squeeze3A_458 = vector.extract %slice3A_457[0] : f32 from vector<1xf32>
    %mul3A_459 = vector.broadcast %squeeze3A_458 : f32 to vector<16xf32>
    %mul3A_460 = arith.mulf %gather3A_456, %mul3A_459 : vector<16xf32>
    %add3A_461 = arith.addf %add3A_447, %mul3A_460 : vector<16xf32>
    %slice3A_462 = vector.extract_strided_slice %get3A_109 {offsets = [8], sizes = [1], strides = [1]} : vector<16xf32> to vector<1xf32>
    %squeeze3A_463 = vector.extract %slice3A_462[0] : f32 from vector<1xf32>
    %mul3A_464 = vector.broadcast %squeeze3A_463 : f32 to vector<16xf32>
    %mul3A_465 = arith.mulf %gather3A_456, %mul3A_464 : vector<16xf32>
    %add3A_466 = arith.addf %add3A_452, %mul3A_465 : vector<16xf32>
    %add3A_467 = arith.constant 25 : i32
    %add3A_468 = vector.broadcast %add3A_467 : i32 to vector<16xi32>
    %add3A_469 = arith.addi %mul3A_116, %add3A_468 : vector<16xi32>
    %gather3A_470 = tpu.vector_load_idx %arg10[%add3A_469] : memref<2048xf32, #tpu.memory_space<vmem>>[vector<16xi32>], vector<16xf32>,
    %slice3A_471 = vector.extract_strided_slice %get3A_101 {offsets = [9], sizes = [1], strides = [1]} : vector<16xf32> to vector<1xf32>
    %squeeze3A_472 = vector.extract %slice3A_471[0] : f32 from vector<1xf32>
    %mul3A_473 = vector.broadcast %squeeze3A_472 : f32 to vector<16xf32>
    %mul3A_474 = arith.mulf %gather3A_470, %mul3A_473 : vector<16xf32>
    %add3A_475 = arith.addf %add3A_461, %mul3A_474 : vector<16xf32>
    %slice3A_476 = vector.extract_strided_slice %get3A_109 {offsets = [9], sizes = [1], strides = [1]} : vector<16xf32> to vector<1xf32>
    %squeeze3A_477 = vector.extract %slice3A_476[0] : f32 from vector<1xf32>
    %mul3A_478 = vector.broadcast %squeeze3A_477 : f32 to vector<16xf32>
    %mul3A_479 = arith.mulf %gather3A_470, %mul3A_478 : vector<16xf32>
    %add3A_480 = arith.addf %add3A_466, %mul3A_479 : vector<16xf32>
    %add3A_481 = arith.constant 26 : i32
    %add3A_482 = vector.broadcast %add3A_481 : i32 to vector<16xi32>
    %add3A_483 = arith.addi %mul3A_116, %add3A_482 : vector<16xi32>
    %gather3A_484 = tpu.vector_load_idx %arg10[%add3A_483] : memref<2048xf32, #tpu.memory_space<vmem>>[vector<16xi32>], vector<16xf32>,
    %slice3A_485 = vector.extract_strided_slice %get3A_101 {offsets = [10], sizes = [1], strides = [1]} : vector<16xf32> to vector<1xf32>
    %squeeze3A_486 = vector.extract %slice3A_485[0] : f32 from vector<1xf32>
    %mul3A_487 = vector.broadcast %squeeze3A_486 : f32 to vector<16xf32>
    %mul3A_488 = arith.mulf %gather3A_484, %mul3A_487 : vector<16xf32>
    %add3A_489 = arith.addf %add3A_475, %mul3A_488 : vector<16xf32>
    %slice3A_490 = vector.extract_strided_slice %get3A_109 {offsets = [10], sizes = [1], strides = [1]} : vector<16xf32> to vector<1xf32>
    %squeeze3A_491 = vector.extract %slice3A_490[0] : f32 from vector<1xf32>
    %mul3A_492 = vector.broadcast %squeeze3A_491 : f32 to vector<16xf32>
    %mul3A_493 = arith.mulf %gather3A_484, %mul3A_492 : vector<16xf32>
    %add3A_494 = arith.addf %add3A_480, %mul3A_493 : vector<16xf32>
    %add3A_495 = arith.constant 27 : i32
    %add3A_496 = vector.broadcast %add3A_495 : i32 to vector<16xi32>
    %add3A_497 = arith.addi %mul3A_116, %add3A_496 : vector<16xi32>
    %gather3A_498 = tpu.vector_load_idx %arg10[%add3A_497] : memref<2048xf32, #tpu.memory_space<vmem>>[vector<16xi32>], vector<16xf32>,
    %slice3A_499 = vector.extract_strided_slice %get3A_101 {offsets = [11], sizes = [1], strides = [1]} : vector<16xf32> to vector<1xf32>
    %squeeze3A_500 = vector.extract %slice3A_499[0] : f32 from vector<1xf32>
    %mul3A_501 = vector.broadcast %squeeze3A_500 : f32 to vector<16xf32>
    %mul3A_502 = arith.mulf %gather3A_498, %mul3A_501 : vector<16xf32>
    %add3A_503 = arith.addf %add3A_489, %mul3A_502 : vector<16xf32>
    %slice3A_504 = vector.extract_strided_slice %get3A_109 {offsets = [11], sizes = [1], strides = [1]} : vector<16xf32> to vector<1xf32>
    %squeeze3A_505 = vector.extract %slice3A_504[0] : f32 from vector<1xf32>
    %mul3A_506 = vector.broadcast %squeeze3A_505 : f32 to vector<16xf32>
    %mul3A_507 = arith.mulf %gather3A_498, %mul3A_506 : vector<16xf32>
    %add3A_508 = arith.addf %add3A_494, %mul3A_507 : vector<16xf32>
    %add3A_509 = arith.constant 28 : i32
    %add3A_510 = vector.broadcast %add3A_509 : i32 to vector<16xi32>
    %add3A_511 = arith.addi %mul3A_116, %add3A_510 : vector<16xi32>
    %gather3A_512 = tpu.vector_load_idx %arg10[%add3A_511] : memref<2048xf32, #tpu.memory_space<vmem>>[vector<16xi32>], vector<16xf32>,
    %slice3A_513 = vector.extract_strided_slice %get3A_101 {offsets = [12], sizes = [1], strides = [1]} : vector<16xf32> to vector<1xf32>
    %squeeze3A_514 = vector.extract %slice3A_513[0] : f32 from vector<1xf32>
    %mul3A_515 = vector.broadcast %squeeze3A_514 : f32 to vector<16xf32>
    %mul3A_516 = arith.mulf %gather3A_512, %mul3A_515 : vector<16xf32>
    %add3A_517 = arith.addf %add3A_503, %mul3A_516 : vector<16xf32>
    %slice3A_518 = vector.extract_strided_slice %get3A_109 {offsets = [12], sizes = [1], strides = [1]} : vector<16xf32> to vector<1xf32>
    %squeeze3A_519 = vector.extract %slice3A_518[0] : f32 from vector<1xf32>
    %mul3A_520 = vector.broadcast %squeeze3A_519 : f32 to vector<16xf32>
    %mul3A_521 = arith.mulf %gather3A_512, %mul3A_520 : vector<16xf32>
    %add3A_522 = arith.addf %add3A_508, %mul3A_521 : vector<16xf32>
    %add3A_523 = arith.constant 29 : i32
    %add3A_524 = vector.broadcast %add3A_523 : i32 to vector<16xi32>
    %add3A_525 = arith.addi %mul3A_116, %add3A_524 : vector<16xi32>
    %gather3A_526 = tpu.vector_load_idx %arg10[%add3A_525] : memref<2048xf32, #tpu.memory_space<vmem>>[vector<16xi32>], vector<16xf32>,
    %slice3A_527 = vector.extract_strided_slice %get3A_101 {offsets = [13], sizes = [1], strides = [1]} : vector<16xf32> to vector<1xf32>
    %squeeze3A_528 = vector.extract %slice3A_527[0] : f32 from vector<1xf32>
    %mul3A_529 = vector.broadcast %squeeze3A_528 : f32 to vector<16xf32>
    %mul3A_530 = arith.mulf %gather3A_526, %mul3A_529 : vector<16xf32>
    %add3A_531 = arith.addf %add3A_517, %mul3A_530 : vector<16xf32>
    %slice3A_532 = vector.extract_strided_slice %get3A_109 {offsets = [13], sizes = [1], strides = [1]} : vector<16xf32> to vector<1xf32>
    %squeeze3A_533 = vector.extract %slice3A_532[0] : f32 from vector<1xf32>
    %mul3A_534 = vector.broadcast %squeeze3A_533 : f32 to vector<16xf32>
    %mul3A_535 = arith.mulf %gather3A_526, %mul3A_534 : vector<16xf32>
    %add3A_536 = arith.addf %add3A_522, %mul3A_535 : vector<16xf32>
    %add3A_537 = arith.constant 30 : i32
    %add3A_538 = vector.broadcast %add3A_537 : i32 to vector<16xi32>
    %add3A_539 = arith.addi %mul3A_116, %add3A_538 : vector<16xi32>
    %gather3A_540 = tpu.vector_load_idx %arg10[%add3A_539] : memref<2048xf32, #tpu.memory_space<vmem>>[vector<16xi32>], vector<16xf32>,
    %slice3A_541 = vector.extract_strided_slice %get3A_101 {offsets = [14], sizes = [1], strides = [1]} : vector<16xf32> to vector<1xf32>
    %squeeze3A_542 = vector.extract %slice3A_541[0] : f32 from vector<1xf32>
    %mul3A_543 = vector.broadcast %squeeze3A_542 : f32 to vector<16xf32>
    %mul3A_544 = arith.mulf %gather3A_540, %mul3A_543 : vector<16xf32>
    %add3A_545 = arith.addf %add3A_531, %mul3A_544 : vector<16xf32>
    %slice3A_546 = vector.extract_strided_slice %get3A_109 {offsets = [14], sizes = [1], strides = [1]} : vector<16xf32> to vector<1xf32>
    %squeeze3A_547 = vector.extract %slice3A_546[0] : f32 from vector<1xf32>
    %mul3A_548 = vector.broadcast %squeeze3A_547 : f32 to vector<16xf32>
    %mul3A_549 = arith.mulf %gather3A_540, %mul3A_548 : vector<16xf32>
    %add3A_550 = arith.addf %add3A_536, %mul3A_549 : vector<16xf32>
    %add3A_551 = arith.constant 31 : i32
    %add3A_552 = vector.broadcast %add3A_551 : i32 to vector<16xi32>
    %add3A_553 = arith.addi %mul3A_116, %add3A_552 : vector<16xi32>
    %gather3A_554 = tpu.vector_load_idx %arg10[%add3A_553] : memref<2048xf32, #tpu.memory_space<vmem>>[vector<16xi32>], vector<16xf32>,
    %slice3A_555 = vector.extract_strided_slice %get3A_101 {offsets = [15], sizes = [1], strides = [1]} : vector<16xf32> to vector<1xf32>
    %squeeze3A_556 = vector.extract %slice3A_555[0] : f32 from vector<1xf32>
    %mul3A_557 = vector.broadcast %squeeze3A_556 : f32 to vector<16xf32>
    %mul3A_558 = arith.mulf %gather3A_554, %mul3A_557 : vector<16xf32>
    %add3A_559 = arith.addf %add3A_545, %mul3A_558 : vector<16xf32>
    %slice3A_560 = vector.extract_strided_slice %get3A_109 {offsets = [15], sizes = [1], strides = [1]} : vector<16xf32> to vector<1xf32>
    %squeeze3A_561 = vector.extract %slice3A_560[0] : f32 from vector<1xf32>
    %mul3A_562 = vector.broadcast %squeeze3A_561 : f32 to vector<16xf32>
    %mul3A_563 = arith.mulf %gather3A_554, %mul3A_562 : vector<16xf32>
    %add3A_564 = arith.addf %add3A_550, %mul3A_563 : vector<16xf32>
    %add3A_565 = arith.constant 32 : i32
    %add3A_566 = vector.broadcast %add3A_565 : i32 to vector<16xi32>
    %add3A_567 = arith.addi %mul3A_116, %add3A_566 : vector<16xi32>
    %gather3A_568 = tpu.vector_load_idx %arg10[%add3A_567] : memref<2048xf32, #tpu.memory_space<vmem>>[vector<16xi32>], vector<16xf32>,
    %slice3A_569 = vector.extract_strided_slice %get3A_103 {offsets = [0], sizes = [1], strides = [1]} : vector<16xf32> to vector<1xf32>
    %squeeze3A_570 = vector.extract %slice3A_569[0] : f32 from vector<1xf32>
    %mul3A_571 = vector.broadcast %squeeze3A_570 : f32 to vector<16xf32>
    %mul3A_572 = arith.mulf %gather3A_568, %mul3A_571 : vector<16xf32>
    %add3A_573 = arith.addf %add3A_559, %mul3A_572 : vector<16xf32>
    %slice3A_574 = vector.extract_strided_slice %get3A_111 {offsets = [0], sizes = [1], strides = [1]} : vector<16xf32> to vector<1xf32>
    %squeeze3A_575 = vector.extract %slice3A_574[0] : f32 from vector<1xf32>
    %mul3A_576 = vector.broadcast %squeeze3A_575 : f32 to vector<16xf32>
    %mul3A_577 = arith.mulf %gather3A_568, %mul3A_576 : vector<16xf32>
    %add3A_578 = arith.addf %add3A_564, %mul3A_577 : vector<16xf32>
    %add3A_579 = arith.constant 33 : i32
    %add3A_580 = vector.broadcast %add3A_579 : i32 to vector<16xi32>
    %add3A_581 = arith.addi %mul3A_116, %add3A_580 : vector<16xi32>
    %gather3A_582 = tpu.vector_load_idx %arg10[%add3A_581] : memref<2048xf32, #tpu.memory_space<vmem>>[vector<16xi32>], vector<16xf32>,
    %slice3A_583 = vector.extract_strided_slice %get3A_103 {offsets = [1], sizes = [1], strides = [1]} : vector<16xf32> to vector<1xf32>
    %squeeze3A_584 = vector.extract %slice3A_583[0] : f32 from vector<1xf32>
    %mul3A_585 = vector.broadcast %squeeze3A_584 : f32 to vector<16xf32>
    %mul3A_586 = arith.mulf %gather3A_582, %mul3A_585 : vector<16xf32>
    %add3A_587 = arith.addf %add3A_573, %mul3A_586 : vector<16xf32>
    %slice3A_588 = vector.extract_strided_slice %get3A_111 {offsets = [1], sizes = [1], strides = [1]} : vector<16xf32> to vector<1xf32>
    %squeeze3A_589 = vector.extract %slice3A_588[0] : f32 from vector<1xf32>
    %mul3A_590 = vector.broadcast %squeeze3A_589 : f32 to vector<16xf32>
    %mul3A_591 = arith.mulf %gather3A_582, %mul3A_590 : vector<16xf32>
    %add3A_592 = arith.addf %add3A_578, %mul3A_591 : vector<16xf32>
    %add3A_593 = arith.constant 34 : i32
    %add3A_594 = vector.broadcast %add3A_593 : i32 to vector<16xi32>
    %add3A_595 = arith.addi %mul3A_116, %add3A_594 : vector<16xi32>
    %gather3A_596 = tpu.vector_load_idx %arg10[%add3A_595] : memref<2048xf32, #tpu.memory_space<vmem>>[vector<16xi32>], vector<16xf32>,
    %slice3A_597 = vector.extract_strided_slice %get3A_103 {offsets = [2], sizes = [1], strides = [1]} : vector<16xf32> to vector<1xf32>
    %squeeze3A_598 = vector.extract %slice3A_597[0] : f32 from vector<1xf32>
    %mul3A_599 = vector.broadcast %squeeze3A_598 : f32 to vector<16xf32>
    %mul3A_600 = arith.mulf %gather3A_596, %mul3A_599 : vector<16xf32>
    %add3A_601 = arith.addf %add3A_587, %mul3A_600 : vector<16xf32>
    %slice3A_602 = vector.extract_strided_slice %get3A_111 {offsets = [2], sizes = [1], strides = [1]} : vector<16xf32> to vector<1xf32>
    %squeeze3A_603 = vector.extract %slice3A_602[0] : f32 from vector<1xf32>
    %mul3A_604 = vector.broadcast %squeeze3A_603 : f32 to vector<16xf32>
    %mul3A_605 = arith.mulf %gather3A_596, %mul3A_604 : vector<16xf32>
    %add3A_606 = arith.addf %add3A_592, %mul3A_605 : vector<16xf32>
    %add3A_607 = arith.constant 35 : i32
    %add3A_608 = vector.broadcast %add3A_607 : i32 to vector<16xi32>
    %add3A_609 = arith.addi %mul3A_116, %add3A_608 : vector<16xi32>
    %gather3A_610 = tpu.vector_load_idx %arg10[%add3A_609] : memref<2048xf32, #tpu.memory_space<vmem>>[vector<16xi32>], vector<16xf32>,
    %slice3A_611 = vector.extract_strided_slice %get3A_103 {offsets = [3], sizes = [1], strides = [1]} : vector<16xf32> to vector<1xf32>
    %squeeze3A_612 = vector.extract %slice3A_611[0] : f32 from vector<1xf32>
    %mul3A_613 = vector.broadcast %squeeze3A_612 : f32 to vector<16xf32>
    %mul3A_614 = arith.mulf %gather3A_610, %mul3A_613 : vector<16xf32>
    %add3A_615 = arith.addf %add3A_601, %mul3A_614 : vector<16xf32>
    %slice3A_616 = vector.extract_strided_slice %get3A_111 {offsets = [3], sizes = [1], strides = [1]} : vector<16xf32> to vector<1xf32>
    %squeeze3A_617 = vector.extract %slice3A_616[0] : f32 from vector<1xf32>
    %mul3A_618 = vector.broadcast %squeeze3A_617 : f32 to vector<16xf32>
    %mul3A_619 = arith.mulf %gather3A_610, %mul3A_618 : vector<16xf32>
    %add3A_620 = arith.addf %add3A_606, %mul3A_619 : vector<16xf32>
    %add3A_621 = arith.constant 36 : i32
    %add3A_622 = vector.broadcast %add3A_621 : i32 to vector<16xi32>
    %add3A_623 = arith.addi %mul3A_116, %add3A_622 : vector<16xi32>
    %gather3A_624 = tpu.vector_load_idx %arg10[%add3A_623] : memref<2048xf32, #tpu.memory_space<vmem>>[vector<16xi32>], vector<16xf32>,
    %slice3A_625 = vector.extract_strided_slice %get3A_103 {offsets = [4], sizes = [1], strides = [1]} : vector<16xf32> to vector<1xf32>
    %squeeze3A_626 = vector.extract %slice3A_625[0] : f32 from vector<1xf32>
    %mul3A_627 = vector.broadcast %squeeze3A_626 : f32 to vector<16xf32>
    %mul3A_628 = arith.mulf %gather3A_624, %mul3A_627 : vector<16xf32>
    %add3A_629 = arith.addf %add3A_615, %mul3A_628 : vector<16xf32>
    %slice3A_630 = vector.extract_strided_slice %get3A_111 {offsets = [4], sizes = [1], strides = [1]} : vector<16xf32> to vector<1xf32>
    %squeeze3A_631 = vector.extract %slice3A_630[0] : f32 from vector<1xf32>
    %mul3A_632 = vector.broadcast %squeeze3A_631 : f32 to vector<16xf32>
    %mul3A_633 = arith.mulf %gather3A_624, %mul3A_632 : vector<16xf32>
    %add3A_634 = arith.addf %add3A_620, %mul3A_633 : vector<16xf32>
    %add3A_635 = arith.constant 37 : i32
    %add3A_636 = vector.broadcast %add3A_635 : i32 to vector<16xi32>
    %add3A_637 = arith.addi %mul3A_116, %add3A_636 : vector<16xi32>
    %gather3A_638 = tpu.vector_load_idx %arg10[%add3A_637] : memref<2048xf32, #tpu.memory_space<vmem>>[vector<16xi32>], vector<16xf32>,
    %slice3A_639 = vector.extract_strided_slice %get3A_103 {offsets = [5], sizes = [1], strides = [1]} : vector<16xf32> to vector<1xf32>
    %squeeze3A_640 = vector.extract %slice3A_639[0] : f32 from vector<1xf32>
    %mul3A_641 = vector.broadcast %squeeze3A_640 : f32 to vector<16xf32>
    %mul3A_642 = arith.mulf %gather3A_638, %mul3A_641 : vector<16xf32>
    %add3A_643 = arith.addf %add3A_629, %mul3A_642 : vector<16xf32>
    %slice3A_644 = vector.extract_strided_slice %get3A_111 {offsets = [5], sizes = [1], strides = [1]} : vector<16xf32> to vector<1xf32>
    %squeeze3A_645 = vector.extract %slice3A_644[0] : f32 from vector<1xf32>
    %mul3A_646 = vector.broadcast %squeeze3A_645 : f32 to vector<16xf32>
    %mul3A_647 = arith.mulf %gather3A_638, %mul3A_646 : vector<16xf32>
    %add3A_648 = arith.addf %add3A_634, %mul3A_647 : vector<16xf32>
    %add3A_649 = arith.constant 38 : i32
    %add3A_650 = vector.broadcast %add3A_649 : i32 to vector<16xi32>
    %add3A_651 = arith.addi %mul3A_116, %add3A_650 : vector<16xi32>
    %gather3A_652 = tpu.vector_load_idx %arg10[%add3A_651] : memref<2048xf32, #tpu.memory_space<vmem>>[vector<16xi32>], vector<16xf32>,
    %slice3A_653 = vector.extract_strided_slice %get3A_103 {offsets = [6], sizes = [1], strides = [1]} : vector<16xf32> to vector<1xf32>
    %squeeze3A_654 = vector.extract %slice3A_653[0] : f32 from vector<1xf32>
    %mul3A_655 = vector.broadcast %squeeze3A_654 : f32 to vector<16xf32>
    %mul3A_656 = arith.mulf %gather3A_652, %mul3A_655 : vector<16xf32>
    %add3A_657 = arith.addf %add3A_643, %mul3A_656 : vector<16xf32>
    %slice3A_658 = vector.extract_strided_slice %get3A_111 {offsets = [6], sizes = [1], strides = [1]} : vector<16xf32> to vector<1xf32>
    %squeeze3A_659 = vector.extract %slice3A_658[0] : f32 from vector<1xf32>
    %mul3A_660 = vector.broadcast %squeeze3A_659 : f32 to vector<16xf32>
    %mul3A_661 = arith.mulf %gather3A_652, %mul3A_660 : vector<16xf32>
    %add3A_662 = arith.addf %add3A_648, %mul3A_661 : vector<16xf32>
    %add3A_663 = arith.constant 39 : i32
    %add3A_664 = vector.broadcast %add3A_663 : i32 to vector<16xi32>
    %add3A_665 = arith.addi %mul3A_116, %add3A_664 : vector<16xi32>
    %gather3A_666 = tpu.vector_load_idx %arg10[%add3A_665] : memref<2048xf32, #tpu.memory_space<vmem>>[vector<16xi32>], vector<16xf32>,
    %slice3A_667 = vector.extract_strided_slice %get3A_103 {offsets = [7], sizes = [1], strides = [1]} : vector<16xf32> to vector<1xf32>
    %squeeze3A_668 = vector.extract %slice3A_667[0] : f32 from vector<1xf32>
    %mul3A_669 = vector.broadcast %squeeze3A_668 : f32 to vector<16xf32>
    %mul3A_670 = arith.mulf %gather3A_666, %mul3A_669 : vector<16xf32>
    %add3A_671 = arith.addf %add3A_657, %mul3A_670 : vector<16xf32>
    %slice3A_672 = vector.extract_strided_slice %get3A_111 {offsets = [7], sizes = [1], strides = [1]} : vector<16xf32> to vector<1xf32>
    %squeeze3A_673 = vector.extract %slice3A_672[0] : f32 from vector<1xf32>
    %mul3A_674 = vector.broadcast %squeeze3A_673 : f32 to vector<16xf32>
    %mul3A_675 = arith.mulf %gather3A_666, %mul3A_674 : vector<16xf32>
    %add3A_676 = arith.addf %add3A_662, %mul3A_675 : vector<16xf32>
    %add3A_677 = arith.constant 40 : i32
    %add3A_678 = vector.broadcast %add3A_677 : i32 to vector<16xi32>
    %add3A_679 = arith.addi %mul3A_116, %add3A_678 : vector<16xi32>
    %gather3A_680 = tpu.vector_load_idx %arg10[%add3A_679] : memref<2048xf32, #tpu.memory_space<vmem>>[vector<16xi32>], vector<16xf32>,
    %slice3A_681 = vector.extract_strided_slice %get3A_103 {offsets = [8], sizes = [1], strides = [1]} : vector<16xf32> to vector<1xf32>
    %squeeze3A_682 = vector.extract %slice3A_681[0] : f32 from vector<1xf32>
    %mul3A_683 = vector.broadcast %squeeze3A_682 : f32 to vector<16xf32>
    %mul3A_684 = arith.mulf %gather3A_680, %mul3A_683 : vector<16xf32>
    %add3A_685 = arith.addf %add3A_671, %mul3A_684 : vector<16xf32>
    %slice3A_686 = vector.extract_strided_slice %get3A_111 {offsets = [8], sizes = [1], strides = [1]} : vector<16xf32> to vector<1xf32>
    %squeeze3A_687 = vector.extract %slice3A_686[0] : f32 from vector<1xf32>
    %mul3A_688 = vector.broadcast %squeeze3A_687 : f32 to vector<16xf32>
    %mul3A_689 = arith.mulf %gather3A_680, %mul3A_688 : vector<16xf32>
    %add3A_690 = arith.addf %add3A_676, %mul3A_689 : vector<16xf32>
    %add3A_691 = arith.constant 41 : i32
    %add3A_692 = vector.broadcast %add3A_691 : i32 to vector<16xi32>
    %add3A_693 = arith.addi %mul3A_116, %add3A_692 : vector<16xi32>
    %gather3A_694 = tpu.vector_load_idx %arg10[%add3A_693] : memref<2048xf32, #tpu.memory_space<vmem>>[vector<16xi32>], vector<16xf32>,
    %slice3A_695 = vector.extract_strided_slice %get3A_103 {offsets = [9], sizes = [1], strides = [1]} : vector<16xf32> to vector<1xf32>
    %squeeze3A_696 = vector.extract %slice3A_695[0] : f32 from vector<1xf32>
    %mul3A_697 = vector.broadcast %squeeze3A_696 : f32 to vector<16xf32>
    %mul3A_698 = arith.mulf %gather3A_694, %mul3A_697 : vector<16xf32>
    %add3A_699 = arith.addf %add3A_685, %mul3A_698 : vector<16xf32>
    %slice3A_700 = vector.extract_strided_slice %get3A_111 {offsets = [9], sizes = [1], strides = [1]} : vector<16xf32> to vector<1xf32>
    %squeeze3A_701 = vector.extract %slice3A_700[0] : f32 from vector<1xf32>
    %mul3A_702 = vector.broadcast %squeeze3A_701 : f32 to vector<16xf32>
    %mul3A_703 = arith.mulf %gather3A_694, %mul3A_702 : vector<16xf32>
    %add3A_704 = arith.addf %add3A_690, %mul3A_703 : vector<16xf32>
    %add3A_705 = arith.constant 42 : i32
    %add3A_706 = vector.broadcast %add3A_705 : i32 to vector<16xi32>
    %add3A_707 = arith.addi %mul3A_116, %add3A_706 : vector<16xi32>
    %gather3A_708 = tpu.vector_load_idx %arg10[%add3A_707] : memref<2048xf32, #tpu.memory_space<vmem>>[vector<16xi32>], vector<16xf32>,
    %slice3A_709 = vector.extract_strided_slice %get3A_103 {offsets = [10], sizes = [1], strides = [1]} : vector<16xf32> to vector<1xf32>
    %squeeze3A_710 = vector.extract %slice3A_709[0] : f32 from vector<1xf32>
    %mul3A_711 = vector.broadcast %squeeze3A_710 : f32 to vector<16xf32>
    %mul3A_712 = arith.mulf %gather3A_708, %mul3A_711 : vector<16xf32>
    %add3A_713 = arith.addf %add3A_699, %mul3A_712 : vector<16xf32>
    %slice3A_714 = vector.extract_strided_slice %get3A_111 {offsets = [10], sizes = [1], strides = [1]} : vector<16xf32> to vector<1xf32>
    %squeeze3A_715 = vector.extract %slice3A_714[0] : f32 from vector<1xf32>
    %mul3A_716 = vector.broadcast %squeeze3A_715 : f32 to vector<16xf32>
    %mul3A_717 = arith.mulf %gather3A_708, %mul3A_716 : vector<16xf32>
    %add3A_718 = arith.addf %add3A_704, %mul3A_717 : vector<16xf32>
    %add3A_719 = arith.constant 43 : i32
    %add3A_720 = vector.broadcast %add3A_719 : i32 to vector<16xi32>
    %add3A_721 = arith.addi %mul3A_116, %add3A_720 : vector<16xi32>
    %gather3A_722 = tpu.vector_load_idx %arg10[%add3A_721] : memref<2048xf32, #tpu.memory_space<vmem>>[vector<16xi32>], vector<16xf32>,
    %slice3A_723 = vector.extract_strided_slice %get3A_103 {offsets = [11], sizes = [1], strides = [1]} : vector<16xf32> to vector<1xf32>
    %squeeze3A_724 = vector.extract %slice3A_723[0] : f32 from vector<1xf32>
    %mul3A_725 = vector.broadcast %squeeze3A_724 : f32 to vector<16xf32>
    %mul3A_726 = arith.mulf %gather3A_722, %mul3A_725 : vector<16xf32>
    %add3A_727 = arith.addf %add3A_713, %mul3A_726 : vector<16xf32>
    %slice3A_728 = vector.extract_strided_slice %get3A_111 {offsets = [11], sizes = [1], strides = [1]} : vector<16xf32> to vector<1xf32>
    %squeeze3A_729 = vector.extract %slice3A_728[0] : f32 from vector<1xf32>
    %mul3A_730 = vector.broadcast %squeeze3A_729 : f32 to vector<16xf32>
    %mul3A_731 = arith.mulf %gather3A_722, %mul3A_730 : vector<16xf32>
    %add3A_732 = arith.addf %add3A_718, %mul3A_731 : vector<16xf32>
    %add3A_733 = arith.constant 44 : i32
    %add3A_734 = vector.broadcast %add3A_733 : i32 to vector<16xi32>
    %add3A_735 = arith.addi %mul3A_116, %add3A_734 : vector<16xi32>
    %gather3A_736 = tpu.vector_load_idx %arg10[%add3A_735] : memref<2048xf32, #tpu.memory_space<vmem>>[vector<16xi32>], vector<16xf32>,
    %slice3A_737 = vector.extract_strided_slice %get3A_103 {offsets = [12], sizes = [1], strides = [1]} : vector<16xf32> to vector<1xf32>
    %squeeze3A_738 = vector.extract %slice3A_737[0] : f32 from vector<1xf32>
    %mul3A_739 = vector.broadcast %squeeze3A_738 : f32 to vector<16xf32>
    %mul3A_740 = arith.mulf %gather3A_736, %mul3A_739 : vector<16xf32>
    %add3A_741 = arith.addf %add3A_727, %mul3A_740 : vector<16xf32>
    %slice3A_742 = vector.extract_strided_slice %get3A_111 {offsets = [12], sizes = [1], strides = [1]} : vector<16xf32> to vector<1xf32>
    %squeeze3A_743 = vector.extract %slice3A_742[0] : f32 from vector<1xf32>
    %mul3A_744 = vector.broadcast %squeeze3A_743 : f32 to vector<16xf32>
    %mul3A_745 = arith.mulf %gather3A_736, %mul3A_744 : vector<16xf32>
    %add3A_746 = arith.addf %add3A_732, %mul3A_745 : vector<16xf32>
    %add3A_747 = arith.constant 45 : i32
    %add3A_748 = vector.broadcast %add3A_747 : i32 to vector<16xi32>
    %add3A_749 = arith.addi %mul3A_116, %add3A_748 : vector<16xi32>
    %gather3A_750 = tpu.vector_load_idx %arg10[%add3A_749] : memref<2048xf32, #tpu.memory_space<vmem>>[vector<16xi32>], vector<16xf32>,
    %slice3A_751 = vector.extract_strided_slice %get3A_103 {offsets = [13], sizes = [1], strides = [1]} : vector<16xf32> to vector<1xf32>
    %squeeze3A_752 = vector.extract %slice3A_751[0] : f32 from vector<1xf32>
    %mul3A_753 = vector.broadcast %squeeze3A_752 : f32 to vector<16xf32>
    %mul3A_754 = arith.mulf %gather3A_750, %mul3A_753 : vector<16xf32>
    %add3A_755 = arith.addf %add3A_741, %mul3A_754 : vector<16xf32>
    %slice3A_756 = vector.extract_strided_slice %get3A_111 {offsets = [13], sizes = [1], strides = [1]} : vector<16xf32> to vector<1xf32>
    %squeeze3A_757 = vector.extract %slice3A_756[0] : f32 from vector<1xf32>
    %mul3A_758 = vector.broadcast %squeeze3A_757 : f32 to vector<16xf32>
    %mul3A_759 = arith.mulf %gather3A_750, %mul3A_758 : vector<16xf32>
    %add3A_760 = arith.addf %add3A_746, %mul3A_759 : vector<16xf32>
    %add3A_761 = arith.constant 46 : i32
    %add3A_762 = vector.broadcast %add3A_761 : i32 to vector<16xi32>
    %add3A_763 = arith.addi %mul3A_116, %add3A_762 : vector<16xi32>
    %gather3A_764 = tpu.vector_load_idx %arg10[%add3A_763] : memref<2048xf32, #tpu.memory_space<vmem>>[vector<16xi32>], vector<16xf32>,
    %slice3A_765 = vector.extract_strided_slice %get3A_103 {offsets = [14], sizes = [1], strides = [1]} : vector<16xf32> to vector<1xf32>
    %squeeze3A_766 = vector.extract %slice3A_765[0] : f32 from vector<1xf32>
    %mul3A_767 = vector.broadcast %squeeze3A_766 : f32 to vector<16xf32>
    %mul3A_768 = arith.mulf %gather3A_764, %mul3A_767 : vector<16xf32>
    %add3A_769 = arith.addf %add3A_755, %mul3A_768 : vector<16xf32>
    %slice3A_770 = vector.extract_strided_slice %get3A_111 {offsets = [14], sizes = [1], strides = [1]} : vector<16xf32> to vector<1xf32>
    %squeeze3A_771 = vector.extract %slice3A_770[0] : f32 from vector<1xf32>
    %mul3A_772 = vector.broadcast %squeeze3A_771 : f32 to vector<16xf32>
    %mul3A_773 = arith.mulf %gather3A_764, %mul3A_772 : vector<16xf32>
    %add3A_774 = arith.addf %add3A_760, %mul3A_773 : vector<16xf32>
    %add3A_775 = arith.constant 47 : i32
    %add3A_776 = vector.broadcast %add3A_775 : i32 to vector<16xi32>
    %add3A_777 = arith.addi %mul3A_116, %add3A_776 : vector<16xi32>
    %gather3A_778 = tpu.vector_load_idx %arg10[%add3A_777] : memref<2048xf32, #tpu.memory_space<vmem>>[vector<16xi32>], vector<16xf32>,
    %slice3A_779 = vector.extract_strided_slice %get3A_103 {offsets = [15], sizes = [1], strides = [1]} : vector<16xf32> to vector<1xf32>
    %squeeze3A_780 = vector.extract %slice3A_779[0] : f32 from vector<1xf32>
    %mul3A_781 = vector.broadcast %squeeze3A_780 : f32 to vector<16xf32>
    %mul3A_782 = arith.mulf %gather3A_778, %mul3A_781 : vector<16xf32>
    %add3A_783 = arith.addf %add3A_769, %mul3A_782 : vector<16xf32>
    %slice3A_784 = vector.extract_strided_slice %get3A_111 {offsets = [15], sizes = [1], strides = [1]} : vector<16xf32> to vector<1xf32>
    %squeeze3A_785 = vector.extract %slice3A_784[0] : f32 from vector<1xf32>
    %mul3A_786 = vector.broadcast %squeeze3A_785 : f32 to vector<16xf32>
    %mul3A_787 = arith.mulf %gather3A_778, %mul3A_786 : vector<16xf32>
    %add3A_788 = arith.addf %add3A_774, %mul3A_787 : vector<16xf32>
    %add3A_789 = arith.constant 48 : i32
    %add3A_790 = vector.broadcast %add3A_789 : i32 to vector<16xi32>
    %add3A_791 = arith.addi %mul3A_116, %add3A_790 : vector<16xi32>
    %gather3A_792 = tpu.vector_load_idx %arg10[%add3A_791] : memref<2048xf32, #tpu.memory_space<vmem>>[vector<16xi32>], vector<16xf32>,
    %slice3A_793 = vector.extract_strided_slice %get3A_105 {offsets = [0], sizes = [1], strides = [1]} : vector<16xf32> to vector<1xf32>
    %squeeze3A_794 = vector.extract %slice3A_793[0] : f32 from vector<1xf32>
    %mul3A_795 = vector.broadcast %squeeze3A_794 : f32 to vector<16xf32>
    %mul3A_796 = arith.mulf %gather3A_792, %mul3A_795 : vector<16xf32>
    %add3A_797 = arith.addf %add3A_783, %mul3A_796 : vector<16xf32>
    %slice3A_798 = vector.extract_strided_slice %get3A_113 {offsets = [0], sizes = [1], strides = [1]} : vector<16xf32> to vector<1xf32>
    %squeeze3A_799 = vector.extract %slice3A_798[0] : f32 from vector<1xf32>
    %mul3A_800 = vector.broadcast %squeeze3A_799 : f32 to vector<16xf32>
    %mul3A_801 = arith.mulf %gather3A_792, %mul3A_800 : vector<16xf32>
    %add3A_802 = arith.addf %add3A_788, %mul3A_801 : vector<16xf32>
    %add3A_803 = arith.constant 49 : i32
    %add3A_804 = vector.broadcast %add3A_803 : i32 to vector<16xi32>
    %add3A_805 = arith.addi %mul3A_116, %add3A_804 : vector<16xi32>
    %gather3A_806 = tpu.vector_load_idx %arg10[%add3A_805] : memref<2048xf32, #tpu.memory_space<vmem>>[vector<16xi32>], vector<16xf32>,
    %slice3A_807 = vector.extract_strided_slice %get3A_105 {offsets = [1], sizes = [1], strides = [1]} : vector<16xf32> to vector<1xf32>
    %squeeze3A_808 = vector.extract %slice3A_807[0] : f32 from vector<1xf32>
    %mul3A_809 = vector.broadcast %squeeze3A_808 : f32 to vector<16xf32>
    %mul3A_810 = arith.mulf %gather3A_806, %mul3A_809 : vector<16xf32>
    %add3A_811 = arith.addf %add3A_797, %mul3A_810 : vector<16xf32>
    %slice3A_812 = vector.extract_strided_slice %get3A_113 {offsets = [1], sizes = [1], strides = [1]} : vector<16xf32> to vector<1xf32>
    %squeeze3A_813 = vector.extract %slice3A_812[0] : f32 from vector<1xf32>
    %mul3A_814 = vector.broadcast %squeeze3A_813 : f32 to vector<16xf32>
    %mul3A_815 = arith.mulf %gather3A_806, %mul3A_814 : vector<16xf32>
    %add3A_816 = arith.addf %add3A_802, %mul3A_815 : vector<16xf32>
    %add3A_817 = arith.constant 50 : i32
    %add3A_818 = vector.broadcast %add3A_817 : i32 to vector<16xi32>
    %add3A_819 = arith.addi %mul3A_116, %add3A_818 : vector<16xi32>
    %gather3A_820 = tpu.vector_load_idx %arg10[%add3A_819] : memref<2048xf32, #tpu.memory_space<vmem>>[vector<16xi32>], vector<16xf32>,
    %slice3A_821 = vector.extract_strided_slice %get3A_105 {offsets = [2], sizes = [1], strides = [1]} : vector<16xf32> to vector<1xf32>
    %squeeze3A_822 = vector.extract %slice3A_821[0] : f32 from vector<1xf32>
    %mul3A_823 = vector.broadcast %squeeze3A_822 : f32 to vector<16xf32>
    %mul3A_824 = arith.mulf %gather3A_820, %mul3A_823 : vector<16xf32>
    %add3A_825 = arith.addf %add3A_811, %mul3A_824 : vector<16xf32>
    %slice3A_826 = vector.extract_strided_slice %get3A_113 {offsets = [2], sizes = [1], strides = [1]} : vector<16xf32> to vector<1xf32>
    %squeeze3A_827 = vector.extract %slice3A_826[0] : f32 from vector<1xf32>
    %mul3A_828 = vector.broadcast %squeeze3A_827 : f32 to vector<16xf32>
    %mul3A_829 = arith.mulf %gather3A_820, %mul3A_828 : vector<16xf32>
    %add3A_830 = arith.addf %add3A_816, %mul3A_829 : vector<16xf32>
    %add3A_831 = arith.constant 51 : i32
    %add3A_832 = vector.broadcast %add3A_831 : i32 to vector<16xi32>
    %add3A_833 = arith.addi %mul3A_116, %add3A_832 : vector<16xi32>
    %gather3A_834 = tpu.vector_load_idx %arg10[%add3A_833] : memref<2048xf32, #tpu.memory_space<vmem>>[vector<16xi32>], vector<16xf32>,
    %slice3A_835 = vector.extract_strided_slice %get3A_105 {offsets = [3], sizes = [1], strides = [1]} : vector<16xf32> to vector<1xf32>
    %squeeze3A_836 = vector.extract %slice3A_835[0] : f32 from vector<1xf32>
    %mul3A_837 = vector.broadcast %squeeze3A_836 : f32 to vector<16xf32>
    %mul3A_838 = arith.mulf %gather3A_834, %mul3A_837 : vector<16xf32>
    %add3A_839 = arith.addf %add3A_825, %mul3A_838 : vector<16xf32>
    %slice3A_840 = vector.extract_strided_slice %get3A_113 {offsets = [3], sizes = [1], strides = [1]} : vector<16xf32> to vector<1xf32>
    %squeeze3A_841 = vector.extract %slice3A_840[0] : f32 from vector<1xf32>
    %mul3A_842 = vector.broadcast %squeeze3A_841 : f32 to vector<16xf32>
    %mul3A_843 = arith.mulf %gather3A_834, %mul3A_842 : vector<16xf32>
    %add3A_844 = arith.addf %add3A_830, %mul3A_843 : vector<16xf32>
    %add3A_845 = arith.constant 52 : i32
    %add3A_846 = vector.broadcast %add3A_845 : i32 to vector<16xi32>
    %add3A_847 = arith.addi %mul3A_116, %add3A_846 : vector<16xi32>
    %gather3A_848 = tpu.vector_load_idx %arg10[%add3A_847] : memref<2048xf32, #tpu.memory_space<vmem>>[vector<16xi32>], vector<16xf32>,
    %slice3A_849 = vector.extract_strided_slice %get3A_105 {offsets = [4], sizes = [1], strides = [1]} : vector<16xf32> to vector<1xf32>
    %squeeze3A_850 = vector.extract %slice3A_849[0] : f32 from vector<1xf32>
    %mul3A_851 = vector.broadcast %squeeze3A_850 : f32 to vector<16xf32>
    %mul3A_852 = arith.mulf %gather3A_848, %mul3A_851 : vector<16xf32>
    %add3A_853 = arith.addf %add3A_839, %mul3A_852 : vector<16xf32>
    %slice3A_854 = vector.extract_strided_slice %get3A_113 {offsets = [4], sizes = [1], strides = [1]} : vector<16xf32> to vector<1xf32>
    %squeeze3A_855 = vector.extract %slice3A_854[0] : f32 from vector<1xf32>
    %mul3A_856 = vector.broadcast %squeeze3A_855 : f32 to vector<16xf32>
    %mul3A_857 = arith.mulf %gather3A_848, %mul3A_856 : vector<16xf32>
    %add3A_858 = arith.addf %add3A_844, %mul3A_857 : vector<16xf32>
    %add3A_859 = arith.constant 53 : i32
    %add3A_860 = vector.broadcast %add3A_859 : i32 to vector<16xi32>
    %add3A_861 = arith.addi %mul3A_116, %add3A_860 : vector<16xi32>
    %gather3A_862 = tpu.vector_load_idx %arg10[%add3A_861] : memref<2048xf32, #tpu.memory_space<vmem>>[vector<16xi32>], vector<16xf32>,
    %slice3A_863 = vector.extract_strided_slice %get3A_105 {offsets = [5], sizes = [1], strides = [1]} : vector<16xf32> to vector<1xf32>
    %squeeze3A_864 = vector.extract %slice3A_863[0] : f32 from vector<1xf32>
    %mul3A_865 = vector.broadcast %squeeze3A_864 : f32 to vector<16xf32>
    %mul3A_866 = arith.mulf %gather3A_862, %mul3A_865 : vector<16xf32>
    %add3A_867 = arith.addf %add3A_853, %mul3A_866 : vector<16xf32>
    %slice3A_868 = vector.extract_strided_slice %get3A_113 {offsets = [5], sizes = [1], strides = [1]} : vector<16xf32> to vector<1xf32>
    %squeeze3A_869 = vector.extract %slice3A_868[0] : f32 from vector<1xf32>
    %mul3A_870 = vector.broadcast %squeeze3A_869 : f32 to vector<16xf32>
    %mul3A_871 = arith.mulf %gather3A_862, %mul3A_870 : vector<16xf32>
    %add3A_872 = arith.addf %add3A_858, %mul3A_871 : vector<16xf32>
    %add3A_873 = arith.constant 54 : i32
    %add3A_874 = vector.broadcast %add3A_873 : i32 to vector<16xi32>
    %add3A_875 = arith.addi %mul3A_116, %add3A_874 : vector<16xi32>
    %gather3A_876 = tpu.vector_load_idx %arg10[%add3A_875] : memref<2048xf32, #tpu.memory_space<vmem>>[vector<16xi32>], vector<16xf32>,
    %slice3A_877 = vector.extract_strided_slice %get3A_105 {offsets = [6], sizes = [1], strides = [1]} : vector<16xf32> to vector<1xf32>
    %squeeze3A_878 = vector.extract %slice3A_877[0] : f32 from vector<1xf32>
    %mul3A_879 = vector.broadcast %squeeze3A_878 : f32 to vector<16xf32>
    %mul3A_880 = arith.mulf %gather3A_876, %mul3A_879 : vector<16xf32>
    %add3A_881 = arith.addf %add3A_867, %mul3A_880 : vector<16xf32>
    %slice3A_882 = vector.extract_strided_slice %get3A_113 {offsets = [6], sizes = [1], strides = [1]} : vector<16xf32> to vector<1xf32>
    %squeeze3A_883 = vector.extract %slice3A_882[0] : f32 from vector<1xf32>
    %mul3A_884 = vector.broadcast %squeeze3A_883 : f32 to vector<16xf32>
    %mul3A_885 = arith.mulf %gather3A_876, %mul3A_884 : vector<16xf32>
    %add3A_886 = arith.addf %add3A_872, %mul3A_885 : vector<16xf32>
    %add3A_887 = arith.constant 55 : i32
    %add3A_888 = vector.broadcast %add3A_887 : i32 to vector<16xi32>
    %add3A_889 = arith.addi %mul3A_116, %add3A_888 : vector<16xi32>
    %gather3A_890 = tpu.vector_load_idx %arg10[%add3A_889] : memref<2048xf32, #tpu.memory_space<vmem>>[vector<16xi32>], vector<16xf32>,
    %slice3A_891 = vector.extract_strided_slice %get3A_105 {offsets = [7], sizes = [1], strides = [1]} : vector<16xf32> to vector<1xf32>
    %squeeze3A_892 = vector.extract %slice3A_891[0] : f32 from vector<1xf32>
    %mul3A_893 = vector.broadcast %squeeze3A_892 : f32 to vector<16xf32>
    %mul3A_894 = arith.mulf %gather3A_890, %mul3A_893 : vector<16xf32>
    %add3A_895 = arith.addf %add3A_881, %mul3A_894 : vector<16xf32>
    %slice3A_896 = vector.extract_strided_slice %get3A_113 {offsets = [7], sizes = [1], strides = [1]} : vector<16xf32> to vector<1xf32>
    %squeeze3A_897 = vector.extract %slice3A_896[0] : f32 from vector<1xf32>
    %mul3A_898 = vector.broadcast %squeeze3A_897 : f32 to vector<16xf32>
    %mul3A_899 = arith.mulf %gather3A_890, %mul3A_898 : vector<16xf32>
    %add3A_900 = arith.addf %add3A_886, %mul3A_899 : vector<16xf32>
    %add3A_901 = arith.constant 56 : i32
    %add3A_902 = vector.broadcast %add3A_901 : i32 to vector<16xi32>
    %add3A_903 = arith.addi %mul3A_116, %add3A_902 : vector<16xi32>
    %gather3A_904 = tpu.vector_load_idx %arg10[%add3A_903] : memref<2048xf32, #tpu.memory_space<vmem>>[vector<16xi32>], vector<16xf32>,
    %slice3A_905 = vector.extract_strided_slice %get3A_105 {offsets = [8], sizes = [1], strides = [1]} : vector<16xf32> to vector<1xf32>
    %squeeze3A_906 = vector.extract %slice3A_905[0] : f32 from vector<1xf32>
    %mul3A_907 = vector.broadcast %squeeze3A_906 : f32 to vector<16xf32>
    %mul3A_908 = arith.mulf %gather3A_904, %mul3A_907 : vector<16xf32>
    %add3A_909 = arith.addf %add3A_895, %mul3A_908 : vector<16xf32>
    %slice3A_910 = vector.extract_strided_slice %get3A_113 {offsets = [8], sizes = [1], strides = [1]} : vector<16xf32> to vector<1xf32>
    %squeeze3A_911 = vector.extract %slice3A_910[0] : f32 from vector<1xf32>
    %mul3A_912 = vector.broadcast %squeeze3A_911 : f32 to vector<16xf32>
    %mul3A_913 = arith.mulf %gather3A_904, %mul3A_912 : vector<16xf32>
    %add3A_914 = arith.addf %add3A_900, %mul3A_913 : vector<16xf32>
    %add3A_915 = arith.constant 57 : i32
    %add3A_916 = vector.broadcast %add3A_915 : i32 to vector<16xi32>
    %add3A_917 = arith.addi %mul3A_116, %add3A_916 : vector<16xi32>
    %gather3A_918 = tpu.vector_load_idx %arg10[%add3A_917] : memref<2048xf32, #tpu.memory_space<vmem>>[vector<16xi32>], vector<16xf32>,
    %slice3A_919 = vector.extract_strided_slice %get3A_105 {offsets = [9], sizes = [1], strides = [1]} : vector<16xf32> to vector<1xf32>
    %squeeze3A_920 = vector.extract %slice3A_919[0] : f32 from vector<1xf32>
    %mul3A_921 = vector.broadcast %squeeze3A_920 : f32 to vector<16xf32>
    %mul3A_922 = arith.mulf %gather3A_918, %mul3A_921 : vector<16xf32>
    %add3A_923 = arith.addf %add3A_909, %mul3A_922 : vector<16xf32>
    %slice3A_924 = vector.extract_strided_slice %get3A_113 {offsets = [9], sizes = [1], strides = [1]} : vector<16xf32> to vector<1xf32>
    %squeeze3A_925 = vector.extract %slice3A_924[0] : f32 from vector<1xf32>
    %mul3A_926 = vector.broadcast %squeeze3A_925 : f32 to vector<16xf32>
    %mul3A_927 = arith.mulf %gather3A_918, %mul3A_926 : vector<16xf32>
    %add3A_928 = arith.addf %add3A_914, %mul3A_927 : vector<16xf32>
    %add3A_929 = arith.constant 58 : i32
    %add3A_930 = vector.broadcast %add3A_929 : i32 to vector<16xi32>
    %add3A_931 = arith.addi %mul3A_116, %add3A_930 : vector<16xi32>
    %gather3A_932 = tpu.vector_load_idx %arg10[%add3A_931] : memref<2048xf32, #tpu.memory_space<vmem>>[vector<16xi32>], vector<16xf32>,
    %slice3A_933 = vector.extract_strided_slice %get3A_105 {offsets = [10], sizes = [1], strides = [1]} : vector<16xf32> to vector<1xf32>
    %squeeze3A_934 = vector.extract %slice3A_933[0] : f32 from vector<1xf32>
    %mul3A_935 = vector.broadcast %squeeze3A_934 : f32 to vector<16xf32>
    %mul3A_936 = arith.mulf %gather3A_932, %mul3A_935 : vector<16xf32>
    %add3A_937 = arith.addf %add3A_923, %mul3A_936 : vector<16xf32>
    %slice3A_938 = vector.extract_strided_slice %get3A_113 {offsets = [10], sizes = [1], strides = [1]} : vector<16xf32> to vector<1xf32>
    %squeeze3A_939 = vector.extract %slice3A_938[0] : f32 from vector<1xf32>
    %mul3A_940 = vector.broadcast %squeeze3A_939 : f32 to vector<16xf32>
    %mul3A_941 = arith.mulf %gather3A_932, %mul3A_940 : vector<16xf32>
    %add3A_942 = arith.addf %add3A_928, %mul3A_941 : vector<16xf32>
    %add3A_943 = arith.constant 59 : i32
    %add3A_944 = vector.broadcast %add3A_943 : i32 to vector<16xi32>
    %add3A_945 = arith.addi %mul3A_116, %add3A_944 : vector<16xi32>
    %gather3A_946 = tpu.vector_load_idx %arg10[%add3A_945] : memref<2048xf32, #tpu.memory_space<vmem>>[vector<16xi32>], vector<16xf32>,
    %slice3A_947 = vector.extract_strided_slice %get3A_105 {offsets = [11], sizes = [1], strides = [1]} : vector<16xf32> to vector<1xf32>
    %squeeze3A_948 = vector.extract %slice3A_947[0] : f32 from vector<1xf32>
    %mul3A_949 = vector.broadcast %squeeze3A_948 : f32 to vector<16xf32>
    %mul3A_950 = arith.mulf %gather3A_946, %mul3A_949 : vector<16xf32>
    %add3A_951 = arith.addf %add3A_937, %mul3A_950 : vector<16xf32>
    %slice3A_952 = vector.extract_strided_slice %get3A_113 {offsets = [11], sizes = [1], strides = [1]} : vector<16xf32> to vector<1xf32>
    %squeeze3A_953 = vector.extract %slice3A_952[0] : f32 from vector<1xf32>
    %mul3A_954 = vector.broadcast %squeeze3A_953 : f32 to vector<16xf32>
    %mul3A_955 = arith.mulf %gather3A_946, %mul3A_954 : vector<16xf32>
    %add3A_956 = arith.addf %add3A_942, %mul3A_955 : vector<16xf32>
    %add3A_957 = arith.constant 60 : i32
    %add3A_958 = vector.broadcast %add3A_957 : i32 to vector<16xi32>
    %add3A_959 = arith.addi %mul3A_116, %add3A_958 : vector<16xi32>
    %gather3A_960 = tpu.vector_load_idx %arg10[%add3A_959] : memref<2048xf32, #tpu.memory_space<vmem>>[vector<16xi32>], vector<16xf32>,
    %slice3A_961 = vector.extract_strided_slice %get3A_105 {offsets = [12], sizes = [1], strides = [1]} : vector<16xf32> to vector<1xf32>
    %squeeze3A_962 = vector.extract %slice3A_961[0] : f32 from vector<1xf32>
    %mul3A_963 = vector.broadcast %squeeze3A_962 : f32 to vector<16xf32>
    %mul3A_964 = arith.mulf %gather3A_960, %mul3A_963 : vector<16xf32>
    %add3A_965 = arith.addf %add3A_951, %mul3A_964 : vector<16xf32>
    %slice3A_966 = vector.extract_strided_slice %get3A_113 {offsets = [12], sizes = [1], strides = [1]} : vector<16xf32> to vector<1xf32>
    %squeeze3A_967 = vector.extract %slice3A_966[0] : f32 from vector<1xf32>
    %mul3A_968 = vector.broadcast %squeeze3A_967 : f32 to vector<16xf32>
    %mul3A_969 = arith.mulf %gather3A_960, %mul3A_968 : vector<16xf32>
    %add3A_970 = arith.addf %add3A_956, %mul3A_969 : vector<16xf32>
    %add3A_971 = arith.constant 61 : i32
    %add3A_972 = vector.broadcast %add3A_971 : i32 to vector<16xi32>
    %add3A_973 = arith.addi %mul3A_116, %add3A_972 : vector<16xi32>
    %gather3A_974 = tpu.vector_load_idx %arg10[%add3A_973] : memref<2048xf32, #tpu.memory_space<vmem>>[vector<16xi32>], vector<16xf32>,
    %slice3A_975 = vector.extract_strided_slice %get3A_105 {offsets = [13], sizes = [1], strides = [1]} : vector<16xf32> to vector<1xf32>
    %squeeze3A_976 = vector.extract %slice3A_975[0] : f32 from vector<1xf32>
    %mul3A_977 = vector.broadcast %squeeze3A_976 : f32 to vector<16xf32>
    %mul3A_978 = arith.mulf %gather3A_974, %mul3A_977 : vector<16xf32>
    %add3A_979 = arith.addf %add3A_965, %mul3A_978 : vector<16xf32>
    %slice3A_980 = vector.extract_strided_slice %get3A_113 {offsets = [13], sizes = [1], strides = [1]} : vector<16xf32> to vector<1xf32>
    %squeeze3A_981 = vector.extract %slice3A_980[0] : f32 from vector<1xf32>
    %mul3A_982 = vector.broadcast %squeeze3A_981 : f32 to vector<16xf32>
    %mul3A_983 = arith.mulf %gather3A_974, %mul3A_982 : vector<16xf32>
    %add3A_984 = arith.addf %add3A_970, %mul3A_983 : vector<16xf32>
    %add3A_985 = arith.constant 62 : i32
    %add3A_986 = vector.broadcast %add3A_985 : i32 to vector<16xi32>
    %add3A_987 = arith.addi %mul3A_116, %add3A_986 : vector<16xi32>
    %gather3A_988 = tpu.vector_load_idx %arg10[%add3A_987] : memref<2048xf32, #tpu.memory_space<vmem>>[vector<16xi32>], vector<16xf32>,
    %slice3A_989 = vector.extract_strided_slice %get3A_105 {offsets = [14], sizes = [1], strides = [1]} : vector<16xf32> to vector<1xf32>
    %squeeze3A_990 = vector.extract %slice3A_989[0] : f32 from vector<1xf32>
    %mul3A_991 = vector.broadcast %squeeze3A_990 : f32 to vector<16xf32>
    %mul3A_992 = arith.mulf %gather3A_988, %mul3A_991 : vector<16xf32>
    %add3A_993 = arith.addf %add3A_979, %mul3A_992 : vector<16xf32>
    %slice3A_994 = vector.extract_strided_slice %get3A_113 {offsets = [14], sizes = [1], strides = [1]} : vector<16xf32> to vector<1xf32>
    %squeeze3A_995 = vector.extract %slice3A_994[0] : f32 from vector<1xf32>
    %mul3A_996 = vector.broadcast %squeeze3A_995 : f32 to vector<16xf32>
    %mul3A_997 = arith.mulf %gather3A_988, %mul3A_996 : vector<16xf32>
    %add3A_998 = arith.addf %add3A_984, %mul3A_997 : vector<16xf32>
    %add3A_999 = arith.constant 63 : i32
    %add3A_1000 = vector.broadcast %add3A_999 : i32 to vector<16xi32>
    %add3A_1001 = arith.addi %mul3A_116, %add3A_1000 : vector<16xi32>
    %gather3A_1002 = tpu.vector_load_idx %arg10[%add3A_1001] : memref<2048xf32, #tpu.memory_space<vmem>>[vector<16xi32>], vector<16xf32>,
    %slice3A_1003 = vector.extract_strided_slice %get3A_105 {offsets = [15], sizes = [1], strides = [1]} : vector<16xf32> to vector<1xf32>
    %squeeze3A_1004 = vector.extract %slice3A_1003[0] : f32 from vector<1xf32>
    %mul3A_1005 = vector.broadcast %squeeze3A_1004 : f32 to vector<16xf32>
    %mul3A_1006 = arith.mulf %gather3A_1002, %mul3A_1005 : vector<16xf32>
    %add3A_1007 = arith.addf %add3A_993, %mul3A_1006 : vector<16xf32>
    %slice3A_1008 = vector.extract_strided_slice %get3A_113 {offsets = [15], sizes = [1], strides = [1]} : vector<16xf32> to vector<1xf32>
    %squeeze3A_1009 = vector.extract %slice3A_1008[0] : f32 from vector<1xf32>
    %mul3A_1010 = vector.broadcast %squeeze3A_1009 : f32 to vector<16xf32>
    %mul3A_1011 = arith.mulf %gather3A_1002, %mul3A_1010 : vector<16xf32>
    %add3A_1012 = arith.addf %add3A_998, %mul3A_1011 : vector<16xf32>
    %neg3A = arith.constant 0.000000e+00 : f32
    %neg3A_1013 = vector.broadcast %neg3A : f32 to vector<16xf32>
    %neg3A_1014 = arith.subf %neg3A_1013, %add3A_1007 : vector<16xf32>
    %exp3A = math.exp %neg3A_1014 : vector<16xf32>
    %add3A_1015 = arith.constant 1.000000e+00 : f32
    %add3A_1016 = vector.broadcast %add3A_1015 : f32 to vector<16xf32>
    %add3A_1017 = arith.addf %add3A_1016, %exp3A : vector<16xf32>
    %div3A = arith.constant 1.000000e+00 : f32
    %div3A_1018 = vector.broadcast %div3A : f32 to vector<16xf32>
    %div3A_1019 = arith.divf %div3A_1018, %add3A_1017 : vector<16xf32>
    %neg3A_1020 = arith.constant 0.000000e+00 : f32
    %neg3A_1021 = vector.broadcast %neg3A_1020 : f32 to vector<16xf32>
    %neg3A_1022 = arith.subf %neg3A_1021, %add3A_1012 : vector<16xf32>
    %exp3A_1023 = math.exp %neg3A_1022 : vector<16xf32>
    %add3A_1024 = arith.constant 1.000000e+00 : f32
    %add3A_1025 = vector.broadcast %add3A_1024 : f32 to vector<16xf32>
    %add3A_1026 = arith.addf %add3A_1025, %exp3A_1023 : vector<16xf32>
    %div3A_1027 = arith.constant 1.000000e+00 : f32
    %div3A_1028 = vector.broadcast %div3A_1027 : f32 to vector<16xf32>
    %div3A_1029 = arith.divf %div3A_1028, %add3A_1026 : vector<16xf32>
    %add3A_1030 = arith.constant 0 : i32
    %add3A_1031 = vector.broadcast %add3A_1030 : i32 to vector<16xi32>
    %add3A_1032 = arith.addi %add3A_1031, %iota3A : vector<16xi32>
    %broadcast_in_dim3A_1033 = arith.constant 0 : i32
    %broadcast_in_dim3A_1034 = vector.broadcast %broadcast_in_dim3A_1033 : i32 to vector<16xi32>
    tpu.vector_store_idx %arg13[%add3A_1032, %broadcast_in_dim3A_1034], %div3A_1019 : memref<32x2xf32, #tpu.memory_space<vmem>>[vector<16xi32>, vector<16xi32>], vector<16xf32>,
    %broadcast_in_dim3A_1035 = arith.constant 1 : i32
    %broadcast_in_dim3A_1036 = vector.broadcast %broadcast_in_dim3A_1035 : i32 to vector<16xi32>
    tpu.vector_store_idx %arg13[%add3A_1032, %broadcast_in_dim3A_1036], %div3A_1029 : memref<32x2xf32, #tpu.memory_space<vmem>>[vector<16xi32>, vector<16xi32>], vector<16xf32>,
    %broadcast_in_dim3A_1037 = vector.broadcast %squeeze3A : f32 to vector<16xf32>
    %broadcast_in_dim3A_1038 = vector.broadcast %squeeze3A_97 : f32 to vector<16xf32>
    %add3A_1039 = arith.constant 1024 : i32
    %add3A_1040 = vector.broadcast %add3A_1039 : i32 to vector<16xi32>
    %add3A_1041 = arith.addi %mul3A_116, %add3A_1040 : vector<16xi32>
    %gather3A_1042 = tpu.vector_load_idx %arg10[%add3A_1041] : memref<2048xf32, #tpu.memory_space<vmem>>[vector<16xi32>], vector<16xf32>,
    %slice3A_1043 = vector.extract_strided_slice %get3A_99 {offsets = [0], sizes = [1], strides = [1]} : vector<16xf32> to vector<1xf32>
    %squeeze3A_1044 = vector.extract %slice3A_1043[0] : f32 from vector<1xf32>
    %mul3A_1045 = vector.broadcast %squeeze3A_1044 : f32 to vector<16xf32>
    %mul3A_1046 = arith.mulf %gather3A_1042, %mul3A_1045 : vector<16xf32>
    %add3A_1047 = arith.addf %broadcast_in_dim3A_1037, %mul3A_1046 : vector<16xf32>
    %slice3A_1048 = vector.extract_strided_slice %get3A_107 {offsets = [0], sizes = [1], strides = [1]} : vector<16xf32> to vector<1xf32>
    %squeeze3A_1049 = vector.extract %slice3A_1048[0] : f32 from vector<1xf32>
    %mul3A_1050 = vector.broadcast %squeeze3A_1049 : f32 to vector<16xf32>
    %mul3A_1051 = arith.mulf %gather3A_1042, %mul3A_1050 : vector<16xf32>
    %add3A_1052 = arith.addf %broadcast_in_dim3A_1038, %mul3A_1051 : vector<16xf32>
    %add3A_1053 = arith.constant 1025 : i32
    %add3A_1054 = vector.broadcast %add3A_1053 : i32 to vector<16xi32>
    %add3A_1055 = arith.addi %mul3A_116, %add3A_1054 : vector<16xi32>
    %gather3A_1056 = tpu.vector_load_idx %arg10[%add3A_1055] : memref<2048xf32, #tpu.memory_space<vmem>>[vector<16xi32>], vector<16xf32>,
    %slice3A_1057 = vector.extract_strided_slice %get3A_99 {offsets = [1], sizes = [1], strides = [1]} : vector<16xf32> to vector<1xf32>
    %squeeze3A_1058 = vector.extract %slice3A_1057[0] : f32 from vector<1xf32>
    %mul3A_1059 = vector.broadcast %squeeze3A_1058 : f32 to vector<16xf32>
    %mul3A_1060 = arith.mulf %gather3A_1056, %mul3A_1059 : vector<16xf32>
    %add3A_1061 = arith.addf %add3A_1047, %mul3A_1060 : vector<16xf32>
    %slice3A_1062 = vector.extract_strided_slice %get3A_107 {offsets = [1], sizes = [1], strides = [1]} : vector<16xf32> to vector<1xf32>
    %squeeze3A_1063 = vector.extract %slice3A_1062[0] : f32 from vector<1xf32>
    %mul3A_1064 = vector.broadcast %squeeze3A_1063 : f32 to vector<16xf32>
    %mul3A_1065 = arith.mulf %gather3A_1056, %mul3A_1064 : vector<16xf32>
    %add3A_1066 = arith.addf %add3A_1052, %mul3A_1065 : vector<16xf32>
    %add3A_1067 = arith.constant 1026 : i32
    %add3A_1068 = vector.broadcast %add3A_1067 : i32 to vector<16xi32>
    %add3A_1069 = arith.addi %mul3A_116, %add3A_1068 : vector<16xi32>
    %gather3A_1070 = tpu.vector_load_idx %arg10[%add3A_1069] : memref<2048xf32, #tpu.memory_space<vmem>>[vector<16xi32>], vector<16xf32>,
    %slice3A_1071 = vector.extract_strided_slice %get3A_99 {offsets = [2], sizes = [1], strides = [1]} : vector<16xf32> to vector<1xf32>
    %squeeze3A_1072 = vector.extract %slice3A_1071[0] : f32 from vector<1xf32>
    %mul3A_1073 = vector.broadcast %squeeze3A_1072 : f32 to vector<16xf32>
    %mul3A_1074 = arith.mulf %gather3A_1070, %mul3A_1073 : vector<16xf32>
    %add3A_1075 = arith.addf %add3A_1061, %mul3A_1074 : vector<16xf32>
    %slice3A_1076 = vector.extract_strided_slice %get3A_107 {offsets = [2], sizes = [1], strides = [1]} : vector<16xf32> to vector<1xf32>
    %squeeze3A_1077 = vector.extract %slice3A_1076[0] : f32 from vector<1xf32>
    %mul3A_1078 = vector.broadcast %squeeze3A_1077 : f32 to vector<16xf32>
    %mul3A_1079 = arith.mulf %gather3A_1070, %mul3A_1078 : vector<16xf32>
    %add3A_1080 = arith.addf %add3A_1066, %mul3A_1079 : vector<16xf32>
    %add3A_1081 = arith.constant 1027 : i32
    %add3A_1082 = vector.broadcast %add3A_1081 : i32 to vector<16xi32>
    %add3A_1083 = arith.addi %mul3A_116, %add3A_1082 : vector<16xi32>
    %gather3A_1084 = tpu.vector_load_idx %arg10[%add3A_1083] : memref<2048xf32, #tpu.memory_space<vmem>>[vector<16xi32>], vector<16xf32>,
    %slice3A_1085 = vector.extract_strided_slice %get3A_99 {offsets = [3], sizes = [1], strides = [1]} : vector<16xf32> to vector<1xf32>
    %squeeze3A_1086 = vector.extract %slice3A_1085[0] : f32 from vector<1xf32>
    %mul3A_1087 = vector.broadcast %squeeze3A_1086 : f32 to vector<16xf32>
    %mul3A_1088 = arith.mulf %gather3A_1084, %mul3A_1087 : vector<16xf32>
    %add3A_1089 = arith.addf %add3A_1075, %mul3A_1088 : vector<16xf32>
    %slice3A_1090 = vector.extract_strided_slice %get3A_107 {offsets = [3], sizes = [1], strides = [1]} : vector<16xf32> to vector<1xf32>
    %squeeze3A_1091 = vector.extract %slice3A_1090[0] : f32 from vector<1xf32>
    %mul3A_1092 = vector.broadcast %squeeze3A_1091 : f32 to vector<16xf32>
    %mul3A_1093 = arith.mulf %gather3A_1084, %mul3A_1092 : vector<16xf32>
    %add3A_1094 = arith.addf %add3A_1080, %mul3A_1093 : vector<16xf32>
    %add3A_1095 = arith.constant 1028 : i32
    %add3A_1096 = vector.broadcast %add3A_1095 : i32 to vector<16xi32>
    %add3A_1097 = arith.addi %mul3A_116, %add3A_1096 : vector<16xi32>
    %gather3A_1098 = tpu.vector_load_idx %arg10[%add3A_1097] : memref<2048xf32, #tpu.memory_space<vmem>>[vector<16xi32>], vector<16xf32>,
    %slice3A_1099 = vector.extract_strided_slice %get3A_99 {offsets = [4], sizes = [1], strides = [1]} : vector<16xf32> to vector<1xf32>
    %squeeze3A_1100 = vector.extract %slice3A_1099[0] : f32 from vector<1xf32>
    %mul3A_1101 = vector.broadcast %squeeze3A_1100 : f32 to vector<16xf32>
    %mul3A_1102 = arith.mulf %gather3A_1098, %mul3A_1101 : vector<16xf32>
    %add3A_1103 = arith.addf %add3A_1089, %mul3A_1102 : vector<16xf32>
    %slice3A_1104 = vector.extract_strided_slice %get3A_107 {offsets = [4], sizes = [1], strides = [1]} : vector<16xf32> to vector<1xf32>
    %squeeze3A_1105 = vector.extract %slice3A_1104[0] : f32 from vector<1xf32>
    %mul3A_1106 = vector.broadcast %squeeze3A_1105 : f32 to vector<16xf32>
    %mul3A_1107 = arith.mulf %gather3A_1098, %mul3A_1106 : vector<16xf32>
    %add3A_1108 = arith.addf %add3A_1094, %mul3A_1107 : vector<16xf32>
    %add3A_1109 = arith.constant 1029 : i32
    %add3A_1110 = vector.broadcast %add3A_1109 : i32 to vector<16xi32>
    %add3A_1111 = arith.addi %mul3A_116, %add3A_1110 : vector<16xi32>
    %gather3A_1112 = tpu.vector_load_idx %arg10[%add3A_1111] : memref<2048xf32, #tpu.memory_space<vmem>>[vector<16xi32>], vector<16xf32>,
    %slice3A_1113 = vector.extract_strided_slice %get3A_99 {offsets = [5], sizes = [1], strides = [1]} : vector<16xf32> to vector<1xf32>
    %squeeze3A_1114 = vector.extract %slice3A_1113[0] : f32 from vector<1xf32>
    %mul3A_1115 = vector.broadcast %squeeze3A_1114 : f32 to vector<16xf32>
    %mul3A_1116 = arith.mulf %gather3A_1112, %mul3A_1115 : vector<16xf32>
    %add3A_1117 = arith.addf %add3A_1103, %mul3A_1116 : vector<16xf32>
    %slice3A_1118 = vector.extract_strided_slice %get3A_107 {offsets = [5], sizes = [1], strides = [1]} : vector<16xf32> to vector<1xf32>
    %squeeze3A_1119 = vector.extract %slice3A_1118[0] : f32 from vector<1xf32>
    %mul3A_1120 = vector.broadcast %squeeze3A_1119 : f32 to vector<16xf32>
    %mul3A_1121 = arith.mulf %gather3A_1112, %mul3A_1120 : vector<16xf32>
    %add3A_1122 = arith.addf %add3A_1108, %mul3A_1121 : vector<16xf32>
    %add3A_1123 = arith.constant 1030 : i32
    %add3A_1124 = vector.broadcast %add3A_1123 : i32 to vector<16xi32>
    %add3A_1125 = arith.addi %mul3A_116, %add3A_1124 : vector<16xi32>
    %gather3A_1126 = tpu.vector_load_idx %arg10[%add3A_1125] : memref<2048xf32, #tpu.memory_space<vmem>>[vector<16xi32>], vector<16xf32>,
    %slice3A_1127 = vector.extract_strided_slice %get3A_99 {offsets = [6], sizes = [1], strides = [1]} : vector<16xf32> to vector<1xf32>
    %squeeze3A_1128 = vector.extract %slice3A_1127[0] : f32 from vector<1xf32>
    %mul3A_1129 = vector.broadcast %squeeze3A_1128 : f32 to vector<16xf32>
    %mul3A_1130 = arith.mulf %gather3A_1126, %mul3A_1129 : vector<16xf32>
    %add3A_1131 = arith.addf %add3A_1117, %mul3A_1130 : vector<16xf32>
    %slice3A_1132 = vector.extract_strided_slice %get3A_107 {offsets = [6], sizes = [1], strides = [1]} : vector<16xf32> to vector<1xf32>
    %squeeze3A_1133 = vector.extract %slice3A_1132[0] : f32 from vector<1xf32>
    %mul3A_1134 = vector.broadcast %squeeze3A_1133 : f32 to vector<16xf32>
    %mul3A_1135 = arith.mulf %gather3A_1126, %mul3A_1134 : vector<16xf32>
    %add3A_1136 = arith.addf %add3A_1122, %mul3A_1135 : vector<16xf32>
    %add3A_1137 = arith.constant 1031 : i32
    %add3A_1138 = vector.broadcast %add3A_1137 : i32 to vector<16xi32>
    %add3A_1139 = arith.addi %mul3A_116, %add3A_1138 : vector<16xi32>
    %gather3A_1140 = tpu.vector_load_idx %arg10[%add3A_1139] : memref<2048xf32, #tpu.memory_space<vmem>>[vector<16xi32>], vector<16xf32>,
    %slice3A_1141 = vector.extract_strided_slice %get3A_99 {offsets = [7], sizes = [1], strides = [1]} : vector<16xf32> to vector<1xf32>
    %squeeze3A_1142 = vector.extract %slice3A_1141[0] : f32 from vector<1xf32>
    %mul3A_1143 = vector.broadcast %squeeze3A_1142 : f32 to vector<16xf32>
    %mul3A_1144 = arith.mulf %gather3A_1140, %mul3A_1143 : vector<16xf32>
    %add3A_1145 = arith.addf %add3A_1131, %mul3A_1144 : vector<16xf32>
    %slice3A_1146 = vector.extract_strided_slice %get3A_107 {offsets = [7], sizes = [1], strides = [1]} : vector<16xf32> to vector<1xf32>
    %squeeze3A_1147 = vector.extract %slice3A_1146[0] : f32 from vector<1xf32>
    %mul3A_1148 = vector.broadcast %squeeze3A_1147 : f32 to vector<16xf32>
    %mul3A_1149 = arith.mulf %gather3A_1140, %mul3A_1148 : vector<16xf32>
    %add3A_1150 = arith.addf %add3A_1136, %mul3A_1149 : vector<16xf32>
    %add3A_1151 = arith.constant 1032 : i32
    %add3A_1152 = vector.broadcast %add3A_1151 : i32 to vector<16xi32>
    %add3A_1153 = arith.addi %mul3A_116, %add3A_1152 : vector<16xi32>
    %gather3A_1154 = tpu.vector_load_idx %arg10[%add3A_1153] : memref<2048xf32, #tpu.memory_space<vmem>>[vector<16xi32>], vector<16xf32>,
    %slice3A_1155 = vector.extract_strided_slice %get3A_99 {offsets = [8], sizes = [1], strides = [1]} : vector<16xf32> to vector<1xf32>
    %squeeze3A_1156 = vector.extract %slice3A_1155[0] : f32 from vector<1xf32>
    %mul3A_1157 = vector.broadcast %squeeze3A_1156 : f32 to vector<16xf32>
    %mul3A_1158 = arith.mulf %gather3A_1154, %mul3A_1157 : vector<16xf32>
    %add3A_1159 = arith.addf %add3A_1145, %mul3A_1158 : vector<16xf32>
    %slice3A_1160 = vector.extract_strided_slice %get3A_107 {offsets = [8], sizes = [1], strides = [1]} : vector<16xf32> to vector<1xf32>
    %squeeze3A_1161 = vector.extract %slice3A_1160[0] : f32 from vector<1xf32>
    %mul3A_1162 = vector.broadcast %squeeze3A_1161 : f32 to vector<16xf32>
    %mul3A_1163 = arith.mulf %gather3A_1154, %mul3A_1162 : vector<16xf32>
    %add3A_1164 = arith.addf %add3A_1150, %mul3A_1163 : vector<16xf32>
    %add3A_1165 = arith.constant 1033 : i32
    %add3A_1166 = vector.broadcast %add3A_1165 : i32 to vector<16xi32>
    %add3A_1167 = arith.addi %mul3A_116, %add3A_1166 : vector<16xi32>
    %gather3A_1168 = tpu.vector_load_idx %arg10[%add3A_1167] : memref<2048xf32, #tpu.memory_space<vmem>>[vector<16xi32>], vector<16xf32>,
    %slice3A_1169 = vector.extract_strided_slice %get3A_99 {offsets = [9], sizes = [1], strides = [1]} : vector<16xf32> to vector<1xf32>
    %squeeze3A_1170 = vector.extract %slice3A_1169[0] : f32 from vector<1xf32>
    %mul3A_1171 = vector.broadcast %squeeze3A_1170 : f32 to vector<16xf32>
    %mul3A_1172 = arith.mulf %gather3A_1168, %mul3A_1171 : vector<16xf32>
    %add3A_1173 = arith.addf %add3A_1159, %mul3A_1172 : vector<16xf32>
    %slice3A_1174 = vector.extract_strided_slice %get3A_107 {offsets = [9], sizes = [1], strides = [1]} : vector<16xf32> to vector<1xf32>
    %squeeze3A_1175 = vector.extract %slice3A_1174[0] : f32 from vector<1xf32>
    %mul3A_1176 = vector.broadcast %squeeze3A_1175 : f32 to vector<16xf32>
    %mul3A_1177 = arith.mulf %gather3A_1168, %mul3A_1176 : vector<16xf32>
    %add3A_1178 = arith.addf %add3A_1164, %mul3A_1177 : vector<16xf32>
    %add3A_1179 = arith.constant 1034 : i32
    %add3A_1180 = vector.broadcast %add3A_1179 : i32 to vector<16xi32>
    %add3A_1181 = arith.addi %mul3A_116, %add3A_1180 : vector<16xi32>
    %gather3A_1182 = tpu.vector_load_idx %arg10[%add3A_1181] : memref<2048xf32, #tpu.memory_space<vmem>>[vector<16xi32>], vector<16xf32>,
    %slice3A_1183 = vector.extract_strided_slice %get3A_99 {offsets = [10], sizes = [1], strides = [1]} : vector<16xf32> to vector<1xf32>
    %squeeze3A_1184 = vector.extract %slice3A_1183[0] : f32 from vector<1xf32>
    %mul3A_1185 = vector.broadcast %squeeze3A_1184 : f32 to vector<16xf32>
    %mul3A_1186 = arith.mulf %gather3A_1182, %mul3A_1185 : vector<16xf32>
    %add3A_1187 = arith.addf %add3A_1173, %mul3A_1186 : vector<16xf32>
    %slice3A_1188 = vector.extract_strided_slice %get3A_107 {offsets = [10], sizes = [1], strides = [1]} : vector<16xf32> to vector<1xf32>
    %squeeze3A_1189 = vector.extract %slice3A_1188[0] : f32 from vector<1xf32>
    %mul3A_1190 = vector.broadcast %squeeze3A_1189 : f32 to vector<16xf32>
    %mul3A_1191 = arith.mulf %gather3A_1182, %mul3A_1190 : vector<16xf32>
    %add3A_1192 = arith.addf %add3A_1178, %mul3A_1191 : vector<16xf32>
    %add3A_1193 = arith.constant 1035 : i32
    %add3A_1194 = vector.broadcast %add3A_1193 : i32 to vector<16xi32>
    %add3A_1195 = arith.addi %mul3A_116, %add3A_1194 : vector<16xi32>
    %gather3A_1196 = tpu.vector_load_idx %arg10[%add3A_1195] : memref<2048xf32, #tpu.memory_space<vmem>>[vector<16xi32>], vector<16xf32>,
    %slice3A_1197 = vector.extract_strided_slice %get3A_99 {offsets = [11], sizes = [1], strides = [1]} : vector<16xf32> to vector<1xf32>
    %squeeze3A_1198 = vector.extract %slice3A_1197[0] : f32 from vector<1xf32>
    %mul3A_1199 = vector.broadcast %squeeze3A_1198 : f32 to vector<16xf32>
    %mul3A_1200 = arith.mulf %gather3A_1196, %mul3A_1199 : vector<16xf32>
    %add3A_1201 = arith.addf %add3A_1187, %mul3A_1200 : vector<16xf32>
    %slice3A_1202 = vector.extract_strided_slice %get3A_107 {offsets = [11], sizes = [1], strides = [1]} : vector<16xf32> to vector<1xf32>
    %squeeze3A_1203 = vector.extract %slice3A_1202[0] : f32 from vector<1xf32>
    %mul3A_1204 = vector.broadcast %squeeze3A_1203 : f32 to vector<16xf32>
    %mul3A_1205 = arith.mulf %gather3A_1196, %mul3A_1204 : vector<16xf32>
    %add3A_1206 = arith.addf %add3A_1192, %mul3A_1205 : vector<16xf32>
    %add3A_1207 = arith.constant 1036 : i32
    %add3A_1208 = vector.broadcast %add3A_1207 : i32 to vector<16xi32>
    %add3A_1209 = arith.addi %mul3A_116, %add3A_1208 : vector<16xi32>
    %gather3A_1210 = tpu.vector_load_idx %arg10[%add3A_1209] : memref<2048xf32, #tpu.memory_space<vmem>>[vector<16xi32>], vector<16xf32>,
    %slice3A_1211 = vector.extract_strided_slice %get3A_99 {offsets = [12], sizes = [1], strides = [1]} : vector<16xf32> to vector<1xf32>
    %squeeze3A_1212 = vector.extract %slice3A_1211[0] : f32 from vector<1xf32>
    %mul3A_1213 = vector.broadcast %squeeze3A_1212 : f32 to vector<16xf32>
    %mul3A_1214 = arith.mulf %gather3A_1210, %mul3A_1213 : vector<16xf32>
    %add3A_1215 = arith.addf %add3A_1201, %mul3A_1214 : vector<16xf32>
    %slice3A_1216 = vector.extract_strided_slice %get3A_107 {offsets = [12], sizes = [1], strides = [1]} : vector<16xf32> to vector<1xf32>
    %squeeze3A_1217 = vector.extract %slice3A_1216[0] : f32 from vector<1xf32>
    %mul3A_1218 = vector.broadcast %squeeze3A_1217 : f32 to vector<16xf32>
    %mul3A_1219 = arith.mulf %gather3A_1210, %mul3A_1218 : vector<16xf32>
    %add3A_1220 = arith.addf %add3A_1206, %mul3A_1219 : vector<16xf32>
    %add3A_1221 = arith.constant 1037 : i32
    %add3A_1222 = vector.broadcast %add3A_1221 : i32 to vector<16xi32>
    %add3A_1223 = arith.addi %mul3A_116, %add3A_1222 : vector<16xi32>
    %gather3A_1224 = tpu.vector_load_idx %arg10[%add3A_1223] : memref<2048xf32, #tpu.memory_space<vmem>>[vector<16xi32>], vector<16xf32>,
    %slice3A_1225 = vector.extract_strided_slice %get3A_99 {offsets = [13], sizes = [1], strides = [1]} : vector<16xf32> to vector<1xf32>
    %squeeze3A_1226 = vector.extract %slice3A_1225[0] : f32 from vector<1xf32>
    %mul3A_1227 = vector.broadcast %squeeze3A_1226 : f32 to vector<16xf32>
    %mul3A_1228 = arith.mulf %gather3A_1224, %mul3A_1227 : vector<16xf32>
    %add3A_1229 = arith.addf %add3A_1215, %mul3A_1228 : vector<16xf32>
    %slice3A_1230 = vector.extract_strided_slice %get3A_107 {offsets = [13], sizes = [1], strides = [1]} : vector<16xf32> to vector<1xf32>
    %squeeze3A_1231 = vector.extract %slice3A_1230[0] : f32 from vector<1xf32>
    %mul3A_1232 = vector.broadcast %squeeze3A_1231 : f32 to vector<16xf32>
    %mul3A_1233 = arith.mulf %gather3A_1224, %mul3A_1232 : vector<16xf32>
    %add3A_1234 = arith.addf %add3A_1220, %mul3A_1233 : vector<16xf32>
    %add3A_1235 = arith.constant 1038 : i32
    %add3A_1236 = vector.broadcast %add3A_1235 : i32 to vector<16xi32>
    %add3A_1237 = arith.addi %mul3A_116, %add3A_1236 : vector<16xi32>
    %gather3A_1238 = tpu.vector_load_idx %arg10[%add3A_1237] : memref<2048xf32, #tpu.memory_space<vmem>>[vector<16xi32>], vector<16xf32>,
    %slice3A_1239 = vector.extract_strided_slice %get3A_99 {offsets = [14], sizes = [1], strides = [1]} : vector<16xf32> to vector<1xf32>
    %squeeze3A_1240 = vector.extract %slice3A_1239[0] : f32 from vector<1xf32>
    %mul3A_1241 = vector.broadcast %squeeze3A_1240 : f32 to vector<16xf32>
    %mul3A_1242 = arith.mulf %gather3A_1238, %mul3A_1241 : vector<16xf32>
    %add3A_1243 = arith.addf %add3A_1229, %mul3A_1242 : vector<16xf32>
    %slice3A_1244 = vector.extract_strided_slice %get3A_107 {offsets = [14], sizes = [1], strides = [1]} : vector<16xf32> to vector<1xf32>
    %squeeze3A_1245 = vector.extract %slice3A_1244[0] : f32 from vector<1xf32>
    %mul3A_1246 = vector.broadcast %squeeze3A_1245 : f32 to vector<16xf32>
    %mul3A_1247 = arith.mulf %gather3A_1238, %mul3A_1246 : vector<16xf32>
    %add3A_1248 = arith.addf %add3A_1234, %mul3A_1247 : vector<16xf32>
    %add3A_1249 = arith.constant 1039 : i32
    %add3A_1250 = vector.broadcast %add3A_1249 : i32 to vector<16xi32>
    %add3A_1251 = arith.addi %mul3A_116, %add3A_1250 : vector<16xi32>
    %gather3A_1252 = tpu.vector_load_idx %arg10[%add3A_1251] : memref<2048xf32, #tpu.memory_space<vmem>>[vector<16xi32>], vector<16xf32>,
    %slice3A_1253 = vector.extract_strided_slice %get3A_99 {offsets = [15], sizes = [1], strides = [1]} : vector<16xf32> to vector<1xf32>
    %squeeze3A_1254 = vector.extract %slice3A_1253[0] : f32 from vector<1xf32>
    %mul3A_1255 = vector.broadcast %squeeze3A_1254 : f32 to vector<16xf32>
    %mul3A_1256 = arith.mulf %gather3A_1252, %mul3A_1255 : vector<16xf32>
    %add3A_1257 = arith.addf %add3A_1243, %mul3A_1256 : vector<16xf32>
    %slice3A_1258 = vector.extract_strided_slice %get3A_107 {offsets = [15], sizes = [1], strides = [1]} : vector<16xf32> to vector<1xf32>
    %squeeze3A_1259 = vector.extract %slice3A_1258[0] : f32 from vector<1xf32>
    %mul3A_1260 = vector.broadcast %squeeze3A_1259 : f32 to vector<16xf32>
    %mul3A_1261 = arith.mulf %gather3A_1252, %mul3A_1260 : vector<16xf32>
    %add3A_1262 = arith.addf %add3A_1248, %mul3A_1261 : vector<16xf32>
    %add3A_1263 = arith.constant 1040 : i32
    %add3A_1264 = vector.broadcast %add3A_1263 : i32 to vector<16xi32>
    %add3A_1265 = arith.addi %mul3A_116, %add3A_1264 : vector<16xi32>
    %gather3A_1266 = tpu.vector_load_idx %arg10[%add3A_1265] : memref<2048xf32, #tpu.memory_space<vmem>>[vector<16xi32>], vector<16xf32>,
    %slice3A_1267 = vector.extract_strided_slice %get3A_101 {offsets = [0], sizes = [1], strides = [1]} : vector<16xf32> to vector<1xf32>
    %squeeze3A_1268 = vector.extract %slice3A_1267[0] : f32 from vector<1xf32>
    %mul3A_1269 = vector.broadcast %squeeze3A_1268 : f32 to vector<16xf32>
    %mul3A_1270 = arith.mulf %gather3A_1266, %mul3A_1269 : vector<16xf32>
    %add3A_1271 = arith.addf %add3A_1257, %mul3A_1270 : vector<16xf32>
    %slice3A_1272 = vector.extract_strided_slice %get3A_109 {offsets = [0], sizes = [1], strides = [1]} : vector<16xf32> to vector<1xf32>
    %squeeze3A_1273 = vector.extract %slice3A_1272[0] : f32 from vector<1xf32>
    %mul3A_1274 = vector.broadcast %squeeze3A_1273 : f32 to vector<16xf32>
    %mul3A_1275 = arith.mulf %gather3A_1266, %mul3A_1274 : vector<16xf32>
    %add3A_1276 = arith.addf %add3A_1262, %mul3A_1275 : vector<16xf32>
    %add3A_1277 = arith.constant 1041 : i32
    %add3A_1278 = vector.broadcast %add3A_1277 : i32 to vector<16xi32>
    %add3A_1279 = arith.addi %mul3A_116, %add3A_1278 : vector<16xi32>
    %gather3A_1280 = tpu.vector_load_idx %arg10[%add3A_1279] : memref<2048xf32, #tpu.memory_space<vmem>>[vector<16xi32>], vector<16xf32>,
    %slice3A_1281 = vector.extract_strided_slice %get3A_101 {offsets = [1], sizes = [1], strides = [1]} : vector<16xf32> to vector<1xf32>
    %squeeze3A_1282 = vector.extract %slice3A_1281[0] : f32 from vector<1xf32>
    %mul3A_1283 = vector.broadcast %squeeze3A_1282 : f32 to vector<16xf32>
    %mul3A_1284 = arith.mulf %gather3A_1280, %mul3A_1283 : vector<16xf32>
    %add3A_1285 = arith.addf %add3A_1271, %mul3A_1284 : vector<16xf32>
    %slice3A_1286 = vector.extract_strided_slice %get3A_109 {offsets = [1], sizes = [1], strides = [1]} : vector<16xf32> to vector<1xf32>
    %squeeze3A_1287 = vector.extract %slice3A_1286[0] : f32 from vector<1xf32>
    %mul3A_1288 = vector.broadcast %squeeze3A_1287 : f32 to vector<16xf32>
    %mul3A_1289 = arith.mulf %gather3A_1280, %mul3A_1288 : vector<16xf32>
    %add3A_1290 = arith.addf %add3A_1276, %mul3A_1289 : vector<16xf32>
    %add3A_1291 = arith.constant 1042 : i32
    %add3A_1292 = vector.broadcast %add3A_1291 : i32 to vector<16xi32>
    %add3A_1293 = arith.addi %mul3A_116, %add3A_1292 : vector<16xi32>
    %gather3A_1294 = tpu.vector_load_idx %arg10[%add3A_1293] : memref<2048xf32, #tpu.memory_space<vmem>>[vector<16xi32>], vector<16xf32>,
    %slice3A_1295 = vector.extract_strided_slice %get3A_101 {offsets = [2], sizes = [1], strides = [1]} : vector<16xf32> to vector<1xf32>
    %squeeze3A_1296 = vector.extract %slice3A_1295[0] : f32 from vector<1xf32>
    %mul3A_1297 = vector.broadcast %squeeze3A_1296 : f32 to vector<16xf32>
    %mul3A_1298 = arith.mulf %gather3A_1294, %mul3A_1297 : vector<16xf32>
    %add3A_1299 = arith.addf %add3A_1285, %mul3A_1298 : vector<16xf32>
    %slice3A_1300 = vector.extract_strided_slice %get3A_109 {offsets = [2], sizes = [1], strides = [1]} : vector<16xf32> to vector<1xf32>
    %squeeze3A_1301 = vector.extract %slice3A_1300[0] : f32 from vector<1xf32>
    %mul3A_1302 = vector.broadcast %squeeze3A_1301 : f32 to vector<16xf32>
    %mul3A_1303 = arith.mulf %gather3A_1294, %mul3A_1302 : vector<16xf32>
    %add3A_1304 = arith.addf %add3A_1290, %mul3A_1303 : vector<16xf32>
    %add3A_1305 = arith.constant 1043 : i32
    %add3A_1306 = vector.broadcast %add3A_1305 : i32 to vector<16xi32>
    %add3A_1307 = arith.addi %mul3A_116, %add3A_1306 : vector<16xi32>
    %gather3A_1308 = tpu.vector_load_idx %arg10[%add3A_1307] : memref<2048xf32, #tpu.memory_space<vmem>>[vector<16xi32>], vector<16xf32>,
    %slice3A_1309 = vector.extract_strided_slice %get3A_101 {offsets = [3], sizes = [1], strides = [1]} : vector<16xf32> to vector<1xf32>
    %squeeze3A_1310 = vector.extract %slice3A_1309[0] : f32 from vector<1xf32>
    %mul3A_1311 = vector.broadcast %squeeze3A_1310 : f32 to vector<16xf32>
    %mul3A_1312 = arith.mulf %gather3A_1308, %mul3A_1311 : vector<16xf32>
    %add3A_1313 = arith.addf %add3A_1299, %mul3A_1312 : vector<16xf32>
    %slice3A_1314 = vector.extract_strided_slice %get3A_109 {offsets = [3], sizes = [1], strides = [1]} : vector<16xf32> to vector<1xf32>
    %squeeze3A_1315 = vector.extract %slice3A_1314[0] : f32 from vector<1xf32>
    %mul3A_1316 = vector.broadcast %squeeze3A_1315 : f32 to vector<16xf32>
    %mul3A_1317 = arith.mulf %gather3A_1308, %mul3A_1316 : vector<16xf32>
    %add3A_1318 = arith.addf %add3A_1304, %mul3A_1317 : vector<16xf32>
    %add3A_1319 = arith.constant 1044 : i32
    %add3A_1320 = vector.broadcast %add3A_1319 : i32 to vector<16xi32>
    %add3A_1321 = arith.addi %mul3A_116, %add3A_1320 : vector<16xi32>
    %gather3A_1322 = tpu.vector_load_idx %arg10[%add3A_1321] : memref<2048xf32, #tpu.memory_space<vmem>>[vector<16xi32>], vector<16xf32>,
    %slice3A_1323 = vector.extract_strided_slice %get3A_101 {offsets = [4], sizes = [1], strides = [1]} : vector<16xf32> to vector<1xf32>
    %squeeze3A_1324 = vector.extract %slice3A_1323[0] : f32 from vector<1xf32>
    %mul3A_1325 = vector.broadcast %squeeze3A_1324 : f32 to vector<16xf32>
    %mul3A_1326 = arith.mulf %gather3A_1322, %mul3A_1325 : vector<16xf32>
    %add3A_1327 = arith.addf %add3A_1313, %mul3A_1326 : vector<16xf32>
    %slice3A_1328 = vector.extract_strided_slice %get3A_109 {offsets = [4], sizes = [1], strides = [1]} : vector<16xf32> to vector<1xf32>
    %squeeze3A_1329 = vector.extract %slice3A_1328[0] : f32 from vector<1xf32>
    %mul3A_1330 = vector.broadcast %squeeze3A_1329 : f32 to vector<16xf32>
    %mul3A_1331 = arith.mulf %gather3A_1322, %mul3A_1330 : vector<16xf32>
    %add3A_1332 = arith.addf %add3A_1318, %mul3A_1331 : vector<16xf32>
    %add3A_1333 = arith.constant 1045 : i32
    %add3A_1334 = vector.broadcast %add3A_1333 : i32 to vector<16xi32>
    %add3A_1335 = arith.addi %mul3A_116, %add3A_1334 : vector<16xi32>
    %gather3A_1336 = tpu.vector_load_idx %arg10[%add3A_1335] : memref<2048xf32, #tpu.memory_space<vmem>>[vector<16xi32>], vector<16xf32>,
    %slice3A_1337 = vector.extract_strided_slice %get3A_101 {offsets = [5], sizes = [1], strides = [1]} : vector<16xf32> to vector<1xf32>
    %squeeze3A_1338 = vector.extract %slice3A_1337[0] : f32 from vector<1xf32>
    %mul3A_1339 = vector.broadcast %squeeze3A_1338 : f32 to vector<16xf32>
    %mul3A_1340 = arith.mulf %gather3A_1336, %mul3A_1339 : vector<16xf32>
    %add3A_1341 = arith.addf %add3A_1327, %mul3A_1340 : vector<16xf32>
    %slice3A_1342 = vector.extract_strided_slice %get3A_109 {offsets = [5], sizes = [1], strides = [1]} : vector<16xf32> to vector<1xf32>
    %squeeze3A_1343 = vector.extract %slice3A_1342[0] : f32 from vector<1xf32>
    %mul3A_1344 = vector.broadcast %squeeze3A_1343 : f32 to vector<16xf32>
    %mul3A_1345 = arith.mulf %gather3A_1336, %mul3A_1344 : vector<16xf32>
    %add3A_1346 = arith.addf %add3A_1332, %mul3A_1345 : vector<16xf32>
    %add3A_1347 = arith.constant 1046 : i32
    %add3A_1348 = vector.broadcast %add3A_1347 : i32 to vector<16xi32>
    %add3A_1349 = arith.addi %mul3A_116, %add3A_1348 : vector<16xi32>
    %gather3A_1350 = tpu.vector_load_idx %arg10[%add3A_1349] : memref<2048xf32, #tpu.memory_space<vmem>>[vector<16xi32>], vector<16xf32>,
    %slice3A_1351 = vector.extract_strided_slice %get3A_101 {offsets = [6], sizes = [1], strides = [1]} : vector<16xf32> to vector<1xf32>
    %squeeze3A_1352 = vector.extract %slice3A_1351[0] : f32 from vector<1xf32>
    %mul3A_1353 = vector.broadcast %squeeze3A_1352 : f32 to vector<16xf32>
    %mul3A_1354 = arith.mulf %gather3A_1350, %mul3A_1353 : vector<16xf32>
    %add3A_1355 = arith.addf %add3A_1341, %mul3A_1354 : vector<16xf32>
    %slice3A_1356 = vector.extract_strided_slice %get3A_109 {offsets = [6], sizes = [1], strides = [1]} : vector<16xf32> to vector<1xf32>
    %squeeze3A_1357 = vector.extract %slice3A_1356[0] : f32 from vector<1xf32>
    %mul3A_1358 = vector.broadcast %squeeze3A_1357 : f32 to vector<16xf32>
    %mul3A_1359 = arith.mulf %gather3A_1350, %mul3A_1358 : vector<16xf32>
    %add3A_1360 = arith.addf %add3A_1346, %mul3A_1359 : vector<16xf32>
    %add3A_1361 = arith.constant 1047 : i32
    %add3A_1362 = vector.broadcast %add3A_1361 : i32 to vector<16xi32>
    %add3A_1363 = arith.addi %mul3A_116, %add3A_1362 : vector<16xi32>
    %gather3A_1364 = tpu.vector_load_idx %arg10[%add3A_1363] : memref<2048xf32, #tpu.memory_space<vmem>>[vector<16xi32>], vector<16xf32>,
    %slice3A_1365 = vector.extract_strided_slice %get3A_101 {offsets = [7], sizes = [1], strides = [1]} : vector<16xf32> to vector<1xf32>
    %squeeze3A_1366 = vector.extract %slice3A_1365[0] : f32 from vector<1xf32>
    %mul3A_1367 = vector.broadcast %squeeze3A_1366 : f32 to vector<16xf32>
    %mul3A_1368 = arith.mulf %gather3A_1364, %mul3A_1367 : vector<16xf32>
    %add3A_1369 = arith.addf %add3A_1355, %mul3A_1368 : vector<16xf32>
    %slice3A_1370 = vector.extract_strided_slice %get3A_109 {offsets = [7], sizes = [1], strides = [1]} : vector<16xf32> to vector<1xf32>
    %squeeze3A_1371 = vector.extract %slice3A_1370[0] : f32 from vector<1xf32>
    %mul3A_1372 = vector.broadcast %squeeze3A_1371 : f32 to vector<16xf32>
    %mul3A_1373 = arith.mulf %gather3A_1364, %mul3A_1372 : vector<16xf32>
    %add3A_1374 = arith.addf %add3A_1360, %mul3A_1373 : vector<16xf32>
    %add3A_1375 = arith.constant 1048 : i32
    %add3A_1376 = vector.broadcast %add3A_1375 : i32 to vector<16xi32>
    %add3A_1377 = arith.addi %mul3A_116, %add3A_1376 : vector<16xi32>
    %gather3A_1378 = tpu.vector_load_idx %arg10[%add3A_1377] : memref<2048xf32, #tpu.memory_space<vmem>>[vector<16xi32>], vector<16xf32>,
    %slice3A_1379 = vector.extract_strided_slice %get3A_101 {offsets = [8], sizes = [1], strides = [1]} : vector<16xf32> to vector<1xf32>
    %squeeze3A_1380 = vector.extract %slice3A_1379[0] : f32 from vector<1xf32>
    %mul3A_1381 = vector.broadcast %squeeze3A_1380 : f32 to vector<16xf32>
    %mul3A_1382 = arith.mulf %gather3A_1378, %mul3A_1381 : vector<16xf32>
    %add3A_1383 = arith.addf %add3A_1369, %mul3A_1382 : vector<16xf32>
    %slice3A_1384 = vector.extract_strided_slice %get3A_109 {offsets = [8], sizes = [1], strides = [1]} : vector<16xf32> to vector<1xf32>
    %squeeze3A_1385 = vector.extract %slice3A_1384[0] : f32 from vector<1xf32>
    %mul3A_1386 = vector.broadcast %squeeze3A_1385 : f32 to vector<16xf32>
    %mul3A_1387 = arith.mulf %gather3A_1378, %mul3A_1386 : vector<16xf32>
    %add3A_1388 = arith.addf %add3A_1374, %mul3A_1387 : vector<16xf32>
    %add3A_1389 = arith.constant 1049 : i32
    %add3A_1390 = vector.broadcast %add3A_1389 : i32 to vector<16xi32>
    %add3A_1391 = arith.addi %mul3A_116, %add3A_1390 : vector<16xi32>
    %gather3A_1392 = tpu.vector_load_idx %arg10[%add3A_1391] : memref<2048xf32, #tpu.memory_space<vmem>>[vector<16xi32>], vector<16xf32>,
    %slice3A_1393 = vector.extract_strided_slice %get3A_101 {offsets = [9], sizes = [1], strides = [1]} : vector<16xf32> to vector<1xf32>
    %squeeze3A_1394 = vector.extract %slice3A_1393[0] : f32 from vector<1xf32>
    %mul3A_1395 = vector.broadcast %squeeze3A_1394 : f32 to vector<16xf32>
    %mul3A_1396 = arith.mulf %gather3A_1392, %mul3A_1395 : vector<16xf32>
    %add3A_1397 = arith.addf %add3A_1383, %mul3A_1396 : vector<16xf32>
    %slice3A_1398 = vector.extract_strided_slice %get3A_109 {offsets = [9], sizes = [1], strides = [1]} : vector<16xf32> to vector<1xf32>
    %squeeze3A_1399 = vector.extract %slice3A_1398[0] : f32 from vector<1xf32>
    %mul3A_1400 = vector.broadcast %squeeze3A_1399 : f32 to vector<16xf32>
    %mul3A_1401 = arith.mulf %gather3A_1392, %mul3A_1400 : vector<16xf32>
    %add3A_1402 = arith.addf %add3A_1388, %mul3A_1401 : vector<16xf32>
    %add3A_1403 = arith.constant 1050 : i32
    %add3A_1404 = vector.broadcast %add3A_1403 : i32 to vector<16xi32>
    %add3A_1405 = arith.addi %mul3A_116, %add3A_1404 : vector<16xi32>
    %gather3A_1406 = tpu.vector_load_idx %arg10[%add3A_1405] : memref<2048xf32, #tpu.memory_space<vmem>>[vector<16xi32>], vector<16xf32>,
    %slice3A_1407 = vector.extract_strided_slice %get3A_101 {offsets = [10], sizes = [1], strides = [1]} : vector<16xf32> to vector<1xf32>
    %squeeze3A_1408 = vector.extract %slice3A_1407[0] : f32 from vector<1xf32>
    %mul3A_1409 = vector.broadcast %squeeze3A_1408 : f32 to vector<16xf32>
    %mul3A_1410 = arith.mulf %gather3A_1406, %mul3A_1409 : vector<16xf32>
    %add3A_1411 = arith.addf %add3A_1397, %mul3A_1410 : vector<16xf32>
    %slice3A_1412 = vector.extract_strided_slice %get3A_109 {offsets = [10], sizes = [1], strides = [1]} : vector<16xf32> to vector<1xf32>
    %squeeze3A_1413 = vector.extract %slice3A_1412[0] : f32 from vector<1xf32>
    %mul3A_1414 = vector.broadcast %squeeze3A_1413 : f32 to vector<16xf32>
    %mul3A_1415 = arith.mulf %gather3A_1406, %mul3A_1414 : vector<16xf32>
    %add3A_1416 = arith.addf %add3A_1402, %mul3A_1415 : vector<16xf32>
    %add3A_1417 = arith.constant 1051 : i32
    %add3A_1418 = vector.broadcast %add3A_1417 : i32 to vector<16xi32>
    %add3A_1419 = arith.addi %mul3A_116, %add3A_1418 : vector<16xi32>
    %gather3A_1420 = tpu.vector_load_idx %arg10[%add3A_1419] : memref<2048xf32, #tpu.memory_space<vmem>>[vector<16xi32>], vector<16xf32>,
    %slice3A_1421 = vector.extract_strided_slice %get3A_101 {offsets = [11], sizes = [1], strides = [1]} : vector<16xf32> to vector<1xf32>
    %squeeze3A_1422 = vector.extract %slice3A_1421[0] : f32 from vector<1xf32>
    %mul3A_1423 = vector.broadcast %squeeze3A_1422 : f32 to vector<16xf32>
    %mul3A_1424 = arith.mulf %gather3A_1420, %mul3A_1423 : vector<16xf32>
    %add3A_1425 = arith.addf %add3A_1411, %mul3A_1424 : vector<16xf32>
    %slice3A_1426 = vector.extract_strided_slice %get3A_109 {offsets = [11], sizes = [1], strides = [1]} : vector<16xf32> to vector<1xf32>
    %squeeze3A_1427 = vector.extract %slice3A_1426[0] : f32 from vector<1xf32>
    %mul3A_1428 = vector.broadcast %squeeze3A_1427 : f32 to vector<16xf32>
    %mul3A_1429 = arith.mulf %gather3A_1420, %mul3A_1428 : vector<16xf32>
    %add3A_1430 = arith.addf %add3A_1416, %mul3A_1429 : vector<16xf32>
    %add3A_1431 = arith.constant 1052 : i32
    %add3A_1432 = vector.broadcast %add3A_1431 : i32 to vector<16xi32>
    %add3A_1433 = arith.addi %mul3A_116, %add3A_1432 : vector<16xi32>
    %gather3A_1434 = tpu.vector_load_idx %arg10[%add3A_1433] : memref<2048xf32, #tpu.memory_space<vmem>>[vector<16xi32>], vector<16xf32>,
    %slice3A_1435 = vector.extract_strided_slice %get3A_101 {offsets = [12], sizes = [1], strides = [1]} : vector<16xf32> to vector<1xf32>
    %squeeze3A_1436 = vector.extract %slice3A_1435[0] : f32 from vector<1xf32>
    %mul3A_1437 = vector.broadcast %squeeze3A_1436 : f32 to vector<16xf32>
    %mul3A_1438 = arith.mulf %gather3A_1434, %mul3A_1437 : vector<16xf32>
    %add3A_1439 = arith.addf %add3A_1425, %mul3A_1438 : vector<16xf32>
    %slice3A_1440 = vector.extract_strided_slice %get3A_109 {offsets = [12], sizes = [1], strides = [1]} : vector<16xf32> to vector<1xf32>
    %squeeze3A_1441 = vector.extract %slice3A_1440[0] : f32 from vector<1xf32>
    %mul3A_1442 = vector.broadcast %squeeze3A_1441 : f32 to vector<16xf32>
    %mul3A_1443 = arith.mulf %gather3A_1434, %mul3A_1442 : vector<16xf32>
    %add3A_1444 = arith.addf %add3A_1430, %mul3A_1443 : vector<16xf32>
    %add3A_1445 = arith.constant 1053 : i32
    %add3A_1446 = vector.broadcast %add3A_1445 : i32 to vector<16xi32>
    %add3A_1447 = arith.addi %mul3A_116, %add3A_1446 : vector<16xi32>
    %gather3A_1448 = tpu.vector_load_idx %arg10[%add3A_1447] : memref<2048xf32, #tpu.memory_space<vmem>>[vector<16xi32>], vector<16xf32>,
    %slice3A_1449 = vector.extract_strided_slice %get3A_101 {offsets = [13], sizes = [1], strides = [1]} : vector<16xf32> to vector<1xf32>
    %squeeze3A_1450 = vector.extract %slice3A_1449[0] : f32 from vector<1xf32>
    %mul3A_1451 = vector.broadcast %squeeze3A_1450 : f32 to vector<16xf32>
    %mul3A_1452 = arith.mulf %gather3A_1448, %mul3A_1451 : vector<16xf32>
    %add3A_1453 = arith.addf %add3A_1439, %mul3A_1452 : vector<16xf32>
    %slice3A_1454 = vector.extract_strided_slice %get3A_109 {offsets = [13], sizes = [1], strides = [1]} : vector<16xf32> to vector<1xf32>
    %squeeze3A_1455 = vector.extract %slice3A_1454[0] : f32 from vector<1xf32>
    %mul3A_1456 = vector.broadcast %squeeze3A_1455 : f32 to vector<16xf32>
    %mul3A_1457 = arith.mulf %gather3A_1448, %mul3A_1456 : vector<16xf32>
    %add3A_1458 = arith.addf %add3A_1444, %mul3A_1457 : vector<16xf32>
    %add3A_1459 = arith.constant 1054 : i32
    %add3A_1460 = vector.broadcast %add3A_1459 : i32 to vector<16xi32>
    %add3A_1461 = arith.addi %mul3A_116, %add3A_1460 : vector<16xi32>
    %gather3A_1462 = tpu.vector_load_idx %arg10[%add3A_1461] : memref<2048xf32, #tpu.memory_space<vmem>>[vector<16xi32>], vector<16xf32>,
    %slice3A_1463 = vector.extract_strided_slice %get3A_101 {offsets = [14], sizes = [1], strides = [1]} : vector<16xf32> to vector<1xf32>
    %squeeze3A_1464 = vector.extract %slice3A_1463[0] : f32 from vector<1xf32>
    %mul3A_1465 = vector.broadcast %squeeze3A_1464 : f32 to vector<16xf32>
    %mul3A_1466 = arith.mulf %gather3A_1462, %mul3A_1465 : vector<16xf32>
    %add3A_1467 = arith.addf %add3A_1453, %mul3A_1466 : vector<16xf32>
    %slice3A_1468 = vector.extract_strided_slice %get3A_109 {offsets = [14], sizes = [1], strides = [1]} : vector<16xf32> to vector<1xf32>
    %squeeze3A_1469 = vector.extract %slice3A_1468[0] : f32 from vector<1xf32>
    %mul3A_1470 = vector.broadcast %squeeze3A_1469 : f32 to vector<16xf32>
    %mul3A_1471 = arith.mulf %gather3A_1462, %mul3A_1470 : vector<16xf32>
    %add3A_1472 = arith.addf %add3A_1458, %mul3A_1471 : vector<16xf32>
    %add3A_1473 = arith.constant 1055 : i32
    %add3A_1474 = vector.broadcast %add3A_1473 : i32 to vector<16xi32>
    %add3A_1475 = arith.addi %mul3A_116, %add3A_1474 : vector<16xi32>
    %gather3A_1476 = tpu.vector_load_idx %arg10[%add3A_1475] : memref<2048xf32, #tpu.memory_space<vmem>>[vector<16xi32>], vector<16xf32>,
    %slice3A_1477 = vector.extract_strided_slice %get3A_101 {offsets = [15], sizes = [1], strides = [1]} : vector<16xf32> to vector<1xf32>
    %squeeze3A_1478 = vector.extract %slice3A_1477[0] : f32 from vector<1xf32>
    %mul3A_1479 = vector.broadcast %squeeze3A_1478 : f32 to vector<16xf32>
    %mul3A_1480 = arith.mulf %gather3A_1476, %mul3A_1479 : vector<16xf32>
    %add3A_1481 = arith.addf %add3A_1467, %mul3A_1480 : vector<16xf32>
    %slice3A_1482 = vector.extract_strided_slice %get3A_109 {offsets = [15], sizes = [1], strides = [1]} : vector<16xf32> to vector<1xf32>
    %squeeze3A_1483 = vector.extract %slice3A_1482[0] : f32 from vector<1xf32>
    %mul3A_1484 = vector.broadcast %squeeze3A_1483 : f32 to vector<16xf32>
    %mul3A_1485 = arith.mulf %gather3A_1476, %mul3A_1484 : vector<16xf32>
    %add3A_1486 = arith.addf %add3A_1472, %mul3A_1485 : vector<16xf32>
    %add3A_1487 = arith.constant 1056 : i32
    %add3A_1488 = vector.broadcast %add3A_1487 : i32 to vector<16xi32>
    %add3A_1489 = arith.addi %mul3A_116, %add3A_1488 : vector<16xi32>
    %gather3A_1490 = tpu.vector_load_idx %arg10[%add3A_1489] : memref<2048xf32, #tpu.memory_space<vmem>>[vector<16xi32>], vector<16xf32>,
    %slice3A_1491 = vector.extract_strided_slice %get3A_103 {offsets = [0], sizes = [1], strides = [1]} : vector<16xf32> to vector<1xf32>
    %squeeze3A_1492 = vector.extract %slice3A_1491[0] : f32 from vector<1xf32>
    %mul3A_1493 = vector.broadcast %squeeze3A_1492 : f32 to vector<16xf32>
    %mul3A_1494 = arith.mulf %gather3A_1490, %mul3A_1493 : vector<16xf32>
    %add3A_1495 = arith.addf %add3A_1481, %mul3A_1494 : vector<16xf32>
    %slice3A_1496 = vector.extract_strided_slice %get3A_111 {offsets = [0], sizes = [1], strides = [1]} : vector<16xf32> to vector<1xf32>
    %squeeze3A_1497 = vector.extract %slice3A_1496[0] : f32 from vector<1xf32>
    %mul3A_1498 = vector.broadcast %squeeze3A_1497 : f32 to vector<16xf32>
    %mul3A_1499 = arith.mulf %gather3A_1490, %mul3A_1498 : vector<16xf32>
    %add3A_1500 = arith.addf %add3A_1486, %mul3A_1499 : vector<16xf32>
    %add3A_1501 = arith.constant 1057 : i32
    %add3A_1502 = vector.broadcast %add3A_1501 : i32 to vector<16xi32>
    %add3A_1503 = arith.addi %mul3A_116, %add3A_1502 : vector<16xi32>
    %gather3A_1504 = tpu.vector_load_idx %arg10[%add3A_1503] : memref<2048xf32, #tpu.memory_space<vmem>>[vector<16xi32>], vector<16xf32>,
    %slice3A_1505 = vector.extract_strided_slice %get3A_103 {offsets = [1], sizes = [1], strides = [1]} : vector<16xf32> to vector<1xf32>
    %squeeze3A_1506 = vector.extract %slice3A_1505[0] : f32 from vector<1xf32>
    %mul3A_1507 = vector.broadcast %squeeze3A_1506 : f32 to vector<16xf32>
    %mul3A_1508 = arith.mulf %gather3A_1504, %mul3A_1507 : vector<16xf32>
    %add3A_1509 = arith.addf %add3A_1495, %mul3A_1508 : vector<16xf32>
    %slice3A_1510 = vector.extract_strided_slice %get3A_111 {offsets = [1], sizes = [1], strides = [1]} : vector<16xf32> to vector<1xf32>
    %squeeze3A_1511 = vector.extract %slice3A_1510[0] : f32 from vector<1xf32>
    %mul3A_1512 = vector.broadcast %squeeze3A_1511 : f32 to vector<16xf32>
    %mul3A_1513 = arith.mulf %gather3A_1504, %mul3A_1512 : vector<16xf32>
    %add3A_1514 = arith.addf %add3A_1500, %mul3A_1513 : vector<16xf32>
    %add3A_1515 = arith.constant 1058 : i32
    %add3A_1516 = vector.broadcast %add3A_1515 : i32 to vector<16xi32>
    %add3A_1517 = arith.addi %mul3A_116, %add3A_1516 : vector<16xi32>
    %gather3A_1518 = tpu.vector_load_idx %arg10[%add3A_1517] : memref<2048xf32, #tpu.memory_space<vmem>>[vector<16xi32>], vector<16xf32>,
    %slice3A_1519 = vector.extract_strided_slice %get3A_103 {offsets = [2], sizes = [1], strides = [1]} : vector<16xf32> to vector<1xf32>
    %squeeze3A_1520 = vector.extract %slice3A_1519[0] : f32 from vector<1xf32>
    %mul3A_1521 = vector.broadcast %squeeze3A_1520 : f32 to vector<16xf32>
    %mul3A_1522 = arith.mulf %gather3A_1518, %mul3A_1521 : vector<16xf32>
    %add3A_1523 = arith.addf %add3A_1509, %mul3A_1522 : vector<16xf32>
    %slice3A_1524 = vector.extract_strided_slice %get3A_111 {offsets = [2], sizes = [1], strides = [1]} : vector<16xf32> to vector<1xf32>
    %squeeze3A_1525 = vector.extract %slice3A_1524[0] : f32 from vector<1xf32>
    %mul3A_1526 = vector.broadcast %squeeze3A_1525 : f32 to vector<16xf32>
    %mul3A_1527 = arith.mulf %gather3A_1518, %mul3A_1526 : vector<16xf32>
    %add3A_1528 = arith.addf %add3A_1514, %mul3A_1527 : vector<16xf32>
    %add3A_1529 = arith.constant 1059 : i32
    %add3A_1530 = vector.broadcast %add3A_1529 : i32 to vector<16xi32>
    %add3A_1531 = arith.addi %mul3A_116, %add3A_1530 : vector<16xi32>
    %gather3A_1532 = tpu.vector_load_idx %arg10[%add3A_1531] : memref<2048xf32, #tpu.memory_space<vmem>>[vector<16xi32>], vector<16xf32>,
    %slice3A_1533 = vector.extract_strided_slice %get3A_103 {offsets = [3], sizes = [1], strides = [1]} : vector<16xf32> to vector<1xf32>
    %squeeze3A_1534 = vector.extract %slice3A_1533[0] : f32 from vector<1xf32>
    %mul3A_1535 = vector.broadcast %squeeze3A_1534 : f32 to vector<16xf32>
    %mul3A_1536 = arith.mulf %gather3A_1532, %mul3A_1535 : vector<16xf32>
    %add3A_1537 = arith.addf %add3A_1523, %mul3A_1536 : vector<16xf32>
    %slice3A_1538 = vector.extract_strided_slice %get3A_111 {offsets = [3], sizes = [1], strides = [1]} : vector<16xf32> to vector<1xf32>
    %squeeze3A_1539 = vector.extract %slice3A_1538[0] : f32 from vector<1xf32>
    %mul3A_1540 = vector.broadcast %squeeze3A_1539 : f32 to vector<16xf32>
    %mul3A_1541 = arith.mulf %gather3A_1532, %mul3A_1540 : vector<16xf32>
    %add3A_1542 = arith.addf %add3A_1528, %mul3A_1541 : vector<16xf32>
    %add3A_1543 = arith.constant 1060 : i32
    %add3A_1544 = vector.broadcast %add3A_1543 : i32 to vector<16xi32>
    %add3A_1545 = arith.addi %mul3A_116, %add3A_1544 : vector<16xi32>
    %gather3A_1546 = tpu.vector_load_idx %arg10[%add3A_1545] : memref<2048xf32, #tpu.memory_space<vmem>>[vector<16xi32>], vector<16xf32>,
    %slice3A_1547 = vector.extract_strided_slice %get3A_103 {offsets = [4], sizes = [1], strides = [1]} : vector<16xf32> to vector<1xf32>
    %squeeze3A_1548 = vector.extract %slice3A_1547[0] : f32 from vector<1xf32>
    %mul3A_1549 = vector.broadcast %squeeze3A_1548 : f32 to vector<16xf32>
    %mul3A_1550 = arith.mulf %gather3A_1546, %mul3A_1549 : vector<16xf32>
    %add3A_1551 = arith.addf %add3A_1537, %mul3A_1550 : vector<16xf32>
    %slice3A_1552 = vector.extract_strided_slice %get3A_111 {offsets = [4], sizes = [1], strides = [1]} : vector<16xf32> to vector<1xf32>
    %squeeze3A_1553 = vector.extract %slice3A_1552[0] : f32 from vector<1xf32>
    %mul3A_1554 = vector.broadcast %squeeze3A_1553 : f32 to vector<16xf32>
    %mul3A_1555 = arith.mulf %gather3A_1546, %mul3A_1554 : vector<16xf32>
    %add3A_1556 = arith.addf %add3A_1542, %mul3A_1555 : vector<16xf32>
    %add3A_1557 = arith.constant 1061 : i32
    %add3A_1558 = vector.broadcast %add3A_1557 : i32 to vector<16xi32>
    %add3A_1559 = arith.addi %mul3A_116, %add3A_1558 : vector<16xi32>
    %gather3A_1560 = tpu.vector_load_idx %arg10[%add3A_1559] : memref<2048xf32, #tpu.memory_space<vmem>>[vector<16xi32>], vector<16xf32>,
    %slice3A_1561 = vector.extract_strided_slice %get3A_103 {offsets = [5], sizes = [1], strides = [1]} : vector<16xf32> to vector<1xf32>
    %squeeze3A_1562 = vector.extract %slice3A_1561[0] : f32 from vector<1xf32>
    %mul3A_1563 = vector.broadcast %squeeze3A_1562 : f32 to vector<16xf32>
    %mul3A_1564 = arith.mulf %gather3A_1560, %mul3A_1563 : vector<16xf32>
    %add3A_1565 = arith.addf %add3A_1551, %mul3A_1564 : vector<16xf32>
    %slice3A_1566 = vector.extract_strided_slice %get3A_111 {offsets = [5], sizes = [1], strides = [1]} : vector<16xf32> to vector<1xf32>
    %squeeze3A_1567 = vector.extract %slice3A_1566[0] : f32 from vector<1xf32>
    %mul3A_1568 = vector.broadcast %squeeze3A_1567 : f32 to vector<16xf32>
    %mul3A_1569 = arith.mulf %gather3A_1560, %mul3A_1568 : vector<16xf32>
    %add3A_1570 = arith.addf %add3A_1556, %mul3A_1569 : vector<16xf32>
    %add3A_1571 = arith.constant 1062 : i32
    %add3A_1572 = vector.broadcast %add3A_1571 : i32 to vector<16xi32>
    %add3A_1573 = arith.addi %mul3A_116, %add3A_1572 : vector<16xi32>
    %gather3A_1574 = tpu.vector_load_idx %arg10[%add3A_1573] : memref<2048xf32, #tpu.memory_space<vmem>>[vector<16xi32>], vector<16xf32>,
    %slice3A_1575 = vector.extract_strided_slice %get3A_103 {offsets = [6], sizes = [1], strides = [1]} : vector<16xf32> to vector<1xf32>
    %squeeze3A_1576 = vector.extract %slice3A_1575[0] : f32 from vector<1xf32>
    %mul3A_1577 = vector.broadcast %squeeze3A_1576 : f32 to vector<16xf32>
    %mul3A_1578 = arith.mulf %gather3A_1574, %mul3A_1577 : vector<16xf32>
    %add3A_1579 = arith.addf %add3A_1565, %mul3A_1578 : vector<16xf32>
    %slice3A_1580 = vector.extract_strided_slice %get3A_111 {offsets = [6], sizes = [1], strides = [1]} : vector<16xf32> to vector<1xf32>
    %squeeze3A_1581 = vector.extract %slice3A_1580[0] : f32 from vector<1xf32>
    %mul3A_1582 = vector.broadcast %squeeze3A_1581 : f32 to vector<16xf32>
    %mul3A_1583 = arith.mulf %gather3A_1574, %mul3A_1582 : vector<16xf32>
    %add3A_1584 = arith.addf %add3A_1570, %mul3A_1583 : vector<16xf32>
    %add3A_1585 = arith.constant 1063 : i32
    %add3A_1586 = vector.broadcast %add3A_1585 : i32 to vector<16xi32>
    %add3A_1587 = arith.addi %mul3A_116, %add3A_1586 : vector<16xi32>
    %gather3A_1588 = tpu.vector_load_idx %arg10[%add3A_1587] : memref<2048xf32, #tpu.memory_space<vmem>>[vector<16xi32>], vector<16xf32>,
    %slice3A_1589 = vector.extract_strided_slice %get3A_103 {offsets = [7], sizes = [1], strides = [1]} : vector<16xf32> to vector<1xf32>
    %squeeze3A_1590 = vector.extract %slice3A_1589[0] : f32 from vector<1xf32>
    %mul3A_1591 = vector.broadcast %squeeze3A_1590 : f32 to vector<16xf32>
    %mul3A_1592 = arith.mulf %gather3A_1588, %mul3A_1591 : vector<16xf32>
    %add3A_1593 = arith.addf %add3A_1579, %mul3A_1592 : vector<16xf32>
    %slice3A_1594 = vector.extract_strided_slice %get3A_111 {offsets = [7], sizes = [1], strides = [1]} : vector<16xf32> to vector<1xf32>
    %squeeze3A_1595 = vector.extract %slice3A_1594[0] : f32 from vector<1xf32>
    %mul3A_1596 = vector.broadcast %squeeze3A_1595 : f32 to vector<16xf32>
    %mul3A_1597 = arith.mulf %gather3A_1588, %mul3A_1596 : vector<16xf32>
    %add3A_1598 = arith.addf %add3A_1584, %mul3A_1597 : vector<16xf32>
    %add3A_1599 = arith.constant 1064 : i32
    %add3A_1600 = vector.broadcast %add3A_1599 : i32 to vector<16xi32>
    %add3A_1601 = arith.addi %mul3A_116, %add3A_1600 : vector<16xi32>
    %gather3A_1602 = tpu.vector_load_idx %arg10[%add3A_1601] : memref<2048xf32, #tpu.memory_space<vmem>>[vector<16xi32>], vector<16xf32>,
    %slice3A_1603 = vector.extract_strided_slice %get3A_103 {offsets = [8], sizes = [1], strides = [1]} : vector<16xf32> to vector<1xf32>
    %squeeze3A_1604 = vector.extract %slice3A_1603[0] : f32 from vector<1xf32>
    %mul3A_1605 = vector.broadcast %squeeze3A_1604 : f32 to vector<16xf32>
    %mul3A_1606 = arith.mulf %gather3A_1602, %mul3A_1605 : vector<16xf32>
    %add3A_1607 = arith.addf %add3A_1593, %mul3A_1606 : vector<16xf32>
    %slice3A_1608 = vector.extract_strided_slice %get3A_111 {offsets = [8], sizes = [1], strides = [1]} : vector<16xf32> to vector<1xf32>
    %squeeze3A_1609 = vector.extract %slice3A_1608[0] : f32 from vector<1xf32>
    %mul3A_1610 = vector.broadcast %squeeze3A_1609 : f32 to vector<16xf32>
    %mul3A_1611 = arith.mulf %gather3A_1602, %mul3A_1610 : vector<16xf32>
    %add3A_1612 = arith.addf %add3A_1598, %mul3A_1611 : vector<16xf32>
    %add3A_1613 = arith.constant 1065 : i32
    %add3A_1614 = vector.broadcast %add3A_1613 : i32 to vector<16xi32>
    %add3A_1615 = arith.addi %mul3A_116, %add3A_1614 : vector<16xi32>
    %gather3A_1616 = tpu.vector_load_idx %arg10[%add3A_1615] : memref<2048xf32, #tpu.memory_space<vmem>>[vector<16xi32>], vector<16xf32>,
    %slice3A_1617 = vector.extract_strided_slice %get3A_103 {offsets = [9], sizes = [1], strides = [1]} : vector<16xf32> to vector<1xf32>
    %squeeze3A_1618 = vector.extract %slice3A_1617[0] : f32 from vector<1xf32>
    %mul3A_1619 = vector.broadcast %squeeze3A_1618 : f32 to vector<16xf32>
    %mul3A_1620 = arith.mulf %gather3A_1616, %mul3A_1619 : vector<16xf32>
    %add3A_1621 = arith.addf %add3A_1607, %mul3A_1620 : vector<16xf32>
    %slice3A_1622 = vector.extract_strided_slice %get3A_111 {offsets = [9], sizes = [1], strides = [1]} : vector<16xf32> to vector<1xf32>
    %squeeze3A_1623 = vector.extract %slice3A_1622[0] : f32 from vector<1xf32>
    %mul3A_1624 = vector.broadcast %squeeze3A_1623 : f32 to vector<16xf32>
    %mul3A_1625 = arith.mulf %gather3A_1616, %mul3A_1624 : vector<16xf32>
    %add3A_1626 = arith.addf %add3A_1612, %mul3A_1625 : vector<16xf32>
    %add3A_1627 = arith.constant 1066 : i32
    %add3A_1628 = vector.broadcast %add3A_1627 : i32 to vector<16xi32>
    %add3A_1629 = arith.addi %mul3A_116, %add3A_1628 : vector<16xi32>
    %gather3A_1630 = tpu.vector_load_idx %arg10[%add3A_1629] : memref<2048xf32, #tpu.memory_space<vmem>>[vector<16xi32>], vector<16xf32>,
    %slice3A_1631 = vector.extract_strided_slice %get3A_103 {offsets = [10], sizes = [1], strides = [1]} : vector<16xf32> to vector<1xf32>
    %squeeze3A_1632 = vector.extract %slice3A_1631[0] : f32 from vector<1xf32>
    %mul3A_1633 = vector.broadcast %squeeze3A_1632 : f32 to vector<16xf32>
    %mul3A_1634 = arith.mulf %gather3A_1630, %mul3A_1633 : vector<16xf32>
    %add3A_1635 = arith.addf %add3A_1621, %mul3A_1634 : vector<16xf32>
    %slice3A_1636 = vector.extract_strided_slice %get3A_111 {offsets = [10], sizes = [1], strides = [1]} : vector<16xf32> to vector<1xf32>
    %squeeze3A_1637 = vector.extract %slice3A_1636[0] : f32 from vector<1xf32>
    %mul3A_1638 = vector.broadcast %squeeze3A_1637 : f32 to vector<16xf32>
    %mul3A_1639 = arith.mulf %gather3A_1630, %mul3A_1638 : vector<16xf32>
    %add3A_1640 = arith.addf %add3A_1626, %mul3A_1639 : vector<16xf32>
    %add3A_1641 = arith.constant 1067 : i32
    %add3A_1642 = vector.broadcast %add3A_1641 : i32 to vector<16xi32>
    %add3A_1643 = arith.addi %mul3A_116, %add3A_1642 : vector<16xi32>
    %gather3A_1644 = tpu.vector_load_idx %arg10[%add3A_1643] : memref<2048xf32, #tpu.memory_space<vmem>>[vector<16xi32>], vector<16xf32>,
    %slice3A_1645 = vector.extract_strided_slice %get3A_103 {offsets = [11], sizes = [1], strides = [1]} : vector<16xf32> to vector<1xf32>
    %squeeze3A_1646 = vector.extract %slice3A_1645[0] : f32 from vector<1xf32>
    %mul3A_1647 = vector.broadcast %squeeze3A_1646 : f32 to vector<16xf32>
    %mul3A_1648 = arith.mulf %gather3A_1644, %mul3A_1647 : vector<16xf32>
    %add3A_1649 = arith.addf %add3A_1635, %mul3A_1648 : vector<16xf32>
    %slice3A_1650 = vector.extract_strided_slice %get3A_111 {offsets = [11], sizes = [1], strides = [1]} : vector<16xf32> to vector<1xf32>
    %squeeze3A_1651 = vector.extract %slice3A_1650[0] : f32 from vector<1xf32>
    %mul3A_1652 = vector.broadcast %squeeze3A_1651 : f32 to vector<16xf32>
    %mul3A_1653 = arith.mulf %gather3A_1644, %mul3A_1652 : vector<16xf32>
    %add3A_1654 = arith.addf %add3A_1640, %mul3A_1653 : vector<16xf32>
    %add3A_1655 = arith.constant 1068 : i32
    %add3A_1656 = vector.broadcast %add3A_1655 : i32 to vector<16xi32>
    %add3A_1657 = arith.addi %mul3A_116, %add3A_1656 : vector<16xi32>
    %gather3A_1658 = tpu.vector_load_idx %arg10[%add3A_1657] : memref<2048xf32, #tpu.memory_space<vmem>>[vector<16xi32>], vector<16xf32>,
    %slice3A_1659 = vector.extract_strided_slice %get3A_103 {offsets = [12], sizes = [1], strides = [1]} : vector<16xf32> to vector<1xf32>
    %squeeze3A_1660 = vector.extract %slice3A_1659[0] : f32 from vector<1xf32>
    %mul3A_1661 = vector.broadcast %squeeze3A_1660 : f32 to vector<16xf32>
    %mul3A_1662 = arith.mulf %gather3A_1658, %mul3A_1661 : vector<16xf32>
    %add3A_1663 = arith.addf %add3A_1649, %mul3A_1662 : vector<16xf32>
    %slice3A_1664 = vector.extract_strided_slice %get3A_111 {offsets = [12], sizes = [1], strides = [1]} : vector<16xf32> to vector<1xf32>
    %squeeze3A_1665 = vector.extract %slice3A_1664[0] : f32 from vector<1xf32>
    %mul3A_1666 = vector.broadcast %squeeze3A_1665 : f32 to vector<16xf32>
    %mul3A_1667 = arith.mulf %gather3A_1658, %mul3A_1666 : vector<16xf32>
    %add3A_1668 = arith.addf %add3A_1654, %mul3A_1667 : vector<16xf32>
    %add3A_1669 = arith.constant 1069 : i32
    %add3A_1670 = vector.broadcast %add3A_1669 : i32 to vector<16xi32>
    %add3A_1671 = arith.addi %mul3A_116, %add3A_1670 : vector<16xi32>
    %gather3A_1672 = tpu.vector_load_idx %arg10[%add3A_1671] : memref<2048xf32, #tpu.memory_space<vmem>>[vector<16xi32>], vector<16xf32>,
    %slice3A_1673 = vector.extract_strided_slice %get3A_103 {offsets = [13], sizes = [1], strides = [1]} : vector<16xf32> to vector<1xf32>
    %squeeze3A_1674 = vector.extract %slice3A_1673[0] : f32 from vector<1xf32>
    %mul3A_1675 = vector.broadcast %squeeze3A_1674 : f32 to vector<16xf32>
    %mul3A_1676 = arith.mulf %gather3A_1672, %mul3A_1675 : vector<16xf32>
    %add3A_1677 = arith.addf %add3A_1663, %mul3A_1676 : vector<16xf32>
    %slice3A_1678 = vector.extract_strided_slice %get3A_111 {offsets = [13], sizes = [1], strides = [1]} : vector<16xf32> to vector<1xf32>
    %squeeze3A_1679 = vector.extract %slice3A_1678[0] : f32 from vector<1xf32>
    %mul3A_1680 = vector.broadcast %squeeze3A_1679 : f32 to vector<16xf32>
    %mul3A_1681 = arith.mulf %gather3A_1672, %mul3A_1680 : vector<16xf32>
    %add3A_1682 = arith.addf %add3A_1668, %mul3A_1681 : vector<16xf32>
    %add3A_1683 = arith.constant 1070 : i32
    %add3A_1684 = vector.broadcast %add3A_1683 : i32 to vector<16xi32>
    %add3A_1685 = arith.addi %mul3A_116, %add3A_1684 : vector<16xi32>
    %gather3A_1686 = tpu.vector_load_idx %arg10[%add3A_1685] : memref<2048xf32, #tpu.memory_space<vmem>>[vector<16xi32>], vector<16xf32>,
    %slice3A_1687 = vector.extract_strided_slice %get3A_103 {offsets = [14], sizes = [1], strides = [1]} : vector<16xf32> to vector<1xf32>
    %squeeze3A_1688 = vector.extract %slice3A_1687[0] : f32 from vector<1xf32>
    %mul3A_1689 = vector.broadcast %squeeze3A_1688 : f32 to vector<16xf32>
    %mul3A_1690 = arith.mulf %gather3A_1686, %mul3A_1689 : vector<16xf32>
    %add3A_1691 = arith.addf %add3A_1677, %mul3A_1690 : vector<16xf32>
    %slice3A_1692 = vector.extract_strided_slice %get3A_111 {offsets = [14], sizes = [1], strides = [1]} : vector<16xf32> to vector<1xf32>
    %squeeze3A_1693 = vector.extract %slice3A_1692[0] : f32 from vector<1xf32>
    %mul3A_1694 = vector.broadcast %squeeze3A_1693 : f32 to vector<16xf32>
    %mul3A_1695 = arith.mulf %gather3A_1686, %mul3A_1694 : vector<16xf32>
    %add3A_1696 = arith.addf %add3A_1682, %mul3A_1695 : vector<16xf32>
    %add3A_1697 = arith.constant 1071 : i32
    %add3A_1698 = vector.broadcast %add3A_1697 : i32 to vector<16xi32>
    %add3A_1699 = arith.addi %mul3A_116, %add3A_1698 : vector<16xi32>
    %gather3A_1700 = tpu.vector_load_idx %arg10[%add3A_1699] : memref<2048xf32, #tpu.memory_space<vmem>>[vector<16xi32>], vector<16xf32>,
    %slice3A_1701 = vector.extract_strided_slice %get3A_103 {offsets = [15], sizes = [1], strides = [1]} : vector<16xf32> to vector<1xf32>
    %squeeze3A_1702 = vector.extract %slice3A_1701[0] : f32 from vector<1xf32>
    %mul3A_1703 = vector.broadcast %squeeze3A_1702 : f32 to vector<16xf32>
    %mul3A_1704 = arith.mulf %gather3A_1700, %mul3A_1703 : vector<16xf32>
    %add3A_1705 = arith.addf %add3A_1691, %mul3A_1704 : vector<16xf32>
    %slice3A_1706 = vector.extract_strided_slice %get3A_111 {offsets = [15], sizes = [1], strides = [1]} : vector<16xf32> to vector<1xf32>
    %squeeze3A_1707 = vector.extract %slice3A_1706[0] : f32 from vector<1xf32>
    %mul3A_1708 = vector.broadcast %squeeze3A_1707 : f32 to vector<16xf32>
    %mul3A_1709 = arith.mulf %gather3A_1700, %mul3A_1708 : vector<16xf32>
    %add3A_1710 = arith.addf %add3A_1696, %mul3A_1709 : vector<16xf32>
    %add3A_1711 = arith.constant 1072 : i32
    %add3A_1712 = vector.broadcast %add3A_1711 : i32 to vector<16xi32>
    %add3A_1713 = arith.addi %mul3A_116, %add3A_1712 : vector<16xi32>
    %gather3A_1714 = tpu.vector_load_idx %arg10[%add3A_1713] : memref<2048xf32, #tpu.memory_space<vmem>>[vector<16xi32>], vector<16xf32>,
    %slice3A_1715 = vector.extract_strided_slice %get3A_105 {offsets = [0], sizes = [1], strides = [1]} : vector<16xf32> to vector<1xf32>
    %squeeze3A_1716 = vector.extract %slice3A_1715[0] : f32 from vector<1xf32>
    %mul3A_1717 = vector.broadcast %squeeze3A_1716 : f32 to vector<16xf32>
    %mul3A_1718 = arith.mulf %gather3A_1714, %mul3A_1717 : vector<16xf32>
    %add3A_1719 = arith.addf %add3A_1705, %mul3A_1718 : vector<16xf32>
    %slice3A_1720 = vector.extract_strided_slice %get3A_113 {offsets = [0], sizes = [1], strides = [1]} : vector<16xf32> to vector<1xf32>
    %squeeze3A_1721 = vector.extract %slice3A_1720[0] : f32 from vector<1xf32>
    %mul3A_1722 = vector.broadcast %squeeze3A_1721 : f32 to vector<16xf32>
    %mul3A_1723 = arith.mulf %gather3A_1714, %mul3A_1722 : vector<16xf32>
    %add3A_1724 = arith.addf %add3A_1710, %mul3A_1723 : vector<16xf32>
    %add3A_1725 = arith.constant 1073 : i32
    %add3A_1726 = vector.broadcast %add3A_1725 : i32 to vector<16xi32>
    %add3A_1727 = arith.addi %mul3A_116, %add3A_1726 : vector<16xi32>
    %gather3A_1728 = tpu.vector_load_idx %arg10[%add3A_1727] : memref<2048xf32, #tpu.memory_space<vmem>>[vector<16xi32>], vector<16xf32>,
    %slice3A_1729 = vector.extract_strided_slice %get3A_105 {offsets = [1], sizes = [1], strides = [1]} : vector<16xf32> to vector<1xf32>
    %squeeze3A_1730 = vector.extract %slice3A_1729[0] : f32 from vector<1xf32>
    %mul3A_1731 = vector.broadcast %squeeze3A_1730 : f32 to vector<16xf32>
    %mul3A_1732 = arith.mulf %gather3A_1728, %mul3A_1731 : vector<16xf32>
    %add3A_1733 = arith.addf %add3A_1719, %mul3A_1732 : vector<16xf32>
    %slice3A_1734 = vector.extract_strided_slice %get3A_113 {offsets = [1], sizes = [1], strides = [1]} : vector<16xf32> to vector<1xf32>
    %squeeze3A_1735 = vector.extract %slice3A_1734[0] : f32 from vector<1xf32>
    %mul3A_1736 = vector.broadcast %squeeze3A_1735 : f32 to vector<16xf32>
    %mul3A_1737 = arith.mulf %gather3A_1728, %mul3A_1736 : vector<16xf32>
    %add3A_1738 = arith.addf %add3A_1724, %mul3A_1737 : vector<16xf32>
    %add3A_1739 = arith.constant 1074 : i32
    %add3A_1740 = vector.broadcast %add3A_1739 : i32 to vector<16xi32>
    %add3A_1741 = arith.addi %mul3A_116, %add3A_1740 : vector<16xi32>
    %gather3A_1742 = tpu.vector_load_idx %arg10[%add3A_1741] : memref<2048xf32, #tpu.memory_space<vmem>>[vector<16xi32>], vector<16xf32>,
    %slice3A_1743 = vector.extract_strided_slice %get3A_105 {offsets = [2], sizes = [1], strides = [1]} : vector<16xf32> to vector<1xf32>
    %squeeze3A_1744 = vector.extract %slice3A_1743[0] : f32 from vector<1xf32>
    %mul3A_1745 = vector.broadcast %squeeze3A_1744 : f32 to vector<16xf32>
    %mul3A_1746 = arith.mulf %gather3A_1742, %mul3A_1745 : vector<16xf32>
    %add3A_1747 = arith.addf %add3A_1733, %mul3A_1746 : vector<16xf32>
    %slice3A_1748 = vector.extract_strided_slice %get3A_113 {offsets = [2], sizes = [1], strides = [1]} : vector<16xf32> to vector<1xf32>
    %squeeze3A_1749 = vector.extract %slice3A_1748[0] : f32 from vector<1xf32>
    %mul3A_1750 = vector.broadcast %squeeze3A_1749 : f32 to vector<16xf32>
    %mul3A_1751 = arith.mulf %gather3A_1742, %mul3A_1750 : vector<16xf32>
    %add3A_1752 = arith.addf %add3A_1738, %mul3A_1751 : vector<16xf32>
    %add3A_1753 = arith.constant 1075 : i32
    %add3A_1754 = vector.broadcast %add3A_1753 : i32 to vector<16xi32>
    %add3A_1755 = arith.addi %mul3A_116, %add3A_1754 : vector<16xi32>
    %gather3A_1756 = tpu.vector_load_idx %arg10[%add3A_1755] : memref<2048xf32, #tpu.memory_space<vmem>>[vector<16xi32>], vector<16xf32>,
    %slice3A_1757 = vector.extract_strided_slice %get3A_105 {offsets = [3], sizes = [1], strides = [1]} : vector<16xf32> to vector<1xf32>
    %squeeze3A_1758 = vector.extract %slice3A_1757[0] : f32 from vector<1xf32>
    %mul3A_1759 = vector.broadcast %squeeze3A_1758 : f32 to vector<16xf32>
    %mul3A_1760 = arith.mulf %gather3A_1756, %mul3A_1759 : vector<16xf32>
    %add3A_1761 = arith.addf %add3A_1747, %mul3A_1760 : vector<16xf32>
    %slice3A_1762 = vector.extract_strided_slice %get3A_113 {offsets = [3], sizes = [1], strides = [1]} : vector<16xf32> to vector<1xf32>
    %squeeze3A_1763 = vector.extract %slice3A_1762[0] : f32 from vector<1xf32>
    %mul3A_1764 = vector.broadcast %squeeze3A_1763 : f32 to vector<16xf32>
    %mul3A_1765 = arith.mulf %gather3A_1756, %mul3A_1764 : vector<16xf32>
    %add3A_1766 = arith.addf %add3A_1752, %mul3A_1765 : vector<16xf32>
    %add3A_1767 = arith.constant 1076 : i32
    %add3A_1768 = vector.broadcast %add3A_1767 : i32 to vector<16xi32>
    %add3A_1769 = arith.addi %mul3A_116, %add3A_1768 : vector<16xi32>
    %gather3A_1770 = tpu.vector_load_idx %arg10[%add3A_1769] : memref<2048xf32, #tpu.memory_space<vmem>>[vector<16xi32>], vector<16xf32>,
    %slice3A_1771 = vector.extract_strided_slice %get3A_105 {offsets = [4], sizes = [1], strides = [1]} : vector<16xf32> to vector<1xf32>
    %squeeze3A_1772 = vector.extract %slice3A_1771[0] : f32 from vector<1xf32>
    %mul3A_1773 = vector.broadcast %squeeze3A_1772 : f32 to vector<16xf32>
    %mul3A_1774 = arith.mulf %gather3A_1770, %mul3A_1773 : vector<16xf32>
    %add3A_1775 = arith.addf %add3A_1761, %mul3A_1774 : vector<16xf32>
    %slice3A_1776 = vector.extract_strided_slice %get3A_113 {offsets = [4], sizes = [1], strides = [1]} : vector<16xf32> to vector<1xf32>
    %squeeze3A_1777 = vector.extract %slice3A_1776[0] : f32 from vector<1xf32>
    %mul3A_1778 = vector.broadcast %squeeze3A_1777 : f32 to vector<16xf32>
    %mul3A_1779 = arith.mulf %gather3A_1770, %mul3A_1778 : vector<16xf32>
    %add3A_1780 = arith.addf %add3A_1766, %mul3A_1779 : vector<16xf32>
    %add3A_1781 = arith.constant 1077 : i32
    %add3A_1782 = vector.broadcast %add3A_1781 : i32 to vector<16xi32>
    %add3A_1783 = arith.addi %mul3A_116, %add3A_1782 : vector<16xi32>
    %gather3A_1784 = tpu.vector_load_idx %arg10[%add3A_1783] : memref<2048xf32, #tpu.memory_space<vmem>>[vector<16xi32>], vector<16xf32>,
    %slice3A_1785 = vector.extract_strided_slice %get3A_105 {offsets = [5], sizes = [1], strides = [1]} : vector<16xf32> to vector<1xf32>
    %squeeze3A_1786 = vector.extract %slice3A_1785[0] : f32 from vector<1xf32>
    %mul3A_1787 = vector.broadcast %squeeze3A_1786 : f32 to vector<16xf32>
    %mul3A_1788 = arith.mulf %gather3A_1784, %mul3A_1787 : vector<16xf32>
    %add3A_1789 = arith.addf %add3A_1775, %mul3A_1788 : vector<16xf32>
    %slice3A_1790 = vector.extract_strided_slice %get3A_113 {offsets = [5], sizes = [1], strides = [1]} : vector<16xf32> to vector<1xf32>
    %squeeze3A_1791 = vector.extract %slice3A_1790[0] : f32 from vector<1xf32>
    %mul3A_1792 = vector.broadcast %squeeze3A_1791 : f32 to vector<16xf32>
    %mul3A_1793 = arith.mulf %gather3A_1784, %mul3A_1792 : vector<16xf32>
    %add3A_1794 = arith.addf %add3A_1780, %mul3A_1793 : vector<16xf32>
    %add3A_1795 = arith.constant 1078 : i32
    %add3A_1796 = vector.broadcast %add3A_1795 : i32 to vector<16xi32>
    %add3A_1797 = arith.addi %mul3A_116, %add3A_1796 : vector<16xi32>
    %gather3A_1798 = tpu.vector_load_idx %arg10[%add3A_1797] : memref<2048xf32, #tpu.memory_space<vmem>>[vector<16xi32>], vector<16xf32>,
    %slice3A_1799 = vector.extract_strided_slice %get3A_105 {offsets = [6], sizes = [1], strides = [1]} : vector<16xf32> to vector<1xf32>
    %squeeze3A_1800 = vector.extract %slice3A_1799[0] : f32 from vector<1xf32>
    %mul3A_1801 = vector.broadcast %squeeze3A_1800 : f32 to vector<16xf32>
    %mul3A_1802 = arith.mulf %gather3A_1798, %mul3A_1801 : vector<16xf32>
    %add3A_1803 = arith.addf %add3A_1789, %mul3A_1802 : vector<16xf32>
    %slice3A_1804 = vector.extract_strided_slice %get3A_113 {offsets = [6], sizes = [1], strides = [1]} : vector<16xf32> to vector<1xf32>
    %squeeze3A_1805 = vector.extract %slice3A_1804[0] : f32 from vector<1xf32>
    %mul3A_1806 = vector.broadcast %squeeze3A_1805 : f32 to vector<16xf32>
    %mul3A_1807 = arith.mulf %gather3A_1798, %mul3A_1806 : vector<16xf32>
    %add3A_1808 = arith.addf %add3A_1794, %mul3A_1807 : vector<16xf32>
    %add3A_1809 = arith.constant 1079 : i32
    %add3A_1810 = vector.broadcast %add3A_1809 : i32 to vector<16xi32>
    %add3A_1811 = arith.addi %mul3A_116, %add3A_1810 : vector<16xi32>
    %gather3A_1812 = tpu.vector_load_idx %arg10[%add3A_1811] : memref<2048xf32, #tpu.memory_space<vmem>>[vector<16xi32>], vector<16xf32>,
    %slice3A_1813 = vector.extract_strided_slice %get3A_105 {offsets = [7], sizes = [1], strides = [1]} : vector<16xf32> to vector<1xf32>
    %squeeze3A_1814 = vector.extract %slice3A_1813[0] : f32 from vector<1xf32>
    %mul3A_1815 = vector.broadcast %squeeze3A_1814 : f32 to vector<16xf32>
    %mul3A_1816 = arith.mulf %gather3A_1812, %mul3A_1815 : vector<16xf32>
    %add3A_1817 = arith.addf %add3A_1803, %mul3A_1816 : vector<16xf32>
    %slice3A_1818 = vector.extract_strided_slice %get3A_113 {offsets = [7], sizes = [1], strides = [1]} : vector<16xf32> to vector<1xf32>
    %squeeze3A_1819 = vector.extract %slice3A_1818[0] : f32 from vector<1xf32>
    %mul3A_1820 = vector.broadcast %squeeze3A_1819 : f32 to vector<16xf32>
    %mul3A_1821 = arith.mulf %gather3A_1812, %mul3A_1820 : vector<16xf32>
    %add3A_1822 = arith.addf %add3A_1808, %mul3A_1821 : vector<16xf32>
    %add3A_1823 = arith.constant 1080 : i32
    %add3A_1824 = vector.broadcast %add3A_1823 : i32 to vector<16xi32>
    %add3A_1825 = arith.addi %mul3A_116, %add3A_1824 : vector<16xi32>
    %gather3A_1826 = tpu.vector_load_idx %arg10[%add3A_1825] : memref<2048xf32, #tpu.memory_space<vmem>>[vector<16xi32>], vector<16xf32>,
    %slice3A_1827 = vector.extract_strided_slice %get3A_105 {offsets = [8], sizes = [1], strides = [1]} : vector<16xf32> to vector<1xf32>
    %squeeze3A_1828 = vector.extract %slice3A_1827[0] : f32 from vector<1xf32>
    %mul3A_1829 = vector.broadcast %squeeze3A_1828 : f32 to vector<16xf32>
    %mul3A_1830 = arith.mulf %gather3A_1826, %mul3A_1829 : vector<16xf32>
    %add3A_1831 = arith.addf %add3A_1817, %mul3A_1830 : vector<16xf32>
    %slice3A_1832 = vector.extract_strided_slice %get3A_113 {offsets = [8], sizes = [1], strides = [1]} : vector<16xf32> to vector<1xf32>
    %squeeze3A_1833 = vector.extract %slice3A_1832[0] : f32 from vector<1xf32>
    %mul3A_1834 = vector.broadcast %squeeze3A_1833 : f32 to vector<16xf32>
    %mul3A_1835 = arith.mulf %gather3A_1826, %mul3A_1834 : vector<16xf32>
    %add3A_1836 = arith.addf %add3A_1822, %mul3A_1835 : vector<16xf32>
    %add3A_1837 = arith.constant 1081 : i32
    %add3A_1838 = vector.broadcast %add3A_1837 : i32 to vector<16xi32>
    %add3A_1839 = arith.addi %mul3A_116, %add3A_1838 : vector<16xi32>
    %gather3A_1840 = tpu.vector_load_idx %arg10[%add3A_1839] : memref<2048xf32, #tpu.memory_space<vmem>>[vector<16xi32>], vector<16xf32>,
    %slice3A_1841 = vector.extract_strided_slice %get3A_105 {offsets = [9], sizes = [1], strides = [1]} : vector<16xf32> to vector<1xf32>
    %squeeze3A_1842 = vector.extract %slice3A_1841[0] : f32 from vector<1xf32>
    %mul3A_1843 = vector.broadcast %squeeze3A_1842 : f32 to vector<16xf32>
    %mul3A_1844 = arith.mulf %gather3A_1840, %mul3A_1843 : vector<16xf32>
    %add3A_1845 = arith.addf %add3A_1831, %mul3A_1844 : vector<16xf32>
    %slice3A_1846 = vector.extract_strided_slice %get3A_113 {offsets = [9], sizes = [1], strides = [1]} : vector<16xf32> to vector<1xf32>
    %squeeze3A_1847 = vector.extract %slice3A_1846[0] : f32 from vector<1xf32>
    %mul3A_1848 = vector.broadcast %squeeze3A_1847 : f32 to vector<16xf32>
    %mul3A_1849 = arith.mulf %gather3A_1840, %mul3A_1848 : vector<16xf32>
    %add3A_1850 = arith.addf %add3A_1836, %mul3A_1849 : vector<16xf32>
    %add3A_1851 = arith.constant 1082 : i32
    %add3A_1852 = vector.broadcast %add3A_1851 : i32 to vector<16xi32>
    %add3A_1853 = arith.addi %mul3A_116, %add3A_1852 : vector<16xi32>
    %gather3A_1854 = tpu.vector_load_idx %arg10[%add3A_1853] : memref<2048xf32, #tpu.memory_space<vmem>>[vector<16xi32>], vector<16xf32>,
    %slice3A_1855 = vector.extract_strided_slice %get3A_105 {offsets = [10], sizes = [1], strides = [1]} : vector<16xf32> to vector<1xf32>
    %squeeze3A_1856 = vector.extract %slice3A_1855[0] : f32 from vector<1xf32>
    %mul3A_1857 = vector.broadcast %squeeze3A_1856 : f32 to vector<16xf32>
    %mul3A_1858 = arith.mulf %gather3A_1854, %mul3A_1857 : vector<16xf32>
    %add3A_1859 = arith.addf %add3A_1845, %mul3A_1858 : vector<16xf32>
    %slice3A_1860 = vector.extract_strided_slice %get3A_113 {offsets = [10], sizes = [1], strides = [1]} : vector<16xf32> to vector<1xf32>
    %squeeze3A_1861 = vector.extract %slice3A_1860[0] : f32 from vector<1xf32>
    %mul3A_1862 = vector.broadcast %squeeze3A_1861 : f32 to vector<16xf32>
    %mul3A_1863 = arith.mulf %gather3A_1854, %mul3A_1862 : vector<16xf32>
    %add3A_1864 = arith.addf %add3A_1850, %mul3A_1863 : vector<16xf32>
    %add3A_1865 = arith.constant 1083 : i32
    %add3A_1866 = vector.broadcast %add3A_1865 : i32 to vector<16xi32>
    %add3A_1867 = arith.addi %mul3A_116, %add3A_1866 : vector<16xi32>
    %gather3A_1868 = tpu.vector_load_idx %arg10[%add3A_1867] : memref<2048xf32, #tpu.memory_space<vmem>>[vector<16xi32>], vector<16xf32>,
    %slice3A_1869 = vector.extract_strided_slice %get3A_105 {offsets = [11], sizes = [1], strides = [1]} : vector<16xf32> to vector<1xf32>
    %squeeze3A_1870 = vector.extract %slice3A_1869[0] : f32 from vector<1xf32>
    %mul3A_1871 = vector.broadcast %squeeze3A_1870 : f32 to vector<16xf32>
    %mul3A_1872 = arith.mulf %gather3A_1868, %mul3A_1871 : vector<16xf32>
    %add3A_1873 = arith.addf %add3A_1859, %mul3A_1872 : vector<16xf32>
    %slice3A_1874 = vector.extract_strided_slice %get3A_113 {offsets = [11], sizes = [1], strides = [1]} : vector<16xf32> to vector<1xf32>
    %squeeze3A_1875 = vector.extract %slice3A_1874[0] : f32 from vector<1xf32>
    %mul3A_1876 = vector.broadcast %squeeze3A_1875 : f32 to vector<16xf32>
    %mul3A_1877 = arith.mulf %gather3A_1868, %mul3A_1876 : vector<16xf32>
    %add3A_1878 = arith.addf %add3A_1864, %mul3A_1877 : vector<16xf32>
    %add3A_1879 = arith.constant 1084 : i32
    %add3A_1880 = vector.broadcast %add3A_1879 : i32 to vector<16xi32>
    %add3A_1881 = arith.addi %mul3A_116, %add3A_1880 : vector<16xi32>
    %gather3A_1882 = tpu.vector_load_idx %arg10[%add3A_1881] : memref<2048xf32, #tpu.memory_space<vmem>>[vector<16xi32>], vector<16xf32>,
    %slice3A_1883 = vector.extract_strided_slice %get3A_105 {offsets = [12], sizes = [1], strides = [1]} : vector<16xf32> to vector<1xf32>
    %squeeze3A_1884 = vector.extract %slice3A_1883[0] : f32 from vector<1xf32>
    %mul3A_1885 = vector.broadcast %squeeze3A_1884 : f32 to vector<16xf32>
    %mul3A_1886 = arith.mulf %gather3A_1882, %mul3A_1885 : vector<16xf32>
    %add3A_1887 = arith.addf %add3A_1873, %mul3A_1886 : vector<16xf32>
    %slice3A_1888 = vector.extract_strided_slice %get3A_113 {offsets = [12], sizes = [1], strides = [1]} : vector<16xf32> to vector<1xf32>
    %squeeze3A_1889 = vector.extract %slice3A_1888[0] : f32 from vector<1xf32>
    %mul3A_1890 = vector.broadcast %squeeze3A_1889 : f32 to vector<16xf32>
    %mul3A_1891 = arith.mulf %gather3A_1882, %mul3A_1890 : vector<16xf32>
    %add3A_1892 = arith.addf %add3A_1878, %mul3A_1891 : vector<16xf32>
    %add3A_1893 = arith.constant 1085 : i32
    %add3A_1894 = vector.broadcast %add3A_1893 : i32 to vector<16xi32>
    %add3A_1895 = arith.addi %mul3A_116, %add3A_1894 : vector<16xi32>
    %gather3A_1896 = tpu.vector_load_idx %arg10[%add3A_1895] : memref<2048xf32, #tpu.memory_space<vmem>>[vector<16xi32>], vector<16xf32>,
    %slice3A_1897 = vector.extract_strided_slice %get3A_105 {offsets = [13], sizes = [1], strides = [1]} : vector<16xf32> to vector<1xf32>
    %squeeze3A_1898 = vector.extract %slice3A_1897[0] : f32 from vector<1xf32>
    %mul3A_1899 = vector.broadcast %squeeze3A_1898 : f32 to vector<16xf32>
    %mul3A_1900 = arith.mulf %gather3A_1896, %mul3A_1899 : vector<16xf32>
    %add3A_1901 = arith.addf %add3A_1887, %mul3A_1900 : vector<16xf32>
    %slice3A_1902 = vector.extract_strided_slice %get3A_113 {offsets = [13], sizes = [1], strides = [1]} : vector<16xf32> to vector<1xf32>
    %squeeze3A_1903 = vector.extract %slice3A_1902[0] : f32 from vector<1xf32>
    %mul3A_1904 = vector.broadcast %squeeze3A_1903 : f32 to vector<16xf32>
    %mul3A_1905 = arith.mulf %gather3A_1896, %mul3A_1904 : vector<16xf32>
    %add3A_1906 = arith.addf %add3A_1892, %mul3A_1905 : vector<16xf32>
    %add3A_1907 = arith.constant 1086 : i32
    %add3A_1908 = vector.broadcast %add3A_1907 : i32 to vector<16xi32>
    %add3A_1909 = arith.addi %mul3A_116, %add3A_1908 : vector<16xi32>
    %gather3A_1910 = tpu.vector_load_idx %arg10[%add3A_1909] : memref<2048xf32, #tpu.memory_space<vmem>>[vector<16xi32>], vector<16xf32>,
    %slice3A_1911 = vector.extract_strided_slice %get3A_105 {offsets = [14], sizes = [1], strides = [1]} : vector<16xf32> to vector<1xf32>
    %squeeze3A_1912 = vector.extract %slice3A_1911[0] : f32 from vector<1xf32>
    %mul3A_1913 = vector.broadcast %squeeze3A_1912 : f32 to vector<16xf32>
    %mul3A_1914 = arith.mulf %gather3A_1910, %mul3A_1913 : vector<16xf32>
    %add3A_1915 = arith.addf %add3A_1901, %mul3A_1914 : vector<16xf32>
    %slice3A_1916 = vector.extract_strided_slice %get3A_113 {offsets = [14], sizes = [1], strides = [1]} : vector<16xf32> to vector<1xf32>
    %squeeze3A_1917 = vector.extract %slice3A_1916[0] : f32 from vector<1xf32>
    %mul3A_1918 = vector.broadcast %squeeze3A_1917 : f32 to vector<16xf32>
    %mul3A_1919 = arith.mulf %gather3A_1910, %mul3A_1918 : vector<16xf32>
    %add3A_1920 = arith.addf %add3A_1906, %mul3A_1919 : vector<16xf32>
    %add3A_1921 = arith.constant 1087 : i32
    %add3A_1922 = vector.broadcast %add3A_1921 : i32 to vector<16xi32>
    %add3A_1923 = arith.addi %mul3A_116, %add3A_1922 : vector<16xi32>
    %gather3A_1924 = tpu.vector_load_idx %arg10[%add3A_1923] : memref<2048xf32, #tpu.memory_space<vmem>>[vector<16xi32>], vector<16xf32>,
    %slice3A_1925 = vector.extract_strided_slice %get3A_105 {offsets = [15], sizes = [1], strides = [1]} : vector<16xf32> to vector<1xf32>
    %squeeze3A_1926 = vector.extract %slice3A_1925[0] : f32 from vector<1xf32>
    %mul3A_1927 = vector.broadcast %squeeze3A_1926 : f32 to vector<16xf32>
    %mul3A_1928 = arith.mulf %gather3A_1924, %mul3A_1927 : vector<16xf32>
    %add3A_1929 = arith.addf %add3A_1915, %mul3A_1928 : vector<16xf32>
    %slice3A_1930 = vector.extract_strided_slice %get3A_113 {offsets = [15], sizes = [1], strides = [1]} : vector<16xf32> to vector<1xf32>
    %squeeze3A_1931 = vector.extract %slice3A_1930[0] : f32 from vector<1xf32>
    %mul3A_1932 = vector.broadcast %squeeze3A_1931 : f32 to vector<16xf32>
    %mul3A_1933 = arith.mulf %gather3A_1924, %mul3A_1932 : vector<16xf32>
    %add3A_1934 = arith.addf %add3A_1920, %mul3A_1933 : vector<16xf32>
    %neg3A_1935 = arith.constant 0.000000e+00 : f32
    %neg3A_1936 = vector.broadcast %neg3A_1935 : f32 to vector<16xf32>
    %neg3A_1937 = arith.subf %neg3A_1936, %add3A_1929 : vector<16xf32>
    %exp3A_1938 = math.exp %neg3A_1937 : vector<16xf32>
    %add3A_1939 = arith.constant 1.000000e+00 : f32
    %add3A_1940 = vector.broadcast %add3A_1939 : f32 to vector<16xf32>
    %add3A_1941 = arith.addf %add3A_1940, %exp3A_1938 : vector<16xf32>
    %div3A_1942 = arith.constant 1.000000e+00 : f32
    %div3A_1943 = vector.broadcast %div3A_1942 : f32 to vector<16xf32>
    %div3A_1944 = arith.divf %div3A_1943, %add3A_1941 : vector<16xf32>
    %neg3A_1945 = arith.constant 0.000000e+00 : f32
    %neg3A_1946 = vector.broadcast %neg3A_1945 : f32 to vector<16xf32>
    %neg3A_1947 = arith.subf %neg3A_1946, %add3A_1934 : vector<16xf32>
    %exp3A_1948 = math.exp %neg3A_1947 : vector<16xf32>
    %add3A_1949 = arith.constant 1.000000e+00 : f32
    %add3A_1950 = vector.broadcast %add3A_1949 : f32 to vector<16xf32>
    %add3A_1951 = arith.addf %add3A_1950, %exp3A_1948 : vector<16xf32>
    %div3A_1952 = arith.constant 1.000000e+00 : f32
    %div3A_1953 = vector.broadcast %div3A_1952 : f32 to vector<16xf32>
    %div3A_1954 = arith.divf %div3A_1953, %add3A_1951 : vector<16xf32>
    %add3A_1955 = arith.constant 16 : i32
    %add3A_1956 = vector.broadcast %add3A_1955 : i32 to vector<16xi32>
    %add3A_1957 = arith.addi %add3A_1956, %iota3A : vector<16xi32>
    %broadcast_in_dim3A_1958 = arith.constant 0 : i32
    %broadcast_in_dim3A_1959 = vector.broadcast %broadcast_in_dim3A_1958 : i32 to vector<16xi32>
    tpu.vector_store_idx %arg13[%add3A_1957, %broadcast_in_dim3A_1959], %div3A_1944 : memref<32x2xf32, #tpu.memory_space<vmem>>[vector<16xi32>, vector<16xi32>], vector<16xf32>,
    %broadcast_in_dim3A_1960 = arith.constant 1 : i32
    %broadcast_in_dim3A_1961 = vector.broadcast %broadcast_in_dim3A_1960 : i32 to vector<16xi32>
    tpu.vector_store_idx %arg13[%add3A_1957, %broadcast_in_dim3A_1961], %div3A_1954 : memref<32x2xf32, #tpu.memory_space<vmem>>[vector<16xi32>, vector<16xi32>], vector<16xf32>,
    "tpu.region"() ({
      %run_scoped3A = tpu.sem_alloc : memref<!tpu.dma_semaphore, #tpu.memory_space<semaphore_mem>>
      %dma_start3A_1962 = arith.constant 0 : i32
      %dma_start3A_1963 = tpu.memref_slice %arg6[%mul3A_2, %dma_start3A_1962] : memref<1024x2xf32, #tpu.memory_space<hbm>> -> memref<32x2xf32, #tpu.memory_space<hbm>>
      %dma_start3A_1964 = arith.constant 0 : i32
      %dma_start3A_1965 = tpu.memref_slice %arg6[%mul3A_2, %dma_start3A_1964] : memref<1024x2xf32, #tpu.memory_space<hbm>> -> memref<32x2xf32, #tpu.memory_space<hbm>>
      tpu.enqueue_dma source(%arg13 : memref<32x2xf32, #tpu.memory_space<vmem>>) target(%dma_start3A_1965 : memref<32x2xf32, #tpu.memory_space<hbm>>) target_semaphore(%run_scoped3A : memref<!tpu.dma_semaphore, #tpu.memory_space<semaphore_mem>>)
      %dma_wait3A = arith.constant 0 : i32
      %dma_wait3A_1966 = tpu.memref_slice %arg6[%mul3A_2, %dma_wait3A] : memref<1024x2xf32, #tpu.memory_space<hbm>> -> memref<32x2xf32, #tpu.memory_space<hbm>>
      %dma_wait3A_1967 = arith.constant 0 : i32
      %dma_wait3A_1968 = tpu.memref_slice %arg6[%mul3A_2, %dma_wait3A_1967] : memref<1024x2xf32, #tpu.memory_space<hbm>> -> memref<32x2xf32, #tpu.memory_space<hbm>>
      tpu.wait_dma2 semaphore(%run_scoped3A : memref<!tpu.dma_semaphore, #tpu.memory_space<semaphore_mem>>) src(%arg13 : memref<32x2xf32, #tpu.memory_space<vmem>>) dst(%dma_wait3A_1968 : memref<32x2xf32, #tpu.memory_space<hbm>>)
      tpu.yield
    }) : () -> ()
    return
  }
}

</mosaic_0001>

<sc_bundles>
// kernel: _logreg_sc.3.cloned.1.call-start
scs
__scs_entry_jumppad:
0x0: {  	(pc) =	sbr.rel $0x88, $3  }
0x1: {  	(tag) =	ssettag $0x0;
	lr =	simm.s32 $0x1  }
0x2: {  	[smem:$0x3F9D] =	sst lr;
	_ =	strace $0xD0000000  }
0x3: {  	_ = 	snop  }
0x4: {  	_ = 	snop  }
0x5: {  	_ = 	snop  }
0x6: {  	_ = 	snop  }
0x7: {  	_ = 	snop  }
__scs_overlays_trampoline_lowered:
0x8: {  	[smem:$0x3FAC] =	sst s0  }
0x9: {  	[smem:$0x3FAD] =	sst s1  }
0xa: {  	[smem:$0x3FAE] =	sst s2  }
0xb: {  	[smem:$0x3FAF] =	sst s3  }
0xc: {  	[smem:$0x3FB0] =	sst s4  }
0xd: {  	[smem:$0x3FB1] =	sst s5  }
0xe: {  	[smem:$0x3FB2] =	sst s6  }
0xf: {  	[smem:$0x3FB3] =	sst s7  }
0x10: {  	[smem:$0x3FB4] =	sst s8  }
0x11: {  	[smem:$0x3FB5] =	sst s9;
	s0 =	simm.s32 @!p0 $0x0  }
0x12: {  	s1 =	sld [smem:$0x3F9B];
	s0 =	simm.s32 @p0 $0x1  }
0x13: {  	[smem:$0x3FB6] =	sst s0;
	s0 =	simm.s32 @!p1 $0x0  }
0x14: {  	s2 =	sld [smem:$0x3F9A];
	s0 =	simm.s32 @p1 $0x1  }
0x15: {  	[smem:$0x3FB7] =	sst s0;
	s0 =	simm.s32 @!p2 $0x0  }
0x16: {  	s3 =	sld [smem:$0x3FDB];
	s0 =	simm.s32 @p2 $0x1  }
0x17: {  	s4 =	simm.s32 $0x1BF5;
	[smem:$0x3FB9] =	sst s0  }
0x18: {  	s0 =	sld [smem:$0x3F9C];
	_ =	swait.ge [sflag:s4], $0x0  }
0x19: {  	s7 =	sld [smem:$0x3F9D]  }
0x1a: {  	s8 =	sadd.s32 $0xFFFFE003, lr  }
0x1b: {  	s9 =	sadd.s32 $0xFFFFFEF7, lr;
	s5 =	simm.s32 $0xFFFFFFFF;
	p2 =	slt.u32 s8, $0xFFFFF086  }
0x1c: {  	p1 =	slt.u32 s9, $0xF7A;
	s5 =	simm.s32 @!p2 $0x0  }
0x1d: {  	s5 =	simm.s32 @p1 $0x1;
	p0 =	seq.s32 s7, s2  }
0x1e: {  	s7 =	smul.u32 @!p0 $0xF7A, s2;
	p2 =	seq.s32 @!p0 s5, $0x0  }
0x1f: {  	s9 =	smul.u32 $0xF7A, s1;
	s8 =	simm.s32 @!p0 $0x1BF5;
	p2 =	por !p2, p0  }
0x20: {  	[sflag:s8] =	ssyncset.s32 @!p0 $0xFFFFF086;
	s6 =	sadd.s32 @!p0 s3, s7;
	s7 =	simm.s32 @!p0 $0x108  }
0x21: {  	s3 =	sadd.s32 s3, s9;
	s6 =	sadd.s32 @!p0 $0x88, s6;
	s7 =	simm.s32 @p2 $0x1082  }
0x22: {  	[simem:s7], [sflag:s8] =	dma.local @!p0 [hbm:s6], $0xF7A  }
0x23: {  	s9 =	sor.u32 $0xD0000000, s2;
	s6 =	simm.s32 $0x108;
	_ =	swait.ge @!p0 [sflag:s8], $0x0  }
0x24: {  	s3 =	sadd.s32 $0x88, s3;
	s6 =	simm.s32 @!p1 $0x1082;
	[sflag:s4] =	ssyncset.s32 $0xFFFFF086  }
0x25: {  	[simem:s6], [sflag:s4] =	dma.local [hbm:s3], $0xF7A  }
0x26: {  	[smem:$0x3F9D] =	sst s1;
	(tag) =	ssettag s2;
	_ =	strace s9  }
0x27: {  	s1 =	sld [smem:$0x3FAD]  }
0x28: {  	s2 =	sld [smem:$0x3FAE]  }
0x29: {  	s4 =	sld [smem:$0x3FB0]  }
0x2a: {  	p0 =	seq.s32 s5, $0x0;
	s5 =	sld [smem:$0x3FB1]  }
0x2b: {  	s6 =	sld [smem:$0x3FB2]  }
0x2c: {  	s7 =	sld [smem:$0x3FB3]  }
0x2d: {  	s3 =	simm.s32 $0x108;
	s8 =	sld [smem:$0x3FB4]  }
0x2e: {  	s3 =	simm.s32 @!p0 $0x1082;
	s9 =	sld [smem:$0x3FB5]  }
0x2f: {  	lr =	sadd.s32 s0, s3;
	s0 =	sld [smem:$0x3FAC]  }
0x30: {  	s3 =	sld [smem:$0x3FAF]  }
0x31: {  	[smem:$0x3FB8] =	sst s10  }
0x32: {  	s10 =	sld [smem:$0x3FB6];
	_ =	sdelay $0x3  }
0x33: {  	p0 =	seq.s32 s10, $0x1;
	s10 =	sld [smem:$0x3FB8];
	_ =	sdelay $0x3  }
0x34: {  	[smem:$0x3FB8] =	sst s10  }
0x35: {  	s10 =	sld [smem:$0x3FB7];
	_ =	sdelay $0x3  }
0x36: {  	p1 =	seq.s32 s10, $0x1;
	s10 =	sld [smem:$0x3FB8];
	_ =	sdelay $0x3  }
0x37: {  	[smem:$0x3FB8] =	sst s10  }
0x38: {  	s10 =	sld [smem:$0x3FB9]  }
0x39: {  	_ = 	snop;
	(pc) =	sbr.ind lr, $3  }
0x3a: {  	_ = 	snop  }
0x3b: {  	_ = 	snop  }
0x3c: {  	p2 =	seq.s32 s10, $0x1;
	s10 =	sld [smem:$0x3FB8]  }
0x3d: {  	_ =	shalt  }
0x3e: {  	_ =	shalt  }
0x3f: {  	_ =	shalt  }
0x40: {  	_ =	shalt  }
0x41: {  	_ =	shalt  }
0x42: {  	_ =	shalt  }
0x43: {  	_ =	shalt  }
0x44: {  	_ =	shalt  }
0x45: {  	_ =	shalt  }
0x46: {  	_ =	shalt  }
0x47: {  	_ =	shalt  }
0x48: {  	_ =	shalt  }
0x49: {  	_ =	shalt  }
0x4a: {  	_ =	shalt  }
0x4b: {  	_ =	shalt  }
0x4c: {  	_ =	shalt  }
0x4d: {  	_ =	shalt  }
0x4e: {  	_ =	shalt  }
0x4f: {  	_ =	shalt  }
0x50: {  	_ =	shalt  }
0x51: {  	_ =	shalt  }
0x52: {  	_ =	shalt  }
0x53: {  	_ =	shalt  }
0x54: {  	_ =	shalt  }
0x55: {  	_ =	shalt  }
0x56: {  	_ =	shalt  }
0x57: {  	_ =	shalt  }
0x58: {  	_ =	shalt  }
0x59: {  	_ =	shalt  }
0x5a: {  	_ =	shalt  }
0x5b: {  	_ =	shalt  }
0x5c: {  	_ =	shalt  }
0x5d: {  	_ =	shalt  }
0x5e: {  	_ =	shalt  }
0x5f: {  	_ =	shalt  }
0x60: {  	_ =	shalt  }
0x61: {  	_ =	shalt  }
0x62: {  	_ =	shalt  }
0x63: {  	_ =	shalt  }
0x64: {  	_ =	shalt  }
0x65: {  	_ =	shalt  }
0x66: {  	_ =	shalt  }
0x67: {  	_ =	shalt  }
0x68: {  	_ =	shalt  }
0x69: {  	_ =	shalt  }
0x6a: {  	_ =	shalt  }
0x6b: {  	_ =	shalt  }
0x6c: {  	_ =	shalt  }
0x6d: {  	_ =	shalt  }
0x6e: {  	_ =	shalt  }
0x6f: {  	_ =	shalt  }
0x70: {  	_ =	shalt  }
0x71: {  	_ =	shalt  }
0x72: {  	_ =	shalt  }
0x73: {  	_ =	shalt  }
0x74: {  	_ =	shalt  }
0x75: {  	_ =	shalt  }
0x76: {  	_ =	shalt  }
0x77: {  	_ =	shalt  }
0x78: {  	_ =	shalt  }
0x79: {  	_ =	shalt  }
0x7a: {  	_ =	shalt  }
0x7b: {  	_ =	shalt  }
0x7c: {  	_ =	shalt  }
0x7d: {  	_ =	shalt  }
0x7e: {  	_ =	shalt  }
0x7f: {  	_ =	shalt  }
0x80: {  	_ =	shalt  }
0x81: {  	_ =	shalt  }
0x82: {  	_ =	shalt  }
0x83: {  	_ =	shalt  }
0x84: {  	_ =	shalt  }
0x85: {  	_ =	shalt  }
0x86: {  	_ =	shalt  }
0x87: {  	_ =	shalt  }
.Lfunc_end0:
.L_simem_size_0:
called_computation_lowered:
.L_overlay_start_0:
0x88: {  	s2 =	sld [smem:$0x3FD9]  }
0x89: {  	s3 =	sld [smem:$0x3FFE];
	_ =	sdelay $0x1  }
0x8a: {  	s1 =	srdreg.scid  }
0x8b: {  	s0 =	sand.u32 $0x1, s1  }
0x8c: {  	s17 =	sshll.u32 s0, $0xA;
	s2 =	sadd.s32 s3, s2  }
0x8d: {  	s2 =	sadd.s32 s2, s17  }
0x8e: {  	[smem:$0x3FC4] =	sst s2  }
0x8f: {  	_ = 	snop  }
0x90: {  	s2 =	sld [smem:$0x3FC9]  }
0x91: {  	s18 =	sld [smem:$0x3FC7]  }
0x92: {  	s4 =	sld [smem:$0x3FC6];
	(tm) =	ssettm $0x1  }
0x93: {  	s5 =	sld [smem:$0x3FFB];
	_ =	sdelay $0x3  }
0x94: {  	_ =	strace s5  }
0x95: {  	s5 =	sld [smem:$0x3FFC];
	_ =	sdelay $0x3  }
0x96: {  	_ =	strace s5  }
0x97: {  	s5 =	sld [smem:$0x3FFD];
	_ =	sdelay $0x3  }
0x98: {  	_ =	strace s5  }
0x99: {  	_ =	strace $0x8FFFFFFF  }
0x9a: {  	s19 =	sld [smem:$0x3FDB];
	_ =	sdelay $0x1  }
0x9b: {  	s6 =	simm.s32 $_scs_section_size  }
0x9c: {  	s7 =	simm.s32 $_size__tile_overlayer_lowered;
	s8 =	simm.s32 $_tile_overlayer_lowered  }
0x9d: {  	s22 =	simm.s32 $0x1BFF;
	s21 =	sshll.u32 s8, $0x1;
	s5 =	sadd.s32 s6, s19  }
0x9e: {  	s9 =	simm.s32 $0x0;
	s20 =	sshll.u32 s7, $0x1;
	s7 =	sadd.s32 s21, s5  }
0x9f: {  	[timem:s9], [sflag:s22] =	dma.local [hbm:s7], s20  }
0xa0: {  	_ =	swait.ge [sflag:s22], s20  }
0xa1: {  	s6 =	ssub.s32 $0x0, s20;
	[sflag:s22] =	ssyncset.done $0x0  }
0xa2: {  	[sflag:s22] =	ssyncadd.s32 s6;
	_ =	sdelay $0x1  }
0xa3: {  	s23 =	simm.s32 $0x1B8B  }
0xa4: {  	_ =	swait.ge [sflag:s23], $0x1  }
0xa5: {  	[sflag:s23] =	ssyncset.done $0x0  }
0xa6: {  	s25 =	simm.s32 $0x1B8E;
	s24 =	sld [smem:$0x3FFE];
	[sflag:s23] =	ssyncadd.s32 $0xFFFFFFFF  }
0xa7: {  	s26 =	simm.s32 $execute0_lowered;
	[smem:$0x3FD2] =	sst s25  }
0xa8: {  	s7 =	sshll.u32 s26, $0x1;
	_ =	strace $0x80000046;
	[dreg:$0x1] =	wrdreg $0xFFFFFFFF  }
0xa9: {  	s28 =	simm.s32 $_size_execute0_lowered;
	s5 =	sadd.s32 s5, s7;
	[dreg:$0x0] =	wrdreg $0x0  }
0xaa: {  	s7 =	sshll.u32 s28, $0x1;
	[dreg:$0x2] =	wrdreg s5  }
0xab: {  	[dreg:$0x3] =	wrdreg s7  }
0xac: {  	[dreg:$0x4] =	wrdreg $0xC0  }
0xad: {  	_ =	task [dreg:s9], $0x5FFFF  }
0xae: {  	[dreg:$0x1] =	wrdreg $0xFFFFFFFF  }
0xaf: {  	[dreg:$0x0] =	wrdreg $0x60  }
0xb0: {  	[dreg:$0x2] =	wrdreg s2  }
0xb1: {  	[dreg:$0x3] =	wrdreg s24  }
0xb2: {  	[dreg:$0x4] =	wrdreg s18  }
0xb3: {  	[dreg:$0x5] =	wrdreg s4  }
0xb4: {  	[dreg:$0x6] =	wrdreg $0x9  }
0xb5: {  	_ =	task.clear_ibuf [dreg:s9], $0x7FFFF;
	_ =	strace $0x90000046  }
0xb6: {  	s29 =	simm.s32 $0x9;
	_ =	strace $0x80000048  }
0xb7: {  	_ =	swait.ge [sflag:s29], $0x1  }
0xb8: {  	[sflag:s29] =	ssyncadd.s32 $0xFFFFFFFF  }
0xb9: {  	_ =	strace $0x90000048  }
0xba: {  	_ =	sfence  }
0xbb: {  	s30 =	sld [smem:$0x0];
	_ =	sdelay $0x2  }
0xbc: {  	s31 =	sshll.u32 s1, $0xD;
	s1 =	sshrl.u32 s1, $0x2  }
0xbd: {  	s3 =	sand.u32 $0x4000, s31;
	s1 =	sadd.s32 s1, s30  }
0xbe: {  	s0 =	sor.u32 s3, s0;
	s1 =	sshll.u32 s1, $0x11  }
0xbf: {  	s0 =	sor.u32 s1, s0  }
0xc0: {  	s0 =	sadd.s32 $0x8F2B, s0  }
0xc1: {  	[sflag:s0] =	ssyncadd.remote.s32 $0x1  }
0xc2: {  	_ =	sfence.sel $0xFFFF  }
0xc3: {  	[dreg:$0x0] =	wrdreg $0xFFFFFFFF;
	(pc) =	sbr.abs _section_cstart, $3  }
0xc4: {  	[dreg:$0x1] =	wrdreg $0xFFFFFFFF  }
0xc5: {  	_ =	task.clear_ibuf [dreg:s9], $0x2FFFF;
	_ =	strace $0x9FFFFFFF  }
0xc6: {  	(tm) =	ssettm $0x7FFFFFFF  }
0xc7: {  	_ =	shalt  }
tec
execute0_lowered:
.L_overlay_start_1:
0x0: {  	(tag) =	ssettag $0x1  }
0x1: {  	s0 =	rddreg [dreg:$0x0]  }
0x2: {  	s1 =	rddreg [dreg:$0x1];
	s2 =	srdreg.scid;
	s4 =	simm.s32 $0x0  }
0x3: {  	s3 =	stileid.u32;
	s10 =	simm.s32 $0x3;
	s12 =	simm.s32 $0x80  }
0x4: {  	s22 =	simm.s32 $0xD000;
	s23 =	simm.s32 $0x300;
	s24 =	simm.s32 $0xE000  }
0x5: {  	s25 =	simm.s32 $0x380;
	s26 =	simm.s32 $0xF000;
	s28 =	simm.s32 $0x1  }
0x6: {  	s29 =	simm.s32 $0x10000;
	s30 =	simm.s32 $0x11000;
	s31 =	simm.s32 $0x12000  }
0x7: {  	v0 =	vlaneseq.u32;
	s9 =	simm.s32 $0x17000;
	s11 =	simm.s32 $0x2;
	s13 =	simm.s32 $0x18000  }
0x8: {  	s14 =	simm.s32 $0x18890;
	s15 =	simm.s32 $0x0;
	s2 =	sand.u32 $0x1, s2;
	v61 =	vmul.u32 $0x40, v0  }
0x9: {  	[smem:$0x7FF] =	sst s4;
	s3 =	sshll.u32 s3, $0x6;
	s5 =	sshll.u32 s2, $0x5  }
0xa: {  	_ =	strace $0x80000047;
	s2 =	ssub.s32 $0x2, s2;
	s3 =	sor.u32 s5, s3;
	v0 =	vor.u32 $0x1, v61  }
0xb: {  	s5 =	sadd.s32 $0xF42800, s1;
	s6 =	sshrl.u32 s2, $0x1;
	v60 =	vor.u32 $0x2, v61;
	s7 =	sshll.u32 s3, $0x7;
	[tilespmem:$0x1FFC0] =	vst v0  }
0xc: {  	v62 =	vor.u32 $0x3, v61;
	s1 =	sadd.s32 s3, s1;
	s2 =	ssub.s32 s2, s6;
	s3 =	simm.s32 $0x16000;
	[tilespmem:$0x1FFD0] =	vst v60  }
0xd: {  	v63 =	vor.u32 $0x4, v61;
	[tilespmem:$0x1FFE0] =	vst v62;
	s6 =	sadd.s32 s0, s7;
	s7 =	sadd.s32 $0x400, s1;
	s8 =	smax.u32 s2, $0x1  }
0xe: {  	[tilespmem:$0x1FFF0] =	vst v63;
	s0 =	simm.s32 $0x13000;
	s2 =	simm.s32 $0x14000;
	s1 =	simm.s32 $0x15000  }
.LBB2_1:
0xf: {  	s16 =	rddreg [dreg:$0x2];
	s17 =	simm.s32 $0x18800  }
0x10: {  	[tilespmem:s17], [sflag:$0x3] =	stream.linear.gather [hbm4b:s16+s4], $0x80, $0x38;
	[tilespmem:$0x18990] =	vst v63  }
0x11: {  	_ =	swait.ge [sflag:s10], $0x80  }
0x12: {  	[sflag:s10] =	ssyncset.done $0x0  }
0x13: {  	[sflag:s10] =	ssyncadd.s32 $0xFFFFFF80  }
0x14: {  	s21 =	simm.s32 $0x18880;
	s20 =	rddreg [dreg:$0x3]  }
0x15: {  	[tilespmem:s21], [sflag:$0x3] =	stream.linear.gather [hbm4b:s20+s4], $0x10, $0x38;
	[tilespmem:$0x18990] =	vst v63  }
0x16: {  	_ =	swait.ge [sflag:s10], $0x10  }
0x17: {  	[sflag:s10] =	ssyncset.done $0x0  }
0x18: {  	[sflag:s10] =	ssyncadd.s32 $0xFFFFFFF0  }
0x19: {  	[tilespmem:s4], [sflag:$0x3] =	stream.linear.gather [hbm4b:s6+s4], $0x8000, $0x38;
	[tilespmem:$0x18990] =	vst v63  }
0x1a: {  	_ =	swait.ge [sflag:s10], $0x8000  }
0x1b: {  	[sflag:s10] =	ssyncset.done $0x0  }
0x1c: {  	s18 =	simm.s32 $0x8000;
	[sflag:s10] =	ssyncadd.s32 $0xFFFF8000  }
0x1d: {  	[tilespmem:s18], [sflag:$0x1] =	stream.indirect.gather [hbm4b:s5+s12], $0x20, s4, s12, $0xb8;
	[tilespmem:$0x18990] =	vst v63  }
0x1e: {  	s19 =	simm.s32 $0x9000  }
0x1f: {  	[tilespmem:s19], [sflag:$0x1] =	stream.indirect.gather [hbm4b:s5+s12], $0x20, s12, s12, $0xb8;
	[tilespmem:$0x18990] =	vst v63  }
0x20: {  	s20 =	simm.s32 $0x100;
	s21 =	simm.s32 $0xA000  }
0x21: {  	[tilespmem:s21], [sflag:$0x1] =	stream.indirect.gather [hbm4b:s5+s12], $0x20, s20, s12, $0xb8;
	[tilespmem:$0x18990] =	vst v63  }
0x22: {  	s17 =	simm.s32 $0x180;
	s18 =	simm.s32 $0xB000  }
0x23: {  	[tilespmem:s18], [sflag:$0x1] =	stream.indirect.gather [hbm4b:s5+s12], $0x20, s17, s12, $0xb8;
	[tilespmem:$0x18990] =	vst v63  }
0x24: {  	s19 =	simm.s32 $0x200;
	s20 =	simm.s32 $0xC000  }
0x25: {  	[tilespmem:s20], [sflag:$0x1] =	stream.indirect.gather [hbm4b:s5+s12], $0x20, s19, s12, $0xb8;
	[tilespmem:$0x18990] =	vst v63  }
0x26: {  	s21 =	simm.s32 $0x280  }
0x27: {  	[tilespmem:s22], [sflag:$0x1] =	stream.indirect.gather [hbm4b:s5+s12], $0x20, s21, s12, $0xb8;
	[tilespmem:$0x18990] =	vst v63  }
0x28: {  	_ = 	snop  }
0x29: {  	[tilespmem:s24], [sflag:$0x1] =	stream.indirect.gather [hbm4b:s5+s12], $0x20, s23, s12, $0xb8;
	[tilespmem:$0x18990] =	vst v63  }
0x2a: {  	s16 =	simm.s32 $0x0  }
0x2b: {  	[tilespmem:s26], [sflag:$0x1] =	stream.indirect.gather [hbm4b:s5+s12], $0x20, s25, s12, $0xb8;
	[tilespmem:$0x18990] =	vst v63  }
.LBB2_2:
0x2c: {  	_ =	swait.ge [sflag:s28], $0x1000  }
0x2d: {  	[sflag:s28] =	ssyncset.done $0x0  }
0x2e: {  	[sflag:s28] =	ssyncadd.s32 $0xFFFFF000  }
0x2f: {  	_ =	swait.ge [sflag:s28], $0x1000  }
0x30: {  	[sflag:s28] =	ssyncset.done $0x0  }
0x31: {  	[sflag:s28] =	ssyncadd.s32 $0xFFFFF000  }
0x32: {  	_ =	swait.ge [sflag:s28], $0x1000  }
0x33: {  	[sflag:s28] =	ssyncset.done $0x0  }
0x34: {  	[sflag:s28] =	ssyncadd.s32 $0xFFFFF000  }
0x35: {  	_ =	swait.ge [sflag:s28], $0x1000  }
0x36: {  	[sflag:s28] =	ssyncset.done $0x0  }
0x37: {  	[sflag:s28] =	ssyncadd.s32 $0xFFFFF000  }
0x38: {  	_ =	swait.ge [sflag:s28], $0x1000  }
0x39: {  	[sflag:s28] =	ssyncset.done $0x0  }
0x3a: {  	[sflag:s28] =	ssyncadd.s32 $0xFFFFF000  }
0x3b: {  	_ =	swait.ge [sflag:s28], $0x1000  }
0x3c: {  	[sflag:s28] =	ssyncset.done $0x0  }
0x3d: {  	[sflag:s28] =	ssyncadd.s32 $0xFFFFF000  }
0x3e: {  	_ =	swait.ge [sflag:s28], $0x1000  }
0x3f: {  	[sflag:s28] =	ssyncset.done $0x0  }
0x40: {  	[sflag:s28] =	ssyncadd.s32 $0xFFFFF000  }
0x41: {  	s17 =	sshllo.u32 s16, $0x1;
	_ =	swait.ge [sflag:s28], $0x1000  }
0x42: {  	s18 =	sshll.u32 s17, $0xA;
	[sflag:s28] =	ssyncset.done $0x0  }
0x43: {  	s18 =	sand.u32 $0x3FFFFC00, s18;
	[sflag:s28] =	ssyncadd.s32 $0xFFFFF000  }
0x44: {  	[tilespmem:s29], [sflag:$0x2] =	stream.indirect.gather [hbm4b:s5+s12], $0x20, s18, s12, $0xb8;
	[tilespmem:$0x18990] =	vst v63  }
0x45: {  	s19 =	sor.u32 $0x80, s18  }
0x46: {  	[tilespmem:s30], [sflag:$0x2] =	stream.indirect.gather [hbm4b:s5+s12], $0x20, s19, s12, $0xb8;
	[tilespmem:$0x18990] =	vst v63  }
0x47: {  	s20 =	sor.u32 $0x100, s18  }
0x48: {  	[tilespmem:s31], [sflag:$0x2] =	stream.indirect.gather [hbm4b:s5+s12], $0x20, s20, s12, $0xb8;
	[tilespmem:$0x18990] =	vst v63  }
0x49: {  	s21 =	sor.u32 $0x180, s18  }
0x4a: {  	[tilespmem:s0], [sflag:$0x2] =	stream.indirect.gather [hbm4b:s5+s12], $0x20, s21, s12, $0xb8;
	[tilespmem:$0x18990] =	vst v63  }
0x4b: {  	s20 =	sor.u32 $0x200, s18  }
0x4c: {  	[tilespmem:s2], [sflag:$0x2] =	stream.indirect.gather [hbm4b:s5+s12], $0x20, s20, s12, $0xb8;
	[tilespmem:$0x18990] =	vst v63  }
0x4d: {  	s21 =	sor.u32 $0x280, s18  }
0x4e: {  	[tilespmem:s1], [sflag:$0x2] =	stream.indirect.gather [hbm4b:s5+s12], $0x20, s21, s12, $0xb8;
	[tilespmem:$0x18990] =	vst v63  }
0x4f: {  	s20 =	sor.u32 $0x300, s18  }
0x50: {  	[tilespmem:s3], [sflag:$0x2] =	stream.indirect.gather [hbm4b:s5+s12], $0x20, s20, s12, $0xb8;
	[tilespmem:$0x18990] =	vst v63  }
0x51: {  	s18 =	sor.u32 $0x380, s18;
	s21 =	simm.s32 $0x0  }
0x52: {  	[tilespmem:s9], [sflag:$0x2] =	stream.indirect.gather [hbm4b:s5+s12], $0x20, s18, s12, $0xb8;
	[tilespmem:$0x18990] =	vst v63  }
0x53: {  	v20 =	vld [tilespmem:s21+$0x8000]  }
0x54: {  	v30 =	vld [tilespmem:s21+$0x8010];
	_ =	sdelay $0x1  }
0x55: {  	v31 =	vld [tilespmem:s21+$0x8020]  }
0x56: {  	v32 =	vld [tilespmem:s21+$0x8030];
	_ =	sdelay $0x1  }
0x57: {  	v22 =	vld [tilespmem:s21+$0x8040];
	v0 =	vmul.f32 v20, v20;
	v2 =	vmul.f32 v30, v30  }
0x58: {  	v29 =	vld [tilespmem:s21+$0x8050]  }
0x59: {  	v28 =	vld [tilespmem:s21+$0x8060];
	v0 =	vadd.f32 v2, v0  }
0x5a: {  	v27 =	vld [tilespmem:s21+$0x8070];
	v3 =	vmul.f32 v32, v32;
	v2 =	vmul.f32 v31, v31  }
0x5b: {  	(xrf2) =	vadd.scan.msk.f32 $0xffff, v0  }
0x5c: {  	v0 =	vadd.f32 v3, v2  }
0x5d: {  	v6 =	vld [tilespmem:s21+$0x8080];
	v2 =	vmul.f32 v22, v22;
	v3 =	vmul.f32 v29, v29  }
0x5e: {  	v9 =	vld [tilespmem:s21+$0x8090];
	(xrf2) =	vadd.scan.msk.f32 $0xffff, v0  }
0x5f: {  	v0 =	vadd.f32 v3, v2;
	v2 =	vmul.f32 v28, v28;
	v3 =	vmul.f32 v27, v27  }
0x60: {  	v7 =	vld [tilespmem:s21+$0x80A0]  }
0x61: {  	v8 =	vld [tilespmem:s21+$0x80B0];
	(xrf2) =	vadd.scan.msk.f32 $0xffff, v0;
	v0 =	vadd.f32 v3, v2;
	_ =	sdelay $0x1  }
0x62: {  	v5 =	vld [tilespmem:s21+$0x80C0];
	v4 =	vmul.f32 v9, v9;
	v3 =	vmul.f32 v6, v6  }
0x63: {  	v2 =	vld [tilespmem:s21+$0x80D0];
	(xrf2) =	vadd.scan.msk.f32 $0xffff, v0  }
0x64: {  	v10 =	vadd.f32 v4, v3;
	v0, _, _ =	vpop (xrf2)  }
0x65: {  	v11 =	vmul.f32 v7, v7;
	v12 =	vmul.f32 v8, v8;
	v4 =	vld [tilespmem:s21+$0x80E0];
	(v2sf) =	vpush v0, $0xF  }
0x66: {  	s19 =	simm.s32 $0x100;
	v3 =	vld [tilespmem:s21+$0x80F0];
	(xrf2) =	vadd.scan.msk.f32 $0xffff, v10  }
0x67: {  	v11 =	vadd.f32 v12, v11;
	v10 =	vld [tilespmem:s19+$0x8000];
	v0, _, _ =	vpop (xrf2)  }
0x68: {  	v13 =	vmul.f32 v5, v5;
	v12 =	vmul.f32 v2, v2;
	(v2sf) =	vpush v0, $0xF;
	v0 =	vld [tilespmem:s19+$0x8010]  }
0x69: {  	(xrf2) =	vadd.scan.msk.f32 $0xffff, v11  }
0x6a: {  	v15 =	vadd.f32 v12, v13;
	v14, _, _ =	vpop (xrf2)  }
0x6b: {  	v16 =	vmul.f32 v3, v3;
	v13 =	vld [tilespmem:s19+$0x8020];
	(v2sf) =	vpush v14, $0xF;
	v14 =	vmul.f32 v4, v4  }
0x6c: {  	v12 =	vld [tilespmem:s19+$0x8030];
	(xrf2) =	vadd.scan.msk.f32 $0xffff, v15;
	v17 =	vmul.f32 v10, v10  }
0x6d: {  	v11, _, _ =	vpop (xrf2);
	v14 =	vadd.f32 v16, v14;
	v18 =	vmul.f32 v0, v0  }
0x6e: {  	(v2sf) =	vpush v11, $0xF;
	v11 =	vld [tilespmem:s19+$0x8040]  }
0x6f: {  	v16 =	vld [tilespmem:s19+$0x8050];
	(xrf2) =	vadd.scan.msk.f32 $0xffff, v14;
	v15 =	vadd.f32 v18, v17  }
0x70: {  	v14 =	vld [tilespmem:s19+$0x8060];
	v17, _, _ =	vpop (xrf2)  }
0x71: {  	v19 =	vmul.f32 v12, v12;
	v18 =	vmul.f32 v13, v13;
	(v2sf) =	vpush v17, $0xF;
	(xrf2) =	vadd.scan.msk.f32 $0xffff, v15;
	v15 =	vld [tilespmem:s19+$0x8070]  }
0x72: {  	v21 =	vld [tilespmem:s19+$0x80A0]  }
0x73: {  	v19 =	vadd.f32 v19, v18;
	v18 =	vld [tilespmem:s19+$0x8090];
	v23, _, _ =	vpop (xrf2)  }
0x74: {  	s18 =	simm.f32 $-1.000000000e+00;
	v17 =	vld [tilespmem:s19+$0x8080];
	v24 =	vmul.f32 v11, v11;
	v25 =	vmul.f32 v16, v16;
	(v2sf) =	vpush v23, $0xF;
	s20 =	spop (v2sf)  }
0x75: {  	(xrf2) =	vadd.scan.msk.f32 $0xffff, v19;
	v19 =	vld [tilespmem:s19+$0x80B0];
	p0 =	sgt.f32 s20, s18  }
0x76: {  	v26 =	vmul.f32 v14, v14;
	v23, _, _ =	vpop (xrf2);
	v37 =	vadd.f32 v25, v24;
	v24 =	vld [tilespmem:s19+$0x80D0];
	v34 =	vmul.f32 v15, v15  }
0x77: {  	(v2sf) =	vpush v23, $0xF;
	v23 =	vld [tilespmem:s19+$0x80C0];
	s18 =	smov.u32 @p0 s20;
	s20 =	spop (v2sf)  }
0x78: {  	v34 =	vadd.f32 v34, v26;
	v26 =	vmul.f32 v18, v18;
	p1 =	sgt.f32 s20, s18  }
0x79: {  	v33 =	vimm.f32 $0.0e+00;
	v39 =	vmul.f32 v21, v21;
	v25 =	vmul.f32 v17, v17;
	v38, _, _ =	vpop (xrf2);
	(xrf2) =	vadd.scan.msk.f32 $0xffff, v37  }
0x7a: {  	v35 =	vpsel p0, v20, v33;
	v36 =	vpsel p0, v30, v33;
	(v2sf) =	vpush v38, $0xF;
	s18 =	smov.u32 @p1 s20;
	s20 =	spop (v2sf)  }
0x7b: {  	v40 =	vmul.f32 v19, v19;
	v20 =	vadd.f32 v20, v33;
	v30 =	vadd.f32 v30, v33;
	p0 =	sgt.f32 s20, s18  }
0x7c: {  	v62 =	vmul.f32 v24, v24;
	v41 =	vmul.f32 v23, v23;
	v60 =	vadd.f32 v26, v25;
	v25 =	vld [tilespmem:s19+$0x80E0];
	(xrf2) =	vadd.scan.msk.f32 $0xffff, v34;
	v26, _, _ =	vpop (xrf2)  }
0x7d: {  	v35 =	vpsel p1, v31, v35;
	v36 =	vpsel p1, v32, v36;
	s21 =	spop (v2sf);
	(v2sf) =	vpush v26, $0xF;
	v26 =	vld [tilespmem:s19+$0x80F0];
	s18 =	smov.u32 @p0 s20  }
0x7e: {  	v31 =	vadd.f32 v31, v20;
	s19 =	simm.s32 $0x200;
	v35 =	vpsel p0, v22, v35;
	v36 =	vpsel p0, v29, v36;
	p0 =	sgt.f32 s21, s18  }
0x7f: {  	v40 =	vadd.f32 v40, v39;
	v30 =	vadd.f32 v32, v30;
	v63, _, _ =	vpop (xrf2);
	(xrf2) =	vadd.scan.msk.f32 $0xffff, v60;
	v20 =	vld [tilespmem:s19+$0x8000]  }
0x80: {  	v38 =	vadd.f32 v62, v41;
	v37 =	vadd.f32 v22, v31;
	v22 =	vld [tilespmem:s19+$0x8010];
	s18 =	smov.u32 @p0 s21;
	s21 =	spop (v2sf)  }
0x81: {  	(v2sf) =	vpush v63, $0xF;
	v33 =	vpsel p0, v28, v35;
	v34 =	vpsel p0, v27, v36;
	p0 =	sgt.f32 s21, s18  }
0x82: {  	s20 =	simm.s32 $0xC00;
	(xrf2) =	vadd.scan.msk.f32 $0xffff, v40;
	v35 =	vmul.f32 v25, v25;
	v36 =	vadd.f32 v29, v30;
	v39 =	vmul.f32 v26, v26  }
.LBB2_3:
0x83: {  	p1 =	sne.s32 s20, $0x1F000;
	v29, _, _ =	vpop (xrf2);
	v1 =	vadd.f32 v28, v37;
	s18 =	smov.u32 @p0 s21;
	v33 =	vpsel p0, v6, v33;
	v34 =	vpsel p0, v9, v34;
	s21 =	spop (v2sf)  }
0x84: {  	v32 =	vmovc v12;
	v37 =	vmul.f32 v20, v20;
	v30 =	vld [tilespmem:s19+$0x8040];
	(v2sf) =	vpush v29, $0xF;
	v40 =	vadd.f32 v27, v36;
	p0 =	sgt.f32 s21, s18;
	v29 =	vmovc v16  }
0x85: {  	v35 =	vadd.f32 v39, v35;
	v16 =	vmul.f32 v22, v22;
	v31 =	vld [tilespmem:s19+$0x8020];
	(xrf2) =	vadd.scan.msk.f32 $0xffff, v38;
	v1 =	vadd.f32 v6, v1  }
0x86: {  	v12 =	vld [tilespmem:s19+$0x8030];
	v28, _, _ =	vpop (xrf2);
	v38 =	vadd.f32 v9, v40;
	s18 =	smov.u32 @p0 s21;
	v33 =	vpsel p0, v7, v33;
	v34 =	vpsel p0, v8, v34;
	s21 =	spop (v2sf)  }
0x87: {  	v27 =	vmovc v15;
	v6 =	vmovc v17;
	(v2sf) =	vpush v28, $0xF;
	v36 =	vadd.f32 v7, v1;
	p0 =	sgt.f32 s21, s18;
	v28 =	vmov v14  }
0x88: {  	v9 =	vmovc v18;
	v37 =	vadd.f32 v16, v37;
	v7 =	vmov v21;
	v16 =	vld [tilespmem:s19+$0x8050];
	(xrf2) =	vadd.scan.msk.f32 $0xffff, v35;
	v1 =	vadd.f32 v8, v38  }
0x89: {  	v14 =	vld [tilespmem:s19+$0x8060];
	v17, _, _ =	vpop (xrf2);
	v18 =	vadd.f32 v5, v36;
	s18 =	smov.u32 @p0 s21;
	v21 =	vpsel p0, v5, v33;
	v33 =	vpsel p0, v2, v34;
	s21 =	spop (v2sf)  }
0x8a: {  	v8 =	vmovc v19;
	v34 =	vmul.f32 v30, v30;
	v5 =	vmovc v23;
	v15 =	vld [tilespmem:s19+$0x8070];
	(v2sf) =	vpush v17, $0xF;
	v35 =	vadd.f32 v2, v1;
	p0 =	sgt.f32 s21, s18  }
0x8b: {  	v19 =	vmul.f32 v31, v31;
	v2 =	vmovc v24;
	v23 =	vmul.f32 v12, v12;
	v36 =	vadd.f32 v4, v18  }
0x8c: {  	v17 =	vld [tilespmem:s19+$0x8080];
	(xrf2) =	vadd.scan.msk.f32 $0xffff, v37;
	v24, _, _ =	vpop (xrf2);
	v35 =	vadd.f32 v3, v35;
	s18 =	smov.u32 @p0 s21;
	v37 =	vpsel p0, v4, v21;
	v33 =	vpsel p0, v3, v33  }
0x8d: {  	v4 =	vmovc v25;
	v3 =	vmovc v26;
	v19 =	vadd.f32 v23, v19;
	v21 =	vmul.f32 v16, v16;
	v18 =	vld [tilespmem:s19+$0x8090];
	s21 =	spop (v2sf);
	(v2sf) =	vpush v24, $0xF  }
0x8e: {  	p0 =	sgt.f32 s21, s18  }
0x8f: {  	v23 =	vmul.f32 v14, v14;
	v24 =	vadd.f32 v21, v34;
	v25 =	vmul.f32 v15, v15;
	v21 =	vld [tilespmem:s19+$0x80A0];
	(xrf2) =	vadd.scan.msk.f32 $0xffff, v19;
	v26, _, _ =	vpop (xrf2)  }
0x90: {  	v19 =	vld [tilespmem:s19+$0x80B0];
	s18 =	smov.u32 @p0 s21;
	v34 =	vpsel p0, v10, v37;
	v33 =	vpsel p0, v0, v33;
	s21 =	spop (v2sf);
	(v2sf) =	vpush v26, $0xF  }
0x91: {  	p0 =	sgt.f32 s21, s18  }
0x92: {  	v26 =	vadd.f32 v25, v23;
	v25 =	vmul.f32 v17, v17;
	v37 =	vmul.f32 v18, v18;
	v23 =	vld [tilespmem:s19+$0x80C0];
	(xrf2) =	vadd.scan.msk.f32 $0xffff, v24;
	v38, _, _ =	vpop (xrf2)  }
0x93: {  	v24 =	vld [tilespmem:s19+$0x80D0];
	s18 =	smov.u32 @p0 s21;
	v34 =	vpsel p0, v13, v34;
	v33 =	vpsel p0, v32, v33;
	s21 =	spop (v2sf);
	(v2sf) =	vpush v38, $0xF  }
0x94: {  	p0 =	sgt.f32 s21, s18  }
0x95: {  	v37 =	vadd.f32 v37, v25;
	v38 =	vmul.f32 v21, v21;
	v39 =	vmul.f32 v19, v19;
	v25 =	vld [tilespmem:s19+$0x80E0];
	(xrf2) =	vadd.scan.msk.f32 $0xffff, v26  }
0x96: {  	v1 =	vadd.f32 v10, v36;
	v26 =	vld [tilespmem:s19+$0x80F0];
	v40, _, _ =	vpop (xrf2);
	s18 =	smov.u32 @p0 s21;
	v34 =	vpsel p0, v11, v34;
	v41 =	vpsel p0, v29, v33;
	s21 =	spop (v2sf)  }
.Ltmp0:
0x97: {  	v10 =	vmovc v20;
	s19 =	sshra.s32 s20, $0x2;
	v33 =	vadd.f32 v0, v35;
	v0 =	vmovc v22;
	v42 =	vmul.f32 v23, v23;
	(v2sf) =	vpush v40, $0xF;
	p0 =	sgt.f32 s21, s18;
	(pc) =	sbr.rel @p1 .LBB2_3-.Ltmp0, $4  }
0x98: {  	v1 =	vadd.f32 v13, v1;
	v40 =	vadd.f32 v39, v38;
	v20 =	vld [tilespmem:s19+$0x8000];
	v38 =	vmul.f32 v24, v24;
	(xrf2) =	vadd.scan.msk.f32 $0xffff, v37  }
0x99: {  	v32 =	vadd.f32 v32, v33;
	v22 =	vld [tilespmem:s19+$0x8010];
	v36, _, _ =	vpop (xrf2);
	s18 =	smov.u32 @p0 s21;
	v33 =	vpsel p0, v28, v34;
	v34 =	vpsel p0, v27, v41;
	s21 =	spop (v2sf)  }
0x9a: {  	v13 =	vmovc v31;
	v37 =	vadd.f32 v11, v1;
	v11 =	vmovc v30;
	v35 =	vmul.f32 v25, v25;
	(v2sf) =	vpush v36, $0xF;
	p0 =	sgt.f32 s21, s18  }
0x9b: {  	s20 =	sadd.s32 $0x400, s20;
	v38 =	vadd.f32 v38, v42;
	v36 =	vadd.f32 v29, v32;
	v39 =	vmul.f32 v26, v26;
	(xrf2) =	vadd.scan.msk.f32 $0xffff, v40  }
0x9c: {  	v29, _, _ =	vpop (xrf2)  }
0x9d: {  	s18 =	smov.u32 @p0 s21;
	s20 =	spop (v2sf);
	(v2sf) =	vpush v29, $0xF  }
0x9e: {  	p1 =	sgt.f32 s20, s18  }
0x9f: {  	v30 =	vld [tilespmem:s19+$0x8020];
	v32, _, _ =	vpop (xrf2)  }
0xa0: {  	(xrf2) =	vadd.scan.msk.f32 $0xffff, v38;
	v29 =	vld [tilespmem:s19+$0x8030];
	s18 =	smov.u32 @p1 s20;
	s20 =	spop (v2sf);
	(v2sf) =	vpush v32, $0xF  }
0xa1: {  	v35 =	vadd.f32 v39, v35;
	p2 =	sgt.f32 s20, s18  }
0xa2: {  	v31 =	vld [tilespmem:s19+$0x8040];
	v49 =	vmul.f32 v20, v20;
	v50 =	vmul.f32 v22, v22  }
0xa3: {  	(xrf2) =	vadd.scan.msk.f32 $0xffff, v35;
	v32 =	vld [tilespmem:s19+$0x8050];
	s18 =	smov.u32 @p2 s20;
	s20 =	spop (v2sf)  }
0xa4: {  	v51 =	vadd.f32 v28, v37;
	v52 =	vadd.f32 v50, v49;
	v53, _, _ =	vpop (xrf2);
	p3 =	sgt.f32 s20, s18  }
0xa5: {  	v28 =	vld [tilespmem:s19+$0x8060];
	v54 =	vmul.f32 v30, v30;
	v55 =	vmul.f32 v29, v29;
	(v2sf) =	vpush v53, $0xF  }
0xa6: {  	v36 =	vadd.f32 v27, v36;
	v27 =	vld [tilespmem:s19+$0x8070];
	(xrf2) =	vadd.scan.msk.f32 $0xffff, v52;
	s21 =	simm.s32 @!p3 $0x0;
	s18 =	smov.u32 @p3 s20;
	s20 =	spop (v2sf)  }
0xa7: {  	v38 =	vadd.f32 v55, v54;
	v40, _, _ =	vpop (xrf2);
	s21 =	simm.s32 @p3 $0x1;
	p3 =	sgt.f32 s20, s18  }
0xa8: {  	v35 =	vld [tilespmem:s19+$0x8080];
	v57 =	vmul.f32 v31, v31;
	v41 =	vmul.f32 v32, v32;
	(v2sf) =	vpush v40, $0xF;
	[smem:$0x7F6] =	sst s21  }
0xa9: {  	v58 =	vadd.f32 v9, v36;
	v36 =	vld [tilespmem:s19+$0x8090];
	(xrf2) =	vadd.scan.msk.f32 $0xffff, v38;
	s21 =	simm.s32 @!p3 $0x0;
	s18 =	smov.u32 @p3 s20;
	s20 =	spop (v2sf)  }
0xaa: {  	v56 =	vadd.f32 v6, v51;
	v39 =	vadd.f32 v41, v57;
	v59, _, _ =	vpop (xrf2);
	s21 =	simm.s32 @p3 $0x1;
	p3 =	sgt.f32 s20, s18  }
0xab: {  	v37 =	vld [tilespmem:s19+$0x80A0];
	v60 =	vmul.f32 v28, v28;
	v43 =	vmul.f32 v27, v27;
	(v2sf) =	vpush v59, $0xF;
	[smem:$0x7F7] =	sst s21  }
0xac: {  	v40 =	vadd.f32 v8, v58;
	v38 =	vld [tilespmem:s19+$0x80B0];
	(xrf2) =	vadd.scan.msk.f32 $0xffff, v39;
	s21 =	simm.s32 @!p3 $0x0;
	s18 =	smov.u32 @p3 s20;
	s20 =	spop (v2sf)  }
0xad: {  	v42 =	vadd.f32 v7, v56;
	v44 =	vmul.f32 v35, v35;
	v41 =	vadd.f32 v43, v60;
	v62, _, _ =	vpop (xrf2);
	s21 =	simm.s32 @p3 $0x1;
	p3 =	sgt.f32 s20, s18  }
0xae: {  	v45 =	vmul.f32 v36, v36;
	v63 =	vadd.f32 v2, v40;
	v40 =	vld [tilespmem:s19+$0x80D0];
	(v2sf) =	vpush v62, $0xF;
	[smem:$0x7F8] =	sst s21  }
0xaf: {  	v42 =	vadd.f32 v5, v42;
	v39 =	vld [tilespmem:s19+$0x80C0];
	(xrf2) =	vadd.scan.msk.f32 $0xffff, v41;
	s21 =	simm.s32 @!p3 $0x0;
	s18 =	smov.u32 @p3 s20;
	s20 =	spop (v2sf)  }
0xb0: {  	v49 =	vmul.f32 v37, v37;
	v44 =	vadd.f32 v45, v44;
	v48, _, _ =	vpop (xrf2);
	s21 =	simm.s32 @p3 $0x1;
	p3 =	sgt.f32 s20, s18  }
0xb1: {  	v46 =	vadd.f32 v4, v42;
	v42 =	vld [tilespmem:s19+$0x80F0];
	v47 =	vmul.f32 v38, v38;
	(v2sf) =	vpush v48, $0xF  }
0xb2: {  	v6 =	vpsel p0, v6, v33;
	v41 =	vld [tilespmem:s19+$0x80E0];
	(xrf2) =	vadd.scan.msk.f32 $0xffff, v44;
	[smem:$0x7F9] =	sst s21;
	s19 =	simm.s32 @!p3 $0x0  }
0xb3: {  	v9 =	vpsel p0, v9, v34;
	v43 =	vadd.f32 v3, v63;
	v45 =	vadd.f32 v47, v49;
	v51, _, _ =	vpop (xrf2);
	s21 =	sld [smem:$0x7F6];
	s19 =	simm.s32 @p3 $0x1  }
0xb4: {  	v53 =	vmul.f32 v40, v40;
	v52 =	vmul.f32 v39, v39;
	(v2sf) =	vpush v51, $0xF;
	s18 =	smov.u32 @p3 s20;
	[smem:$0x7FA] =	sst s19;
	s19 =	spop (v2sf)  }
0xb5: {  	v6 =	vpsel p1, v7, v6;
	v50 =	vadd.f32 v10, v46;
	v8 =	vpsel p1, v8, v9;
	(xrf2) =	vadd.scan.msk.f32 $0xffff, v45;
	p3 =	sgt.f32 s19, s18  }
0xb6: {  	v57 =	vmul.f32 v42, v42;
	v43 =	vadd.f32 v0, v43;
	v54 =	vadd.f32 v53, v52;
	v55, _, _ =	vpop (xrf2);
	p1 =	seq.s32 s21, $0x1  }
0xb7: {  	v44 =	vadd.f32 v13, v50;
	v56 =	vmul.f32 v41, v41;
	(v2sf) =	vpush v55, $0xF;
	s20 =	simm.s32 @!p3 $0x0;
	s18 =	smov.u32 @p3 s19;
	s19 =	spop (v2sf)  }
0xb8: {  	v43 =	vadd.f32 v12, v43;
	(xrf2) =	vadd.scan.msk.f32 $0xffff, v54;
	s21 =	sld [smem:$0x7F7];
	s20 =	simm.s32 @p3 $0x1;
	p3 =	sgt.f32 s19, s18  }
0xb9: {  	v44 =	vadd.f32 v11, v44;
	v58 =	vadd.f32 v57, v56;
	v59, _, _ =	vpop (xrf2)  }
0xba: {  	v43 =	vadd.f32 v16, v43;
	(v2sf) =	vpush v59, $0xF;
	s18 =	smov.u32 @p3 s19;
	s19 =	spop (v2sf)  }
0xbb: {  	v5 =	vpsel p2, v5, v6;
	v2 =	vpsel p2, v2, v8;
	v44 =	vadd.f32 v14, v44;
	(xrf2) =	vadd.scan.msk.f32 $0xffff, v58;
	p2 =	seq.s32 s21, $0x1;
	s21 =	sld [smem:$0x7F8];
	p6 =	sgt.f32 s19, s18  }
0xbc: {  	v43 =	vadd.f32 v15, v43;
	v60, _, _ =	vpop (xrf2);
	[smem:$0x7FB] =	sst s20  }
0xbd: {  	v44 =	vadd.f32 v17, v44;
	s20 =	simm.s32 @!p3 $0x0;
	(v2sf) =	vpush v60, $0xF;
	s18 =	smov.u32 @p6 s19;
	s19 =	spop (v2sf)  }
0xbe: {  	v43 =	vadd.f32 v18, v43;
	s20 =	simm.s32 @p3 $0x1;
	p3 =	sgt.f32 s19, s18  }
0xbf: {  	v44 =	vadd.f32 v21, v44;
	v4 =	vpsel p1, v4, v5;
	v2 =	vpsel p1, v3, v2;
	v62, _, _ =	vpop (xrf2);
	p1 =	seq.s32 s21, $0x1;
	s21 =	sld [smem:$0x7F9]  }
0xc0: {  	v43 =	vadd.f32 v19, v43;
	(v2sf) =	vpush v62, $0xF;
	s18 =	smov.u32 @p3 s19;
	s19 =	spop (v2sf)  }
0xc1: {  	v44 =	vadd.f32 v23, v44;
	v3 =	vpsel p2, v10, v4;
	v0 =	vpsel p2, v0, v2;
	[smem:$0x7FC] =	sst s20;
	p5 =	sgt.f32 s19, s18  }
0xc2: {  	v43 =	vadd.f32 v24, v43;
	v2 =	vpsel p1, v13, v3;
	v0 =	vpsel p1, v12, v0;
	v63, _, _ =	vpop (xrf2);
	p1 =	seq.s32 s21, $0x1;
	s21 =	sld [smem:$0x7FA]  }
0xc3: {  	v44 =	vadd.f32 v25, v44;
	(v2sf) =	vpush v63, $0xF;
	s20 =	simm.s32 @!p3 $0x0;
	s18 =	smov.u32 @p5 s19;
	s19 =	spop (v2sf)  }
0xc4: {  	v43 =	vadd.f32 v26, v43;
	s20 =	simm.s32 @p3 $0x1;
	p3 =	sgt.f32 s19, s18  }
0xc5: {  	v49 =	vadd.f32 v20, v44;
	v48, _, _ =	vpop (xrf2);
	v2 =	vpsel p1, v11, v2;
	v0 =	vpsel p1, v16, v0;
	p1 =	seq.s32 s21, $0x1;
	s21 =	sld [smem:$0x7FB]  }
0xc6: {  	v7 =	vadd.f32 v22, v43;
	(v2sf) =	vpush v48, $0xF;
	[smem:$0x7FD] =	sst s20;
	s20 =	spop (v2sf);
	s18 =	smov.u32 @p3 s19  }
0xc7: {  	v6 =	vadd.f32 v30, v49;
	p4 =	sgt.f32 s20, s18  }
0xc8: {  	v5 =	vadd.f32 v29, v7;
	p0 =	seq.s32 s21, $0x1;
	s21 =	sld [smem:$0x7FC]  }
0xc9: {  	v4 =	vadd.f32 v31, v6;
	s19 =	spop (v2sf);
	s18 =	smov.u32 @p4 s20  }
0xca: {  	v3 =	vadd.f32 v32, v5;
	v2 =	vpsel p1, v14, v2;
	v0 =	vpsel p1, v15, v0;
	p2 =	sgt.f32 s19, s18  }
0xcb: {  	v4 =	vadd.f32 v28, v4;
	v2 =	vpsel p0, v17, v2;
	v0 =	vpsel p0, v18, v0;
	p0 =	seq.s32 s21, $0x1  }
0xcc: {  	v3 =	vadd.f32 v27, v3;
	s21 =	sld [smem:$0x7FD];
	s18 =	smov.u32 @p2 s19;
	s19 =	spop (v2sf)  }
0xcd: {  	v4 =	vadd.f32 v35, v4;
	p1 =	sgt.f32 s19, s18  }
0xce: {  	v3 =	vadd.f32 v36, v3;
	v2 =	vpsel p0, v21, v2  }
0xcf: {  	v4 =	vadd.f32 v37, v4;
	v0 =	vpsel p0, v19, v0;
	v2 =	vpsel p6, v23, v2;
	p0 =	seq.s32 s21, $0x1;
	s18 =	smov.u32 @p1 s19;
	s19 =	spop (v2sf)  }
0xd0: {  	v3 =	vadd.f32 v38, v3;
	v0 =	vpsel p6, v24, v0;
	v2 =	vpsel p0, v25, v2;
	p6 =	sgt.f32 s19, s18  }
0xd1: {  	v4 =	vadd.f32 v39, v4;
	v0 =	vpsel p0, v26, v0;
	v2 =	vpsel p5, v20, v2  }
0xd2: {  	v3 =	vadd.f32 v40, v3;
	v0 =	vpsel p5, v22, v0;
	v2 =	vpsel p3, v30, v2;
	s18 =	smov.u32 @p6 s19;
	s19 =	spop (v2sf)  }
0xd3: {  	v4 =	vadd.f32 v41, v4;
	v0 =	vpsel p3, v29, v0;
	v2 =	vpsel p4, v31, v2;
	p3 =	sgt.f32 s19, s18  }
0xd4: {  	v3 =	vadd.f32 v42, v3;
	v0 =	vpsel p4, v32, v0;
	v2 =	vpsel p2, v28, v2  }
0xd5: {  	s21 =	sshll.u32 s16, $0x7;
	v4 =	vmul.f32 $1.000000050e-03, v4;
	v0 =	vpsel p2, v27, v0;
	v2 =	vpsel p1, v35, v2;
	s20 =	spop (v2sf);
	s18 =	smov.u32 @p3 s19  }
0xd6: {  	v3 =	vmul.f32 $1.000000050e-03, v3;
	v0 =	vpsel p1, v36, v0;
	v2 =	vpsel p6, v37, v2;
	p5 =	sgt.f32 s20, s18;
	s20 =	sand.u32 $0x3FFFFF80, s21  }
0xd7: {  	v0 =	vpsel p6, v38, v0;
	v2 =	vpsel p3, v39, v2;
	[tilespmem:s20+$0x18000] =	vst v4  }
0xd8: {  	v0 =	vpsel p3, v40, v0;
	[tilespmem:s20+$0x18010] =	vst v3;
	v2 =	vpsel p5, v41, v2  }
0xd9: {  	v0 =	vpsel p5, v42, v0;
	[tilespmem:s20+$0x18020] =	vst v2  }
0xda: {  	[tilespmem:s20+$0x18030] =	vst v0  }
0xdb: {  	_ =	swait.ge [sflag:s11], $0x1000  }
0xdc: {  	[sflag:s11] =	ssyncset.done $0x0  }
0xdd: {  	[sflag:s11] =	ssyncadd.s32 $0xFFFFF000  }
0xde: {  	_ =	swait.ge [sflag:s11], $0x1000  }
0xdf: {  	[sflag:s11] =	ssyncset.done $0x0  }
0xe0: {  	[sflag:s11] =	ssyncadd.s32 $0xFFFFF000  }
0xe1: {  	_ =	swait.ge [sflag:s11], $0x1000  }
0xe2: {  	[sflag:s11] =	ssyncset.done $0x0  }
0xe3: {  	[sflag:s11] =	ssyncadd.s32 $0xFFFFF000  }
0xe4: {  	_ =	swait.ge [sflag:s11], $0x1000  }
0xe5: {  	[sflag:s11] =	ssyncset.done $0x0  }
0xe6: {  	[sflag:s11] =	ssyncadd.s32 $0xFFFFF000  }
0xe7: {  	_ =	swait.ge [sflag:s11], $0x1000  }
0xe8: {  	[sflag:s11] =	ssyncset.done $0x0  }
0xe9: {  	[sflag:s11] =	ssyncadd.s32 $0xFFFFF000  }
0xea: {  	_ =	swait.ge [sflag:s11], $0x1000  }
0xeb: {  	[sflag:s11] =	ssyncset.done $0x0  }
0xec: {  	[sflag:s11] =	ssyncadd.s32 $0xFFFFF000  }
0xed: {  	_ =	swait.ge [sflag:s11], $0x1000  }
0xee: {  	[sflag:s11] =	ssyncset.done $0x0  }
0xef: {  	p0 =	seq.s32 s16, $0xF;
	[sflag:s11] =	ssyncadd.s32 $0xFFFFF000  }
0xf0: {  	s18 =	sshll.u32 @!p0 s16, $0xB;
	_ =	swait.ge [sflag:s11], $0x1000  }
0xf1: {  	s21 =	simm.s32 @!p0 $0x8000;
	s18 =	sand.u32 @!p0 $0x3FFFF800, s18;
	[sflag:s11] =	ssyncset.done $0x0  }
0xf2: {  	s19 =	sadd.s32 @!p0 $0x800, s18;
	s20 =	simm.s32 @!p0 $0x80;
	[sflag:s11] =	ssyncadd.s32 $0xFFFFF000  }
0xf3: {  	[tilespmem:s21], [sflag:$0x1] =	stream.indirect.gather @!p0 [hbm4b:s5+s20], $0x20, s19, s20, $0xb8;
	[tilespmem:$0x18990] =	vst v63  }
0xf4: {  	s19 =	sadd.s32 @!p0 $0x880, s18;
	s21 =	simm.s32 @!p0 $0x9000  }
0xf5: {  	[tilespmem:s21], [sflag:$0x1] =	stream.indirect.gather @!p0 [hbm4b:s5+s20], $0x20, s19, s20, $0xb8;
	[tilespmem:$0x18990] =	vst v63  }
0xf6: {  	s19 =	sadd.s32 @!p0 $0x900, s18;
	s21 =	simm.s32 @!p0 $0xA000  }
0xf7: {  	[tilespmem:s21], [sflag:$0x1] =	stream.indirect.gather @!p0 [hbm4b:s5+s20], $0x20, s19, s20, $0xb8;
	[tilespmem:$0x18990] =	vst v63  }
0xf8: {  	s19 =	sadd.s32 @!p0 $0x980, s18;
	s21 =	simm.s32 @!p0 $0xB000  }
0xf9: {  	[tilespmem:s21], [sflag:$0x1] =	stream.indirect.gather @!p0 [hbm4b:s5+s20], $0x20, s19, s20, $0xb8;
	[tilespmem:$0x18990] =	vst v63  }
0xfa: {  	s19 =	sadd.s32 @!p0 $0xA00, s18;
	s21 =	simm.s32 @!p0 $0xC000  }
0xfb: {  	[tilespmem:s21], [sflag:$0x1] =	stream.indirect.gather @!p0 [hbm4b:s5+s20], $0x20, s19, s20, $0xb8;
	[tilespmem:$0x18990] =	vst v63  }
0xfc: {  	s19 =	sadd.s32 @!p0 $0xA80, s18;
	s21 =	simm.s32 @!p0 $0xD000  }
0xfd: {  	[tilespmem:s21], [sflag:$0x1] =	stream.indirect.gather @!p0 [hbm4b:s5+s20], $0x20, s19, s20, $0xb8;
	[tilespmem:$0x18990] =	vst v63  }
0xfe: {  	s19 =	sadd.s32 @!p0 $0xB00, s18;
	s21 =	simm.s32 @!p0 $0xE000  }
0xff: {  	[tilespmem:s21], [sflag:$0x1] =	stream.indirect.gather @!p0 [hbm4b:s5+s20], $0x20, s19, s20, $0xb8;
	[tilespmem:$0x18990] =	vst v63  }
0x100: {  	s18 =	sadd.s32 @!p0 $0xB80, s18;
	s19 =	simm.s32 @!p0 $0xF000;
	s21 =	simm.s32 $0x0  }
0x101: {  	[tilespmem:s19], [sflag:$0x1] =	stream.indirect.gather @!p0 [hbm4b:s5+s20], $0x20, s18, s20, $0xb8;
	[tilespmem:$0x18990] =	vst v63  }
0x102: {  	v20 =	vld [tilespmem:s21+$0x10000]  }
0x103: {  	v30 =	vld [tilespmem:s21+$0x10010];
	_ =	sdelay $0x1  }
0x104: {  	v31 =	vld [tilespmem:s21+$0x10020]  }
0x105: {  	v50 =	vld [tilespmem:s21+$0x10030];
	_ =	sdelay $0x1  }
0x106: {  	v22 =	vld [tilespmem:s21+$0x10040];
	v0 =	vmul.f32 v20, v20;
	v2 =	vmul.f32 v30, v30  }
0x107: {  	v29 =	vld [tilespmem:s21+$0x10050]  }
0x108: {  	v28 =	vld [tilespmem:s21+$0x10060];
	v0 =	vadd.f32 v2, v0  }
0x109: {  	v27 =	vld [tilespmem:s21+$0x10070];
	v3 =	vmul.f32 v50, v50;
	v2 =	vmul.f32 v31, v31  }
0x10a: {  	(xrf2) =	vadd.scan.msk.f32 $0xffff, v0  }
0x10b: {  	v0 =	vadd.f32 v3, v2  }
0x10c: {  	v6 =	vld [tilespmem:s21+$0x10080];
	v2 =	vmul.f32 v22, v22;
	v3 =	vmul.f32 v29, v29  }
0x10d: {  	v9 =	vld [tilespmem:s21+$0x10090];
	(xrf2) =	vadd.scan.msk.f32 $0xffff, v0  }
0x10e: {  	v0 =	vadd.f32 v3, v2;
	v2 =	vmul.f32 v28, v28;
	v3 =	vmul.f32 v27, v27  }
0x10f: {  	v7 =	vld [tilespmem:s21+$0x100A0]  }
0x110: {  	v8 =	vld [tilespmem:s21+$0x100B0];
	(xrf2) =	vadd.scan.msk.f32 $0xffff, v0;
	v0 =	vadd.f32 v3, v2;
	_ =	sdelay $0x1  }
0x111: {  	v5 =	vld [tilespmem:s21+$0x100C0];
	v4 =	vmul.f32 v9, v9;
	v3 =	vmul.f32 v6, v6  }
0x112: {  	v2 =	vld [tilespmem:s21+$0x100D0];
	(xrf2) =	vadd.scan.msk.f32 $0xffff, v0  }
0x113: {  	v10 =	vadd.f32 v4, v3;
	v0, _, _ =	vpop (xrf2)  }
0x114: {  	v11 =	vmul.f32 v7, v7;
	v12 =	vmul.f32 v8, v8;
	v4 =	vld [tilespmem:s21+$0x100E0];
	(v2sf) =	vpush v0, $0xF  }
0x115: {  	s19 =	simm.s32 $0x100;
	v3 =	vld [tilespmem:s21+$0x100F0];
	(xrf2) =	vadd.scan.msk.f32 $0xffff, v10  }
0x116: {  	v11 =	vadd.f32 v12, v11;
	v10 =	vld [tilespmem:s19+$0x10000];
	v0, _, _ =	vpop (xrf2)  }
0x117: {  	v13 =	vmul.f32 v5, v5;
	v12 =	vmul.f32 v2, v2;
	(v2sf) =	vpush v0, $0xF;
	v0 =	vld [tilespmem:s19+$0x10010]  }
0x118: {  	(xrf2) =	vadd.scan.msk.f32 $0xffff, v11  }
0x119: {  	v15 =	vadd.f32 v12, v13;
	v14, _, _ =	vpop (xrf2)  }
0x11a: {  	v16 =	vmul.f32 v3, v3;
	v13 =	vld [tilespmem:s19+$0x10020];
	(v2sf) =	vpush v14, $0xF;
	v14 =	vmul.f32 v4, v4  }
0x11b: {  	v12 =	vld [tilespmem:s19+$0x10030];
	(xrf2) =	vadd.scan.msk.f32 $0xffff, v15;
	v17 =	vmul.f32 v10, v10  }
0x11c: {  	v11, _, _ =	vpop (xrf2);
	v14 =	vadd.f32 v16, v14;
	v18 =	vmul.f32 v0, v0  }
0x11d: {  	(v2sf) =	vpush v11, $0xF;
	v11 =	vld [tilespmem:s19+$0x10040]  }
0x11e: {  	v16 =	vld [tilespmem:s19+$0x10050];
	(xrf2) =	vadd.scan.msk.f32 $0xffff, v14;
	v15 =	vadd.f32 v18, v17  }
0x11f: {  	v14 =	vld [tilespmem:s19+$0x10060];
	v17, _, _ =	vpop (xrf2)  }
0x120: {  	v19 =	vmul.f32 v12, v12;
	v18 =	vmul.f32 v13, v13;
	(v2sf) =	vpush v17, $0xF;
	(xrf2) =	vadd.scan.msk.f32 $0xffff, v15;
	v15 =	vld [tilespmem:s19+$0x10070];
	_ =	sdelay $0x1  }
0x121: {  	v19 =	vadd.f32 v19, v18;
	v18 =	vld [tilespmem:s19+$0x10090];
	v23, _, _ =	vpop (xrf2)  }
0x122: {  	s18 =	simm.f32 $-1.000000000e+00;
	v21 =	vld [tilespmem:s19+$0x100A0];
	(v2sf) =	vpush v23, $0xF;
	s20 =	spop (v2sf)  }
0x123: {  	v17 =	vld [tilespmem:s19+$0x10080];
	v24 =	vmul.f32 v11, v11;
	v25 =	vmul.f32 v16, v16;
	(xrf2) =	vadd.scan.msk.f32 $0xffff, v19;
	p0 =	sgt.f32 s20, s18  }
0x124: {  	v19 =	vld [tilespmem:s19+$0x100B0];
	v26 =	vmul.f32 v14, v14;
	v23, _, _ =	vpop (xrf2);
	v52 =	vmul.f32 v15, v15  }
0x125: {  	v55 =	vadd.f32 v25, v24;
	v24 =	vld [tilespmem:s19+$0x100D0];
	s18 =	smov.u32 @p0 s20;
	s20 =	spop (v2sf);
	(v2sf) =	vpush v23, $0xF  }
0x126: {  	v34 =	vadd.f32 v52, v26;
	v26 =	vmul.f32 v18, v18;
	p1 =	sgt.f32 s20, s18  }
0x127: {  	v51 =	vimm.f32 $0.0e+00;
	v58 =	vmul.f32 v21, v21;
	v56, _, _ =	vpop (xrf2);
	(xrf2) =	vadd.scan.msk.f32 $0xffff, v55  }
0x128: {  	v25 =	vmul.f32 v17, v17;
	v53 =	vpsel p0, v20, v51;
	v23 =	vld [tilespmem:s19+$0x100C0];
	(v2sf) =	vpush v56, $0xF;
	s18 =	smov.u32 @p1 s20;
	s20 =	spop (v2sf)  }
0x129: {  	v54 =	vpsel p0, v30, v51;
	v59 =	vmul.f32 v19, v19;
	v20 =	vadd.f32 v20, v51;
	p0 =	sgt.f32 s20, s18  }
0x12a: {  	v30 =	vadd.f32 v30, v51;
	v62 =	vmul.f32 v24, v24;
	v57 =	vadd.f32 v26, v25;
	v25 =	vld [tilespmem:s19+$0x100E0];
	(xrf2) =	vadd.scan.msk.f32 $0xffff, v34;
	v26, _, _ =	vpop (xrf2)  }
0x12b: {  	v35 =	vpsel p1, v31, v53;
	v36 =	vpsel p1, v50, v54;
	s21 =	spop (v2sf);
	(v2sf) =	vpush v26, $0xF;
	v26 =	vld [tilespmem:s19+$0x100F0];
	s18 =	smov.u32 @p0 s20  }
0x12c: {  	v31 =	vadd.f32 v31, v20;
	s19 =	simm.s32 $0x200;
	v35 =	vpsel p0, v22, v35;
	v36 =	vpsel p0, v29, v36;
	p0 =	sgt.f32 s21, s18  }
0x12d: {  	v40 =	vadd.f32 v59, v58;
	v30 =	vadd.f32 v50, v30;
	v60 =	vmul.f32 v23, v23;
	v63, _, _ =	vpop (xrf2);
	(xrf2) =	vadd.scan.msk.f32 $0xffff, v57;
	v20 =	vld [tilespmem:s19+$0x10000]  }
0x12e: {  	v37 =	vadd.f32 v22, v31;
	(v2sf) =	vpush v63, $0xF;
	v22 =	vld [tilespmem:s19+$0x10010];
	s18 =	smov.u32 @p0 s21;
	s21 =	spop (v2sf)  }
0x12f: {  	v38 =	vadd.f32 v62, v60;
	v33 =	vpsel p0, v28, v35;
	v34 =	vpsel p0, v27, v36;
	p0 =	sgt.f32 s21, s18  }
0x130: {  	s20 =	simm.s32 $0xC00;
	(xrf2) =	vadd.scan.msk.f32 $0xffff, v40;
	v35 =	vmul.f32 v25, v25;
	v36 =	vadd.f32 v29, v30;
	v39 =	vmul.f32 v26, v26  }
.LBB2_5:
0x131: {  	p1 =	sne.s32 s20, $0x1F000;
	v29, _, _ =	vpop (xrf2);
	v1 =	vadd.f32 v28, v37;
	s18 =	smov.u32 @p0 s21;
	v33 =	vpsel p0, v6, v33;
	v34 =	vpsel p0, v9, v34;
	s21 =	spop (v2sf)  }
0x132: {  	v32 =	vmovc v12;
	v37 =	vmul.f32 v20, v20;
	v30 =	vld [tilespmem:s19+$0x10040];
	(v2sf) =	vpush v29, $0xF;
	v40 =	vadd.f32 v27, v36;
	p0 =	sgt.f32 s21, s18;
	v29 =	vmovc v16  }
0x133: {  	v35 =	vadd.f32 v39, v35;
	v16 =	vmul.f32 v22, v22;
	v31 =	vld [tilespmem:s19+$0x10020];
	(xrf2) =	vadd.scan.msk.f32 $0xffff, v38;
	v1 =	vadd.f32 v6, v1  }
0x134: {  	v12 =	vld [tilespmem:s19+$0x10030];
	v28, _, _ =	vpop (xrf2);
	v38 =	vadd.f32 v9, v40;
	s18 =	smov.u32 @p0 s21;
	v33 =	vpsel p0, v7, v33;
	v34 =	vpsel p0, v8, v34;
	s21 =	spop (v2sf)  }
0x135: {  	v27 =	vmovc v15;
	v6 =	vmovc v17;
	(v2sf) =	vpush v28, $0xF;
	v36 =	vadd.f32 v7, v1;
	p0 =	sgt.f32 s21, s18;
	v28 =	vmov v14  }
0x136: {  	v9 =	vmovc v18;
	v37 =	vadd.f32 v16, v37;
	v7 =	vmov v21;
	v16 =	vld [tilespmem:s19+$0x10050];
	(xrf2) =	vadd.scan.msk.f32 $0xffff, v35;
	v1 =	vadd.f32 v8, v38  }
0x137: {  	v14 =	vld [tilespmem:s19+$0x10060];
	v17, _, _ =	vpop (xrf2);
	v18 =	vadd.f32 v5, v36;
	s18 =	smov.u32 @p0 s21;
	v21 =	vpsel p0, v5, v33;
	v33 =	vpsel p0, v2, v34;
	s21 =	spop (v2sf)  }
0x138: {  	v8 =	vmovc v19;
	v34 =	vmul.f32 v30, v30;
	v5 =	vmovc v23;
	v15 =	vld [tilespmem:s19+$0x10070];
	(v2sf) =	vpush v17, $0xF;
	v35 =	vadd.f32 v2, v1;
	p0 =	sgt.f32 s21, s18  }
0x139: {  	v19 =	vmul.f32 v31, v31;
	v2 =	vmovc v24;
	v23 =	vmul.f32 v12, v12;
	v36 =	vadd.f32 v4, v18  }
0x13a: {  	v17 =	vld [tilespmem:s19+$0x10080];
	(xrf2) =	vadd.scan.msk.f32 $0xffff, v37;
	v24, _, _ =	vpop (xrf2);
	v35 =	vadd.f32 v3, v35;
	s18 =	smov.u32 @p0 s21;
	v37 =	vpsel p0, v4, v21;
	v33 =	vpsel p0, v3, v33  }
0x13b: {  	v4 =	vmovc v25;
	v3 =	vmovc v26;
	v19 =	vadd.f32 v23, v19;
	v21 =	vmul.f32 v16, v16;
	v18 =	vld [tilespmem:s19+$0x10090];
	s21 =	spop (v2sf);
	(v2sf) =	vpush v24, $0xF  }
0x13c: {  	p0 =	sgt.f32 s21, s18  }
0x13d: {  	v23 =	vmul.f32 v14, v14;
	v24 =	vadd.f32 v21, v34;
	v25 =	vmul.f32 v15, v15;
	v21 =	vld [tilespmem:s19+$0x100A0];
	(xrf2) =	vadd.scan.msk.f32 $0xffff, v19;
	v26, _, _ =	vpop (xrf2)  }
0x13e: {  	v19 =	vld [tilespmem:s19+$0x100B0];
	s18 =	smov.u32 @p0 s21;
	v34 =	vpsel p0, v10, v37;
	v33 =	vpsel p0, v0, v33;
	s21 =	spop (v2sf);
	(v2sf) =	vpush v26, $0xF  }
0x13f: {  	p0 =	sgt.f32 s21, s18  }
0x140: {  	v26 =	vadd.f32 v25, v23;
	v25 =	vmul.f32 v17, v17;
	v37 =	vmul.f32 v18, v18;
	v23 =	vld [tilespmem:s19+$0x100C0];
	(xrf2) =	vadd.scan.msk.f32 $0xffff, v24;
	v38, _, _ =	vpop (xrf2)  }
0x141: {  	v24 =	vld [tilespmem:s19+$0x100D0];
	s18 =	smov.u32 @p0 s21;
	v34 =	vpsel p0, v13, v34;
	v33 =	vpsel p0, v32, v33;
	s21 =	spop (v2sf);
	(v2sf) =	vpush v38, $0xF  }
0x142: {  	p0 =	sgt.f32 s21, s18  }
0x143: {  	v37 =	vadd.f32 v37, v25;
	v38 =	vmul.f32 v21, v21;
	v39 =	vmul.f32 v19, v19;
	v25 =	vld [tilespmem:s19+$0x100E0];
	(xrf2) =	vadd.scan.msk.f32 $0xffff, v26  }
0x144: {  	v1 =	vadd.f32 v10, v36;
	v26 =	vld [tilespmem:s19+$0x100F0];
	v40, _, _ =	vpop (xrf2);
	s18 =	smov.u32 @p0 s21;
	v34 =	vpsel p0, v11, v34;
	v41 =	vpsel p0, v29, v33;
	s21 =	spop (v2sf)  }
.Ltmp1:
0x145: {  	v10 =	vmovc v20;
	s19 =	sshra.s32 s20, $0x2;
	v33 =	vadd.f32 v0, v35;
	v0 =	vmovc v22;
	v42 =	vmul.f32 v23, v23;
	(v2sf) =	vpush v40, $0xF;
	p0 =	sgt.f32 s21, s18;
	(pc) =	sbr.rel @p1 .LBB2_5-.Ltmp1, $4  }
0x146: {  	v1 =	vadd.f32 v13, v1;
	v40 =	vadd.f32 v39, v38;
	v20 =	vld [tilespmem:s19+$0x10000];
	v38 =	vmul.f32 v24, v24;
	(xrf2) =	vadd.scan.msk.f32 $0xffff, v37  }
0x147: {  	v32 =	vadd.f32 v32, v33;
	v22 =	vld [tilespmem:s19+$0x10010];
	v36, _, _ =	vpop (xrf2);
	s18 =	smov.u32 @p0 s21;
	v33 =	vpsel p0, v28, v34;
	v34 =	vpsel p0, v27, v41;
	s21 =	spop (v2sf)  }
0x148: {  	v13 =	vmovc v31;
	v37 =	vadd.f32 v11, v1;
	v11 =	vmovc v30;
	v35 =	vmul.f32 v25, v25;
	(v2sf) =	vpush v36, $0xF;
	p0 =	sgt.f32 s21, s18  }
0x149: {  	s20 =	sadd.s32 $0x400, s20;
	v38 =	vadd.f32 v38, v42;
	v36 =	vadd.f32 v29, v32;
	v39 =	vmul.f32 v26, v26;
	(xrf2) =	vadd.scan.msk.f32 $0xffff, v40  }
0x14a: {  	v29, _, _ =	vpop (xrf2)  }
0x14b: {  	s18 =	smov.u32 @p0 s21;
	s20 =	spop (v2sf);
	(v2sf) =	vpush v29, $0xF  }
0x14c: {  	p1 =	sgt.f32 s20, s18  }
0x14d: {  	v30 =	vld [tilespmem:s19+$0x10020];
	v32, _, _ =	vpop (xrf2)  }
0x14e: {  	(xrf2) =	vadd.scan.msk.f32 $0xffff, v38;
	v29 =	vld [tilespmem:s19+$0x10030];
	s18 =	smov.u32 @p1 s20;
	s20 =	spop (v2sf);
	(v2sf) =	vpush v32, $0xF  }
0x14f: {  	v35 =	vadd.f32 v39, v35;
	p2 =	sgt.f32 s20, s18  }
0x150: {  	v31 =	vld [tilespmem:s19+$0x10040];
	v51 =	vmul.f32 v20, v20;
	v52 =	vmul.f32 v22, v22  }
0x151: {  	(xrf2) =	vadd.scan.msk.f32 $0xffff, v35;
	v32 =	vld [tilespmem:s19+$0x10050];
	s18 =	smov.u32 @p2 s20;
	s20 =	spop (v2sf)  }
0x152: {  	v53 =	vadd.f32 v28, v37;
	v54 =	vadd.f32 v52, v51;
	v55, _, _ =	vpop (xrf2);
	p3 =	sgt.f32 s20, s18  }
0x153: {  	v28 =	vld [tilespmem:s19+$0x10060];
	v56 =	vmul.f32 v30, v30;
	v57 =	vmul.f32 v29, v29;
	(v2sf) =	vpush v55, $0xF  }
0x154: {  	v36 =	vadd.f32 v27, v36;
	v27 =	vld [tilespmem:s19+$0x10070];
	(xrf2) =	vadd.scan.msk.f32 $0xffff, v54;
	s21 =	simm.s32 @!p3 $0x0;
	s18 =	smov.u32 @p3 s20;
	s20 =	spop (v2sf)  }
0x155: {  	v58 =	vadd.f32 v6, v53;
	v38 =	vadd.f32 v57, v56;
	v40, _, _ =	vpop (xrf2);
	s21 =	simm.s32 @p3 $0x1;
	p3 =	sgt.f32 s20, s18  }
0x156: {  	v35 =	vld [tilespmem:s19+$0x10080];
	v59 =	vmul.f32 v31, v31;
	v41 =	vmul.f32 v32, v32;
	(v2sf) =	vpush v40, $0xF;
	[smem:$0x7EE] =	sst s21  }
0x157: {  	v60 =	vadd.f32 v9, v36;
	v36 =	vld [tilespmem:s19+$0x10090];
	v42 =	vadd.f32 v7, v58;
	(xrf2) =	vadd.scan.msk.f32 $0xffff, v38;
	s21 =	simm.s32 @!p3 $0x0;
	s18 =	smov.u32 @p3 s20;
	s20 =	spop (v2sf)  }
0x158: {  	v63 =	vmul.f32 v28, v28;
	v39 =	vadd.f32 v41, v59;
	v62, _, _ =	vpop (xrf2);
	s21 =	simm.s32 @p3 $0x1;
	p3 =	sgt.f32 s20, s18  }
0x159: {  	v37 =	vld [tilespmem:s19+$0x100A0];
	v43 =	vmul.f32 v27, v27;
	v42 =	vadd.f32 v5, v42;
	(v2sf) =	vpush v62, $0xF;
	[smem:$0x7EF] =	sst s21  }
0x15a: {  	v40 =	vadd.f32 v8, v60;
	v38 =	vld [tilespmem:s19+$0x100B0];
	(xrf2) =	vadd.scan.msk.f32 $0xffff, v39;
	s21 =	simm.s32 @!p3 $0x0;
	s18 =	smov.u32 @p3 s20;
	s20 =	spop (v2sf)  }
0x15b: {  	v44 =	vmul.f32 v35, v35;
	v46 =	vadd.f32 v4, v42;
	v42 =	vld [tilespmem:s19+$0x100F0];
	v41 =	vadd.f32 v43, v63;
	v1, _, _ =	vpop (xrf2);
	s21 =	simm.s32 @p3 $0x1;
	p3 =	sgt.f32 s20, s18  }
0x15c: {  	v45 =	vmul.f32 v36, v36;
	v48 =	vadd.f32 v2, v40;
	v40 =	vld [tilespmem:s19+$0x100D0];
	(v2sf) =	vpush v1, $0xF;
	[smem:$0x7F0] =	sst s21  }
0x15d: {  	v39 =	vld [tilespmem:s19+$0x100C0];
	(xrf2) =	vadd.scan.msk.f32 $0xffff, v41;
	s21 =	simm.s32 @!p3 $0x0;
	s18 =	smov.u32 @p3 s20;
	s20 =	spop (v2sf)  }
0x15e: {  	v44 =	vadd.f32 v45, v44;
	v49, _, _ =	vpop (xrf2);
	s21 =	simm.s32 @p3 $0x1;
	p3 =	sgt.f32 s20, s18  }
0x15f: {  	v50 =	vmul.f32 v37, v37;
	v47 =	vmul.f32 v38, v38;
	(v2sf) =	vpush v49, $0xF  }
0x160: {  	v51 =	vadd.f32 v10, v46;
	v41 =	vld [tilespmem:s19+$0x100E0];
	(xrf2) =	vadd.scan.msk.f32 $0xffff, v44;
	[smem:$0x7F1] =	sst s21;
	s19 =	simm.s32 @!p3 $0x0  }
0x161: {  	v58 =	vmul.f32 v42, v42;
	v43 =	vadd.f32 v3, v48;
	v45 =	vadd.f32 v47, v50;
	v52, _, _ =	vpop (xrf2);
	s21 =	sld [smem:$0x7EE];
	s19 =	simm.s32 @p3 $0x1  }
0x162: {  	v54 =	vmul.f32 v40, v40;
	v53 =	vmul.f32 v39, v39;
	(v2sf) =	vpush v52, $0xF;
	s18 =	smov.u32 @p3 s20;
	[smem:$0x7F2] =	sst s19;
	s19 =	spop (v2sf)  }
0x163: {  	v48 =	vpsel p0, v9, v34;
	v43 =	vadd.f32 v0, v43;
	v47 =	vpsel p0, v6, v33;
	(xrf2) =	vadd.scan.msk.f32 $0xffff, v45;
	p3 =	sgt.f32 s19, s18  }
0x164: {  	v6 =	vpsel p1, v7, v47;
	v55 =	vadd.f32 v54, v53;
	v52 =	vpsel p1, v8, v48;
	v56, _, _ =	vpop (xrf2);
	p1 =	seq.s32 s21, $0x1  }
0x165: {  	v44 =	vadd.f32 v13, v51;
	v57 =	vmul.f32 v41, v41;
	(v2sf) =	vpush v56, $0xF;
	s20 =	simm.s32 @!p3 $0x0;
	s18 =	smov.u32 @p3 s19;
	s19 =	spop (v2sf)  }
0x166: {  	v43 =	vadd.f32 v12, v43;
	(xrf2) =	vadd.scan.msk.f32 $0xffff, v55;
	s21 =	sld [smem:$0x7EF];
	s20 =	simm.s32 @p3 $0x1;
	p3 =	sgt.f32 s19, s18  }
0x167: {  	v44 =	vadd.f32 v11, v44;
	v59 =	vadd.f32 v58, v57;
	v60, _, _ =	vpop (xrf2)  }
0x168: {  	v43 =	vadd.f32 v16, v43;
	(v2sf) =	vpush v60, $0xF;
	s18 =	smov.u32 @p3 s19;
	s19 =	spop (v2sf)  }
0x169: {  	v44 =	vadd.f32 v14, v44;
	v53 =	vpsel p2, v5, v6;
	v55 =	vpsel p2, v2, v52;
	(xrf2) =	vadd.scan.msk.f32 $0xffff, v59;
	p2 =	seq.s32 s21, $0x1;
	s21 =	sld [smem:$0x7F0];
	p6 =	sgt.f32 s19, s18  }
0x16a: {  	v43 =	vadd.f32 v15, v43;
	v62, _, _ =	vpop (xrf2);
	[smem:$0x7F3] =	sst s20  }
0x16b: {  	v44 =	vadd.f32 v17, v44;
	s20 =	simm.s32 @!p3 $0x0;
	(v2sf) =	vpush v62, $0xF;
	s18 =	smov.u32 @p6 s19;
	s19 =	spop (v2sf)  }
0x16c: {  	v43 =	vadd.f32 v18, v43;
	s20 =	simm.s32 @p3 $0x1;
	p3 =	sgt.f32 s19, s18  }
0x16d: {  	v44 =	vadd.f32 v21, v44;
	v56 =	vpsel p1, v4, v53;
	v2 =	vpsel p1, v3, v55;
	v63, _, _ =	vpop (xrf2);
	p1 =	seq.s32 s21, $0x1;
	s21 =	sld [smem:$0x7F1]  }
0x16e: {  	v43 =	vadd.f32 v19, v43;
	s18 =	smov.u32 @p3 s19;
	s19 =	spop (v2sf);
	(v2sf) =	vpush v63, $0xF  }
0x16f: {  	v44 =	vadd.f32 v23, v44;
	v58 =	vpsel p2, v10, v56;
	v60 =	vpsel p2, v0, v2;
	[smem:$0x7F4] =	sst s20;
	p5 =	sgt.f32 s19, s18  }
0x170: {  	v43 =	vadd.f32 v24, v43;
	v62 =	vpsel p1, v13, v58;
	v0 =	vpsel p1, v12, v60;
	v1, _, _ =	vpop (xrf2);
	p1 =	seq.s32 s21, $0x1;
	s21 =	sld [smem:$0x7F2]  }
0x171: {  	v44 =	vadd.f32 v25, v44;
	s20 =	simm.s32 @!p3 $0x0;
	(v2sf) =	vpush v1, $0xF;
	s18 =	smov.u32 @p5 s19;
	s19 =	spop (v2sf)  }
0x172: {  	v43 =	vadd.f32 v26, v43;
	s20 =	simm.s32 @p3 $0x1;
	p3 =	sgt.f32 s19, s18  }
0x173: {  	v50 =	vadd.f32 v20, v44;
	v49, _, _ =	vpop (xrf2);
	v2 =	vpsel p1, v11, v62;
	v0 =	vpsel p1, v16, v0;
	p1 =	seq.s32 s21, $0x1;
	s21 =	sld [smem:$0x7F3]  }
0x174: {  	v51 =	vadd.f32 v22, v43;
	[smem:$0x7F5] =	sst s20;
	(v2sf) =	vpush v49, $0xF;
	s20 =	spop (v2sf);
	s18 =	smov.u32 @p3 s19  }
0x175: {  	v54 =	vadd.f32 v30, v50;
	p4 =	sgt.f32 s20, s18  }
0x176: {  	v57 =	vadd.f32 v29, v51;
	p0 =	seq.s32 s21, $0x1;
	s21 =	sld [smem:$0x7F4]  }
0x177: {  	v59 =	vadd.f32 v31, v54;
	s19 =	spop (v2sf);
	s18 =	smov.u32 @p4 s20  }
0x178: {  	v63 =	vadd.f32 v32, v57;
	v2 =	vpsel p1, v14, v2;
	v0 =	vpsel p1, v15, v0;
	p2 =	sgt.f32 s19, s18  }
0x179: {  	v4 =	vadd.f32 v28, v59;
	v2 =	vpsel p0, v17, v2;
	v0 =	vpsel p0, v18, v0;
	p0 =	seq.s32 s21, $0x1  }
0x17a: {  	v3 =	vadd.f32 v27, v63;
	s21 =	sld [smem:$0x7F5];
	s18 =	smov.u32 @p2 s19;
	s19 =	spop (v2sf)  }
0x17b: {  	v4 =	vadd.f32 v35, v4;
	p1 =	sgt.f32 s19, s18  }
0x17c: {  	v3 =	vadd.f32 v36, v3;
	v2 =	vpsel p0, v21, v2  }
0x17d: {  	v4 =	vadd.f32 v37, v4;
	v0 =	vpsel p0, v19, v0;
	v2 =	vpsel p6, v23, v2;
	p0 =	seq.s32 s21, $0x1;
	s18 =	smov.u32 @p1 s19;
	s19 =	spop (v2sf)  }
0x17e: {  	v3 =	vadd.f32 v38, v3;
	v0 =	vpsel p6, v24, v0;
	v2 =	vpsel p0, v25, v2;
	p6 =	sgt.f32 s19, s18  }
0x17f: {  	v4 =	vadd.f32 v39, v4;
	v0 =	vpsel p0, v26, v0;
	v2 =	vpsel p5, v20, v2  }
0x180: {  	v3 =	vadd.f32 v40, v3;
	v0 =	vpsel p5, v22, v0;
	v2 =	vpsel p3, v30, v2;
	s18 =	smov.u32 @p6 s19;
	s19 =	spop (v2sf)  }
0x181: {  	v4 =	vadd.f32 v41, v4;
	v0 =	vpsel p3, v29, v0;
	v2 =	vpsel p4, v31, v2;
	p3 =	sgt.f32 s19, s18  }
0x182: {  	s17 =	sshll.u32 s17, $0x6;
	s16 =	sadd.s32 $0x1, s16;
	v3 =	vadd.f32 v42, v3;
	v0 =	vpsel p4, v32, v0;
	v2 =	vpsel p2, v28, v2  }
0x183: {  	v4 =	vmul.f32 $1.000000050e-03, v4;
	p0 =	sne.s32 s16, $0x10;
	v0 =	vpsel p2, v27, v0;
	v2 =	vpsel p1, v35, v2;
	s21 =	spop (v2sf);
	s18 =	smov.u32 @p3 s19  }
.Ltmp2:
0x184: {  	s17 =	sand.u32 $0x3FFFFFC0, s17;
	v3 =	vmul.f32 $1.000000050e-03, v3;
	v0 =	vpsel p1, v36, v0;
	v2 =	vpsel p6, v37, v2;
	p5 =	sgt.f32 s21, s18;
	(pc) =	sbr.rel @p0 .LBB2_2-.Ltmp2, $4  }
0x185: {  	[tilespmem:s17+$0x18000] =	vst v4;
	v0 =	vpsel p6, v38, v0;
	v2 =	vpsel p3, v39, v2  }
0x186: {  	[tilespmem:s17+$0x18010] =	vst v3;
	v0 =	vpsel p3, v40, v0;
	v2 =	vpsel p5, v41, v2  }
0x187: {  	v0 =	vpsel p5, v42, v0;
	[tilespmem:s17+$0x18020] =	vst v2  }
0x188: {  	[tilespmem:s17+$0x18030] =	vst v0  }
0x189: {  	v0 =	vld [tilespmem:$0x18880]  }
0x18a: {  	v1 =	vld [tilespmem:$0x1FFC0]  }
0x18b: {  	v3 =	vld [tilespmem:$0x18800]  }
0x18c: {  	v40 =	vld [tilespmem:$0x1FFD0]  }
0x18d: {  	v4 =	vld [tilespmem:$0x18840]  }
0x18e: {  	v42 =	vld [tilespmem:$0x1FFE0]  }
0x18f: {  	v2 =	vld.idx.msk [tilespmem:v61+s13+$0x0], $0xffff  }
0x190: {  	v9 =	vor.u32 $0x5, v61;
	v45 =	vld [tilespmem:$0x1FFF0];
	v47 =	vor.u32 $0x6, v61;
	v51 =	vor.u32 $0x7, v61  }
0x191: {  	v58 =	vor.u32 $0x8, v61;
	v62 =	vbroadcast v0, $0x0;
	v38 =	vbroadcast v3, $0x0  }
0x192: {  	v17 =	vor.u32 $0x9, v61;
	v10 =	vbroadcast v0, $0x1;
	v7 =	vbroadcast v4, $0x0;
	v5 =	vld.idx.msk [tilespmem:v1+s13+$0x0], $0xffff  }
0x193: {  	v21 =	vor.u32 $0xA, v61;
	v8 =	vbroadcast v3, $0x1;
	v11 =	vbroadcast v4, $0x1  }
0x194: {  	v26 =	vor.u32 $0xB, v61;
	v12 =	vbroadcast v3, $0x2;
	v44 =	vbroadcast v4, $0x2;
	v6 =	vld.idx.msk [tilespmem:v40+s13+$0x0], $0xffff  }
0x195: {  	v30 =	vor.u32 $0xC, v61;
	v49 =	vbroadcast v3, $0x3;
	v39 =	vmul.f32 v2, v38  }
0x196: {  	v34 =	vor.u32 $0xD, v61;
	v50 =	vbroadcast v4, $0x3;
	v2 =	vmul.f32 v2, v7;
	v43 =	vld.idx.msk [tilespmem:v42+s13+$0x0], $0xffff  }
0x197: {  	v53 =	vbroadcast v3, $0x4;
	v0 =	vadd.f32 v39, v62;
	v41 =	vmul.f32 v5, v8  }
0x198: {  	v55 =	vbroadcast v4, $0x4;
	v46 =	vld.idx.msk [tilespmem:v45+s13+$0x0], $0xffff;
	v2 =	vadd.f32 v2, v10;
	v5 =	vmul.f32 v5, v11  }
0x199: {  	v60 =	vbroadcast v3, $0x5;
	v48 =	vmul.f32 v6, v12;
	v0 =	vadd.f32 v41, v0  }
0x19a: {  	v9 =	vld.idx.msk [tilespmem:v9+s13+$0x0], $0xffff;
	v63 =	vbroadcast v4, $0x5;
	v6 =	vmul.f32 v6, v44;
	v2 =	vadd.f32 v5, v2  }
0x19b: {  	v19 =	vbroadcast v3, $0x6;
	v52 =	vmul.f32 v43, v49;
	v0 =	vadd.f32 v48, v0  }
0x19c: {  	v57 =	vld.idx.msk [tilespmem:v47+s13+$0x0], $0xffff;
	v20 =	vbroadcast v4, $0x6;
	v54 =	vmul.f32 v43, v50;
	v2 =	vadd.f32 v6, v2  }
0x19d: {  	v23 =	vbroadcast v3, $0x7;
	v56 =	vmul.f32 v46, v53;
	v0 =	vadd.f32 v52, v0  }
0x19e: {  	v16 =	vld.idx.msk [tilespmem:v51+s13+$0x0], $0xffff;
	v24 =	vbroadcast v4, $0x7;
	v59 =	vmul.f32 v46, v55;
	v2 =	vadd.f32 v54, v2  }
0x19f: {  	v27 =	vbroadcast v3, $0x8;
	v18 =	vmul.f32 v9, v60;
	v0 =	vadd.f32 v56, v0  }
0x1a0: {  	v28 =	vbroadcast v4, $0x8;
	[tilespmem:$0x1FB20] =	vst v10;
	v10 =	vld.idx.msk [tilespmem:v58+s13+$0x0], $0xffff;
	v9 =	vmul.f32 v9, v63;
	v2 =	vadd.f32 v59, v2  }
0x1a1: {  	v32 =	vbroadcast v3, $0x9;
	[tilespmem:$0x1FB00] =	vst v7;
	v22 =	vmul.f32 v57, v19;
	v0 =	vadd.f32 v18, v0  }
0x1a2: {  	v33 =	vbroadcast v4, $0x9;
	[tilespmem:$0x1FAA0] =	vst v8;
	v7 =	vld.idx.msk [tilespmem:v17+s13+$0x0], $0xffff;
	v8 =	vmul.f32 v57, v20;
	v2 =	vadd.f32 v9, v2  }
0x1a3: {  	v36 =	vbroadcast v3, $0xA;
	v25 =	vmul.f32 v16, v23;
	v0 =	vadd.f32 v22, v0  }
0x1a4: {  	v29 =	vld.idx.msk [tilespmem:v21+s13+$0x0], $0xffff;
	v37 =	vbroadcast v4, $0xA;
	v5 =	vmul.f32 v16, v24;
	v2 =	vadd.f32 v8, v2  }
0x1a5: {  	v13 =	vbroadcast v3, $0xD;
	v31 =	vmul.f32 v10, v27;
	v0 =	vadd.f32 v25, v0  }
0x1a6: {  	[tilespmem:$0x1FA90] =	vst v38;
	v39 =	vor.u32 $0xE, v61;
	v10 =	vmul.f32 v10, v28;
	v9 =	vld.idx.msk [tilespmem:v26+s13+$0x0], $0xffff;
	v2 =	vadd.f32 v5, v2  }
0x1a7: {  	[tilespmem:$0x1FB30] =	vst v11;
	v35 =	vmul.f32 v7, v32;
	v43 =	vor.u32 $0xF, v61;
	v0 =	vadd.f32 v31, v0  }
0x1a8: {  	v14 =	vbroadcast v3, $0xE;
	[tilespmem:$0x1FAB0] =	vst v12;
	v7 =	vmul.f32 v7, v33;
	v2 =	vadd.f32 v10, v2  }
0x1a9: {  	[tilespmem:$0x1FB50] =	vst v44;
	v40 =	vbroadcast v3, $0xB;
	v42 =	vld.idx.msk [tilespmem:v34+s13+$0x0], $0xffff;
	v38 =	vmul.f32 v29, v36;
	v0 =	vadd.f32 v35, v0  }
0x1aa: {  	[tilespmem:$0x1FAC0] =	vst v49;
	v41 =	vbroadcast v4, $0xB;
	v6 =	vmul.f32 v29, v37;
	v8 =	vld.idx.msk [tilespmem:v30+s13+$0x0], $0xffff;
	v2 =	vadd.f32 v7, v2  }
0x1ab: {  	v51 =	vbroadcast v4, $0xE;
	[tilespmem:$0x1FB70] =	vst v50;
	v44 =	vmul.f32 v9, v40;
	v10 =	vld.idx.msk [tilespmem:v39+s13+$0x0], $0xffff;
	v0 =	vadd.f32 v38, v0  }
0x1ac: {  	[tilespmem:$0x1FAD0] =	vst v53;
	v45 =	vbroadcast v3, $0xC;
	v9 =	vmul.f32 v9, v41;
	v7 =	vld.idx.msk [tilespmem:v43+s13+$0x0], $0xffff;
	v2 =	vadd.f32 v6, v2  }
0x1ad: {  	[tilespmem:$0x1FB90] =	vst v55;
	v46 =	vbroadcast v4, $0xC;
	v48 =	vbroadcast v4, $0xD;
	v6 =	vadd.f32 v44, v0;
	v0 =	vld [tilespmem:$0x18810]  }
0x1ae: {  	[tilespmem:$0x1FAE0] =	vst v60;
	v49 =	vmul.f32 v42, v13;
	v55 =	vbroadcast v3, $0xF;
	v9 =	vadd.f32 v9, v2;
	v2 =	vld [tilespmem:$0x18850]  }
0x1af: {  	v47 =	vor.u32 $0x10, v61;
	[tilespmem:$0x1FBB0] =	vst v63;
	v57 =	vbroadcast v4, $0xF;
	v5 =	vmul.f32 v42, v48  }
0x1b0: {  	[tilespmem:$0x1FBD0] =	vst v20;
	v34 =	vor.u32 $0x17, v61;
	v12 =	vmul.f32 v8, v45;
	v8 =	vmul.f32 v8, v46  }
0x1b1: {  	[tilespmem:$0x1FB10] =	vst v23;
	v58 =	vor.u32 $0x13, v61;
	v54 =	vmul.f32 v10, v14;
	v56 =	vmul.f32 v10, v51  }
0x1b2: {  	[tilespmem:$0x1FBF0] =	vst v24;
	v50 =	vor.u32 $0x11, v61;
	v59 =	vmul.f32 v7, v55;
	v16 =	vmul.f32 v7, v57  }
0x1b3: {  	[tilespmem:$0x1FC10] =	vst v28;
	v53 =	vor.u32 $0x12, v61;
	v60 =	vbroadcast v0, $0x0;
	v17 =	vbroadcast v2, $0x0  }
0x1b4: {  	[tilespmem:$0x1FB60] =	vst v32;
	v20 =	vor.u32 $0x14, v61;
	v22 =	vbroadcast v0, $0x1;
	v23 =	vbroadcast v2, $0x1  }
0x1b5: {  	[tilespmem:$0x1FB80] =	vst v36;
	v24 =	vor.u32 $0x15, v61;
	v26 =	vbroadcast v0, $0x2;
	v28 =	vbroadcast v2, $0x2  }
0x1b6: {  	[tilespmem:$0x1FBA0] =	vst v40;
	v29 =	vor.u32 $0x16, v61;
	v31 =	vbroadcast v0, $0x3;
	v32 =	vbroadcast v2, $0x3  }
0x1b7: {  	v4 =	vld.idx.msk [tilespmem:v58+s13+$0x0], $0xffff;
	[tilespmem:$0x1FCB0] =	vst v48;
	v48 =	vor.u32 $0x1A, v61;
	v35 =	vbroadcast v0, $0x4;
	v36 =	vbroadcast v2, $0x4  }
0x1b8: {  	[tilespmem:$0x1FBC0] =	vst v45;
	v63 =	vld.idx.msk [tilespmem:v50+s13+$0x0], $0xffff;
	v6 =	vadd.f32 v12, v6;
	v40 =	vbroadcast v0, $0x5;
	v42 =	vbroadcast v2, $0x5  }
0x1b9: {  	[tilespmem:$0x1FC90] =	vst v46;
	v52 =	vld.idx.msk [tilespmem:v47+s13+$0x0], $0xffff;
	v8 =	vadd.f32 v8, v9;
	v45 =	vbroadcast v0, $0x6;
	v46 =	vbroadcast v2, $0x6  }
0x1ba: {  	[tilespmem:$0x1FAF0] =	vst v19;
	v19 =	vld.idx.msk [tilespmem:v53+s13+$0x0], $0xffff;
	v6 =	vadd.f32 v49, v6;
	v49 =	vbroadcast v0, $0x7;
	v50 =	vbroadcast v2, $0x7  }
0x1bb: {  	[tilespmem:$0x1FC20] =	vst v55;
	v11 =	vld.idx.msk [tilespmem:v20+s13+$0x0], $0xffff;
	v43 =	vor.u32 $0x19, v61;
	v55 =	vbroadcast v2, $0x8;
	v58 =	vbroadcast v0, $0x9  }
0x1bc: {  	[tilespmem:$0x1FC50] =	vst v37;
	v37 =	vld.idx.msk [tilespmem:v29+s13+$0x0], $0xffff;
	v5 =	vadd.f32 v5, v8;
	v20 =	vbroadcast v0, $0xB;
	v29 =	vbroadcast v0, $0xD  }
0x1bd: {  	[tilespmem:$0x1FB40] =	vst v27;
	v10 =	vld.idx.msk [tilespmem:v48+s13+$0x0], $0xffff;
	v15 =	vbroadcast v0, $0xF;
	v48 =	vbroadcast v2, $0xF;
	v6 =	vadd.f32 v54, v6  }
0x1be: {  	[tilespmem:$0x1FC30] =	vst v33;
	v3 =	vadd.f32 v56, v5;
	v54 =	vbroadcast v0, $0x8;
	v18 =	vmul.f32 v52, v60  }
0x1bf: {  	v7 =	vld.idx.msk [tilespmem:v24+s13+$0x0], $0xffff;
	v21 =	vmul.f32 v52, v17;
	v25 =	vmul.f32 v63, v22;
	v6 =	vadd.f32 v59, v6  }
0x1c0: {  	[tilespmem:$0x1FCD0] =	vst v51;
	v27 =	vmul.f32 v63, v23;
	v30 =	vmul.f32 v19, v26  }
0x1c1: {  	v9 =	vld.idx.msk [tilespmem:v34+s13+$0x0], $0xffff;
	v8 =	vmul.f32 v19, v28;
	v3 =	vadd.f32 v16, v3;
	v6 =	vadd.f32 v18, v6  }
0x1c2: {  	[tilespmem:$0x1FCF0] =	vst v57;
	v33 =	vmul.f32 v4, v31;
	v4 =	vmul.f32 v4, v32  }
0x1c3: {  	v51 =	vld.idx.msk [tilespmem:v43+s13+$0x0], $0xffff;
	v39 =	vmul.f32 v11, v35;
	v3 =	vadd.f32 v21, v3;
	v5 =	vadd.f32 v25, v6  }
0x1c4: {  	[tilespmem:$0x1FC70] =	vst v41;
	v38 =	vor.u32 $0x18, v61;
	v41 =	vmul.f32 v11, v36;
	v44 =	vmul.f32 v7, v40  }
0x1c5: {  	[tilespmem:$0x1FC40] =	vst v60;
	v7 =	vmul.f32 v7, v42;
	v3 =	vadd.f32 v27, v3;
	v5 =	vadd.f32 v30, v5  }
0x1c6: {  	v34 =	vor.u32 $0x22, v61;
	[tilespmem:$0x1FD10] =	vst v17;
	v47 =	vmul.f32 v37, v45;
	v53 =	vmul.f32 v9, v49  }
0x1c7: {  	[tilespmem:$0x1FD30] =	vst v23;
	v9 =	vmul.f32 v9, v50;
	v3 =	vadd.f32 v8, v3;
	v5 =	vadd.f32 v33, v5  }
0x1c8: {  	v56 =	vor.u32 $0x1C, v61;
	[tilespmem:$0x1FC80] =	vst v26;
	v60 =	vmul.f32 v51, v58;
	v63 =	vbroadcast v2, $0x9  }
0x1c9: {  	[tilespmem:$0x1FCA0] =	vst v31;
	v23 =	vbroadcast v2, $0xA;
	v3 =	vadd.f32 v4, v3;
	v4 =	vadd.f32 v39, v5  }
0x1ca: {  	[tilespmem:$0x1FD90] =	vst v36;
	v52 =	vor.u32 $0x1B, v61;
	v26 =	vbroadcast v2, $0xB;
	v31 =	vbroadcast v2, $0xC;
	v8 =	vld.idx.msk [tilespmem:v38+s13+$0x0], $0xffff  }
0x1cb: {  	[tilespmem:$0x1FCE0] =	vst v40;
	v36 =	vbroadcast v2, $0xD;
	v40 =	vbroadcast v2, $0xE;
	v4 =	vadd.f32 v44, v4  }
0x1cc: {  	[tilespmem:$0x1FD00] =	vst v45;
	v45 =	vor.u32 $0x24, v61;
	v59 =	vor.u32 $0x1D, v61;
	v3 =	vadd.f32 v41, v3  }
0x1cd: {  	[tilespmem:$0x1FDF0] =	vst v50;
	v50 =	vor.u32 $0x25, v61;
	v16 =	vbroadcast v0, $0xA;
	v4 =	vadd.f32 v47, v4  }
0x1ce: {  	[tilespmem:$0x1FC60] =	vst v22;
	v21 =	vor.u32 $0x1F, v61;
	v6 =	vmul.f32 v37, v46;
	v3 =	vadd.f32 v7, v3  }
0x1cf: {  	[tilespmem:$0x1FD50] =	vst v28;
	v18 =	vor.u32 $0x1E, v61;
	v17 =	vld.idx.msk [tilespmem:v56+s13+$0x0], $0xffff;
	v57 =	vmul.f32 v8, v54;
	v4 =	vadd.f32 v53, v4  }
0x1d0: {  	[tilespmem:$0x1FD70] =	vst v32;
	v19 =	vmul.f32 v10, v16;
	v30 =	vor.u32 $0x21, v61;
	v7 =	vld.idx.msk [tilespmem:v52+s13+$0x0], $0xffff;
	v3 =	vadd.f32 v6, v3  }
0x1d1: {  	[tilespmem:$0x1FE50] =	vst v23;
	v10 =	vmul.f32 v10, v23;
	v23 =	vor.u32 $0x29, v61;
	v22 =	vld.idx.msk [tilespmem:v59+s13+$0x0], $0xffff;
	v4 =	vadd.f32 v57, v4  }
0x1d2: {  	[tilespmem:$0x1FCC0] =	vst v35;
	v38 =	vor.u32 $0x23, v61;
	v8 =	vmul.f32 v8, v55;
	v3 =	vadd.f32 v9, v3  }
0x1d3: {  	[tilespmem:$0x1FD20] =	vst v49;
	v25 =	vbroadcast v0, $0xC;
	v27 =	vor.u32 $0x20, v61;
	v12 =	vld.idx.msk [tilespmem:v21+s13+$0x0], $0xffff;
	v4 =	vadd.f32 v60, v4  }
0x1d4: {  	[tilespmem:$0x1FD60] =	vst v58;
	v33 =	vbroadcast v0, $0xE;
	v0 =	vld [tilespmem:$0x18860];
	v5 =	vmul.f32 v51, v63;
	v3 =	vadd.f32 v8, v3  }
0x1d5: {  	[tilespmem:$0x1FD80] =	vst v16;
	v16 =	vor.u32 $0x31, v61;
	v39 =	vld.idx.msk [tilespmem:v30+s13+$0x0], $0xffff;
	v24 =	vmul.f32 v7, v20;
	v4 =	vadd.f32 v19, v4  }
0x1d6: {  	v28 =	vmul.f32 v17, v25;
	v32 =	vmul.f32 v22, v29;
	v8 =	vld.idx.msk [tilespmem:v18+s13+$0x0], $0xffff;
	v3 =	vadd.f32 v5, v3  }
0x1d7: {  	[tilespmem:$0x1FE30] =	vst v63;
	v63 =	vor.u32 $0x28, v61;
	v49 =	vld.idx.msk [tilespmem:v38+s13+$0x0], $0xffff;
	v38 =	vor.u32 $0x30, v61;
	v4 =	vadd.f32 v24, v4  }
0x1d8: {  	[tilespmem:$0x1FD40] =	vst v54;
	v54 =	vor.u32 $0x26, v61;
	v30 =	vor.u32 $0x2A, v61;
	v10 =	vadd.f32 v10, v3;
	v3 =	vld [tilespmem:$0x18820]  }
0x1d9: {  	v35 =	vld.idx.msk [tilespmem:v27+s13+$0x0], $0xffff;
	v41 =	vmul.f32 v12, v15;
	v12 =	vmul.f32 v12, v48;
	v4 =	vadd.f32 v28, v4  }
0x1da: {  	[tilespmem:$0x1FEF0] =	vst v48;
	v44 =	vld.idx.msk [tilespmem:v34+s13+$0x0], $0xffff;
	v34 =	vor.u32 $0x2E, v61;
	v58 =	vbroadcast v0, $0x1;
	v48 =	vbroadcast v0, $0xE  }
0x1db: {  	[tilespmem:$0x1FBE0] =	vst v13;
	v6 =	vmul.f32 v17, v31;
	v37 =	vmul.f32 v8, v33;
	v4 =	vadd.f32 v32, v4  }
0x1dc: {  	[tilespmem:$0x1FDB0] =	vst v42;
	v53 =	vbroadcast v0, $0x0;
	v13 =	vld.idx.msk [tilespmem:v38+s13+$0x0], $0xffff;
	v38 =	vor.u32 $0x37, v61;
	v7 =	vmul.f32 v7, v26  }
0x1dd: {  	[tilespmem:$0x1FDA0] =	vst v20;
	v20 =	vbroadcast v0, $0x2;
	v42 =	vbroadcast v3, $0x0;
	v4 =	vadd.f32 v37, v4  }
0x1de: {  	[tilespmem:$0x1FE70] =	vst v26;
	v26 =	vbroadcast v0, $0x3;
	v9 =	vmul.f32 v35, v53;
	v57 =	vor.u32 $0x27, v61  }
0x1df: {  	[tilespmem:$0x1FDD0] =	vst v46;
	v47 =	vbroadcast v3, $0x1;
	v46 =	vmul.f32 v35, v42;
	v4 =	vadd.f32 v41, v4  }
0x1e0: {  	[tilespmem:$0x1FF10] =	vst v53;
	v53 =	vbroadcast v0, $0xC;
	v2 =	vmul.f32 v49, v26;
	v7 =	vadd.f32 v7, v10  }
0x1e1: {  	v52 =	vbroadcast v3, $0x2;
	v51 =	vmul.f32 v39, v47;
	v4 =	vadd.f32 v46, v4  }
0x1e2: {  	[tilespmem:$0x1FF50] =	vst v26;
	v26 =	vor.u32 $0x32, v61;
	v5 =	vmul.f32 v22, v36;
	v10 =	vld.idx.msk [tilespmem:v45+s13+$0x0], $0xffff;
	v6 =	vadd.f32 v6, v7  }
0x1e3: {  	[tilespmem:$0x1FE10] =	vst v55;
	v56 =	vbroadcast v3, $0x3;
	v55 =	vmul.f32 v44, v52;
	v4 =	vadd.f32 v51, v4  }
0x1e4: {  	v19 =	vbroadcast v0, $0x6;
	v43 =	vmul.f32 v8, v40;
	v5 =	vadd.f32 v5, v6;
	v6 =	vld.idx.msk [tilespmem:v50+s13+$0x0], $0xffff  }
0x1e5: {  	v60 =	vbroadcast v3, $0x4;
	v59 =	vmul.f32 v49, v56;
	v4 =	vadd.f32 v55, v4  }
0x1e6: {  	[tilespmem:$0x1FED0] =	vst v40;
	v18 =	vld.idx.msk [tilespmem:v54+s13+$0x0], $0xffff;
	v40 =	vbroadcast v0, $0x4;
	v24 =	vmul.f32 v44, v20;
	v5 =	vadd.f32 v43, v5  }
0x1e7: {  	[tilespmem:$0x1FDE0] =	vst v29;
	v22 =	vbroadcast v3, $0x5;
	v21 =	vmul.f32 v10, v60;
	v4 =	vadd.f32 v59, v4  }
0x1e8: {  	[tilespmem:$0x1FDC0] =	vst v25;
	v25 =	vld.idx.msk [tilespmem:v57+s13+$0x0], $0xffff;
	v7 =	vmul.f32 v39, v58;
	v28 =	vbroadcast v3, $0x6;
	v5 =	vadd.f32 v12, v5  }
0x1e9: {  	[tilespmem:$0x1FE20] =	vst v15;
	v29 =	vld.idx.msk [tilespmem:v63+s13+$0x0], $0xffff;
	v63 =	vbroadcast v3, $0x8;
	v27 =	vmul.f32 v6, v22;
	v4 =	vadd.f32 v21, v4  }
0x1ea: {  	[tilespmem:$0x1FF30] =	vst v58;
	v58 =	vbroadcast v3, $0x9;
	v32 =	vbroadcast v3, $0x7;
	v5 =	vadd.f32 v9, v5  }
0x1eb: {  	[tilespmem:$0x1FE90] =	vst v31;
	v31 =	vmul.f32 v18, v28;
	v41 =	vor.u32 $0x2B, v61;
	v4 =	vadd.f32 v27, v4  }
0x1ec: {  	[tilespmem:$0x1FE00] =	vst v33;
	v33 =	vld.idx.msk [tilespmem:v23+s13+$0x0], $0xffff;
	v57 =	vbroadcast v3, $0xA;
	v54 =	vbroadcast v3, $0xD;
	v5 =	vadd.f32 v7, v5  }
0x1ed: {  	[tilespmem:$0x1FE40] =	vst v42;
	v44 =	vor.u32 $0x2C, v61;
	v42 =	vmul.f32 v25, v32;
	v4 =	vadd.f32 v31, v4  }
0x1ee: {  	[tilespmem:$0x1FF40] =	vst v20;
	v50 =	vbroadcast v3, $0xF;
	v10 =	vmul.f32 v10, v40;
	v9 =	vld.idx.msk [tilespmem:v30+s13+$0x0], $0xffff;
	v5 =	vadd.f32 v24, v5  }
0x1ef: {  	[tilespmem:$0x1FF60] =	vst v40;
	v45 =	vmul.f32 v29, v63;
	v46 =	vor.u32 $0x2D, v61;
	v4 =	vadd.f32 v42, v4  }
0x1f0: {  	[tilespmem:$0x1FE60] =	vst v47;
	v40 =	vor.u32 $0x2F, v61;
	v43 =	vbroadcast v0, $0x5;
	v47 =	vld.idx.msk [tilespmem:v41+s13+$0x0], $0xffff;
	v2 =	vadd.f32 v2, v5  }
0x1f1: {  	v1 =	vld [tilespmem:$0x18870];
	[tilespmem:$0x1FEA0] =	vst v56;
	v20 =	vmul.f32 v33, v58;
	v56 =	vbroadcast v3, $0xB;
	v4 =	vadd.f32 v45, v4  }
0x1f2: {  	[tilespmem:$0x1FEE0] =	vst v22;
	v35 =	vbroadcast v0, $0x7;
	v6 =	vmul.f32 v6, v43;
	v22 =	vld.idx.msk [tilespmem:v44+s13+$0x0], $0xffff;
	v2 =	vadd.f32 v10, v2  }
0x1f3: {  	[tilespmem:$0x1FEC0] =	vst v60;
	v60 =	vbroadcast v0, $0xA;
	v39 =	vmul.f32 v9, v57;
	v4 =	vadd.f32 v20, v4  }
0x1f4: {  	[tilespmem:$0x1FE80] =	vst v52;
	v52 =	vbroadcast v0, $0xD;
	v41 =	vld.idx.msk [tilespmem:v46+s13+$0x0], $0xffff;
	v21 =	vmul.f32 v18, v19;
	v2 =	vadd.f32 v6, v2  }
0x1f5: {  	[tilespmem:$0x1FEB0] =	vst v36;
	v15 =	vld.idx.msk [tilespmem:v40+s13+$0x0], $0xffff;
	v55 =	vbroadcast v3, $0xC;
	v36 =	vmul.f32 v47, v56;
	v4 =	vadd.f32 v39, v4  }
0x1f6: {  	v37 =	vbroadcast v0, $0x8;
	v8 =	vmul.f32 v25, v35;
	v2 =	vadd.f32 v21, v2;
	v39 =	vld.idx.msk [tilespmem:v34+s13+$0x0], $0xffff  }
0x1f7: {  	[tilespmem:$0x1FF70] =	vst v43;
	v43 =	vbroadcast v1, $0x0;
	v23 =	vmul.f32 v22, v55;
	v4 =	vadd.f32 v36, v4  }
0x1f8: {  	v7 =	vmul.f32 v29, v37;
	v51 =	vbroadcast v3, $0xE;
	v8 =	vadd.f32 v8, v2;
	v2 =	vld [tilespmem:$0x18830]  }
0x1f9: {  	v24 =	vbroadcast v0, $0x9;
	v25 =	vmul.f32 v41, v54;
	v4 =	vadd.f32 v23, v4  }
0x1fa: {  	[tilespmem:$0x1FF00] =	vst v28;
	v28 =	vor.u32 $0x33, v61;
	v29 =	vmul.f32 v9, v60;
	v30 =	vmul.f32 v15, v50  }
0x1fb: {  	v11 =	vmul.f32 v22, v53;
	v27 =	vmul.f32 v39, v51;
	v4 =	vadd.f32 v25, v4  }
0x1fc: {  	[tilespmem:$0x1FF20] =	vst v32;
	v32 =	vor.u32 $0x34, v61;
	v9 =	vld.idx.msk [tilespmem:v16+s13+$0x0], $0xffff;
	v46 =	vbroadcast v0, $0xF;
	v59 =	vbroadcast v0, $0xB  }
0x1fd: {  	v5 =	vmul.f32 v33, v24;
	v49 =	vbroadcast v2, $0x0;
	v3 =	vadd.f32 v27, v4  }
0x1fe: {  	v31 =	vmul.f32 v47, v59;
	v7 =	vadd.f32 v7, v8;
	v8 =	vld.idx.msk [tilespmem:v26+s13+$0x0], $0xffff;
	v47 =	vbroadcast v2, $0x1  }
0x1ff: {  	v34 =	vor.u32 $0x35, v61;
	v33 =	vmul.f32 v13, v49;
	v3 =	vadd.f32 v30, v3  }
0x200: {  	[tilespmem:$0x1FF80] =	vst v19;
	v19 =	vld.idx.msk [tilespmem:v28+s13+$0x0], $0xffff;
	v28 =	vmul.f32 v13, v43;
	v5 =	vadd.f32 v5, v7;
	v45 =	vbroadcast v2, $0x2  }
0x201: {  	[tilespmem:$0x1FF90] =	vst v35;
	v35 =	vmul.f32 v9, v47;
	v36 =	vor.u32 $0x36, v61;
	v3 =	vadd.f32 v33, v3  }
0x202: {  	v6 =	vmul.f32 v41, v52;
	v21 =	vld.idx.msk [tilespmem:v32+s13+$0x0], $0xffff;
	v26 =	vmul.f32 v15, v46;
	v5 =	vadd.f32 v29, v5  }
0x203: {  	[tilespmem:$0x1FFA0] =	vst v37;
	v44 =	vbroadcast v2, $0x3;
	v37 =	vmul.f32 v8, v45;
	v3 =	vadd.f32 v35, v3  }
0x204: {  	v42 =	vbroadcast v2, $0x4;
	v5 =	vadd.f32 v31, v5;
	v23 =	vor.u32 $0x38, v61;
	v18 =	vld.idx.msk [tilespmem:v34+s13+$0x0], $0xffff  }
0x205: {  	v17 =	vld.idx.msk [tilespmem:v38+s13+$0x0], $0xffff;
	v41 =	vbroadcast v2, $0x5;
	v22 =	vmul.f32 v19, v44;
	v3 =	vadd.f32 v37, v3  }
0x206: {  	v40 =	vbroadcast v2, $0x6;
	v38 =	vbroadcast v2, $0x7;
	v5 =	vadd.f32 v11, v5;
	v7 =	vld.idx.msk [tilespmem:v36+s13+$0x0], $0xffff  }
0x207: {  	[tilespmem:$0x1FFB0] =	vst v24;
	v24 =	vmul.f32 v21, v42;
	v25 =	vor.u32 $0x39, v61;
	v3 =	vadd.f32 v22, v3  }
0x208: {  	v32 =	vbroadcast v2, $0xB;
	v10 =	vmul.f32 v39, v48;
	v5 =	vadd.f32 v6, v5  }
0x209: {  	v29 =	vor.u32 $0x3A, v61;
	v12 =	vld.idx.msk [tilespmem:v23+s13+$0x0], $0xffff;
	v27 =	vmul.f32 v18, v41;
	v3 =	vadd.f32 v24, v3  }
0x20a: {  	v20 =	vmul.f32 v17, v38;
	v31 =	vor.u32 $0x3B, v61;
	v5 =	vadd.f32 v10, v5  }
0x20b: {  	v39 =	vbroadcast v1, $0x1;
	v30 =	vmul.f32 v7, v40;
	v3 =	vadd.f32 v27, v3  }
0x20c: {  	v34 =	vbroadcast v2, $0xA;
	v36 =	vbroadcast v2, $0x8;
	v5 =	vadd.f32 v26, v5;
	v6 =	vld.idx.msk [tilespmem:v25+s13+$0x0], $0xffff  }
0x20d: {  	v9 =	vmul.f32 v9, v39;
	v22 =	vor.u32 $0x3C, v61;
	v3 =	vadd.f32 v30, v3  }
0x20e: {  	v15 =	vld.idx.msk [tilespmem:v29+s13+$0x0], $0xffff;
	v5 =	vadd.f32 v28, v5;
	v23 =	vmul.f32 v12, v36;
	v37 =	vbroadcast v1, $0x2  }
0x20f: {  	v35 =	vbroadcast v2, $0x9;
	v24 =	vor.u32 $0x3D, v61;
	v3 =	vadd.f32 v20, v3  }
0x210: {  	v4 =	vld.idx.msk [tilespmem:v31+s13+$0x0], $0xffff;
	v33 =	vbroadcast v1, $0x3;
	v5 =	vadd.f32 v9, v5;
	v8 =	vmul.f32 v8, v37  }
0x211: {  	v26 =	vor.u32 $0x3E, v61;
	v25 =	vmul.f32 v6, v35;
	v3 =	vadd.f32 v23, v3  }
0x212: {  	[tilespmem:$0x1FC00] =	vst v14;
	v31 =	vbroadcast v1, $0x4;
	v16 =	vmul.f32 v19, v33;
	v5 =	vadd.f32 v8, v5;
	v14 =	vld.idx.msk [tilespmem:v22+s13+$0x0], $0xffff  }
0x213: {  	v19 =	vmul.f32 v15, v34;
	v20 =	vor.u32 $0x3F, v61;
	v3 =	vadd.f32 v25, v3  }
0x214: {  	v29 =	vbroadcast v1, $0x5;
	v21 =	vmul.f32 v21, v31;
	v5 =	vadd.f32 v16, v5;
	v9 =	vld.idx.msk [tilespmem:v24+s13+$0x0], $0xffff  }
0x215: {  	v22 =	vmul.f32 v4, v32;
	v30 =	vbroadcast v2, $0xC;
	v3 =	vadd.f32 v19, v3  }
0x216: {  	v28 =	vbroadcast v1, $0x6;
	v0 =	vld.idx.msk [tilespmem:v26+s13+$0x0], $0xffff;
	v5 =	vadd.f32 v21, v5;
	v23 =	vmul.f32 v18, v29  }
0x217: {  	v27 =	vbroadcast v2, $0xD;
	v16 =	vmul.f32 v14, v30;
	v3 =	vadd.f32 v22, v3  }
0x218: {  	v7 =	vmul.f32 v7, v28;
	v26 =	vbroadcast v1, $0x7;
	v5 =	vadd.f32 v23, v5;
	v10 =	vld.idx.msk [tilespmem:v20+s13+$0x0], $0xffff  }
0x219: {  	v18 =	vmul.f32 v9, v27;
	v25 =	vbroadcast v2, $0xE;
	v3 =	vadd.f32 v16, v3  }
0x21a: {  	v24 =	vbroadcast v1, $0x8;
	v5 =	vadd.f32 v7, v5;
	v19 =	vmul.f32 v17, v26  }
0x21b: {  	v23 =	vbroadcast v2, $0xF;
	v11 =	vmul.f32 v0, v25;
	v3 =	vadd.f32 v18, v3  }
0x21c: {  	v13 =	vmul.f32 v12, v24;
	v5 =	vadd.f32 v19, v5;
	v22 =	vbroadcast v1, $0x9  }
0x21d: {  	v16 =	vmul.f32 v10, v23;
	v2 =	vadd.f32 v11, v3  }
0x21e: {  	v21 =	vbroadcast v1, $0xA;
	v5 =	vadd.f32 v13, v5;
	v6 =	vmul.f32 v6, v22  }
0x21f: {  	v2 =	vadd.f32 v16, v2  }
0x220: {  	v8 =	vmul.f32 v15, v21;
	v20 =	vbroadcast v1, $0xB;
	v17 =	vadd.f32 v6, v5  }
0x221: {  	v2 =	vsub.f32 $0.0e+00, v2  }
0x222: {  	v4 =	vmul.f32 v4, v20;
	v19 =	vbroadcast v1, $0xC;
	v3 =	vadd.f32 v8, v17  }
0x223: {  	v2 =	vmul.f32 $1.442695020e+00, v2  }
0x224: {  	v18 =	vbroadcast v1, $0xD;
	v11 =	vmul.f32 v14, v19;
	v3 =	vadd.f32 v4, v3  }
0x225: {  	(erf) = vpow2.f32 v2  }
0x226: {  	v9 =	vmul.f32 v9, v18;
	v17 =	vbroadcast v1, $0xE;
	v14 =	vadd.f32 v11, v3;
	_ =	sdelay $0x1  }
0x227: {  	v0 =	vmul.f32 v0, v17;
	v16 =	vbroadcast v1, $0xF;
	v9 =	vadd.f32 v9, v14;
	_ =	sdelay $0x1  }
0x228: {  	v1 =	vmul.f32 v10, v16;
	v0 =	vadd.f32 v0, v9;
	_ =	sdelay $0x1  }
0x229: {  	v0 =	vadd.f32 v1, v0;
	_ =	sdelay $0x1  }
0x22a: {  	v0 =	vsub.f32 $0.0e+00, v0;
	v4 =	vpop (erf)  }
0x22b: {  	v1 =	vadd.f32 $1.000000000e+00, v4  }
0x22c: {  	v0 =	vmul.f32 $1.442695020e+00, v0  }
0x22d: {  	(erf) = vrcp.f32 v1  }
0x22e: {  	(erf) = vpow2.f32 v0;
	_ =	sdelay $0x7  }
0x22f: {  	v1 =	vpop (erf)  }
0x230: {  	v0 =	vpop (erf)  }
0x231: {  	v0 =	vadd.f32 $1.000000000e+00, v0;
	_ =	sdelay $0x1  }
0x232: {  	(erf) = vrcp.f32 v0;
	_ =	sdelay $0x1  }
0x233: {  	v5 =	vlaneseq.u32  }
0x234: {  	v13 =	vmul.u32 $0x8, v5;
	_ =	sdelay $0x1  }
0x235: {  	v6 =	vor.u32 $0x1, v13;
	_ =	sdelay $0x2  }
0x236: {  	v7 =	vor.u32 $0x400, v61  }
0x237: {  	v4 =	vor.u32 $0x401, v61;
	[tilespmem:v13+s14+$0x0] =	vst.idx.msk $0xffff, v1;
	v5 =	vpop (erf)  }
0x238: {  	[tilespmem:v6+s14+$0x0] =	vst.idx.msk $0xffff, v5;
	v6 =	vor.u32 $0x402, v61  }
0x239: {  	v15 =	vld [tilespmem:$0x1FA90]  }
0x23a: {  	v8 =	vld [tilespmem:$0x1FAB0]  }
0x23b: {  	v9 =	vld.idx.msk [tilespmem:v7+s13+$0x0], $0xffff  }
0x23c: {  	v7 =	vor.u32 $0x403, v61;
	v12 =	vld.idx.msk [tilespmem:v4+s13+$0x0], $0xffff  }
0x23d: {  	v3 =	vld.idx.msk [tilespmem:v6+s13+$0x0], $0xffff  }
0x23e: {  	v6 =	vld [tilespmem:$0x1FAA0];
	_ =	sdelay $0x2  }
0x23f: {  	v14 =	vor.u32 $0x404, v61;
	v4 =	vmul.f32 v9, v15;
	v10 =	vld.idx.msk [tilespmem:v7+s13+$0x0], $0xffff  }
0x240: {  	v11 =	vmul.f32 v3, v8;
	v8 =	vld [tilespmem:$0x1FAC0]  }
0x241: {  	v15 =	vadd.f32 v4, v62;
	v7 =	vmul.f32 v12, v6;
	_ =	sdelay $0x1  }
0x242: {  	v15 =	vadd.f32 v7, v15  }
0x243: {  	v5 =	vor.u32 $0x405, v61;
	v14 =	vld.idx.msk [tilespmem:v14+s13+$0x0], $0xffff  }
0x244: {  	v15 =	vadd.f32 v11, v15;
	v11 =	vmul.f32 v10, v8;
	v8 =	vld [tilespmem:$0x1FAD0];
	_ =	sdelay $0x3  }
0x245: {  	v1 =	vor.u32 $0x406, v61;
	v4 =	vld.idx.msk [tilespmem:v5+s13+$0x0], $0xffff  }
0x246: {  	v15 =	vadd.f32 v11, v15;
	v11 =	vmul.f32 v14, v8;
	v8 =	vld [tilespmem:$0x1FAE0]  }
0x247: {  	v2 =	vor.u32 $0x407, v61;
	_ =	sdelay $0x2  }
0x248: {  	v5 =	vld.idx.msk [tilespmem:v1+s13+$0x0], $0xffff  }
0x249: {  	v15 =	vadd.f32 v11, v15;
	v11 =	vmul.f32 v4, v8;
	v8 =	vld [tilespmem:$0x1FAF0]  }
0x24a: {  	v6 =	vld.idx.msk [tilespmem:v2+s13+$0x0], $0xffff  }
0x24b: {  	v15 =	vadd.f32 v11, v15;
	v11 =	vld [tilespmem:$0x1FB10];
	_ =	sdelay $0x2  }
0x24c: {  	v62 =	vmul.f32 v5, v8;
	v8 =	vld [tilespmem:$0x1FB00];
	_ =	sdelay $0x1  }
0x24d: {  	v15 =	vadd.f32 v62, v15;
	v62 =	vmul.f32 v6, v11;
	v11 =	vld [tilespmem:$0x1FB20];
	_ =	sdelay $0x2  }
0x24e: {  	v9 =	vmul.f32 v9, v8;
	_ =	sdelay $0x1  }
0x24f: {  	v9 =	vadd.f32 v9, v11;
	v11 =	vld [tilespmem:$0x1FB30];
	_ =	sdelay $0x4  }
0x250: {  	v12 =	vmul.f32 v12, v11;
	_ =	sdelay $0x1  }
0x251: {  	v9 =	vadd.f32 v12, v9;
	v12 =	vld [tilespmem:$0x1FB50];
	_ =	sdelay $0x4  }
0x252: {  	v3 =	vmul.f32 v3, v12;
	_ =	sdelay $0x1  }
0x253: {  	v3 =	vadd.f32 v3, v9;
	v9 =	vld [tilespmem:$0x1FB70];
	_ =	sdelay $0x4  }
0x254: {  	v9 =	vmul.f32 v10, v9;
	_ =	sdelay $0x1  }
0x255: {  	v3 =	vadd.f32 v9, v3;
	v9 =	vld [tilespmem:$0x1FB90];
	_ =	sdelay $0x4  }
0x256: {  	v9 =	vmul.f32 v14, v9;
	_ =	sdelay $0x1  }
0x257: {  	v3 =	vadd.f32 v9, v3;
	v9 =	vld [tilespmem:$0x1FBB0];
	_ =	sdelay $0x4  }
0x258: {  	v4 =	vmul.f32 v4, v9;
	_ =	sdelay $0x1  }
0x259: {  	v3 =	vadd.f32 v4, v3;
	v4 =	vld [tilespmem:$0x1FBD0];
	_ =	sdelay $0x4  }
0x25a: {  	v4 =	vmul.f32 v5, v4;
	_ =	sdelay $0x1  }
0x25b: {  	v0 =	vor.u32 $0x408, v61;
	v3 =	vadd.f32 v4, v3;
	v4 =	vld [tilespmem:$0x1FBF0];
	_ =	sdelay $0x4  }
0x25c: {  	v7 =	vld.idx.msk [tilespmem:v0+s13+$0x0], $0xffff;
	v4 =	vmul.f32 v6, v4  }
0x25d: {  	v15 =	vadd.f32 v62, v15;
	v62 =	vld [tilespmem:$0x1FB40]  }
0x25e: {  	v1 =	vor.u32 $0x409, v61;
	v3 =	vadd.f32 v4, v3;
	v4 =	vld [tilespmem:$0x1FC10];
	_ =	sdelay $0x3  }
0x25f: {  	v62 =	vmul.f32 v7, v62  }
0x260: {  	v8 =	vld.idx.msk [tilespmem:v1+s13+$0x0], $0xffff;
	v4 =	vmul.f32 v7, v4  }
0x261: {  	v12 =	vadd.f32 v62, v15;
	v62 =	vld [tilespmem:$0x1FB60]  }
0x262: {  	v2 =	vor.u32 $0x40A, v61;
	v3 =	vadd.f32 v4, v3;
	v4 =	vld [tilespmem:$0x1FC30];
	_ =	sdelay $0x3  }
0x263: {  	v15 =	vmul.f32 v8, v62  }
0x264: {  	v11 =	vld.idx.msk [tilespmem:v2+s13+$0x0], $0xffff;
	v4 =	vmul.f32 v8, v4  }
0x265: {  	v10 =	vadd.f32 v15, v12;
	v12 =	vld [tilespmem:$0x1FB80]  }
0x266: {  	v0 =	vor.u32 $0x40B, v61;
	v3 =	vadd.f32 v4, v3;
	v4 =	vld [tilespmem:$0x1FC50];
	_ =	sdelay $0x3  }
0x267: {  	v12 =	vmul.f32 v11, v12  }
0x268: {  	v0 =	vld.idx.msk [tilespmem:v0+s13+$0x0], $0xffff;
	v4 =	vmul.f32 v11, v4  }
0x269: {  	v1 =	vor.u32 $0x40C, v61;
	v10 =	vadd.f32 v12, v10;
	v12 =	vld [tilespmem:$0x1FBA0]  }
0x26a: {  	v62 =	vor.u32 $0x40E, v61;
	v3 =	vadd.f32 v4, v3;
	v4 =	vld [tilespmem:$0x1FC70];
	_ =	sdelay $0x3  }
0x26b: {  	v1 =	vld.idx.msk [tilespmem:v1+s13+$0x0], $0xffff  }
0x26c: {  	v12 =	vmul.f32 v0, v12;
	v9 =	vld.idx.msk [tilespmem:v62+s13+$0x0], $0xffff;
	v0 =	vmul.f32 v0, v4  }
0x26d: {  	v62 =	vld [tilespmem:$0x1FBC0]  }
0x26e: {  	v2 =	vor.u32 $0x40D, v61;
	v0 =	vadd.f32 v0, v3;
	v3 =	vld [tilespmem:$0x1FC90];
	_ =	sdelay $0x3  }
0x26f: {  	v10 =	vadd.f32 v12, v10;
	v12 =	vmul.f32 v1, v62  }
0x270: {  	v2 =	vld.idx.msk [tilespmem:v2+s13+$0x0], $0xffff;
	v1 =	vmul.f32 v1, v3  }
0x271: {  	v10 =	vadd.f32 v12, v10;
	v12 =	vld [tilespmem:$0x1FBE0]  }
0x272: {  	v15 =	vor.u32 $0x40F, v61;
	v0 =	vadd.f32 v1, v0;
	v1 =	vld [tilespmem:$0x1FCB0];
	_ =	sdelay $0x2  }
0x273: {  	v62 =	vor.u32 $0x411, v61  }
0x274: {  	v12 =	vmul.f32 v2, v12  }
0x275: {  	v5 =	vld.idx.msk [tilespmem:v15+s13+$0x0], $0xffff;
	v1 =	vmul.f32 v2, v1  }
0x276: {  	v10 =	vadd.f32 v12, v10;
	v12 =	vld [tilespmem:$0x1FC00]  }
0x277: {  	v0 =	vadd.f32 v1, v0;
	v1 =	vld [tilespmem:$0x1FCD0]  }
0x278: {  	v7 =	vld.idx.msk [tilespmem:v62+s13+$0x0], $0xffff  }
0x279: {  	v62 =	vld [tilespmem:$0x1FC20]  }
0x27a: {  	v14 =	vor.u32 $0x410, v61;
	_ =	sdelay $0x1  }
0x27b: {  	v12 =	vmul.f32 v9, v12;
	v1 =	vmul.f32 v9, v1;
	_ =	sdelay $0x1  }
0x27c: {  	v10 =	vadd.f32 v12, v10;
	v12 =	vmul.f32 v5, v62;
	v0 =	vadd.f32 v1, v0;
	v1 =	vld [tilespmem:$0x1FCF0]  }
0x27d: {  	v6 =	vld.idx.msk [tilespmem:v14+s13+$0x0], $0xffff  }
0x27e: {  	v10 =	vadd.f32 v12, v10;
	v12 =	vld [tilespmem:$0x1FC40]  }
0x27f: {  	v15 =	vor.u32 $0x412, v61;
	_ =	sdelay $0x1  }
0x280: {  	v62 =	vor.u32 $0x414, v61;
	v1 =	vmul.f32 v5, v1;
	_ =	sdelay $0x1  }
0x281: {  	v12 =	vmul.f32 v6, v12;
	v0 =	vadd.f32 v1, v0;
	v1 =	vld [tilespmem:$0x1FD10]  }
0x282: {  	v8 =	vld.idx.msk [tilespmem:v15+s13+$0x0], $0xffff  }
0x283: {  	v10 =	vadd.f32 v12, v10;
	v12 =	vld [tilespmem:$0x1FC60]  }
0x284: {  	v4 =	vld.idx.msk [tilespmem:v62+s13+$0x0], $0xffff  }
0x285: {  	v62 =	vld [tilespmem:$0x1FC80]  }
0x286: {  	v14 =	vor.u32 $0x413, v61;
	v1 =	vmul.f32 v6, v1;
	_ =	sdelay $0x1  }
0x287: {  	v12 =	vmul.f32 v7, v12;
	v0 =	vadd.f32 v1, v0;
	v1 =	vld [tilespmem:$0x1FD30];
	_ =	sdelay $0x1  }
0x288: {  	v10 =	vadd.f32 v12, v10;
	v12 =	vmul.f32 v8, v62  }
0x289: {  	v11 =	vld.idx.msk [tilespmem:v14+s13+$0x0], $0xffff  }
0x28a: {  	v10 =	vadd.f32 v12, v10;
	v12 =	vld [tilespmem:$0x1FCA0]  }
0x28b: {  	v15 =	vor.u32 $0x415, v61;
	v1 =	vmul.f32 v7, v1;
	_ =	sdelay $0x1  }
0x28c: {  	v62 =	vor.u32 $0x417, v61;
	v0 =	vadd.f32 v1, v0;
	v1 =	vld [tilespmem:$0x1FD50];
	_ =	sdelay $0x1  }
0x28d: {  	v12 =	vmul.f32 v11, v12  }
0x28e: {  	v3 =	vld.idx.msk [tilespmem:v15+s13+$0x0], $0xffff  }
0x28f: {  	v10 =	vadd.f32 v12, v10;
	v12 =	vld [tilespmem:$0x1FCC0]  }
0x290: {  	v9 =	vld.idx.msk [tilespmem:v62+s13+$0x0], $0xffff;
	v1 =	vmul.f32 v8, v1  }
0x291: {  	v62 =	vld [tilespmem:$0x1FCE0]  }
0x292: {  	v14 =	vor.u32 $0x416, v61;
	v0 =	vadd.f32 v1, v0;
	v1 =	vld [tilespmem:$0x1FD70];
	_ =	sdelay $0x1  }
0x293: {  	v12 =	vmul.f32 v4, v12;
	_ =	sdelay $0x1  }
0x294: {  	v10 =	vadd.f32 v12, v10;
	v12 =	vmul.f32 v3, v62  }
0x295: {  	v2 =	vld.idx.msk [tilespmem:v14+s13+$0x0], $0xffff;
	v1 =	vmul.f32 v11, v1  }
0x296: {  	v10 =	vadd.f32 v12, v10;
	v12 =	vld [tilespmem:$0x1FD00]  }
0x297: {  	v15 =	vor.u32 $0x418, v61;
	v0 =	vadd.f32 v1, v0;
	v1 =	vld [tilespmem:$0x1FD90];
	_ =	sdelay $0x2  }
0x298: {  	v62 =	vor.u32 $0x41A, v61  }
0x299: {  	v12 =	vmul.f32 v2, v12  }
0x29a: {  	v5 =	vld.idx.msk [tilespmem:v15+s13+$0x0], $0xffff;
	v1 =	vmul.f32 v4, v1  }
0x29b: {  	v10 =	vadd.f32 v12, v10;
	v12 =	vld [tilespmem:$0x1FD20]  }
0x29c: {  	v0 =	vadd.f32 v1, v0;
	v1 =	vld [tilespmem:$0x1FDB0]  }
0x29d: {  	v7 =	vld.idx.msk [tilespmem:v62+s13+$0x0], $0xffff  }
0x29e: {  	v62 =	vld [tilespmem:$0x1FD40]  }
0x29f: {  	v14 =	vor.u32 $0x419, v61;
	_ =	sdelay $0x1  }
0x2a0: {  	v12 =	vmul.f32 v9, v12;
	v1 =	vmul.f32 v3, v1;
	_ =	sdelay $0x1  }
0x2a1: {  	v10 =	vadd.f32 v12, v10;
	v12 =	vmul.f32 v5, v62;
	v0 =	vadd.f32 v1, v0;
	v1 =	vld [tilespmem:$0x1FDD0]  }
0x2a2: {  	v6 =	vld.idx.msk [tilespmem:v14+s13+$0x0], $0xffff  }
0x2a3: {  	v10 =	vadd.f32 v12, v10;
	v12 =	vld [tilespmem:$0x1FD60]  }
0x2a4: {  	v15 =	vor.u32 $0x41B, v61;
	_ =	sdelay $0x1  }
0x2a5: {  	v62 =	vor.u32 $0x41D, v61;
	v1 =	vmul.f32 v2, v1;
	_ =	sdelay $0x1  }
0x2a6: {  	v12 =	vmul.f32 v6, v12;
	v0 =	vadd.f32 v1, v0;
	v1 =	vld [tilespmem:$0x1FDF0]  }
0x2a7: {  	v8 =	vld.idx.msk [tilespmem:v15+s13+$0x0], $0xffff  }
0x2a8: {  	v10 =	vadd.f32 v12, v10;
	v12 =	vld [tilespmem:$0x1FD80]  }
0x2a9: {  	v4 =	vld.idx.msk [tilespmem:v62+s13+$0x0], $0xffff  }
0x2aa: {  	v62 =	vld [tilespmem:$0x1FDA0]  }
0x2ab: {  	v14 =	vor.u32 $0x41C, v61;
	v1 =	vmul.f32 v9, v1;
	_ =	sdelay $0x1  }
0x2ac: {  	v12 =	vmul.f32 v7, v12;
	v0 =	vadd.f32 v1, v0;
	v1 =	vld [tilespmem:$0x1FE10];
	_ =	sdelay $0x1  }
0x2ad: {  	v10 =	vadd.f32 v12, v10;
	v12 =	vmul.f32 v8, v62  }
0x2ae: {  	v11 =	vld.idx.msk [tilespmem:v14+s13+$0x0], $0xffff  }
0x2af: {  	v10 =	vadd.f32 v12, v10;
	v12 =	vld [tilespmem:$0x1FDC0]  }
0x2b0: {  	v15 =	vor.u32 $0x41E, v61;
	v1 =	vmul.f32 v5, v1;
	_ =	sdelay $0x1  }
0x2b1: {  	v62 =	vor.u32 $0x420, v61;
	v0 =	vadd.f32 v1, v0;
	v1 =	vld [tilespmem:$0x1FE30];
	_ =	sdelay $0x1  }
0x2b2: {  	v12 =	vmul.f32 v11, v12  }
0x2b3: {  	v3 =	vld.idx.msk [tilespmem:v15+s13+$0x0], $0xffff  }
0x2b4: {  	v10 =	vadd.f32 v12, v10;
	v12 =	vld [tilespmem:$0x1FDE0]  }
0x2b5: {  	v9 =	vld.idx.msk [tilespmem:v62+s13+$0x0], $0xffff;
	v1 =	vmul.f32 v6, v1  }
0x2b6: {  	v62 =	vld [tilespmem:$0x1FE00]  }
0x2b7: {  	v14 =	vor.u32 $0x41F, v61;
	v0 =	vadd.f32 v1, v0;
	v1 =	vld [tilespmem:$0x1FE50];
	_ =	sdelay $0x1  }
0x2b8: {  	v12 =	vmul.f32 v4, v12;
	_ =	sdelay $0x1  }
0x2b9: {  	v10 =	vadd.f32 v12, v10;
	v12 =	vmul.f32 v3, v62  }
0x2ba: {  	v2 =	vld.idx.msk [tilespmem:v14+s13+$0x0], $0xffff;
	v1 =	vmul.f32 v7, v1  }
0x2bb: {  	v10 =	vadd.f32 v12, v10;
	v12 =	vld [tilespmem:$0x1FE20]  }
0x2bc: {  	v15 =	vor.u32 $0x421, v61;
	v0 =	vadd.f32 v1, v0;
	v1 =	vld [tilespmem:$0x1FE70];
	_ =	sdelay $0x2  }
0x2bd: {  	v62 =	vor.u32 $0x423, v61  }
0x2be: {  	v12 =	vmul.f32 v2, v12  }
0x2bf: {  	v5 =	vld.idx.msk [tilespmem:v15+s13+$0x0], $0xffff;
	v1 =	vmul.f32 v8, v1  }
0x2c0: {  	v10 =	vadd.f32 v12, v10;
	v12 =	vld [tilespmem:$0x1FE40]  }
0x2c1: {  	v0 =	vadd.f32 v1, v0;
	v1 =	vld [tilespmem:$0x1FE90]  }
0x2c2: {  	v7 =	vld.idx.msk [tilespmem:v62+s13+$0x0], $0xffff  }
0x2c3: {  	v62 =	vld [tilespmem:$0x1FE60]  }
0x2c4: {  	v14 =	vor.u32 $0x422, v61;
	_ =	sdelay $0x1  }
0x2c5: {  	v12 =	vmul.f32 v9, v12;
	v1 =	vmul.f32 v11, v1;
	_ =	sdelay $0x1  }
0x2c6: {  	v10 =	vadd.f32 v12, v10;
	v12 =	vmul.f32 v5, v62;
	v0 =	vadd.f32 v1, v0;
	v1 =	vld [tilespmem:$0x1FEB0]  }
0x2c7: {  	v6 =	vld.idx.msk [tilespmem:v14+s13+$0x0], $0xffff  }
0x2c8: {  	v10 =	vadd.f32 v12, v10;
	v12 =	vld [tilespmem:$0x1FE80]  }
0x2c9: {  	v15 =	vor.u32 $0x424, v61;
	_ =	sdelay $0x1  }
0x2ca: {  	v62 =	vor.u32 $0x426, v61;
	v1 =	vmul.f32 v4, v1;
	_ =	sdelay $0x1  }
0x2cb: {  	v12 =	vmul.f32 v6, v12;
	v0 =	vadd.f32 v1, v0;
	v1 =	vld [tilespmem:$0x1FED0]  }
0x2cc: {  	v8 =	vld.idx.msk [tilespmem:v15+s13+$0x0], $0xffff  }
0x2cd: {  	v10 =	vadd.f32 v12, v10;
	v12 =	vld [tilespmem:$0x1FEA0]  }
0x2ce: {  	v4 =	vld.idx.msk [tilespmem:v62+s13+$0x0], $0xffff  }
0x2cf: {  	v62 =	vld [tilespmem:$0x1FEC0]  }
0x2d0: {  	v14 =	vor.u32 $0x425, v61;
	v1 =	vmul.f32 v3, v1;
	_ =	sdelay $0x1  }
0x2d1: {  	v12 =	vmul.f32 v7, v12;
	v0 =	vadd.f32 v1, v0;
	v1 =	vld [tilespmem:$0x1FEF0];
	_ =	sdelay $0x1  }
0x2d2: {  	v10 =	vadd.f32 v12, v10;
	v12 =	vmul.f32 v8, v62  }
0x2d3: {  	v11 =	vld.idx.msk [tilespmem:v14+s13+$0x0], $0xffff  }
0x2d4: {  	v10 =	vadd.f32 v12, v10;
	v12 =	vld [tilespmem:$0x1FEE0]  }
0x2d5: {  	v15 =	vor.u32 $0x427, v61;
	v1 =	vmul.f32 v2, v1;
	_ =	sdelay $0x1  }
0x2d6: {  	v62 =	vor.u32 $0x429, v61;
	v0 =	vadd.f32 v1, v0;
	v1 =	vld [tilespmem:$0x1FF10];
	_ =	sdelay $0x1  }
0x2d7: {  	v12 =	vmul.f32 v11, v12  }
0x2d8: {  	v14 =	vor.u32 $0x428, v61;
	v3 =	vld.idx.msk [tilespmem:v15+s13+$0x0], $0xffff  }
0x2d9: {  	v10 =	vadd.f32 v12, v10;
	v12 =	vld [tilespmem:$0x1FF00]  }
0x2da: {  	v1 =	vmul.f32 v9, v1;
	v9 =	vld.idx.msk [tilespmem:v62+s13+$0x0], $0xffff  }
0x2db: {  	v62 =	vld [tilespmem:$0x1FF20];
	_ =	sdelay $0x1  }
0x2dc: {  	v2 =	vld.idx.msk [tilespmem:v14+s13+$0x0], $0xffff  }
0x2dd: {  	v12 =	vmul.f32 v4, v12;
	_ =	sdelay $0x1  }
0x2de: {  	v10 =	vadd.f32 v12, v10;
	v0 =	vadd.f32 v1, v0;
	v1 =	vld [tilespmem:$0x1FF30];
	v12 =	vmul.f32 v3, v62;
	_ =	sdelay $0x1  }
0x2df: {  	v10 =	vadd.f32 v12, v10;
	v12 =	vmul.f32 v2, v63;
	v63 =	vld [tilespmem:$0x1FF40];
	_ =	sdelay $0x1  }
0x2e0: {  	v15 =	vor.u32 $0x42A, v61  }
0x2e1: {  	v1 =	vmul.f32 v5, v1  }
0x2e2: {  	v14 =	vor.u32 $0x42B, v61;
	v62 =	vor.u32 $0x42C, v61  }
0x2e3: {  	v0 =	vadd.f32 v1, v0;
	v1 =	vmul.f32 v6, v63;
	v63 =	vmul.f32 v9, v58;
	v58 =	vld [tilespmem:$0x1FF50];
	_ =	sdelay $0x1  }
0x2e4: {  	v5 =	vld.idx.msk [tilespmem:v15+s13+$0x0], $0xffff;
	_ =	sdelay $0x1  }
0x2e5: {  	v6 =	vld.idx.msk [tilespmem:v14+s13+$0x0], $0xffff  }
0x2e6: {  	v10 =	vadd.f32 v12, v10;
	v0 =	vadd.f32 v1, v0;
	v1 =	vmul.f32 v7, v58;
	v7 =	vld.idx.msk [tilespmem:v62+s13+$0x0], $0xffff  }
0x2e7: {  	v62 =	vld [tilespmem:$0x1FF60]  }
0x2e8: {  	v15 =	vor.u32 $0x42D, v61;
	v10 =	vadd.f32 v63, v10;
	v63 =	vmul.f32 v5, v57;
	_ =	sdelay $0x1  }
0x2e9: {  	v10 =	vadd.f32 v63, v10;
	v63 =	vmul.f32 v6, v56;
	v56 =	vld [tilespmem:$0x1FF70];
	_ =	sdelay $0x1  }
0x2ea: {  	v57 =	vor.u32 $0x42F, v61;
	v0 =	vadd.f32 v1, v0;
	v1 =	vmul.f32 v8, v62;
	v62 =	vld [tilespmem:$0x1FF80]  }
0x2eb: {  	v8 =	vld.idx.msk [tilespmem:v15+s13+$0x0], $0xffff  }
0x2ec: {  	v14 =	vor.u32 $0x42E, v61  }
0x2ed: {  	v0 =	vadd.f32 v1, v0;
	v1 =	vmul.f32 v11, v56  }
0x2ee: {  	v10 =	vadd.f32 v63, v10;
	v58 =	vmul.f32 v7, v55  }
0x2ef: {  	v0 =	vadd.f32 v1, v0;
	v1 =	vmul.f32 v4, v62;
	v4 =	vld.idx.msk [tilespmem:v57+s13+$0x0], $0xffff  }
0x2f0: {  	v15 =	vor.u32 $0x430, v61;
	v10 =	vadd.f32 v58, v10;
	v63 =	vmul.f32 v8, v54;
	v57 =	vld [tilespmem:$0x1FF90]  }
0x2f1: {  	v11 =	vld.idx.msk [tilespmem:v14+s13+$0x0], $0xffff  }
0x2f2: {  	v14 =	vor.u32 $0x431, v61;
	v10 =	vadd.f32 v63, v10;
	v63 =	vld [tilespmem:$0x1FFA0];
	_ =	sdelay $0x1  }
0x2f3: {  	v56 =	vld [tilespmem:$0x1FFB0];
	v54 =	vor.u32 $0x432, v61  }
0x2f4: {  	v0 =	vadd.f32 v1, v0;
	v1 =	vmul.f32 v3, v57;
	v3 =	vld.idx.msk [tilespmem:v15+s13+$0x0], $0xffff  }
0x2f5: {  	v62 =	vor.u32 $0x433, v61;
	v58 =	vmul.f32 v11, v51  }
0x2f6: {  	v0 =	vadd.f32 v1, v0;
	v1 =	vmul.f32 v2, v63;
	v2 =	vld.idx.msk [tilespmem:v14+s13+$0x0], $0xffff  }
0x2f7: {  	v55 =	vor.u32 $0x434, v61;
	v10 =	vadd.f32 v58, v10;
	v51 =	vmul.f32 v4, v50  }
0x2f8: {  	v0 =	vadd.f32 v1, v0;
	v1 =	vmul.f32 v9, v56;
	v9 =	vld.idx.msk [tilespmem:v54+s13+$0x0], $0xffff  }
0x2f9: {  	v58 =	vor.u32 $0x435, v61;
	v10 =	vadd.f32 v51, v10;
	v57 =	vmul.f32 v3, v49  }
0x2fa: {  	v60 =	vmul.f32 v5, v60;
	v5 =	vld.idx.msk [tilespmem:v62+s13+$0x0], $0xffff;
	v0 =	vadd.f32 v1, v0  }
0x2fb: {  	v63 =	vor.u32 $0x436, v61;
	v10 =	vadd.f32 v57, v10;
	v62 =	vmul.f32 v2, v47  }
0x2fc: {  	v47 =	vmul.f32 v6, v59;
	v6 =	vld.idx.msk [tilespmem:v55+s13+$0x0], $0xffff;
	v0 =	vadd.f32 v60, v0  }
0x2fd: {  	v51 =	vor.u32 $0x437, v61;
	v10 =	vadd.f32 v62, v10;
	v50 =	vmul.f32 v9, v45  }
0x2fe: {  	v53 =	vmul.f32 v7, v53;
	v7 =	vld.idx.msk [tilespmem:v58+s13+$0x0], $0xffff;
	v0 =	vadd.f32 v47, v0  }
0x2ff: {  	v54 =	vmul.f32 v5, v44;
	v55 =	vor.u32 $0x438, v61;
	v10 =	vadd.f32 v50, v10  }
0x300: {  	v56 =	vmul.f32 v8, v52;
	v8 =	vld.idx.msk [tilespmem:v63+s13+$0x0], $0xffff;
	v0 =	vadd.f32 v53, v0  }
0x301: {  	v58 =	vor.u32 $0x439, v61;
	v57 =	vmul.f32 v6, v42;
	v10 =	vadd.f32 v54, v10  }
0x302: {  	v59 =	vmul.f32 v11, v48;
	v11 =	vld.idx.msk [tilespmem:v51+s13+$0x0], $0xffff;
	v0 =	vadd.f32 v56, v0  }
0x303: {  	v60 =	vmul.f32 v7, v41;
	v62 =	vor.u32 $0x43A, v61;
	v10 =	vadd.f32 v57, v10  }
0x304: {  	v63 =	vmul.f32 v4, v46;
	v4 =	vld.idx.msk [tilespmem:v55+s13+$0x0], $0xffff;
	v0 =	vadd.f32 v59, v0  }
0x305: {  	v46 =	vor.u32 $0x43B, v61;
	v45 =	vmul.f32 v8, v40;
	v10 =	vadd.f32 v60, v10  }
0x306: {  	v48 =	vld.idx.msk [tilespmem:v58+s13+$0x0], $0xffff;
	v47 =	vmul.f32 v3, v43;
	v0 =	vadd.f32 v63, v0  }
0x307: {  	v50 =	vor.u32 $0x43C, v61;
	v49 =	vmul.f32 v11, v38;
	v10 =	vadd.f32 v45, v10  }
0x308: {  	v51 =	vmul.f32 v2, v39;
	v52 =	vld.idx.msk [tilespmem:v62+s13+$0x0], $0xffff;
	v0 =	vadd.f32 v47, v0  }
0x309: {  	v54 =	vor.u32 $0x43D, v61;
	v53 =	vmul.f32 v4, v36;
	v10 =	vadd.f32 v49, v10  }
0x30a: {  	v55 =	vmul.f32 v9, v37;
	v56 =	vld.idx.msk [tilespmem:v46+s13+$0x0], $0xffff;
	v0 =	vadd.f32 v51, v0  }
0x30b: {  	v58 =	vor.u32 $0x43E, v61;
	v57 =	vmul.f32 v48, v35;
	v10 =	vadd.f32 v53, v10  }
0x30c: {  	v59 =	vmul.f32 v5, v33;
	v60 =	vld.idx.msk [tilespmem:v50+s13+$0x0], $0xffff;
	v0 =	vadd.f32 v55, v0  }
0x30d: {  	v63 =	vor.u32 $0x43F, v61;
	v62 =	vmul.f32 v52, v34;
	v10 =	vadd.f32 v57, v10  }
0x30e: {  	v33 =	vmul.f32 v6, v31;
	v34 =	vld.idx.msk [tilespmem:v54+s13+$0x0], $0xffff;
	v0 =	vadd.f32 v59, v0  }
0x30f: {  	v36 =	vmul.f32 v56, v32;
	v10 =	vadd.f32 v62, v10  }
0x310: {  	v37 =	vmul.f32 v7, v29;
	v38 =	vld.idx.msk [tilespmem:v58+s13+$0x0], $0xffff;
	v0 =	vadd.f32 v33, v0  }
0x311: {  	v39 =	vmul.f32 v60, v30;
	v10 =	vadd.f32 v36, v10  }
0x312: {  	v40 =	vmul.f32 v8, v28;
	v41 =	vld.idx.msk [tilespmem:v63+s13+$0x0], $0xffff;
	v0 =	vadd.f32 v37, v0  }
0x313: {  	v42 =	vmul.f32 v34, v27;
	v10 =	vadd.f32 v39, v10  }
0x314: {  	v43 =	vmul.f32 v11, v26;
	v0 =	vadd.f32 v40, v0  }
0x315: {  	v44 =	vmul.f32 v38, v25;
	v10 =	vadd.f32 v42, v10  }
0x316: {  	v45 =	vmul.f32 v4, v24;
	v0 =	vadd.f32 v43, v0  }
0x317: {  	v47 =	vmul.f32 v41, v23;
	v46 =	vadd.f32 v44, v10  }
0x318: {  	v48 =	vmul.f32 v48, v22;
	v0 =	vadd.f32 v45, v0  }
0x319: {  	v49 =	vadd.f32 v47, v46  }
0x31a: {  	v50 =	vmul.f32 v52, v21;
	v0 =	vadd.f32 v48, v0  }
0x31b: {  	v51 =	vsub.f32 $0.0e+00, v49  }
0x31c: {  	v52 =	vmul.f32 v56, v20;
	v0 =	vadd.f32 v50, v0  }
0x31d: {  	v2 =	vmul.f32 $1.442695020e+00, v51  }
0x31e: {  	v53 =	vmul.f32 v60, v19;
	v0 =	vadd.f32 v52, v0  }
0x31f: {  	(erf) = vpow2.f32 v2  }
0x320: {  	v54 =	vmul.f32 v34, v18;
	v0 =	vadd.f32 v53, v0;
	_ =	sdelay $0x1  }
0x321: {  	v55 =	vmul.f32 v38, v17;
	v0 =	vadd.f32 v54, v0;
	_ =	sdelay $0x1  }
0x322: {  	v56 =	vmul.f32 v41, v16;
	v0 =	vadd.f32 v55, v0;
	_ =	sdelay $0x1  }
0x323: {  	v0 =	vadd.f32 v56, v0;
	_ =	sdelay $0x1  }
0x324: {  	v57 =	vpop (erf);
	v0 =	vsub.f32 $0.0e+00, v0  }
0x325: {  	v1 =	vadd.f32 $1.000000000e+00, v57  }
0x326: {  	v0 =	vmul.f32 $1.442695020e+00, v0  }
0x327: {  	(erf) = vrcp.f32 v1  }
0x328: {  	(erf) = vpow2.f32 v0;
	_ =	sdelay $0x7  }
0x329: {  	v58 =	vpop (erf)  }
0x32a: {  	v59 =	vpop (erf)  }
0x32b: {  	v1 =	vadd.f32 $1.000000000e+00, v59;
	_ =	sdelay $0x1  }
0x32c: {  	(erf) = vrcp.f32 v1;
	_ =	sdelay $0x3  }
0x32d: {  	v60 =	vor.u32 $0x80, v13  }
0x32e: {  	v62 =	vor.u32 $0x81, v13;
	_ =	sdelay $0x2  }
0x32f: {  	s15 =	sadd.s32 $0x1, s15  }
0x330: {  	p0 =	sne.s32 s15, s8;
	[tilespmem:v60+s14+$0x0] =	vst.idx.msk $0xffff, v58;
	v63 =	vpop (erf)  }
.Ltmp3:
0x331: {  	[tilespmem:v62+s14+$0x0] =	vst.idx.msk $0xffff, v63;
	(pc) =	sbr.rel @p0 .LBB2_1-.Ltmp3, $4  }
0x332: {  	[hbm4b:s7+s4] =	stream.linear.scatter [tilespmem:s14], [sflag:$0x3], $0x100, $0x38;
	[tilespmem:$0x18990] =	vst v63  }
0x333: {  	_ =	swait.ge [sflag:s10], $0x100  }
0x334: {  	[sflag:s10] =	ssyncset.done $0x0  }
0x335: {  	[sflag:s10] =	ssyncadd.s32 $0xFFFFFF00  }
0x336: {  	_ =	sfence.sel $0x180000  }
0x337: {  	[bflag:$0x0] =	sbarrier.arrive $0xFFFF  }
0x338: {  	_ =	strace $0x90000047  }
0x339: {  	s0 =	stileid.u32;
	[bflag:$0x2] =	sbarrier.arrive $0xFFFF  }
0x33a: {  	p0 =	sne.s32 s0, $0x0;
	s0 =	rddreg [dreg:$0x4]  }
0x33b: {  	s0 =	sadd.s32 @!p0 $0x100000, s0  }
0x33c: {  	[sflag:s0] =	ssyncadd.tile.s32 @!p0 $0x1;
	_ =	shalt  }
.Lfunc_end2:
_tile_overlayer_lowered:
.L_overlay_start_2:
0x33d: {  	(tag) =	ssettag $0x2  }
0x33e: {  	s0 =	rddreg [dreg:$0x0];
	s2 =	stileid.u32  }
0x33f: {  	s1 =	rddreg [dreg:$0x1];
	p0 =	sne.s32 s2, $0x0  }
0x340: {  	s3 =	rddreg [dreg:$0x2];
	[bflag:$0x3] =	sbarrier.arrive $0xFFFF;
	s2 =	simm.s32 @!p0 $0x1C03  }
0x341: {  	[timem:s3], [sflag:s2] =	dma.local @!p0 [hbm:s0], s1  }
0x342: {  	s0 =	simm.s32 @!p0 $0x3  }
0x343: {  	_ =	swait.ge @!p0 [sflag:s0], s1  }
0x344: {  	s1 =	ssub.s32 @!p0 $0x0, s1;
	[sflag:s0] =	ssyncset.done @!p0 $0x0  }
0x345: {  	[sflag:s0] =	ssyncadd.s32 @!p0 s1  }
0x346: {  	[bflag:$0x3] =	sbarrier.arrive $0xFFFF  }
0x347: {  	_ =	shalt  }

</sc_bundles>
